<compile_context>
chip_gen: v7x
topology: tpu7x:2x2x1
jax: 0.10.2.dev20260603
libtpu: 0.0.44.dev20260713+nightly
codegen_flags: <defaults>
</compile_context>

<pallas_src>
import functools

import jax
import jax.numpy as jnp
from jax import lax
from jax.experimental import pallas as pl
from jax.experimental.pallas import tpu as pltpu
from jax.experimental.pallas import tpu_sc as plsc

DIM = 128
L = 16
EPS = 0.01
SLOPE = 0.2

NC, NS = 2, 16
NW = NC * NS
CH = 128
NBUF = 3
BB = 128
K = 4


def _sc_gather(ent_emb, rel_emb, idx_flat, ridx):
    rows = idx_flat.shape[0]
    rpw = rows // NW
    nch = rpw // CH
    ngrp = nch // NBUF
    rrows = ridx.shape[0]
    rrpw = rrows // NW

    mesh = plsc.VectorSubcoreMesh(core_axis_name="c", subcore_axis_name="s")

    @functools.partial(
        pl.kernel,
        out_type=(
            jax.ShapeDtypeStruct((rows, DIM), jnp.float32),
            jax.ShapeDtypeStruct((rrows, DIM), jnp.float32),
        ),
        mesh=mesh,
        scratch_types=[
            pltpu.VMEM((rpw,), jnp.int32),
            pltpu.VMEM((rrpw,), jnp.int32),
            pltpu.VMEM((NBUF, CH, DIM), jnp.float32),
            pltpu.VMEM((rrpw, DIM), jnp.float32),
            pltpu.SemaphoreType.DMA,
            pltpu.SemaphoreType.DMA,
            pltpu.SemaphoreType.DMA,
            pltpu.SemaphoreType.DMA,
            pltpu.SemaphoreType.DMA,
        ],
    )
    def gather_kernel(ent_hbm, rel_hbm, idx_hbm, ridx_hbm, out_hbm, rout_hbm,
                      idx_v, ridx_v, bufs, rbuf, g0, g1, g2, ssem, rsem):
        gsems = (g0, g1, g2)
        wid = lax.axis_index("s") * NC + lax.axis_index("c")
        base = wid * rpw
        rbase = wid * rrpw

        pltpu.sync_copy(idx_hbm.at[pl.ds(base, rpw)], idx_v)
        pltpu.sync_copy(ridx_hbm.at[pl.ds(rbase, rrpw)], ridx_v)

        rcp = pltpu.make_async_copy(rel_hbm.at[ridx_v], rbuf, rsem)
        rcp.start()

        def start_gather(c, b):
            pltpu.async_copy(ent_hbm.at[idx_v.at[pl.ds(c * CH, CH)]],
                             bufs.at[b], gsems[b])

        for b in range(NBUF):
            start_gather(b, b)

        def group(g, carry):
            for b in range(NBUF):
                c = g * NBUF + b
                pltpu.make_async_copy(
                    ent_hbm.at[idx_v.at[pl.ds(c * CH, CH)]],
                    bufs.at[b], gsems[b]).wait()
                st = pltpu.make_async_copy(
                    bufs.at[b],
                    out_hbm.at[pl.ds(pl.multiple_of(base + c * CH, CH), CH)],
                    ssem)
                st.start()
                st.wait()

                @pl.when(c + NBUF < nch)
                def _(c=c, b=b):
                    start_gather(c + NBUF, b)
            return carry

        lax.fori_loop(0, ngrp, group, 0)

        rcp.wait()
        pltpu.sync_copy(rbuf, rout_hbm.at[pl.ds(rbase, rrpw)])

    return gather_kernel(ent_emb, rel_emb, idx_flat, ridx)


def _tc_body(ph, ch, pt, ct, sh, st, rr,
             lph, lch, lpt, lct, urp, vrp, urc, vrc, wg, bg, out):
    wgm = wg[...]
    bgv = bg[...]

    def att(s2, nref, lens_t, ur, vr):
        sd2 = lax.dot_general(s2, ur, (((1,), (0,)), ((), ())),
                              preferred_element_type=jnp.float32)
        n2 = nref[...].reshape(L * BB, DIM)
        y2 = lax.dot_general(n2, vr, (((1,), (0,)), ((), ())),
                             preferred_element_type=jnp.float32)
        num = jnp.zeros((BB, DIM), jnp.float32)
        den = jnp.zeros((BB, DIM), jnp.float32)
        for l in range(L):
            y = y2[l * BB:(l + 1) * BB, :] + sd2
            y = jnp.maximum(y, SLOPE * y)
            e = jnp.where(lens_t > l, jnp.exp(y), 0.0)
            den = den + e
            num = num + e * nref[l]
        return num / (den + 1e-30)

    def side(sref, pnref, cnref, lp_ref, lc_ref):
        s2 = sref[0]
        lp = lp_ref[0, 0, :][:, None]
        lc = lc_ref[0, 0, :][:, None]
        pa = att(s2, pnref, lp, urp[...], vrp[...])
        ca = att(s2, cnref, lc, urc[...], vrc[...])
        agg = jnp.concatenate([(1.0 + EPS) * s2, pa, ca], axis=1)
        o = lax.dot_general(agg, wgm, (((1,), (1,)), ((), ())),
                            preferred_element_type=jnp.float32) + bgv
        o = jnp.maximum(o, 0.0)
        n = jnp.sqrt(jnp.sum(o * o, axis=1, keepdims=True))
        return o / jnp.maximum(n, 1e-12)

    hn = side(sh, ph, ch, lph, lch)
    tn = side(st, pt, ct, lpt, lct)
    r2 = rr[...]
    rn = r2 / jnp.maximum(jnp.sqrt(jnp.sum(r2 * r2, axis=1, keepdims=True)), 1e-12)
    out[0, 0, :] = jnp.sum(jnp.abs(hn + rn - tn), axis=1)


def _tc_compute(g3, r, lens3, urp, vrp, urc, vrc, wg, bg2, b):
    nb = b // BB

    nspec = lambda k: pl.BlockSpec((L, BB, DIM), lambda i, k=k: (k, i, 0))
    sspec = lambda s0: pl.BlockSpec((1, BB, DIM), lambda i, s0=s0: (s0, i, 0))
    lspec = pl.BlockSpec((1, 1, BB), lambda i: (i, 0, 0))
    wspec = lambda shp: pl.BlockSpec(shp, lambda i: (0,) * len(shp))

    return pl.pallas_call(
        _tc_body,
        grid=(nb,),
        in_specs=[
            nspec(0), nspec(1), nspec(2), nspec(3),
            sspec(4 * L), sspec(4 * L + 1),
            pl.BlockSpec((BB, DIM), lambda i: (i, 0)),
            lspec, lspec, lspec, lspec,
            wspec((DIM, DIM)), wspec((DIM, DIM)),
            wspec((DIM, DIM)), wspec((DIM, DIM)),
            wspec((DIM, 3 * DIM)), wspec((1, DIM)),
        ],
        out_specs=pl.BlockSpec((1, 1, BB), lambda i: (i, 0, 0)),
        out_shape=jax.ShapeDtypeStruct((nb, 1, BB), jnp.float32),
    )(g3, g3, g3, g3, g3, g3, r, *lens3, urp, vrp, urc, vrc, wg, bg2)


def kernel(triples, parents_h, lens_p_h, children_h, lens_c_h,
           parents_t, lens_p_t, children_t, lens_c_t,
           ent_emb, rel_emb, Wp1, Wp2, Wc1, Wc2, Wg, bg):
    b = triples.shape[0]
    i32 = jnp.int32

    fp = (Wp2 @ Wp1).reshape(-1)
    fc = (Wc2 @ Wc1).reshape(-1)
    rep = lambda v: jnp.tile(v.reshape(DIM, 1), (1, DIM))
    urp, vrp = rep(fp[:DIM]), rep(fp[DIM:])
    urc, vrc = rep(fc[:DIM]), rep(fc[DIM:])
    bg2 = bg.reshape(1, DIM)

    bc = b // K
    nbc = bc // BB
    outs = []
    for k in range(K):
        sl = slice(k * bc, (k + 1) * bc)
        idx_k = jnp.concatenate([
            parents_h[sl].T.reshape(-1).astype(i32),
            children_h[sl].T.reshape(-1).astype(i32),
            parents_t[sl].T.reshape(-1).astype(i32),
            children_t[sl].T.reshape(-1).astype(i32),
            triples[sl, 0].astype(i32),
            triples[sl, 2].astype(i32),
        ])
        ridx_k = triples[sl, 1].astype(i32)
        g, r = _sc_gather(ent_emb, rel_emb, idx_k, ridx_k)
        g3 = g.reshape(4 * L + 2, bc, DIM)
        lens3 = [x[sl].astype(i32).reshape(nbc, 1, BB)
                 for x in (lens_p_h, lens_c_h, lens_p_t, lens_c_t)]
        out3 = _tc_compute(g3, r, lens3, urp, vrp, urc, vrc, Wg, bg2, bc)
        outs.append(out3.reshape(bc))
    return jnp.concatenate(outs)

# --- scband reference (transcript-rebuilt; emitter-appended) ---
"""Pipeline reference for scband-att-taxo-trans-e-83494164234503 (READ-ONLY COPY).

The authoritative reference and input builder live on the scoring server;
editing this copy changes nothing except your own understanding.
"""

import jax, jax.numpy as jnp
import numpy as np

ENT = 100000
REL = 100000
DIM = 128
ATTN = 32
B = 8192
L = 16
EPS = 0.01
SLOPE = 0.2


def setup_inputs(seed: int = 0) -> dict:
    key = jax.random.key(seed)
    ks = jax.random.split(key, 20)
    triples = jax.random.randint(ks[0], (B, 3), 0, ENT, dtype=jnp.int64) if jax.config.jax_enable_x64 else jax.random.randint(ks[0], (B, 3), 0, ENT).astype(jnp.int32)
    parents_h = jax.random.randint(ks[1], (B, L), 0, ENT)
    lens_p_h = jax.random.randint(ks[2], (B,), 0, 17)
    children_h = jax.random.randint(ks[3], (B, L), 0, ENT)
    lens_c_h = jax.random.randint(ks[4], (B,), 0, 17)
    parents_t = jax.random.randint(ks[5], (B, L), 0, ENT)
    lens_p_t = jax.random.randint(ks[6], (B,), 0, 17)
    children_t = jax.random.randint(ks[7], (B, L), 0, ENT)
    lens_c_t = jax.random.randint(ks[8], (B,), 0, 17)
    ent_emb = jax.random.normal(ks[9], (ENT, DIM), dtype=jnp.float32) * 0.02
    ent_emb = ent_emb.at[0].set(0.0)  # padding_idx=0
    rel_emb = jax.random.normal(ks[10], (REL, DIM), dtype=jnp.float32) * 0.02
    Wp1 = jax.random.normal(ks[11], (ATTN, 2 * DIM), dtype=jnp.float32) * 0.05
    Wp2 = jax.random.normal(ks[12], (1, ATTN), dtype=jnp.float32) * 0.05
    Wc1 = jax.random.normal(ks[13], (ATTN, 2 * DIM), dtype=jnp.float32) * 0.05
    Wc2 = jax.random.normal(ks[14], (1, ATTN), dtype=jnp.float32) * 0.05
    Wg = jax.random.normal(ks[15], (DIM, 3 * DIM), dtype=jnp.float32) * 0.05
    bg = jnp.zeros((DIM,), dtype=jnp.float32)
    return {
        'triples': triples, 'parents_h': parents_h, 'lens_p_h': lens_p_h,
        'children_h': children_h, 'lens_c_h': lens_c_h,
        'parents_t': parents_t, 'lens_p_t': lens_p_t,
        'children_t': children_t, 'lens_c_t': lens_c_t,
        'ent_emb': ent_emb, 'rel_emb': rel_emb,
        'Wp1': Wp1, 'Wp2': Wp2, 'Wc1': Wc1, 'Wc2': Wc2, 'Wg': Wg, 'bg': bg,
    }


def _masked_softmax(scores, mask):
    neg = jnp.where(mask > 0, scores, -1e9)
    attn = jax.nn.softmax(neg, axis=1)
    attn = attn * mask
    return attn / (attn.sum(axis=1, keepdims=True) + 1e-13)


def _attn(emb_s, emb_n, mask, W1, W2):
    h_s = jnp.broadcast_to(emb_s[:, None, :], emb_n.shape)
    cat = jnp.concatenate([h_s, emb_n], axis=-1)  # [B, L, 2*DIM]
    s = jax.nn.leaky_relu((cat @ W1.T) @ W2.T, SLOPE)  # [B, L, 1]
    return _masked_softmax(s[..., 0], mask)


def _aggregate(ents, parents, lens_p, children, lens_c, ent_emb, Wp1, Wp2, Wc1, Wc2, Wg, bg):
    emb_s = jnp.take(ent_emb, ents, axis=0)
    emb_p = jnp.take(ent_emb, parents, axis=0)
    emb_c = jnp.take(ent_emb, children, axis=0)
    ar = jnp.arange(L)
    mask_p = (ar[None, :] < lens_p[:, None]).astype(jnp.float32)
    mask_c = (ar[None, :] < lens_c[:, None]).astype(jnp.float32)
    a_p = _attn(emb_s, emb_p, mask_p, Wp1, Wp2)
    a_c = _attn(emb_s, emb_c, mask_c, Wc1, Wc2)
    emb_p_agg = (a_p[..., None] * emb_p).sum(axis=1)
    emb_c_agg = (a_c[..., None] * emb_c).sum(axis=1)
    agg = jnp.concatenate([(1.0 + EPS) * emb_s, emb_p_agg, emb_c_agg], axis=1)
    # dropout is identity in eval mode
    return jax.nn.relu(agg @ Wg.T + bg)


def _l2norm(x):
    return x / jnp.maximum(jnp.linalg.norm(x, axis=1, keepdims=True), 1e-12)


def reference(triples, parents_h, lens_p_h, children_h, lens_c_h, parents_t, lens_p_t, children_t, lens_c_t, ent_emb, rel_emb, Wp1, Wp2, Wc1, Wc2, Wg, bg):
    r = jnp.take(rel_emb, triples[:, 1], axis=0)
    h = _aggregate(triples[:, 0], parents_h, lens_p_h, children_h, lens_c_h, ent_emb, Wp1, Wp2, Wc1, Wc2, Wg, bg)
    t = _aggregate(triples[:, 2], parents_t, lens_p_t, children_t, lens_c_t, ent_emb, Wp1, Wp2, Wc1, Wc2, Wg, bg)
    hn, rn, tn = _l2norm(h), _l2norm(r), _l2norm(t)
    # norm=1 -> L1 norm over dim
    return jnp.abs(hn + rn - tn).sum(axis=1)

if __name__ == "__main__":
    import jax
    _d = setup_inputs()
    print(jax.jit(kernel)(*tuple(_d.values())))

</pallas_src>

<mosaic_0001>
#map = affine_map<(d0, d1) -> (0, 0)>
#map1 = affine_map<(d0, d1) -> (0)>
module attributes {stable_mosaic.version = 14 : i64} {
  func.func @gather_kernel(%arg0: i32, %arg1: i32, %arg2: memref<100000x128xf32, #tpu.memory_space<hbm>>, %arg3: memref<100000x128xf32, #tpu.memory_space<hbm>>, %arg4: memref<135168xi32, #tpu.memory_space<hbm>>, %arg5: memref<2048xi32, #tpu.memory_space<hbm>>, %arg6: memref<135168x128xf32, #tpu.memory_space<hbm>>, %arg7: memref<2048x128xf32, #tpu.memory_space<hbm>>, %arg8: memref<4224xi32, #tpu.memory_space<vmem>>, %arg9: memref<64xi32, #tpu.memory_space<vmem>>, %arg10: memref<3x128x128xf32, #tpu.memory_space<vmem>>, %arg11: memref<64x128xf32, #tpu.memory_space<vmem>>, %arg12: memref<!tpu.dma_semaphore, #tpu.memory_space<semaphore_mem>>, %arg13: memref<!tpu.dma_semaphore, #tpu.memory_space<semaphore_mem>>, %arg14: memref<!tpu.dma_semaphore, #tpu.memory_space<semaphore_mem>>, %arg15: memref<!tpu.dma_semaphore, #tpu.memory_space<semaphore_mem>>, %arg16: memref<!tpu.dma_semaphore, #tpu.memory_space<semaphore_mem>>) attributes {dimension_semantics = [#tpu.dimension_semantics<core_parallel>, #tpu.dimension_semantics<subcore_parallel>], iteration_bounds = array<i64: 2, 16>, scalar_prefetch = 0 : i64, scratch_operands = 9 : i64, tpu.core_type = #tpu.core_type<sc_vector_subcore>, window_params = [{transform_indices = #map}, {transform_indices = #map}, {transform_indices = #map1}, {transform_indices = #map1}, {transform_indices = #map}, {transform_indices = #map}]} {
    %mul3A = arith.constant 2 : i32
    %mul3A_0 = arith.muli %arg1, %mul3A : i32
    %add3A = arith.addi %mul3A_0, %arg0 : i32
    %mul3A_1 = arith.constant 4224 : i32
    %mul3A_2 = arith.muli %add3A, %mul3A_1 : i32
    %mul3A_3 = arith.constant 64 : i32
    %mul3A_4 = arith.muli %add3A, %mul3A_3 : i32
    "tpu.region"() ({
      %run_scoped3A = tpu.sem_alloc : memref<!tpu.dma_semaphore, #tpu.memory_space<semaphore_mem>>
      %dma_start3A_44 = tpu.memref_slice %arg4[%mul3A_2] : memref<135168xi32, #tpu.memory_space<hbm>> -> memref<4224xi32, #tpu.memory_space<hbm>>
      %dma_start3A_45 = tpu.memref_slice %arg4[%mul3A_2] : memref<135168xi32, #tpu.memory_space<hbm>> -> memref<4224xi32, #tpu.memory_space<hbm>>
      tpu.enqueue_dma source(%dma_start3A_45 : memref<4224xi32, #tpu.memory_space<hbm>>) target(%arg8 : memref<4224xi32, #tpu.memory_space<vmem>>) target_semaphore(%run_scoped3A : memref<!tpu.dma_semaphore, #tpu.memory_space<semaphore_mem>>)
      %dma_wait3A_46 = tpu.memref_slice %arg4[%mul3A_2] : memref<135168xi32, #tpu.memory_space<hbm>> -> memref<4224xi32, #tpu.memory_space<hbm>>
      %dma_wait3A_47 = tpu.memref_slice %arg4[%mul3A_2] : memref<135168xi32, #tpu.memory_space<hbm>> -> memref<4224xi32, #tpu.memory_space<hbm>>
      tpu.wait_dma2 semaphore(%run_scoped3A : memref<!tpu.dma_semaphore, #tpu.memory_space<semaphore_mem>>) src(%dma_wait3A_47 : memref<4224xi32, #tpu.memory_space<hbm>>) dst(%arg8 : memref<4224xi32, #tpu.memory_space<vmem>>)
      tpu.yield
    }) : () -> ()
    "tpu.region"() ({
      %run_scoped3A = tpu.sem_alloc : memref<!tpu.dma_semaphore, #tpu.memory_space<semaphore_mem>>
      %dma_start3A_44 = tpu.memref_slice %arg5[%mul3A_4] : memref<2048xi32, #tpu.memory_space<hbm>> -> memref<64xi32, #tpu.memory_space<hbm>>
      %dma_start3A_45 = tpu.memref_slice %arg5[%mul3A_4] : memref<2048xi32, #tpu.memory_space<hbm>> -> memref<64xi32, #tpu.memory_space<hbm>>
      tpu.enqueue_dma source(%dma_start3A_45 : memref<64xi32, #tpu.memory_space<hbm>>) target(%arg9 : memref<64xi32, #tpu.memory_space<vmem>>) target_semaphore(%run_scoped3A : memref<!tpu.dma_semaphore, #tpu.memory_space<semaphore_mem>>)
      %dma_wait3A_46 = tpu.memref_slice %arg5[%mul3A_4] : memref<2048xi32, #tpu.memory_space<hbm>> -> memref<64xi32, #tpu.memory_space<hbm>>
      %dma_wait3A_47 = tpu.memref_slice %arg5[%mul3A_4] : memref<2048xi32, #tpu.memory_space<hbm>> -> memref<64xi32, #tpu.memory_space<hbm>>
      tpu.wait_dma2 semaphore(%run_scoped3A : memref<!tpu.dma_semaphore, #tpu.memory_space<semaphore_mem>>) src(%dma_wait3A_47 : memref<64xi32, #tpu.memory_space<hbm>>) dst(%arg9 : memref<64xi32, #tpu.memory_space<vmem>>)
      tpu.yield
    }) : () -> ()
    %dma_start3A = arith.constant 0 : i32
    %dma_start3A_5 = arith.constant 0 : i32
    %dma_start3A_6 = tpu.memref_slice %arg3[%dma_start3A, %dma_start3A_5] : memref<100000x128xf32, #tpu.memory_space<hbm>> -> memref<100000x128xf32, #tpu.memory_space<hbm>>
    tpu.enqueue_indirect_dma source(%dma_start3A_6 : memref<100000x128xf32, #tpu.memory_space<hbm>>) target(%arg11 : memref<64x128xf32, #tpu.memory_space<vmem>>) offsets(%arg9 : memref<64xi32, #tpu.memory_space<vmem>>) semaphore(%arg16 : memref<!tpu.dma_semaphore, #tpu.memory_space<semaphore_mem>>)
    %dma_start3A_7 = arith.constant 0 : i32
    %dma_start3A_8 = arith.constant 0 : i32
    %dma_start3A_9 = arith.constant 0 : i32
    %dma_start3A_10 = tpu.memref_slice %arg10[%dma_start3A_7, %dma_start3A_8, %dma_start3A_9] : memref<3x128x128xf32, #tpu.memory_space<vmem>> -> memref<1x128x128xf32, #tpu.memory_space<vmem>>
    %dma_start3A_11 = tpu.memref_squeeze %dma_start3A_10 : memref<1x128x128xf32, #tpu.memory_space<vmem>> -> memref<128x128xf32, #tpu.memory_space<vmem>>
    %dma_start3A_12 = arith.constant 0 : i32
    %dma_start3A_13 = tpu.memref_slice %arg8[%dma_start3A_12] : memref<4224xi32, #tpu.memory_space<vmem>> -> memref<128xi32, #tpu.memory_space<vmem>>
    %dma_start3A_14 = arith.constant 0 : i32
    %dma_start3A_15 = arith.constant 0 : i32
    %dma_start3A_16 = tpu.memref_slice %arg2[%dma_start3A_14, %dma_start3A_15] : memref<100000x128xf32, #tpu.memory_space<hbm>> -> memref<100000x128xf32, #tpu.memory_space<hbm>>
    tpu.enqueue_indirect_dma source(%dma_start3A_16 : memref<100000x128xf32, #tpu.memory_space<hbm>>) target(%dma_start3A_11 : memref<128x128xf32, #tpu.memory_space<vmem>>) offsets(%dma_start3A_13 : memref<128xi32, #tpu.memory_space<vmem>>) semaphore(%arg12 : memref<!tpu.dma_semaphore, #tpu.memory_space<semaphore_mem>>)
    %dma_start3A_17 = arith.constant 1 : i32
    %dma_start3A_18 = arith.constant 0 : i32
    %dma_start3A_19 = arith.constant 0 : i32
    %dma_start3A_20 = tpu.memref_slice %arg10[%dma_start3A_17, %dma_start3A_18, %dma_start3A_19] : memref<3x128x128xf32, #tpu.memory_space<vmem>> -> memref<1x128x128xf32, #tpu.memory_space<vmem>>
    %dma_start3A_21 = tpu.memref_squeeze %dma_start3A_20 : memref<1x128x128xf32, #tpu.memory_space<vmem>> -> memref<128x128xf32, #tpu.memory_space<vmem>>
    %dma_start3A_22 = arith.constant 128 : i32
    %dma_start3A_23 = tpu.memref_slice %arg8[%dma_start3A_22] : memref<4224xi32, #tpu.memory_space<vmem>> -> memref<128xi32, #tpu.memory_space<vmem>>
    %dma_start3A_24 = arith.constant 0 : i32
    %dma_start3A_25 = arith.constant 0 : i32
    %dma_start3A_26 = tpu.memref_slice %arg2[%dma_start3A_24, %dma_start3A_25] : memref<100000x128xf32, #tpu.memory_space<hbm>> -> memref<100000x128xf32, #tpu.memory_space<hbm>>
    tpu.enqueue_indirect_dma source(%dma_start3A_26 : memref<100000x128xf32, #tpu.memory_space<hbm>>) target(%dma_start3A_21 : memref<128x128xf32, #tpu.memory_space<vmem>>) offsets(%dma_start3A_23 : memref<128xi32, #tpu.memory_space<vmem>>) semaphore(%arg13 : memref<!tpu.dma_semaphore, #tpu.memory_space<semaphore_mem>>)
    %dma_start3A_27 = arith.constant 2 : i32
    %dma_start3A_28 = arith.constant 0 : i32
    %dma_start3A_29 = arith.constant 0 : i32
    %dma_start3A_30 = tpu.memref_slice %arg10[%dma_start3A_27, %dma_start3A_28, %dma_start3A_29] : memref<3x128x128xf32, #tpu.memory_space<vmem>> -> memref<1x128x128xf32, #tpu.memory_space<vmem>>
    %dma_start3A_31 = tpu.memref_squeeze %dma_start3A_30 : memref<1x128x128xf32, #tpu.memory_space<vmem>> -> memref<128x128xf32, #tpu.memory_space<vmem>>
    %dma_start3A_32 = arith.constant 256 : i32
    %dma_start3A_33 = tpu.memref_slice %arg8[%dma_start3A_32] : memref<4224xi32, #tpu.memory_space<vmem>> -> memref<128xi32, #tpu.memory_space<vmem>>
    %dma_start3A_34 = arith.constant 0 : i32
    %dma_start3A_35 = arith.constant 0 : i32
    %dma_start3A_36 = tpu.memref_slice %arg2[%dma_start3A_34, %dma_start3A_35] : memref<100000x128xf32, #tpu.memory_space<hbm>> -> memref<100000x128xf32, #tpu.memory_space<hbm>>
    tpu.enqueue_indirect_dma source(%dma_start3A_36 : memref<100000x128xf32, #tpu.memory_space<hbm>>) target(%dma_start3A_31 : memref<128x128xf32, #tpu.memory_space<vmem>>) offsets(%dma_start3A_33 : memref<128xi32, #tpu.memory_space<vmem>>) semaphore(%arg14 : memref<!tpu.dma_semaphore, #tpu.memory_space<semaphore_mem>>)
    %scan3A = arith.constant 0 : i32
    %scan3A_37 = arith.constant 0 : i32
    %scan3A_38 = arith.constant 11 : i32
    %scan3A_39 = arith.addi %scan3A_37, %scan3A_38 : i32
    %scan3A_40 = arith.constant 1 : i32
    scf.for %scan3A_44 = %scan3A_37 to %scan3A_39 step %scan3A_40  : i32 {
      %mul3A_45 = arith.constant 3 : i32
      %mul3A_46 = arith.muli %scan3A_44, %mul3A_45 : i32
      %add3A_47 = arith.constant 0 : i32
      %add3A_48 = arith.addi %mul3A_46, %add3A_47 : i32
      %mul3A_49 = arith.constant 128 : i32
      %mul3A_50 = arith.muli %add3A_48, %mul3A_49 : i32
      %dma_wait3A_51 = arith.constant 0 : i32
      %dma_wait3A_52 = arith.constant 0 : i32
      %dma_wait3A_53 = arith.constant 0 : i32
      %dma_wait3A_54 = tpu.memref_slice %arg10[%dma_wait3A_51, %dma_wait3A_52, %dma_wait3A_53] : memref<3x128x128xf32, #tpu.memory_space<vmem>> -> memref<1x128x128xf32, #tpu.memory_space<vmem>>
      %dma_wait3A_55 = tpu.memref_squeeze %dma_wait3A_54 : memref<1x128x128xf32, #tpu.memory_space<vmem>> -> memref<128x128xf32, #tpu.memory_space<vmem>>
      %dma_wait3A_56 = tpu.memref_slice %arg8[%mul3A_50] : memref<4224xi32, #tpu.memory_space<vmem>> -> memref<128xi32, #tpu.memory_space<vmem>>
      %dma_wait3A_57 = arith.constant 0 : i32
      %dma_wait3A_58 = arith.constant 0 : i32
      %dma_wait3A_59 = tpu.memref_slice %arg2[%dma_wait3A_57, %dma_wait3A_58] : memref<100000x128xf32, #tpu.memory_space<hbm>> -> memref<100000x128xf32, #tpu.memory_space<hbm>>
      tpu.wait_indirect_dma semaphore(%arg12 : memref<!tpu.dma_semaphore, #tpu.memory_space<semaphore_mem>>) src(%dma_wait3A_59 : memref<100000x128xf32, #tpu.memory_space<hbm>>) dst(%dma_wait3A_55 : memref<128x128xf32, #tpu.memory_space<vmem>>)
      %mul3A_60 = arith.constant 128 : i32
      %mul3A_61 = arith.muli %add3A_48, %mul3A_60 : i32
      %add3A_62 = arith.addi %mul3A_2, %mul3A_61 : i32
      %multiple_of3A = tpu.assume_multiple %add3A_62, 128 : i32
      %dma_start3A_63 = arith.constant 0 : i32
      %dma_start3A_64 = arith.constant 0 : i32
      %dma_start3A_65 = arith.constant 0 : i32
      %dma_start3A_66 = tpu.memref_slice %arg10[%dma_start3A_63, %dma_start3A_64, %dma_start3A_65] : memref<3x128x128xf32, #tpu.memory_space<vmem>> -> memref<1x128x128xf32, #tpu.memory_space<vmem>>
      %dma_start3A_67 = tpu.memref_squeeze %dma_start3A_66 : memref<1x128x128xf32, #tpu.memory_space<vmem>> -> memref<128x128xf32, #tpu.memory_space<vmem>>
      %dma_start3A_68 = arith.constant 0 : i32
      %dma_start3A_69 = tpu.memref_slice %arg6[%multiple_of3A, %dma_start3A_68] : memref<135168x128xf32, #tpu.memory_space<hbm>> -> memref<128x128xf32, #tpu.memory_space<hbm>>
      %dma_start3A_70 = arith.constant 0 : i32
      %dma_start3A_71 = tpu.memref_slice %arg6[%multiple_of3A, %dma_start3A_70] : memref<135168x128xf32, #tpu.memory_space<hbm>> -> memref<128x128xf32, #tpu.memory_space<hbm>>
      %dma_start3A_72 = arith.constant 0 : i32
      %dma_start3A_73 = arith.constant 0 : i32
      %dma_start3A_74 = tpu.memref_slice %arg10[%dma_start3A_63, %dma_start3A_72, %dma_start3A_73] : memref<3x128x128xf32, #tpu.memory_space<vmem>> -> memref<1x128x128xf32, #tpu.memory_space<vmem>>
      %dma_start3A_75 = tpu.memref_squeeze %dma_start3A_74 : memref<1x128x128xf32, #tpu.memory_space<vmem>> -> memref<128x128xf32, #tpu.memory_space<vmem>>
      tpu.enqueue_dma source(%dma_start3A_75 : memref<128x128xf32, #tpu.memory_space<vmem>>) target(%dma_start3A_71 : memref<128x128xf32, #tpu.memory_space<hbm>>) target_semaphore(%arg15 : memref<!tpu.dma_semaphore, #tpu.memory_space<semaphore_mem>>)
      %dma_wait3A_76 = arith.constant 0 : i32
      %dma_wait3A_77 = arith.constant 0 : i32
      %dma_wait3A_78 = arith.constant 0 : i32
      %dma_wait3A_79 = tpu.memref_slice %arg10[%dma_wait3A_76, %dma_wait3A_77, %dma_wait3A_78] : memref<3x128x128xf32, #tpu.memory_space<vmem>> -> memref<1x128x128xf32, #tpu.memory_space<vmem>>
      %dma_wait3A_80 = tpu.memref_squeeze %dma_wait3A_79 : memref<1x128x128xf32, #tpu.memory_space<vmem>> -> memref<128x128xf32, #tpu.memory_space<vmem>>
      %dma_wait3A_81 = arith.constant 0 : i32
      %dma_wait3A_82 = tpu.memref_slice %arg6[%multiple_of3A, %dma_wait3A_81] : memref<135168x128xf32, #tpu.memory_space<hbm>> -> memref<128x128xf32, #tpu.memory_space<hbm>>
      %dma_wait3A_83 = arith.constant 0 : i32
      %dma_wait3A_84 = tpu.memref_slice %arg6[%multiple_of3A, %dma_wait3A_83] : memref<135168x128xf32, #tpu.memory_space<hbm>> -> memref<128x128xf32, #tpu.memory_space<hbm>>
      %dma_wait3A_85 = arith.constant 0 : i32
      %dma_wait3A_86 = arith.constant 0 : i32
      %dma_wait3A_87 = tpu.memref_slice %arg10[%dma_wait3A_76, %dma_wait3A_85, %dma_wait3A_86] : memref<3x128x128xf32, #tpu.memory_space<vmem>> -> memref<1x128x128xf32, #tpu.memory_space<vmem>>
      %dma_wait3A_88 = tpu.memref_squeeze %dma_wait3A_87 : memref<1x128x128xf32, #tpu.memory_space<vmem>> -> memref<128x128xf32, #tpu.memory_space<vmem>>
      tpu.wait_dma2 semaphore(%arg15 : memref<!tpu.dma_semaphore, #tpu.memory_space<semaphore_mem>>) src(%dma_wait3A_88 : memref<128x128xf32, #tpu.memory_space<vmem>>) dst(%dma_wait3A_84 : memref<128x128xf32, #tpu.memory_space<hbm>>)
      %add3A_89 = arith.constant 3 : i32
      %add3A_90 = arith.addi %add3A_48, %add3A_89 : i32
      %lt3A = arith.constant 33 : i32
      %lt3A_91 = arith.cmpi slt, %add3A_90, %lt3A : i32
      %convert_element_type3A = arith.extui %lt3A_91 : i1 to i32
      %cond3A = arith.constant 0 : i32
      %cond3A_92 = arith.cmpi ne, %convert_element_type3A, %cond3A : i32
      scf.if %cond3A_92 {
        %add3A_197 = arith.constant 3 : i32
        %add3A_198 = arith.addi %add3A_48, %add3A_197 : i32
        %mul3A_199 = arith.constant 128 : i32
        %mul3A_200 = arith.muli %add3A_198, %mul3A_199 : i32
        %dma_start3A_201 = arith.constant 0 : i32
        %dma_start3A_202 = arith.constant 0 : i32
        %dma_start3A_203 = arith.constant 0 : i32
        %dma_start3A_204 = tpu.memref_slice %arg10[%dma_start3A_201, %dma_start3A_202, %dma_start3A_203] : memref<3x128x128xf32, #tpu.memory_space<vmem>> -> memref<1x128x128xf32, #tpu.memory_space<vmem>>
        %dma_start3A_205 = tpu.memref_squeeze %dma_start3A_204 : memref<1x128x128xf32, #tpu.memory_space<vmem>> -> memref<128x128xf32, #tpu.memory_space<vmem>>
        %dma_start3A_206 = tpu.memref_slice %arg8[%mul3A_200] : memref<4224xi32, #tpu.memory_space<vmem>> -> memref<128xi32, #tpu.memory_space<vmem>>
        %dma_start3A_207 = arith.constant 0 : i32
        %dma_start3A_208 = arith.constant 0 : i32
        %dma_start3A_209 = tpu.memref_slice %arg2[%dma_start3A_207, %dma_start3A_208] : memref<100000x128xf32, #tpu.memory_space<hbm>> -> memref<100000x128xf32, #tpu.memory_space<hbm>>
        tpu.enqueue_indirect_dma source(%dma_start3A_209 : memref<100000x128xf32, #tpu.memory_space<hbm>>) target(%dma_start3A_205 : memref<128x128xf32, #tpu.memory_space<vmem>>) offsets(%dma_start3A_206 : memref<128xi32, #tpu.memory_space<vmem>>) semaphore(%arg12 : memref<!tpu.dma_semaphore, #tpu.memory_space<semaphore_mem>>)
      } else {
      }
      %mul3A_93 = arith.constant 3 : i32
      %mul3A_94 = arith.muli %scan3A_44, %mul3A_93 : i32
      %add3A_95 = arith.constant 1 : i32
      %add3A_96 = arith.addi %mul3A_94, %add3A_95 : i32
      %mul3A_97 = arith.constant 128 : i32
      %mul3A_98 = arith.muli %add3A_96, %mul3A_97 : i32
      %dma_wait3A_99 = arith.constant 1 : i32
      %dma_wait3A_100 = arith.constant 0 : i32
      %dma_wait3A_101 = arith.constant 0 : i32
      %dma_wait3A_102 = tpu.memref_slice %arg10[%dma_wait3A_99, %dma_wait3A_100, %dma_wait3A_101] : memref<3x128x128xf32, #tpu.memory_space<vmem>> -> memref<1x128x128xf32, #tpu.memory_space<vmem>>
      %dma_wait3A_103 = tpu.memref_squeeze %dma_wait3A_102 : memref<1x128x128xf32, #tpu.memory_space<vmem>> -> memref<128x128xf32, #tpu.memory_space<vmem>>
      %dma_wait3A_104 = tpu.memref_slice %arg8[%mul3A_98] : memref<4224xi32, #tpu.memory_space<vmem>> -> memref<128xi32, #tpu.memory_space<vmem>>
      %dma_wait3A_105 = arith.constant 0 : i32
      %dma_wait3A_106 = arith.constant 0 : i32
      %dma_wait3A_107 = tpu.memref_slice %arg2[%dma_wait3A_105, %dma_wait3A_106] : memref<100000x128xf32, #tpu.memory_space<hbm>> -> memref<100000x128xf32, #tpu.memory_space<hbm>>
      tpu.wait_indirect_dma semaphore(%arg13 : memref<!tpu.dma_semaphore, #tpu.memory_space<semaphore_mem>>) src(%dma_wait3A_107 : memref<100000x128xf32, #tpu.memory_space<hbm>>) dst(%dma_wait3A_103 : memref<128x128xf32, #tpu.memory_space<vmem>>)
      %mul3A_108 = arith.constant 128 : i32
      %mul3A_109 = arith.muli %add3A_96, %mul3A_108 : i32
      %add3A_110 = arith.addi %mul3A_2, %mul3A_109 : i32
      %multiple_of3A_111 = tpu.assume_multiple %add3A_110, 128 : i32
      %dma_start3A_112 = arith.constant 1 : i32
      %dma_start3A_113 = arith.constant 0 : i32
      %dma_start3A_114 = arith.constant 0 : i32
      %dma_start3A_115 = tpu.memref_slice %arg10[%dma_start3A_112, %dma_start3A_113, %dma_start3A_114] : memref<3x128x128xf32, #tpu.memory_space<vmem>> -> memref<1x128x128xf32, #tpu.memory_space<vmem>>
      %dma_start3A_116 = tpu.memref_squeeze %dma_start3A_115 : memref<1x128x128xf32, #tpu.memory_space<vmem>> -> memref<128x128xf32, #tpu.memory_space<vmem>>
      %dma_start3A_117 = arith.constant 0 : i32
      %dma_start3A_118 = tpu.memref_slice %arg6[%multiple_of3A_111, %dma_start3A_117] : memref<135168x128xf32, #tpu.memory_space<hbm>> -> memref<128x128xf32, #tpu.memory_space<hbm>>
      %dma_start3A_119 = arith.constant 0 : i32
      %dma_start3A_120 = tpu.memref_slice %arg6[%multiple_of3A_111, %dma_start3A_119] : memref<135168x128xf32, #tpu.memory_space<hbm>> -> memref<128x128xf32, #tpu.memory_space<hbm>>
      %dma_start3A_121 = arith.constant 0 : i32
      %dma_start3A_122 = arith.constant 0 : i32
      %dma_start3A_123 = tpu.memref_slice %arg10[%dma_start3A_112, %dma_start3A_121, %dma_start3A_122] : memref<3x128x128xf32, #tpu.memory_space<vmem>> -> memref<1x128x128xf32, #tpu.memory_space<vmem>>
      %dma_start3A_124 = tpu.memref_squeeze %dma_start3A_123 : memref<1x128x128xf32, #tpu.memory_space<vmem>> -> memref<128x128xf32, #tpu.memory_space<vmem>>
      tpu.enqueue_dma source(%dma_start3A_124 : memref<128x128xf32, #tpu.memory_space<vmem>>) target(%dma_start3A_120 : memref<128x128xf32, #tpu.memory_space<hbm>>) target_semaphore(%arg15 : memref<!tpu.dma_semaphore, #tpu.memory_space<semaphore_mem>>)
      %dma_wait3A_125 = arith.constant 1 : i32
      %dma_wait3A_126 = arith.constant 0 : i32
      %dma_wait3A_127 = arith.constant 0 : i32
      %dma_wait3A_128 = tpu.memref_slice %arg10[%dma_wait3A_125, %dma_wait3A_126, %dma_wait3A_127] : memref<3x128x128xf32, #tpu.memory_space<vmem>> -> memref<1x128x128xf32, #tpu.memory_space<vmem>>
      %dma_wait3A_129 = tpu.memref_squeeze %dma_wait3A_128 : memref<1x128x128xf32, #tpu.memory_space<vmem>> -> memref<128x128xf32, #tpu.memory_space<vmem>>
      %dma_wait3A_130 = arith.constant 0 : i32
      %dma_wait3A_131 = tpu.memref_slice %arg6[%multiple_of3A_111, %dma_wait3A_130] : memref<135168x128xf32, #tpu.memory_space<hbm>> -> memref<128x128xf32, #tpu.memory_space<hbm>>
      %dma_wait3A_132 = arith.constant 0 : i32
      %dma_wait3A_133 = tpu.memref_slice %arg6[%multiple_of3A_111, %dma_wait3A_132] : memref<135168x128xf32, #tpu.memory_space<hbm>> -> memref<128x128xf32, #tpu.memory_space<hbm>>
      %dma_wait3A_134 = arith.constant 0 : i32
      %dma_wait3A_135 = arith.constant 0 : i32
      %dma_wait3A_136 = tpu.memref_slice %arg10[%dma_wait3A_125, %dma_wait3A_134, %dma_wait3A_135] : memref<3x128x128xf32, #tpu.memory_space<vmem>> -> memref<1x128x128xf32, #tpu.memory_space<vmem>>
      %dma_wait3A_137 = tpu.memref_squeeze %dma_wait3A_136 : memref<1x128x128xf32, #tpu.memory_space<vmem>> -> memref<128x128xf32, #tpu.memory_space<vmem>>
      tpu.wait_dma2 semaphore(%arg15 : memref<!tpu.dma_semaphore, #tpu.memory_space<semaphore_mem>>) src(%dma_wait3A_137 : memref<128x128xf32, #tpu.memory_space<vmem>>) dst(%dma_wait3A_133 : memref<128x128xf32, #tpu.memory_space<hbm>>)
      %add3A_138 = arith.constant 3 : i32
      %add3A_139 = arith.addi %add3A_96, %add3A_138 : i32
      %lt3A_140 = arith.constant 33 : i32
      %lt3A_141 = arith.cmpi slt, %add3A_139, %lt3A_140 : i32
      %convert_element_type3A_142 = arith.extui %lt3A_141 : i1 to i32
      %cond3A_143 = arith.constant 0 : i32
      %cond3A_144 = arith.cmpi ne, %convert_element_type3A_142, %cond3A_143 : i32
      scf.if %cond3A_144 {
        %add3A_197 = arith.constant 3 : i32
        %add3A_198 = arith.addi %add3A_96, %add3A_197 : i32
        %mul3A_199 = arith.constant 128 : i32
        %mul3A_200 = arith.muli %add3A_198, %mul3A_199 : i32
        %dma_start3A_201 = arith.constant 1 : i32
        %dma_start3A_202 = arith.constant 0 : i32
        %dma_start3A_203 = arith.constant 0 : i32
        %dma_start3A_204 = tpu.memref_slice %arg10[%dma_start3A_201, %dma_start3A_202, %dma_start3A_203] : memref<3x128x128xf32, #tpu.memory_space<vmem>> -> memref<1x128x128xf32, #tpu.memory_space<vmem>>
        %dma_start3A_205 = tpu.memref_squeeze %dma_start3A_204 : memref<1x128x128xf32, #tpu.memory_space<vmem>> -> memref<128x128xf32, #tpu.memory_space<vmem>>
        %dma_start3A_206 = tpu.memref_slice %arg8[%mul3A_200] : memref<4224xi32, #tpu.memory_space<vmem>> -> memref<128xi32, #tpu.memory_space<vmem>>
        %dma_start3A_207 = arith.constant 0 : i32
        %dma_start3A_208 = arith.constant 0 : i32
        %dma_start3A_209 = tpu.memref_slice %arg2[%dma_start3A_207, %dma_start3A_208] : memref<100000x128xf32, #tpu.memory_space<hbm>> -> memref<100000x128xf32, #tpu.memory_space<hbm>>
        tpu.enqueue_indirect_dma source(%dma_start3A_209 : memref<100000x128xf32, #tpu.memory_space<hbm>>) target(%dma_start3A_205 : memref<128x128xf32, #tpu.memory_space<vmem>>) offsets(%dma_start3A_206 : memref<128xi32, #tpu.memory_space<vmem>>) semaphore(%arg13 : memref<!tpu.dma_semaphore, #tpu.memory_space<semaphore_mem>>)
      } else {
      }
      %mul3A_145 = arith.constant 3 : i32
      %mul3A_146 = arith.muli %scan3A_44, %mul3A_145 : i32
      %add3A_147 = arith.constant 2 : i32
      %add3A_148 = arith.addi %mul3A_146, %add3A_147 : i32
      %mul3A_149 = arith.constant 128 : i32
      %mul3A_150 = arith.muli %add3A_148, %mul3A_149 : i32
      %dma_wait3A_151 = arith.constant 2 : i32
      %dma_wait3A_152 = arith.constant 0 : i32
      %dma_wait3A_153 = arith.constant 0 : i32
      %dma_wait3A_154 = tpu.memref_slice %arg10[%dma_wait3A_151, %dma_wait3A_152, %dma_wait3A_153] : memref<3x128x128xf32, #tpu.memory_space<vmem>> -> memref<1x128x128xf32, #tpu.memory_space<vmem>>
      %dma_wait3A_155 = tpu.memref_squeeze %dma_wait3A_154 : memref<1x128x128xf32, #tpu.memory_space<vmem>> -> memref<128x128xf32, #tpu.memory_space<vmem>>
      %dma_wait3A_156 = tpu.memref_slice %arg8[%mul3A_150] : memref<4224xi32, #tpu.memory_space<vmem>> -> memref<128xi32, #tpu.memory_space<vmem>>
      %dma_wait3A_157 = arith.constant 0 : i32
      %dma_wait3A_158 = arith.constant 0 : i32
      %dma_wait3A_159 = tpu.memref_slice %arg2[%dma_wait3A_157, %dma_wait3A_158] : memref<100000x128xf32, #tpu.memory_space<hbm>> -> memref<100000x128xf32, #tpu.memory_space<hbm>>
      tpu.wait_indirect_dma semaphore(%arg14 : memref<!tpu.dma_semaphore, #tpu.memory_space<semaphore_mem>>) src(%dma_wait3A_159 : memref<100000x128xf32, #tpu.memory_space<hbm>>) dst(%dma_wait3A_155 : memref<128x128xf32, #tpu.memory_space<vmem>>)
      %mul3A_160 = arith.constant 128 : i32
      %mul3A_161 = arith.muli %add3A_148, %mul3A_160 : i32
      %add3A_162 = arith.addi %mul3A_2, %mul3A_161 : i32
      %multiple_of3A_163 = tpu.assume_multiple %add3A_162, 128 : i32
      %dma_start3A_164 = arith.constant 2 : i32
      %dma_start3A_165 = arith.constant 0 : i32
      %dma_start3A_166 = arith.constant 0 : i32
      %dma_start3A_167 = tpu.memref_slice %arg10[%dma_start3A_164, %dma_start3A_165, %dma_start3A_166] : memref<3x128x128xf32, #tpu.memory_space<vmem>> -> memref<1x128x128xf32, #tpu.memory_space<vmem>>
      %dma_start3A_168 = tpu.memref_squeeze %dma_start3A_167 : memref<1x128x128xf32, #tpu.memory_space<vmem>> -> memref<128x128xf32, #tpu.memory_space<vmem>>
      %dma_start3A_169 = arith.constant 0 : i32
      %dma_start3A_170 = tpu.memref_slice %arg6[%multiple_of3A_163, %dma_start3A_169] : memref<135168x128xf32, #tpu.memory_space<hbm>> -> memref<128x128xf32, #tpu.memory_space<hbm>>
      %dma_start3A_171 = arith.constant 0 : i32
      %dma_start3A_172 = tpu.memref_slice %arg6[%multiple_of3A_163, %dma_start3A_171] : memref<135168x128xf32, #tpu.memory_space<hbm>> -> memref<128x128xf32, #tpu.memory_space<hbm>>
      %dma_start3A_173 = arith.constant 0 : i32
      %dma_start3A_174 = arith.constant 0 : i32
      %dma_start3A_175 = tpu.memref_slice %arg10[%dma_start3A_164, %dma_start3A_173, %dma_start3A_174] : memref<3x128x128xf32, #tpu.memory_space<vmem>> -> memref<1x128x128xf32, #tpu.memory_space<vmem>>
      %dma_start3A_176 = tpu.memref_squeeze %dma_start3A_175 : memref<1x128x128xf32, #tpu.memory_space<vmem>> -> memref<128x128xf32, #tpu.memory_space<vmem>>
      tpu.enqueue_dma source(%dma_start3A_176 : memref<128x128xf32, #tpu.memory_space<vmem>>) target(%dma_start3A_172 : memref<128x128xf32, #tpu.memory_space<hbm>>) target_semaphore(%arg15 : memref<!tpu.dma_semaphore, #tpu.memory_space<semaphore_mem>>)
      %dma_wait3A_177 = arith.constant 2 : i32
      %dma_wait3A_178 = arith.constant 0 : i32
      %dma_wait3A_179 = arith.constant 0 : i32
      %dma_wait3A_180 = tpu.memref_slice %arg10[%dma_wait3A_177, %dma_wait3A_178, %dma_wait3A_179] : memref<3x128x128xf32, #tpu.memory_space<vmem>> -> memref<1x128x128xf32, #tpu.memory_space<vmem>>
      %dma_wait3A_181 = tpu.memref_squeeze %dma_wait3A_180 : memref<1x128x128xf32, #tpu.memory_space<vmem>> -> memref<128x128xf32, #tpu.memory_space<vmem>>
      %dma_wait3A_182 = arith.constant 0 : i32
      %dma_wait3A_183 = tpu.memref_slice %arg6[%multiple_of3A_163, %dma_wait3A_182] : memref<135168x128xf32, #tpu.memory_space<hbm>> -> memref<128x128xf32, #tpu.memory_space<hbm>>
      %dma_wait3A_184 = arith.constant 0 : i32
      %dma_wait3A_185 = tpu.memref_slice %arg6[%multiple_of3A_163, %dma_wait3A_184] : memref<135168x128xf32, #tpu.memory_space<hbm>> -> memref<128x128xf32, #tpu.memory_space<hbm>>
      %dma_wait3A_186 = arith.constant 0 : i32
      %dma_wait3A_187 = arith.constant 0 : i32
      %dma_wait3A_188 = tpu.memref_slice %arg10[%dma_wait3A_177, %dma_wait3A_186, %dma_wait3A_187] : memref<3x128x128xf32, #tpu.memory_space<vmem>> -> memref<1x128x128xf32, #tpu.memory_space<vmem>>
      %dma_wait3A_189 = tpu.memref_squeeze %dma_wait3A_188 : memref<1x128x128xf32, #tpu.memory_space<vmem>> -> memref<128x128xf32, #tpu.memory_space<vmem>>
      tpu.wait_dma2 semaphore(%arg15 : memref<!tpu.dma_semaphore, #tpu.memory_space<semaphore_mem>>) src(%dma_wait3A_189 : memref<128x128xf32, #tpu.memory_space<vmem>>) dst(%dma_wait3A_185 : memref<128x128xf32, #tpu.memory_space<hbm>>)
      %add3A_190 = arith.constant 3 : i32
      %add3A_191 = arith.addi %add3A_148, %add3A_190 : i32
      %lt3A_192 = arith.constant 33 : i32
      %lt3A_193 = arith.cmpi slt, %add3A_191, %lt3A_192 : i32
      %convert_element_type3A_194 = arith.extui %lt3A_193 : i1 to i32
      %cond3A_195 = arith.constant 0 : i32
      %cond3A_196 = arith.cmpi ne, %convert_element_type3A_194, %cond3A_195 : i32
      scf.if %cond3A_196 {
        %add3A_197 = arith.constant 3 : i32
        %add3A_198 = arith.addi %add3A_148, %add3A_197 : i32
        %mul3A_199 = arith.constant 128 : i32
        %mul3A_200 = arith.muli %add3A_198, %mul3A_199 : i32
        %dma_start3A_201 = arith.constant 2 : i32
        %dma_start3A_202 = arith.constant 0 : i32
        %dma_start3A_203 = arith.constant 0 : i32
        %dma_start3A_204 = tpu.memref_slice %arg10[%dma_start3A_201, %dma_start3A_202, %dma_start3A_203] : memref<3x128x128xf32, #tpu.memory_space<vmem>> -> memref<1x128x128xf32, #tpu.memory_space<vmem>>
        %dma_start3A_205 = tpu.memref_squeeze %dma_start3A_204 : memref<1x128x128xf32, #tpu.memory_space<vmem>> -> memref<128x128xf32, #tpu.memory_space<vmem>>
        %dma_start3A_206 = tpu.memref_slice %arg8[%mul3A_200] : memref<4224xi32, #tpu.memory_space<vmem>> -> memref<128xi32, #tpu.memory_space<vmem>>
        %dma_start3A_207 = arith.constant 0 : i32
        %dma_start3A_208 = arith.constant 0 : i32
        %dma_start3A_209 = tpu.memref_slice %arg2[%dma_start3A_207, %dma_start3A_208] : memref<100000x128xf32, #tpu.memory_space<hbm>> -> memref<100000x128xf32, #tpu.memory_space<hbm>>
        tpu.enqueue_indirect_dma source(%dma_start3A_209 : memref<100000x128xf32, #tpu.memory_space<hbm>>) target(%dma_start3A_205 : memref<128x128xf32, #tpu.memory_space<vmem>>) offsets(%dma_start3A_206 : memref<128xi32, #tpu.memory_space<vmem>>) semaphore(%arg14 : memref<!tpu.dma_semaphore, #tpu.memory_space<semaphore_mem>>)
      } else {
      }
    }
    %scan3A_41 = arith.constant 11 : i32
    %dma_wait3A = arith.constant 0 : i32
    %dma_wait3A_42 = arith.constant 0 : i32
    %dma_wait3A_43 = tpu.memref_slice %arg3[%dma_wait3A, %dma_wait3A_42] : memref<100000x128xf32, #tpu.memory_space<hbm>> -> memref<100000x128xf32, #tpu.memory_space<hbm>>
    tpu.wait_indirect_dma semaphore(%arg16 : memref<!tpu.dma_semaphore, #tpu.memory_space<semaphore_mem>>) src(%dma_wait3A_43 : memref<100000x128xf32, #tpu.memory_space<hbm>>) dst(%arg11 : memref<64x128xf32, #tpu.memory_space<vmem>>)
    "tpu.region"() ({
      %run_scoped3A = tpu.sem_alloc : memref<!tpu.dma_semaphore, #tpu.memory_space<semaphore_mem>>
      %dma_start3A_44 = arith.constant 0 : i32
      %dma_start3A_45 = tpu.memref_slice %arg7[%mul3A_4, %dma_start3A_44] : memref<2048x128xf32, #tpu.memory_space<hbm>> -> memref<64x128xf32, #tpu.memory_space<hbm>>
      %dma_start3A_46 = arith.constant 0 : i32
      %dma_start3A_47 = tpu.memref_slice %arg7[%mul3A_4, %dma_start3A_46] : memref<2048x128xf32, #tpu.memory_space<hbm>> -> memref<64x128xf32, #tpu.memory_space<hbm>>
      tpu.enqueue_dma source(%arg11 : memref<64x128xf32, #tpu.memory_space<vmem>>) target(%dma_start3A_47 : memref<64x128xf32, #tpu.memory_space<hbm>>) target_semaphore(%run_scoped3A : memref<!tpu.dma_semaphore, #tpu.memory_space<semaphore_mem>>)
      %dma_wait3A_48 = arith.constant 0 : i32
      %dma_wait3A_49 = tpu.memref_slice %arg7[%mul3A_4, %dma_wait3A_48] : memref<2048x128xf32, #tpu.memory_space<hbm>> -> memref<64x128xf32, #tpu.memory_space<hbm>>
      %dma_wait3A_50 = arith.constant 0 : i32
      %dma_wait3A_51 = tpu.memref_slice %arg7[%mul3A_4, %dma_wait3A_50] : memref<2048x128xf32, #tpu.memory_space<hbm>> -> memref<64x128xf32, #tpu.memory_space<hbm>>
      tpu.wait_dma2 semaphore(%run_scoped3A : memref<!tpu.dma_semaphore, #tpu.memory_space<semaphore_mem>>) src(%arg11 : memref<64x128xf32, #tpu.memory_space<vmem>>) dst(%dma_wait3A_51 : memref<64x128xf32, #tpu.memory_space<hbm>>)
      tpu.yield
    }) : () -> ()
    return
  }
}

#map = affine_map<(d0, d1) -> (0, 0)>
#map1 = affine_map<(d0, d1) -> (0)>
module attributes {stable_mosaic.version = 14 : i64} {
  func.func @gather_kernel(%arg0: i32, %arg1: i32, %arg2: memref<100000x128xf32, #tpu.memory_space<hbm>>, %arg3: memref<100000x128xf32, #tpu.memory_space<hbm>>, %arg4: memref<135168xi32, #tpu.memory_space<hbm>>, %arg5: memref<2048xi32, #tpu.memory_space<hbm>>, %arg6: memref<135168x128xf32, #tpu.memory_space<hbm>>, %arg7: memref<2048x128xf32, #tpu.memory_space<hbm>>, %arg8: memref<4224xi32, #tpu.memory_space<vmem>>, %arg9: memref<64xi32, #tpu.memory_space<vmem>>, %arg10: memref<3x128x128xf32, #tpu.memory_space<vmem>>, %arg11: memref<64x128xf32, #tpu.memory_space<vmem>>, %arg12: memref<!tpu.dma_semaphore, #tpu.memory_space<semaphore_mem>>, %arg13: memref<!tpu.dma_semaphore, #tpu.memory_space<semaphore_mem>>, %arg14: memref<!tpu.dma_semaphore, #tpu.memory_space<semaphore_mem>>, %arg15: memref<!tpu.dma_semaphore, #tpu.memory_space<semaphore_mem>>, %arg16: memref<!tpu.dma_semaphore, #tpu.memory_space<semaphore_mem>>) attributes {dimension_semantics = [#tpu.dimension_semantics<core_parallel>, #tpu.dimension_semantics<subcore_parallel>], iteration_bounds = array<i64: 2, 16>, scalar_prefetch = 0 : i64, scratch_operands = 9 : i64, tpu.core_type = #tpu.core_type<sc_vector_subcore>, window_params = [{transform_indices = #map}, {transform_indices = #map}, {transform_indices = #map1}, {transform_indices = #map1}, {transform_indices = #map}, {transform_indices = #map}]} {
    %mul3A = arith.constant 2 : i32
    %mul3A_0 = arith.muli %arg1, %mul3A : i32
    %add3A = arith.addi %mul3A_0, %arg0 : i32
    %mul3A_1 = arith.constant 4224 : i32
    %mul3A_2 = arith.muli %add3A, %mul3A_1 : i32
    %mul3A_3 = arith.constant 64 : i32
    %mul3A_4 = arith.muli %add3A, %mul3A_3 : i32
    "tpu.region"() ({
      %run_scoped3A = tpu.sem_alloc : memref<!tpu.dma_semaphore, #tpu.memory_space<semaphore_mem>>
      %dma_start3A_44 = tpu.memref_slice %arg4[%mul3A_2] : memref<135168xi32, #tpu.memory_space<hbm>> -> memref<4224xi32, #tpu.memory_space<hbm>>
      %dma_start3A_45 = tpu.memref_slice %arg4[%mul3A_2] : memref<135168xi32, #tpu.memory_space<hbm>> -> memref<4224xi32, #tpu.memory_space<hbm>>
      tpu.enqueue_dma source(%dma_start3A_45 : memref<4224xi32, #tpu.memory_space<hbm>>) target(%arg8 : memref<4224xi32, #tpu.memory_space<vmem>>) target_semaphore(%run_scoped3A : memref<!tpu.dma_semaphore, #tpu.memory_space<semaphore_mem>>)
      %dma_wait3A_46 = tpu.memref_slice %arg4[%mul3A_2] : memref<135168xi32, #tpu.memory_space<hbm>> -> memref<4224xi32, #tpu.memory_space<hbm>>
      %dma_wait3A_47 = tpu.memref_slice %arg4[%mul3A_2] : memref<135168xi32, #tpu.memory_space<hbm>> -> memref<4224xi32, #tpu.memory_space<hbm>>
      tpu.wait_dma2 semaphore(%run_scoped3A : memref<!tpu.dma_semaphore, #tpu.memory_space<semaphore_mem>>) src(%dma_wait3A_47 : memref<4224xi32, #tpu.memory_space<hbm>>) dst(%arg8 : memref<4224xi32, #tpu.memory_space<vmem>>)
      tpu.yield
    }) : () -> ()
    "tpu.region"() ({
      %run_scoped3A = tpu.sem_alloc : memref<!tpu.dma_semaphore, #tpu.memory_space<semaphore_mem>>
      %dma_start3A_44 = tpu.memref_slice %arg5[%mul3A_4] : memref<2048xi32, #tpu.memory_space<hbm>> -> memref<64xi32, #tpu.memory_space<hbm>>
      %dma_start3A_45 = tpu.memref_slice %arg5[%mul3A_4] : memref<2048xi32, #tpu.memory_space<hbm>> -> memref<64xi32, #tpu.memory_space<hbm>>
      tpu.enqueue_dma source(%dma_start3A_45 : memref<64xi32, #tpu.memory_space<hbm>>) target(%arg9 : memref<64xi32, #tpu.memory_space<vmem>>) target_semaphore(%run_scoped3A : memref<!tpu.dma_semaphore, #tpu.memory_space<semaphore_mem>>)
      %dma_wait3A_46 = tpu.memref_slice %arg5[%mul3A_4] : memref<2048xi32, #tpu.memory_space<hbm>> -> memref<64xi32, #tpu.memory_space<hbm>>
      %dma_wait3A_47 = tpu.memref_slice %arg5[%mul3A_4] : memref<2048xi32, #tpu.memory_space<hbm>> -> memref<64xi32, #tpu.memory_space<hbm>>
      tpu.wait_dma2 semaphore(%run_scoped3A : memref<!tpu.dma_semaphore, #tpu.memory_space<semaphore_mem>>) src(%dma_wait3A_47 : memref<64xi32, #tpu.memory_space<hbm>>) dst(%arg9 : memref<64xi32, #tpu.memory_space<vmem>>)
      tpu.yield
    }) : () -> ()
    %dma_start3A = arith.constant 0 : i32
    %dma_start3A_5 = arith.constant 0 : i32
    %dma_start3A_6 = tpu.memref_slice %arg3[%dma_start3A, %dma_start3A_5] : memref<100000x128xf32, #tpu.memory_space<hbm>> -> memref<100000x128xf32, #tpu.memory_space<hbm>>
    tpu.enqueue_indirect_dma source(%dma_start3A_6 : memref<100000x128xf32, #tpu.memory_space<hbm>>) target(%arg11 : memref<64x128xf32, #tpu.memory_space<vmem>>) offsets(%arg9 : memref<64xi32, #tpu.memory_space<vmem>>) semaphore(%arg16 : memref<!tpu.dma_semaphore, #tpu.memory_space<semaphore_mem>>)
    %dma_start3A_7 = arith.constant 0 : i32
    %dma_start3A_8 = arith.constant 0 : i32
    %dma_start3A_9 = arith.constant 0 : i32
    %dma_start3A_10 = tpu.memref_slice %arg10[%dma_start3A_7, %dma_start3A_8, %dma_start3A_9] : memref<3x128x128xf32, #tpu.memory_space<vmem>> -> memref<1x128x128xf32, #tpu.memory_space<vmem>>
    %dma_start3A_11 = tpu.memref_squeeze %dma_start3A_10 : memref<1x128x128xf32, #tpu.memory_space<vmem>> -> memref<128x128xf32, #tpu.memory_space<vmem>>
    %dma_start3A_12 = arith.constant 0 : i32
    %dma_start3A_13 = tpu.memref_slice %arg8[%dma_start3A_12] : memref<4224xi32, #tpu.memory_space<vmem>> -> memref<128xi32, #tpu.memory_space<vmem>>
    %dma_start3A_14 = arith.constant 0 : i32
    %dma_start3A_15 = arith.constant 0 : i32
    %dma_start3A_16 = tpu.memref_slice %arg2[%dma_start3A_14, %dma_start3A_15] : memref<100000x128xf32, #tpu.memory_space<hbm>> -> memref<100000x128xf32, #tpu.memory_space<hbm>>
    tpu.enqueue_indirect_dma source(%dma_start3A_16 : memref<100000x128xf32, #tpu.memory_space<hbm>>) target(%dma_start3A_11 : memref<128x128xf32, #tpu.memory_space<vmem>>) offsets(%dma_start3A_13 : memref<128xi32, #tpu.memory_space<vmem>>) semaphore(%arg12 : memref<!tpu.dma_semaphore, #tpu.memory_space<semaphore_mem>>)
    %dma_start3A_17 = arith.constant 1 : i32
    %dma_start3A_18 = arith.constant 0 : i32
    %dma_start3A_19 = arith.constant 0 : i32
    %dma_start3A_20 = tpu.memref_slice %arg10[%dma_start3A_17, %dma_start3A_18, %dma_start3A_19] : memref<3x128x128xf32, #tpu.memory_space<vmem>> -> memref<1x128x128xf32, #tpu.memory_space<vmem>>
    %dma_start3A_21 = tpu.memref_squeeze %dma_start3A_20 : memref<1x128x128xf32, #tpu.memory_space<vmem>> -> memref<128x128xf32, #tpu.memory_space<vmem>>
    %dma_start3A_22 = arith.constant 128 : i32
    %dma_start3A_23 = tpu.memref_slice %arg8[%dma_start3A_22] : memref<4224xi32, #tpu.memory_space<vmem>> -> memref<128xi32, #tpu.memory_space<vmem>>
    %dma_start3A_24 = arith.constant 0 : i32
    %dma_start3A_25 = arith.constant 0 : i32
    %dma_start3A_26 = tpu.memref_slice %arg2[%dma_start3A_24, %dma_start3A_25] : memref<100000x128xf32, #tpu.memory_space<hbm>> -> memref<100000x128xf32, #tpu.memory_space<hbm>>
    tpu.enqueue_indirect_dma source(%dma_start3A_26 : memref<100000x128xf32, #tpu.memory_space<hbm>>) target(%dma_start3A_21 : memref<128x128xf32, #tpu.memory_space<vmem>>) offsets(%dma_start3A_23 : memref<128xi32, #tpu.memory_space<vmem>>) semaphore(%arg13 : memref<!tpu.dma_semaphore, #tpu.memory_space<semaphore_mem>>)
    %dma_start3A_27 = arith.constant 2 : i32
    %dma_start3A_28 = arith.constant 0 : i32
    %dma_start3A_29 = arith.constant 0 : i32
    %dma_start3A_30 = tpu.memref_slice %arg10[%dma_start3A_27, %dma_start3A_28, %dma_start3A_29] : memref<3x128x128xf32, #tpu.memory_space<vmem>> -> memref<1x128x128xf32, #tpu.memory_space<vmem>>
    %dma_start3A_31 = tpu.memref_squeeze %dma_start3A_30 : memref<1x128x128xf32, #tpu.memory_space<vmem>> -> memref<128x128xf32, #tpu.memory_space<vmem>>
    %dma_start3A_32 = arith.constant 256 : i32
    %dma_start3A_33 = tpu.memref_slice %arg8[%dma_start3A_32] : memref<4224xi32, #tpu.memory_space<vmem>> -> memref<128xi32, #tpu.memory_space<vmem>>
    %dma_start3A_34 = arith.constant 0 : i32
    %dma_start3A_35 = arith.constant 0 : i32
    %dma_start3A_36 = tpu.memref_slice %arg2[%dma_start3A_34, %dma_start3A_35] : memref<100000x128xf32, #tpu.memory_space<hbm>> -> memref<100000x128xf32, #tpu.memory_space<hbm>>
    tpu.enqueue_indirect_dma source(%dma_start3A_36 : memref<100000x128xf32, #tpu.memory_space<hbm>>) target(%dma_start3A_31 : memref<128x128xf32, #tpu.memory_space<vmem>>) offsets(%dma_start3A_33 : memref<128xi32, #tpu.memory_space<vmem>>) semaphore(%arg14 : memref<!tpu.dma_semaphore, #tpu.memory_space<semaphore_mem>>)
    %scan3A = arith.constant 0 : i32
    %scan3A_37 = arith.constant 0 : i32
    %scan3A_38 = arith.constant 11 : i32
    %scan3A_39 = arith.addi %scan3A_37, %scan3A_38 : i32
    %scan3A_40 = arith.constant 1 : i32
    scf.for %scan3A_44 = %scan3A_37 to %scan3A_39 step %scan3A_40  : i32 {
      %mul3A_45 = arith.constant 3 : i32
      %mul3A_46 = arith.muli %scan3A_44, %mul3A_45 : i32
      %add3A_47 = arith.constant 0 : i32
      %add3A_48 = arith.addi %mul3A_46, %add3A_47 : i32
      %mul3A_49 = arith.constant 128 : i32
      %mul3A_50 = arith.muli %add3A_48, %mul3A_49 : i32
      %dma_wait3A_51 = arith.constant 0 : i32
      %dma_wait3A_52 = arith.constant 0 : i32
      %dma_wait3A_53 = arith.constant 0 : i32
      %dma_wait3A_54 = tpu.memref_slice %arg10[%dma_wait3A_51, %dma_wait3A_52, %dma_wait3A_53] : memref<3x128x128xf32, #tpu.memory_space<vmem>> -> memref<1x128x128xf32, #tpu.memory_space<vmem>>
      %dma_wait3A_55 = tpu.memref_squeeze %dma_wait3A_54 : memref<1x128x128xf32, #tpu.memory_space<vmem>> -> memref<128x128xf32, #tpu.memory_space<vmem>>
      %dma_wait3A_56 = tpu.memref_slice %arg8[%mul3A_50] : memref<4224xi32, #tpu.memory_space<vmem>> -> memref<128xi32, #tpu.memory_space<vmem>>
      %dma_wait3A_57 = arith.constant 0 : i32
      %dma_wait3A_58 = arith.constant 0 : i32
      %dma_wait3A_59 = tpu.memref_slice %arg2[%dma_wait3A_57, %dma_wait3A_58] : memref<100000x128xf32, #tpu.memory_space<hbm>> -> memref<100000x128xf32, #tpu.memory_space<hbm>>
      tpu.wait_indirect_dma semaphore(%arg12 : memref<!tpu.dma_semaphore, #tpu.memory_space<semaphore_mem>>) src(%dma_wait3A_59 : memref<100000x128xf32, #tpu.memory_space<hbm>>) dst(%dma_wait3A_55 : memref<128x128xf32, #tpu.memory_space<vmem>>)
      %mul3A_60 = arith.constant 128 : i32
      %mul3A_61 = arith.muli %add3A_48, %mul3A_60 : i32
      %add3A_62 = arith.addi %mul3A_2, %mul3A_61 : i32
      %multiple_of3A = tpu.assume_multiple %add3A_62, 128 : i32
      %dma_start3A_63 = arith.constant 0 : i32
      %dma_start3A_64 = arith.constant 0 : i32
      %dma_start3A_65 = arith.constant 0 : i32
      %dma_start3A_66 = tpu.memref_slice %arg10[%dma_start3A_63, %dma_start3A_64, %dma_start3A_65] : memref<3x128x128xf32, #tpu.memory_space<vmem>> -> memref<1x128x128xf32, #tpu.memory_space<vmem>>
      %dma_start3A_67 = tpu.memref_squeeze %dma_start3A_66 : memref<1x128x128xf32, #tpu.memory_space<vmem>> -> memref<128x128xf32, #tpu.memory_space<vmem>>
      %dma_start3A_68 = arith.constant 0 : i32
      %dma_start3A_69 = tpu.memref_slice %arg6[%multiple_of3A, %dma_start3A_68] : memref<135168x128xf32, #tpu.memory_space<hbm>> -> memref<128x128xf32, #tpu.memory_space<hbm>>
      %dma_start3A_70 = arith.constant 0 : i32
      %dma_start3A_71 = tpu.memref_slice %arg6[%multiple_of3A, %dma_start3A_70] : memref<135168x128xf32, #tpu.memory_space<hbm>> -> memref<128x128xf32, #tpu.memory_space<hbm>>
      %dma_start3A_72 = arith.constant 0 : i32
      %dma_start3A_73 = arith.constant 0 : i32
      %dma_start3A_74 = tpu.memref_slice %arg10[%dma_start3A_63, %dma_start3A_72, %dma_start3A_73] : memref<3x128x128xf32, #tpu.memory_space<vmem>> -> memref<1x128x128xf32, #tpu.memory_space<vmem>>
      %dma_start3A_75 = tpu.memref_squeeze %dma_start3A_74 : memref<1x128x128xf32, #tpu.memory_space<vmem>> -> memref<128x128xf32, #tpu.memory_space<vmem>>
      tpu.enqueue_dma source(%dma_start3A_75 : memref<128x128xf32, #tpu.memory_space<vmem>>) target(%dma_start3A_71 : memref<128x128xf32, #tpu.memory_space<hbm>>) target_semaphore(%arg15 : memref<!tpu.dma_semaphore, #tpu.memory_space<semaphore_mem>>)
      %dma_wait3A_76 = arith.constant 0 : i32
      %dma_wait3A_77 = arith.constant 0 : i32
      %dma_wait3A_78 = arith.constant 0 : i32
      %dma_wait3A_79 = tpu.memref_slice %arg10[%dma_wait3A_76, %dma_wait3A_77, %dma_wait3A_78] : memref<3x128x128xf32, #tpu.memory_space<vmem>> -> memref<1x128x128xf32, #tpu.memory_space<vmem>>
      %dma_wait3A_80 = tpu.memref_squeeze %dma_wait3A_79 : memref<1x128x128xf32, #tpu.memory_space<vmem>> -> memref<128x128xf32, #tpu.memory_space<vmem>>
      %dma_wait3A_81 = arith.constant 0 : i32
      %dma_wait3A_82 = tpu.memref_slice %arg6[%multiple_of3A, %dma_wait3A_81] : memref<135168x128xf32, #tpu.memory_space<hbm>> -> memref<128x128xf32, #tpu.memory_space<hbm>>
      %dma_wait3A_83 = arith.constant 0 : i32
      %dma_wait3A_84 = tpu.memref_slice %arg6[%multiple_of3A, %dma_wait3A_83] : memref<135168x128xf32, #tpu.memory_space<hbm>> -> memref<128x128xf32, #tpu.memory_space<hbm>>
      %dma_wait3A_85 = arith.constant 0 : i32
      %dma_wait3A_86 = arith.constant 0 : i32
      %dma_wait3A_87 = tpu.memref_slice %arg10[%dma_wait3A_76, %dma_wait3A_85, %dma_wait3A_86] : memref<3x128x128xf32, #tpu.memory_space<vmem>> -> memref<1x128x128xf32, #tpu.memory_space<vmem>>
      %dma_wait3A_88 = tpu.memref_squeeze %dma_wait3A_87 : memref<1x128x128xf32, #tpu.memory_space<vmem>> -> memref<128x128xf32, #tpu.memory_space<vmem>>
      tpu.wait_dma2 semaphore(%arg15 : memref<!tpu.dma_semaphore, #tpu.memory_space<semaphore_mem>>) src(%dma_wait3A_88 : memref<128x128xf32, #tpu.memory_space<vmem>>) dst(%dma_wait3A_84 : memref<128x128xf32, #tpu.memory_space<hbm>>)
      %add3A_89 = arith.constant 3 : i32
      %add3A_90 = arith.addi %add3A_48, %add3A_89 : i32
      %lt3A = arith.constant 33 : i32
      %lt3A_91 = arith.cmpi slt, %add3A_90, %lt3A : i32
      %convert_element_type3A = arith.extui %lt3A_91 : i1 to i32
      %cond3A = arith.constant 0 : i32
      %cond3A_92 = arith.cmpi ne, %convert_element_type3A, %cond3A : i32
      scf.if %cond3A_92 {
        %add3A_197 = arith.constant 3 : i32
        %add3A_198 = arith.addi %add3A_48, %add3A_197 : i32
        %mul3A_199 = arith.constant 128 : i32
        %mul3A_200 = arith.muli %add3A_198, %mul3A_199 : i32
        %dma_start3A_201 = arith.constant 0 : i32
        %dma_start3A_202 = arith.constant 0 : i32
        %dma_start3A_203 = arith.constant 0 : i32
        %dma_start3A_204 = tpu.memref_slice %arg10[%dma_start3A_201, %dma_start3A_202, %dma_start3A_203] : memref<3x128x128xf32, #tpu.memory_space<vmem>> -> memref<1x128x128xf32, #tpu.memory_space<vmem>>
        %dma_start3A_205 = tpu.memref_squeeze %dma_start3A_204 : memref<1x128x128xf32, #tpu.memory_space<vmem>> -> memref<128x128xf32, #tpu.memory_space<vmem>>
        %dma_start3A_206 = tpu.memref_slice %arg8[%mul3A_200] : memref<4224xi32, #tpu.memory_space<vmem>> -> memref<128xi32, #tpu.memory_space<vmem>>
        %dma_start3A_207 = arith.constant 0 : i32
        %dma_start3A_208 = arith.constant 0 : i32
        %dma_start3A_209 = tpu.memref_slice %arg2[%dma_start3A_207, %dma_start3A_208] : memref<100000x128xf32, #tpu.memory_space<hbm>> -> memref<100000x128xf32, #tpu.memory_space<hbm>>
        tpu.enqueue_indirect_dma source(%dma_start3A_209 : memref<100000x128xf32, #tpu.memory_space<hbm>>) target(%dma_start3A_205 : memref<128x128xf32, #tpu.memory_space<vmem>>) offsets(%dma_start3A_206 : memref<128xi32, #tpu.memory_space<vmem>>) semaphore(%arg12 : memref<!tpu.dma_semaphore, #tpu.memory_space<semaphore_mem>>)
      } else {
      }
      %mul3A_93 = arith.constant 3 : i32
      %mul3A_94 = arith.muli %scan3A_44, %mul3A_93 : i32
      %add3A_95 = arith.constant 1 : i32
      %add3A_96 = arith.addi %mul3A_94, %add3A_95 : i32
      %mul3A_97 = arith.constant 128 : i32
      %mul3A_98 = arith.muli %add3A_96, %mul3A_97 : i32
      %dma_wait3A_99 = arith.constant 1 : i32
      %dma_wait3A_100 = arith.constant 0 : i32
      %dma_wait3A_101 = arith.constant 0 : i32
      %dma_wait3A_102 = tpu.memref_slice %arg10[%dma_wait3A_99, %dma_wait3A_100, %dma_wait3A_101] : memref<3x128x128xf32, #tpu.memory_space<vmem>> -> memref<1x128x128xf32, #tpu.memory_space<vmem>>
      %dma_wait3A_103 = tpu.memref_squeeze %dma_wait3A_102 : memref<1x128x128xf32, #tpu.memory_space<vmem>> -> memref<128x128xf32, #tpu.memory_space<vmem>>
      %dma_wait3A_104 = tpu.memref_slice %arg8[%mul3A_98] : memref<4224xi32, #tpu.memory_space<vmem>> -> memref<128xi32, #tpu.memory_space<vmem>>
      %dma_wait3A_105 = arith.constant 0 : i32
      %dma_wait3A_106 = arith.constant 0 : i32
      %dma_wait3A_107 = tpu.memref_slice %arg2[%dma_wait3A_105, %dma_wait3A_106] : memref<100000x128xf32, #tpu.memory_space<hbm>> -> memref<100000x128xf32, #tpu.memory_space<hbm>>
      tpu.wait_indirect_dma semaphore(%arg13 : memref<!tpu.dma_semaphore, #tpu.memory_space<semaphore_mem>>) src(%dma_wait3A_107 : memref<100000x128xf32, #tpu.memory_space<hbm>>) dst(%dma_wait3A_103 : memref<128x128xf32, #tpu.memory_space<vmem>>)
      %mul3A_108 = arith.constant 128 : i32
      %mul3A_109 = arith.muli %add3A_96, %mul3A_108 : i32
      %add3A_110 = arith.addi %mul3A_2, %mul3A_109 : i32
      %multiple_of3A_111 = tpu.assume_multiple %add3A_110, 128 : i32
      %dma_start3A_112 = arith.constant 1 : i32
      %dma_start3A_113 = arith.constant 0 : i32
      %dma_start3A_114 = arith.constant 0 : i32
      %dma_start3A_115 = tpu.memref_slice %arg10[%dma_start3A_112, %dma_start3A_113, %dma_start3A_114] : memref<3x128x128xf32, #tpu.memory_space<vmem>> -> memref<1x128x128xf32, #tpu.memory_space<vmem>>
      %dma_start3A_116 = tpu.memref_squeeze %dma_start3A_115 : memref<1x128x128xf32, #tpu.memory_space<vmem>> -> memref<128x128xf32, #tpu.memory_space<vmem>>
      %dma_start3A_117 = arith.constant 0 : i32
      %dma_start3A_118 = tpu.memref_slice %arg6[%multiple_of3A_111, %dma_start3A_117] : memref<135168x128xf32, #tpu.memory_space<hbm>> -> memref<128x128xf32, #tpu.memory_space<hbm>>
      %dma_start3A_119 = arith.constant 0 : i32
      %dma_start3A_120 = tpu.memref_slice %arg6[%multiple_of3A_111, %dma_start3A_119] : memref<135168x128xf32, #tpu.memory_space<hbm>> -> memref<128x128xf32, #tpu.memory_space<hbm>>
      %dma_start3A_121 = arith.constant 0 : i32
      %dma_start3A_122 = arith.constant 0 : i32
      %dma_start3A_123 = tpu.memref_slice %arg10[%dma_start3A_112, %dma_start3A_121, %dma_start3A_122] : memref<3x128x128xf32, #tpu.memory_space<vmem>> -> memref<1x128x128xf32, #tpu.memory_space<vmem>>
      %dma_start3A_124 = tpu.memref_squeeze %dma_start3A_123 : memref<1x128x128xf32, #tpu.memory_space<vmem>> -> memref<128x128xf32, #tpu.memory_space<vmem>>
      tpu.enqueue_dma source(%dma_start3A_124 : memref<128x128xf32, #tpu.memory_space<vmem>>) target(%dma_start3A_120 : memref<128x128xf32, #tpu.memory_space<hbm>>) target_semaphore(%arg15 : memref<!tpu.dma_semaphore, #tpu.memory_space<semaphore_mem>>)
      %dma_wait3A_125 = arith.constant 1 : i32
      %dma_wait3A_126 = arith.constant 0 : i32
      %dma_wait3A_127 = arith.constant 0 : i32
      %dma_wait3A_128 = tpu.memref_slice %arg10[%dma_wait3A_125, %dma_wait3A_126, %dma_wait3A_127] : memref<3x128x128xf32, #tpu.memory_space<vmem>> -> memref<1x128x128xf32, #tpu.memory_space<vmem>>
      %dma_wait3A_129 = tpu.memref_squeeze %dma_wait3A_128 : memref<1x128x128xf32, #tpu.memory_space<vmem>> -> memref<128x128xf32, #tpu.memory_space<vmem>>
      %dma_wait3A_130 = arith.constant 0 : i32
      %dma_wait3A_131 = tpu.memref_slice %arg6[%multiple_of3A_111, %dma_wait3A_130] : memref<135168x128xf32, #tpu.memory_space<hbm>> -> memref<128x128xf32, #tpu.memory_space<hbm>>
      %dma_wait3A_132 = arith.constant 0 : i32
      %dma_wait3A_133 = tpu.memref_slice %arg6[%multiple_of3A_111, %dma_wait3A_132] : memref<135168x128xf32, #tpu.memory_space<hbm>> -> memref<128x128xf32, #tpu.memory_space<hbm>>
      %dma_wait3A_134 = arith.constant 0 : i32
      %dma_wait3A_135 = arith.constant 0 : i32
      %dma_wait3A_136 = tpu.memref_slice %arg10[%dma_wait3A_125, %dma_wait3A_134, %dma_wait3A_135] : memref<3x128x128xf32, #tpu.memory_space<vmem>> -> memref<1x128x128xf32, #tpu.memory_space<vmem>>
      %dma_wait3A_137 = tpu.memref_squeeze %dma_wait3A_136 : memref<1x128x128xf32, #tpu.memory_space<vmem>> -> memref<128x128xf32, #tpu.memory_space<vmem>>
      tpu.wait_dma2 semaphore(%arg15 : memref<!tpu.dma_semaphore, #tpu.memory_space<semaphore_mem>>) src(%dma_wait3A_137 : memref<128x128xf32, #tpu.memory_space<vmem>>) dst(%dma_wait3A_133 : memref<128x128xf32, #tpu.memory_space<hbm>>)
      %add3A_138 = arith.constant 3 : i32
      %add3A_139 = arith.addi %add3A_96, %add3A_138 : i32
      %lt3A_140 = arith.constant 33 : i32
      %lt3A_141 = arith.cmpi slt, %add3A_139, %lt3A_140 : i32
      %convert_element_type3A_142 = arith.extui %lt3A_141 : i1 to i32
      %cond3A_143 = arith.constant 0 : i32
      %cond3A_144 = arith.cmpi ne, %convert_element_type3A_142, %cond3A_143 : i32
      scf.if %cond3A_144 {
        %add3A_197 = arith.constant 3 : i32
        %add3A_198 = arith.addi %add3A_96, %add3A_197 : i32
        %mul3A_199 = arith.constant 128 : i32
        %mul3A_200 = arith.muli %add3A_198, %mul3A_199 : i32
        %dma_start3A_201 = arith.constant 1 : i32
        %dma_start3A_202 = arith.constant 0 : i32
        %dma_start3A_203 = arith.constant 0 : i32
        %dma_start3A_204 = tpu.memref_slice %arg10[%dma_start3A_201, %dma_start3A_202, %dma_start3A_203] : memref<3x128x128xf32, #tpu.memory_space<vmem>> -> memref<1x128x128xf32, #tpu.memory_space<vmem>>
        %dma_start3A_205 = tpu.memref_squeeze %dma_start3A_204 : memref<1x128x128xf32, #tpu.memory_space<vmem>> -> memref<128x128xf32, #tpu.memory_space<vmem>>
        %dma_start3A_206 = tpu.memref_slice %arg8[%mul3A_200] : memref<4224xi32, #tpu.memory_space<vmem>> -> memref<128xi32, #tpu.memory_space<vmem>>
        %dma_start3A_207 = arith.constant 0 : i32
        %dma_start3A_208 = arith.constant 0 : i32
        %dma_start3A_209 = tpu.memref_slice %arg2[%dma_start3A_207, %dma_start3A_208] : memref<100000x128xf32, #tpu.memory_space<hbm>> -> memref<100000x128xf32, #tpu.memory_space<hbm>>
        tpu.enqueue_indirect_dma source(%dma_start3A_209 : memref<100000x128xf32, #tpu.memory_space<hbm>>) target(%dma_start3A_205 : memref<128x128xf32, #tpu.memory_space<vmem>>) offsets(%dma_start3A_206 : memref<128xi32, #tpu.memory_space<vmem>>) semaphore(%arg13 : memref<!tpu.dma_semaphore, #tpu.memory_space<semaphore_mem>>)
      } else {
      }
      %mul3A_145 = arith.constant 3 : i32
      %mul3A_146 = arith.muli %scan3A_44, %mul3A_145 : i32
      %add3A_147 = arith.constant 2 : i32
      %add3A_148 = arith.addi %mul3A_146, %add3A_147 : i32
      %mul3A_149 = arith.constant 128 : i32
      %mul3A_150 = arith.muli %add3A_148, %mul3A_149 : i32
      %dma_wait3A_151 = arith.constant 2 : i32
      %dma_wait3A_152 = arith.constant 0 : i32
      %dma_wait3A_153 = arith.constant 0 : i32
      %dma_wait3A_154 = tpu.memref_slice %arg10[%dma_wait3A_151, %dma_wait3A_152, %dma_wait3A_153] : memref<3x128x128xf32, #tpu.memory_space<vmem>> -> memref<1x128x128xf32, #tpu.memory_space<vmem>>
      %dma_wait3A_155 = tpu.memref_squeeze %dma_wait3A_154 : memref<1x128x128xf32, #tpu.memory_space<vmem>> -> memref<128x128xf32, #tpu.memory_space<vmem>>
      %dma_wait3A_156 = tpu.memref_slice %arg8[%mul3A_150] : memref<4224xi32, #tpu.memory_space<vmem>> -> memref<128xi32, #tpu.memory_space<vmem>>
      %dma_wait3A_157 = arith.constant 0 : i32
      %dma_wait3A_158 = arith.constant 0 : i32
      %dma_wait3A_159 = tpu.memref_slice %arg2[%dma_wait3A_157, %dma_wait3A_158] : memref<100000x128xf32, #tpu.memory_space<hbm>> -> memref<100000x128xf32, #tpu.memory_space<hbm>>
      tpu.wait_indirect_dma semaphore(%arg14 : memref<!tpu.dma_semaphore, #tpu.memory_space<semaphore_mem>>) src(%dma_wait3A_159 : memref<100000x128xf32, #tpu.memory_space<hbm>>) dst(%dma_wait3A_155 : memref<128x128xf32, #tpu.memory_space<vmem>>)
      %mul3A_160 = arith.constant 128 : i32
      %mul3A_161 = arith.muli %add3A_148, %mul3A_160 : i32
      %add3A_162 = arith.addi %mul3A_2, %mul3A_161 : i32
      %multiple_of3A_163 = tpu.assume_multiple %add3A_162, 128 : i32
      %dma_start3A_164 = arith.constant 2 : i32
      %dma_start3A_165 = arith.constant 0 : i32
      %dma_start3A_166 = arith.constant 0 : i32
      %dma_start3A_167 = tpu.memref_slice %arg10[%dma_start3A_164, %dma_start3A_165, %dma_start3A_166] : memref<3x128x128xf32, #tpu.memory_space<vmem>> -> memref<1x128x128xf32, #tpu.memory_space<vmem>>
      %dma_start3A_168 = tpu.memref_squeeze %dma_start3A_167 : memref<1x128x128xf32, #tpu.memory_space<vmem>> -> memref<128x128xf32, #tpu.memory_space<vmem>>
      %dma_start3A_169 = arith.constant 0 : i32
      %dma_start3A_170 = tpu.memref_slice %arg6[%multiple_of3A_163, %dma_start3A_169] : memref<135168x128xf32, #tpu.memory_space<hbm>> -> memref<128x128xf32, #tpu.memory_space<hbm>>
      %dma_start3A_171 = arith.constant 0 : i32
      %dma_start3A_172 = tpu.memref_slice %arg6[%multiple_of3A_163, %dma_start3A_171] : memref<135168x128xf32, #tpu.memory_space<hbm>> -> memref<128x128xf32, #tpu.memory_space<hbm>>
      %dma_start3A_173 = arith.constant 0 : i32
      %dma_start3A_174 = arith.constant 0 : i32
      %dma_start3A_175 = tpu.memref_slice %arg10[%dma_start3A_164, %dma_start3A_173, %dma_start3A_174] : memref<3x128x128xf32, #tpu.memory_space<vmem>> -> memref<1x128x128xf32, #tpu.memory_space<vmem>>
      %dma_start3A_176 = tpu.memref_squeeze %dma_start3A_175 : memref<1x128x128xf32, #tpu.memory_space<vmem>> -> memref<128x128xf32, #tpu.memory_space<vmem>>
      tpu.enqueue_dma source(%dma_start3A_176 : memref<128x128xf32, #tpu.memory_space<vmem>>) target(%dma_start3A_172 : memref<128x128xf32, #tpu.memory_space<hbm>>) target_semaphore(%arg15 : memref<!tpu.dma_semaphore, #tpu.memory_space<semaphore_mem>>)
      %dma_wait3A_177 = arith.constant 2 : i32
      %dma_wait3A_178 = arith.constant 0 : i32
      %dma_wait3A_179 = arith.constant 0 : i32
      %dma_wait3A_180 = tpu.memref_slice %arg10[%dma_wait3A_177, %dma_wait3A_178, %dma_wait3A_179] : memref<3x128x128xf32, #tpu.memory_space<vmem>> -> memref<1x128x128xf32, #tpu.memory_space<vmem>>
      %dma_wait3A_181 = tpu.memref_squeeze %dma_wait3A_180 : memref<1x128x128xf32, #tpu.memory_space<vmem>> -> memref<128x128xf32, #tpu.memory_space<vmem>>
      %dma_wait3A_182 = arith.constant 0 : i32
      %dma_wait3A_183 = tpu.memref_slice %arg6[%multiple_of3A_163, %dma_wait3A_182] : memref<135168x128xf32, #tpu.memory_space<hbm>> -> memref<128x128xf32, #tpu.memory_space<hbm>>
      %dma_wait3A_184 = arith.constant 0 : i32
      %dma_wait3A_185 = tpu.memref_slice %arg6[%multiple_of3A_163, %dma_wait3A_184] : memref<135168x128xf32, #tpu.memory_space<hbm>> -> memref<128x128xf32, #tpu.memory_space<hbm>>
      %dma_wait3A_186 = arith.constant 0 : i32
      %dma_wait3A_187 = arith.constant 0 : i32
      %dma_wait3A_188 = tpu.memref_slice %arg10[%dma_wait3A_177, %dma_wait3A_186, %dma_wait3A_187] : memref<3x128x128xf32, #tpu.memory_space<vmem>> -> memref<1x128x128xf32, #tpu.memory_space<vmem>>
      %dma_wait3A_189 = tpu.memref_squeeze %dma_wait3A_188 : memref<1x128x128xf32, #tpu.memory_space<vmem>> -> memref<128x128xf32, #tpu.memory_space<vmem>>
      tpu.wait_dma2 semaphore(%arg15 : memref<!tpu.dma_semaphore, #tpu.memory_space<semaphore_mem>>) src(%dma_wait3A_189 : memref<128x128xf32, #tpu.memory_space<vmem>>) dst(%dma_wait3A_185 : memref<128x128xf32, #tpu.memory_space<hbm>>)
      %add3A_190 = arith.constant 3 : i32
      %add3A_191 = arith.addi %add3A_148, %add3A_190 : i32
      %lt3A_192 = arith.constant 33 : i32
      %lt3A_193 = arith.cmpi slt, %add3A_191, %lt3A_192 : i32
      %convert_element_type3A_194 = arith.extui %lt3A_193 : i1 to i32
      %cond3A_195 = arith.constant 0 : i32
      %cond3A_196 = arith.cmpi ne, %convert_element_type3A_194, %cond3A_195 : i32
      scf.if %cond3A_196 {
        %add3A_197 = arith.constant 3 : i32
        %add3A_198 = arith.addi %add3A_148, %add3A_197 : i32
        %mul3A_199 = arith.constant 128 : i32
        %mul3A_200 = arith.muli %add3A_198, %mul3A_199 : i32
        %dma_start3A_201 = arith.constant 2 : i32
        %dma_start3A_202 = arith.constant 0 : i32
        %dma_start3A_203 = arith.constant 0 : i32
        %dma_start3A_204 = tpu.memref_slice %arg10[%dma_start3A_201, %dma_start3A_202, %dma_start3A_203] : memref<3x128x128xf32, #tpu.memory_space<vmem>> -> memref<1x128x128xf32, #tpu.memory_space<vmem>>
        %dma_start3A_205 = tpu.memref_squeeze %dma_start3A_204 : memref<1x128x128xf32, #tpu.memory_space<vmem>> -> memref<128x128xf32, #tpu.memory_space<vmem>>
        %dma_start3A_206 = tpu.memref_slice %arg8[%mul3A_200] : memref<4224xi32, #tpu.memory_space<vmem>> -> memref<128xi32, #tpu.memory_space<vmem>>
        %dma_start3A_207 = arith.constant 0 : i32
        %dma_start3A_208 = arith.constant 0 : i32
        %dma_start3A_209 = tpu.memref_slice %arg2[%dma_start3A_207, %dma_start3A_208] : memref<100000x128xf32, #tpu.memory_space<hbm>> -> memref<100000x128xf32, #tpu.memory_space<hbm>>
        tpu.enqueue_indirect_dma source(%dma_start3A_209 : memref<100000x128xf32, #tpu.memory_space<hbm>>) target(%dma_start3A_205 : memref<128x128xf32, #tpu.memory_space<vmem>>) offsets(%dma_start3A_206 : memref<128xi32, #tpu.memory_space<vmem>>) semaphore(%arg14 : memref<!tpu.dma_semaphore, #tpu.memory_space<semaphore_mem>>)
      } else {
      }
    }
    %scan3A_41 = arith.constant 11 : i32
    %dma_wait3A = arith.constant 0 : i32
    %dma_wait3A_42 = arith.constant 0 : i32
    %dma_wait3A_43 = tpu.memref_slice %arg3[%dma_wait3A, %dma_wait3A_42] : memref<100000x128xf32, #tpu.memory_space<hbm>> -> memref<100000x128xf32, #tpu.memory_space<hbm>>
    tpu.wait_indirect_dma semaphore(%arg16 : memref<!tpu.dma_semaphore, #tpu.memory_space<semaphore_mem>>) src(%dma_wait3A_43 : memref<100000x128xf32, #tpu.memory_space<hbm>>) dst(%arg11 : memref<64x128xf32, #tpu.memory_space<vmem>>)
    "tpu.region"() ({
      %run_scoped3A = tpu.sem_alloc : memref<!tpu.dma_semaphore, #tpu.memory_space<semaphore_mem>>
      %dma_start3A_44 = arith.constant 0 : i32
      %dma_start3A_45 = tpu.memref_slice %arg7[%mul3A_4, %dma_start3A_44] : memref<2048x128xf32, #tpu.memory_space<hbm>> -> memref<64x128xf32, #tpu.memory_space<hbm>>
      %dma_start3A_46 = arith.constant 0 : i32
      %dma_start3A_47 = tpu.memref_slice %arg7[%mul3A_4, %dma_start3A_46] : memref<2048x128xf32, #tpu.memory_space<hbm>> -> memref<64x128xf32, #tpu.memory_space<hbm>>
      tpu.enqueue_dma source(%arg11 : memref<64x128xf32, #tpu.memory_space<vmem>>) target(%dma_start3A_47 : memref<64x128xf32, #tpu.memory_space<hbm>>) target_semaphore(%run_scoped3A : memref<!tpu.dma_semaphore, #tpu.memory_space<semaphore_mem>>)
      %dma_wait3A_48 = arith.constant 0 : i32
      %dma_wait3A_49 = tpu.memref_slice %arg7[%mul3A_4, %dma_wait3A_48] : memref<2048x128xf32, #tpu.memory_space<hbm>> -> memref<64x128xf32, #tpu.memory_space<hbm>>
      %dma_wait3A_50 = arith.constant 0 : i32
      %dma_wait3A_51 = tpu.memref_slice %arg7[%mul3A_4, %dma_wait3A_50] : memref<2048x128xf32, #tpu.memory_space<hbm>> -> memref<64x128xf32, #tpu.memory_space<hbm>>
      tpu.wait_dma2 semaphore(%run_scoped3A : memref<!tpu.dma_semaphore, #tpu.memory_space<semaphore_mem>>) src(%arg11 : memref<64x128xf32, #tpu.memory_space<vmem>>) dst(%dma_wait3A_51 : memref<64x128xf32, #tpu.memory_space<hbm>>)
      tpu.yield
    }) : () -> ()
    return
  }
}

#map = affine_map<(d0, d1) -> (0, 0)>
#map1 = affine_map<(d0, d1) -> (0)>
module attributes {stable_mosaic.version = 14 : i64} {
  func.func @gather_kernel(%arg0: i32, %arg1: i32, %arg2: memref<100000x128xf32, #tpu.memory_space<hbm>>, %arg3: memref<100000x128xf32, #tpu.memory_space<hbm>>, %arg4: memref<135168xi32, #tpu.memory_space<hbm>>, %arg5: memref<2048xi32, #tpu.memory_space<hbm>>, %arg6: memref<135168x128xf32, #tpu.memory_space<hbm>>, %arg7: memref<2048x128xf32, #tpu.memory_space<hbm>>, %arg8: memref<4224xi32, #tpu.memory_space<vmem>>, %arg9: memref<64xi32, #tpu.memory_space<vmem>>, %arg10: memref<3x128x128xf32, #tpu.memory_space<vmem>>, %arg11: memref<64x128xf32, #tpu.memory_space<vmem>>, %arg12: memref<!tpu.dma_semaphore, #tpu.memory_space<semaphore_mem>>, %arg13: memref<!tpu.dma_semaphore, #tpu.memory_space<semaphore_mem>>, %arg14: memref<!tpu.dma_semaphore, #tpu.memory_space<semaphore_mem>>, %arg15: memref<!tpu.dma_semaphore, #tpu.memory_space<semaphore_mem>>, %arg16: memref<!tpu.dma_semaphore, #tpu.memory_space<semaphore_mem>>) attributes {dimension_semantics = [#tpu.dimension_semantics<core_parallel>, #tpu.dimension_semantics<subcore_parallel>], iteration_bounds = array<i64: 2, 16>, scalar_prefetch = 0 : i64, scratch_operands = 9 : i64, tpu.core_type = #tpu.core_type<sc_vector_subcore>, window_params = [{transform_indices = #map}, {transform_indices = #map}, {transform_indices = #map1}, {transform_indices = #map1}, {transform_indices = #map}, {transform_indices = #map}]} {
    %mul3A = arith.constant 2 : i32
    %mul3A_0 = arith.muli %arg1, %mul3A : i32
    %add3A = arith.addi %mul3A_0, %arg0 : i32
    %mul3A_1 = arith.constant 4224 : i32
    %mul3A_2 = arith.muli %add3A, %mul3A_1 : i32
    %mul3A_3 = arith.constant 64 : i32
    %mul3A_4 = arith.muli %add3A, %mul3A_3 : i32
    "tpu.region"() ({
      %run_scoped3A = tpu.sem_alloc : memref<!tpu.dma_semaphore, #tpu.memory_space<semaphore_mem>>
      %dma_start3A_44 = tpu.memref_slice %arg4[%mul3A_2] : memref<135168xi32, #tpu.memory_space<hbm>> -> memref<4224xi32, #tpu.memory_space<hbm>>
      %dma_start3A_45 = tpu.memref_slice %arg4[%mul3A_2] : memref<135168xi32, #tpu.memory_space<hbm>> -> memref<4224xi32, #tpu.memory_space<hbm>>
      tpu.enqueue_dma source(%dma_start3A_45 : memref<4224xi32, #tpu.memory_space<hbm>>) target(%arg8 : memref<4224xi32, #tpu.memory_space<vmem>>) target_semaphore(%run_scoped3A : memref<!tpu.dma_semaphore, #tpu.memory_space<semaphore_mem>>)
      %dma_wait3A_46 = tpu.memref_slice %arg4[%mul3A_2] : memref<135168xi32, #tpu.memory_space<hbm>> -> memref<4224xi32, #tpu.memory_space<hbm>>
      %dma_wait3A_47 = tpu.memref_slice %arg4[%mul3A_2] : memref<135168xi32, #tpu.memory_space<hbm>> -> memref<4224xi32, #tpu.memory_space<hbm>>
      tpu.wait_dma2 semaphore(%run_scoped3A : memref<!tpu.dma_semaphore, #tpu.memory_space<semaphore_mem>>) src(%dma_wait3A_47 : memref<4224xi32, #tpu.memory_space<hbm>>) dst(%arg8 : memref<4224xi32, #tpu.memory_space<vmem>>)
      tpu.yield
    }) : () -> ()
    "tpu.region"() ({
      %run_scoped3A = tpu.sem_alloc : memref<!tpu.dma_semaphore, #tpu.memory_space<semaphore_mem>>
      %dma_start3A_44 = tpu.memref_slice %arg5[%mul3A_4] : memref<2048xi32, #tpu.memory_space<hbm>> -> memref<64xi32, #tpu.memory_space<hbm>>
      %dma_start3A_45 = tpu.memref_slice %arg5[%mul3A_4] : memref<2048xi32, #tpu.memory_space<hbm>> -> memref<64xi32, #tpu.memory_space<hbm>>
      tpu.enqueue_dma source(%dma_start3A_45 : memref<64xi32, #tpu.memory_space<hbm>>) target(%arg9 : memref<64xi32, #tpu.memory_space<vmem>>) target_semaphore(%run_scoped3A : memref<!tpu.dma_semaphore, #tpu.memory_space<semaphore_mem>>)
      %dma_wait3A_46 = tpu.memref_slice %arg5[%mul3A_4] : memref<2048xi32, #tpu.memory_space<hbm>> -> memref<64xi32, #tpu.memory_space<hbm>>
      %dma_wait3A_47 = tpu.memref_slice %arg5[%mul3A_4] : memref<2048xi32, #tpu.memory_space<hbm>> -> memref<64xi32, #tpu.memory_space<hbm>>
      tpu.wait_dma2 semaphore(%run_scoped3A : memref<!tpu.dma_semaphore, #tpu.memory_space<semaphore_mem>>) src(%dma_wait3A_47 : memref<64xi32, #tpu.memory_space<hbm>>) dst(%arg9 : memref<64xi32, #tpu.memory_space<vmem>>)
      tpu.yield
    }) : () -> ()
    %dma_start3A = arith.constant 0 : i32
    %dma_start3A_5 = arith.constant 0 : i32
    %dma_start3A_6 = tpu.memref_slice %arg3[%dma_start3A, %dma_start3A_5] : memref<100000x128xf32, #tpu.memory_space<hbm>> -> memref<100000x128xf32, #tpu.memory_space<hbm>>
    tpu.enqueue_indirect_dma source(%dma_start3A_6 : memref<100000x128xf32, #tpu.memory_space<hbm>>) target(%arg11 : memref<64x128xf32, #tpu.memory_space<vmem>>) offsets(%arg9 : memref<64xi32, #tpu.memory_space<vmem>>) semaphore(%arg16 : memref<!tpu.dma_semaphore, #tpu.memory_space<semaphore_mem>>)
    %dma_start3A_7 = arith.constant 0 : i32
    %dma_start3A_8 = arith.constant 0 : i32
    %dma_start3A_9 = arith.constant 0 : i32
    %dma_start3A_10 = tpu.memref_slice %arg10[%dma_start3A_7, %dma_start3A_8, %dma_start3A_9] : memref<3x128x128xf32, #tpu.memory_space<vmem>> -> memref<1x128x128xf32, #tpu.memory_space<vmem>>
    %dma_start3A_11 = tpu.memref_squeeze %dma_start3A_10 : memref<1x128x128xf32, #tpu.memory_space<vmem>> -> memref<128x128xf32, #tpu.memory_space<vmem>>
    %dma_start3A_12 = arith.constant 0 : i32
    %dma_start3A_13 = tpu.memref_slice %arg8[%dma_start3A_12] : memref<4224xi32, #tpu.memory_space<vmem>> -> memref<128xi32, #tpu.memory_space<vmem>>
    %dma_start3A_14 = arith.constant 0 : i32
    %dma_start3A_15 = arith.constant 0 : i32
    %dma_start3A_16 = tpu.memref_slice %arg2[%dma_start3A_14, %dma_start3A_15] : memref<100000x128xf32, #tpu.memory_space<hbm>> -> memref<100000x128xf32, #tpu.memory_space<hbm>>
    tpu.enqueue_indirect_dma source(%dma_start3A_16 : memref<100000x128xf32, #tpu.memory_space<hbm>>) target(%dma_start3A_11 : memref<128x128xf32, #tpu.memory_space<vmem>>) offsets(%dma_start3A_13 : memref<128xi32, #tpu.memory_space<vmem>>) semaphore(%arg12 : memref<!tpu.dma_semaphore, #tpu.memory_space<semaphore_mem>>)
    %dma_start3A_17 = arith.constant 1 : i32
    %dma_start3A_18 = arith.constant 0 : i32
    %dma_start3A_19 = arith.constant 0 : i32
    %dma_start3A_20 = tpu.memref_slice %arg10[%dma_start3A_17, %dma_start3A_18, %dma_start3A_19] : memref<3x128x128xf32, #tpu.memory_space<vmem>> -> memref<1x128x128xf32, #tpu.memory_space<vmem>>
    %dma_start3A_21 = tpu.memref_squeeze %dma_start3A_20 : memref<1x128x128xf32, #tpu.memory_space<vmem>> -> memref<128x128xf32, #tpu.memory_space<vmem>>
    %dma_start3A_22 = arith.constant 128 : i32
    %dma_start3A_23 = tpu.memref_slice %arg8[%dma_start3A_22] : memref<4224xi32, #tpu.memory_space<vmem>> -> memref<128xi32, #tpu.memory_space<vmem>>
    %dma_start3A_24 = arith.constant 0 : i32
    %dma_start3A_25 = arith.constant 0 : i32
    %dma_start3A_26 = tpu.memref_slice %arg2[%dma_start3A_24, %dma_start3A_25] : memref<100000x128xf32, #tpu.memory_space<hbm>> -> memref<100000x128xf32, #tpu.memory_space<hbm>>
    tpu.enqueue_indirect_dma source(%dma_start3A_26 : memref<100000x128xf32, #tpu.memory_space<hbm>>) target(%dma_start3A_21 : memref<128x128xf32, #tpu.memory_space<vmem>>) offsets(%dma_start3A_23 : memref<128xi32, #tpu.memory_space<vmem>>) semaphore(%arg13 : memref<!tpu.dma_semaphore, #tpu.memory_space<semaphore_mem>>)
    %dma_start3A_27 = arith.constant 2 : i32
    %dma_start3A_28 = arith.constant 0 : i32
    %dma_start3A_29 = arith.constant 0 : i32
    %dma_start3A_30 = tpu.memref_slice %arg10[%dma_start3A_27, %dma_start3A_28, %dma_start3A_29] : memref<3x128x128xf32, #tpu.memory_space<vmem>> -> memref<1x128x128xf32, #tpu.memory_space<vmem>>
    %dma_start3A_31 = tpu.memref_squeeze %dma_start3A_30 : memref<1x128x128xf32, #tpu.memory_space<vmem>> -> memref<128x128xf32, #tpu.memory_space<vmem>>
    %dma_start3A_32 = arith.constant 256 : i32
    %dma_start3A_33 = tpu.memref_slice %arg8[%dma_start3A_32] : memref<4224xi32, #tpu.memory_space<vmem>> -> memref<128xi32, #tpu.memory_space<vmem>>
    %dma_start3A_34 = arith.constant 0 : i32
    %dma_start3A_35 = arith.constant 0 : i32
    %dma_start3A_36 = tpu.memref_slice %arg2[%dma_start3A_34, %dma_start3A_35] : memref<100000x128xf32, #tpu.memory_space<hbm>> -> memref<100000x128xf32, #tpu.memory_space<hbm>>
    tpu.enqueue_indirect_dma source(%dma_start3A_36 : memref<100000x128xf32, #tpu.memory_space<hbm>>) target(%dma_start3A_31 : memref<128x128xf32, #tpu.memory_space<vmem>>) offsets(%dma_start3A_33 : memref<128xi32, #tpu.memory_space<vmem>>) semaphore(%arg14 : memref<!tpu.dma_semaphore, #tpu.memory_space<semaphore_mem>>)
    %scan3A = arith.constant 0 : i32
    %scan3A_37 = arith.constant 0 : i32
    %scan3A_38 = arith.constant 11 : i32
    %scan3A_39 = arith.addi %scan3A_37, %scan3A_38 : i32
    %scan3A_40 = arith.constant 1 : i32
    scf.for %scan3A_44 = %scan3A_37 to %scan3A_39 step %scan3A_40  : i32 {
      %mul3A_45 = arith.constant 3 : i32
      %mul3A_46 = arith.muli %scan3A_44, %mul3A_45 : i32
      %add3A_47 = arith.constant 0 : i32
      %add3A_48 = arith.addi %mul3A_46, %add3A_47 : i32
      %mul3A_49 = arith.constant 128 : i32
      %mul3A_50 = arith.muli %add3A_48, %mul3A_49 : i32
      %dma_wait3A_51 = arith.constant 0 : i32
      %dma_wait3A_52 = arith.constant 0 : i32
      %dma_wait3A_53 = arith.constant 0 : i32
      %dma_wait3A_54 = tpu.memref_slice %arg10[%dma_wait3A_51, %dma_wait3A_52, %dma_wait3A_53] : memref<3x128x128xf32, #tpu.memory_space<vmem>> -> memref<1x128x128xf32, #tpu.memory_space<vmem>>
      %dma_wait3A_55 = tpu.memref_squeeze %dma_wait3A_54 : memref<1x128x128xf32, #tpu.memory_space<vmem>> -> memref<128x128xf32, #tpu.memory_space<vmem>>
      %dma_wait3A_56 = tpu.memref_slice %arg8[%mul3A_50] : memref<4224xi32, #tpu.memory_space<vmem>> -> memref<128xi32, #tpu.memory_space<vmem>>
      %dma_wait3A_57 = arith.constant 0 : i32
      %dma_wait3A_58 = arith.constant 0 : i32
      %dma_wait3A_59 = tpu.memref_slice %arg2[%dma_wait3A_57, %dma_wait3A_58] : memref<100000x128xf32, #tpu.memory_space<hbm>> -> memref<100000x128xf32, #tpu.memory_space<hbm>>
      tpu.wait_indirect_dma semaphore(%arg12 : memref<!tpu.dma_semaphore, #tpu.memory_space<semaphore_mem>>) src(%dma_wait3A_59 : memref<100000x128xf32, #tpu.memory_space<hbm>>) dst(%dma_wait3A_55 : memref<128x128xf32, #tpu.memory_space<vmem>>)
      %mul3A_60 = arith.constant 128 : i32
      %mul3A_61 = arith.muli %add3A_48, %mul3A_60 : i32
      %add3A_62 = arith.addi %mul3A_2, %mul3A_61 : i32
      %multiple_of3A = tpu.assume_multiple %add3A_62, 128 : i32
      %dma_start3A_63 = arith.constant 0 : i32
      %dma_start3A_64 = arith.constant 0 : i32
      %dma_start3A_65 = arith.constant 0 : i32
      %dma_start3A_66 = tpu.memref_slice %arg10[%dma_start3A_63, %dma_start3A_64, %dma_start3A_65] : memref<3x128x128xf32, #tpu.memory_space<vmem>> -> memref<1x128x128xf32, #tpu.memory_space<vmem>>
      %dma_start3A_67 = tpu.memref_squeeze %dma_start3A_66 : memref<1x128x128xf32, #tpu.memory_space<vmem>> -> memref<128x128xf32, #tpu.memory_space<vmem>>
      %dma_start3A_68 = arith.constant 0 : i32
      %dma_start3A_69 = tpu.memref_slice %arg6[%multiple_of3A, %dma_start3A_68] : memref<135168x128xf32, #tpu.memory_space<hbm>> -> memref<128x128xf32, #tpu.memory_space<hbm>>
      %dma_start3A_70 = arith.constant 0 : i32
      %dma_start3A_71 = tpu.memref_slice %arg6[%multiple_of3A, %dma_start3A_70] : memref<135168x128xf32, #tpu.memory_space<hbm>> -> memref<128x128xf32, #tpu.memory_space<hbm>>
      %dma_start3A_72 = arith.constant 0 : i32
      %dma_start3A_73 = arith.constant 0 : i32
      %dma_start3A_74 = tpu.memref_slice %arg10[%dma_start3A_63, %dma_start3A_72, %dma_start3A_73] : memref<3x128x128xf32, #tpu.memory_space<vmem>> -> memref<1x128x128xf32, #tpu.memory_space<vmem>>
      %dma_start3A_75 = tpu.memref_squeeze %dma_start3A_74 : memref<1x128x128xf32, #tpu.memory_space<vmem>> -> memref<128x128xf32, #tpu.memory_space<vmem>>
      tpu.enqueue_dma source(%dma_start3A_75 : memref<128x128xf32, #tpu.memory_space<vmem>>) target(%dma_start3A_71 : memref<128x128xf32, #tpu.memory_space<hbm>>) target_semaphore(%arg15 : memref<!tpu.dma_semaphore, #tpu.memory_space<semaphore_mem>>)
      %dma_wait3A_76 = arith.constant 0 : i32
      %dma_wait3A_77 = arith.constant 0 : i32
      %dma_wait3A_78 = arith.constant 0 : i32
      %dma_wait3A_79 = tpu.memref_slice %arg10[%dma_wait3A_76, %dma_wait3A_77, %dma_wait3A_78] : memref<3x128x128xf32, #tpu.memory_space<vmem>> -> memref<1x128x128xf32, #tpu.memory_space<vmem>>
      %dma_wait3A_80 = tpu.memref_squeeze %dma_wait3A_79 : memref<1x128x128xf32, #tpu.memory_space<vmem>> -> memref<128x128xf32, #tpu.memory_space<vmem>>
      %dma_wait3A_81 = arith.constant 0 : i32
      %dma_wait3A_82 = tpu.memref_slice %arg6[%multiple_of3A, %dma_wait3A_81] : memref<135168x128xf32, #tpu.memory_space<hbm>> -> memref<128x128xf32, #tpu.memory_space<hbm>>
      %dma_wait3A_83 = arith.constant 0 : i32
      %dma_wait3A_84 = tpu.memref_slice %arg6[%multiple_of3A, %dma_wait3A_83] : memref<135168x128xf32, #tpu.memory_space<hbm>> -> memref<128x128xf32, #tpu.memory_space<hbm>>
      %dma_wait3A_85 = arith.constant 0 : i32
      %dma_wait3A_86 = arith.constant 0 : i32
      %dma_wait3A_87 = tpu.memref_slice %arg10[%dma_wait3A_76, %dma_wait3A_85, %dma_wait3A_86] : memref<3x128x128xf32, #tpu.memory_space<vmem>> -> memref<1x128x128xf32, #tpu.memory_space<vmem>>
      %dma_wait3A_88 = tpu.memref_squeeze %dma_wait3A_87 : memref<1x128x128xf32, #tpu.memory_space<vmem>> -> memref<128x128xf32, #tpu.memory_space<vmem>>
      tpu.wait_dma2 semaphore(%arg15 : memref<!tpu.dma_semaphore, #tpu.memory_space<semaphore_mem>>) src(%dma_wait3A_88 : memref<128x128xf32, #tpu.memory_space<vmem>>) dst(%dma_wait3A_84 : memref<128x128xf32, #tpu.memory_space<hbm>>)
      %add3A_89 = arith.constant 3 : i32
      %add3A_90 = arith.addi %add3A_48, %add3A_89 : i32
      %lt3A = arith.constant 33 : i32
      %lt3A_91 = arith.cmpi slt, %add3A_90, %lt3A : i32
      %convert_element_type3A = arith.extui %lt3A_91 : i1 to i32
      %cond3A = arith.constant 0 : i32
      %cond3A_92 = arith.cmpi ne, %convert_element_type3A, %cond3A : i32
      scf.if %cond3A_92 {
        %add3A_197 = arith.constant 3 : i32
        %add3A_198 = arith.addi %add3A_48, %add3A_197 : i32
        %mul3A_199 = arith.constant 128 : i32
        %mul3A_200 = arith.muli %add3A_198, %mul3A_199 : i32
        %dma_start3A_201 = arith.constant 0 : i32
        %dma_start3A_202 = arith.constant 0 : i32
        %dma_start3A_203 = arith.constant 0 : i32
        %dma_start3A_204 = tpu.memref_slice %arg10[%dma_start3A_201, %dma_start3A_202, %dma_start3A_203] : memref<3x128x128xf32, #tpu.memory_space<vmem>> -> memref<1x128x128xf32, #tpu.memory_space<vmem>>
        %dma_start3A_205 = tpu.memref_squeeze %dma_start3A_204 : memref<1x128x128xf32, #tpu.memory_space<vmem>> -> memref<128x128xf32, #tpu.memory_space<vmem>>
        %dma_start3A_206 = tpu.memref_slice %arg8[%mul3A_200] : memref<4224xi32, #tpu.memory_space<vmem>> -> memref<128xi32, #tpu.memory_space<vmem>>
        %dma_start3A_207 = arith.constant 0 : i32
        %dma_start3A_208 = arith.constant 0 : i32
        %dma_start3A_209 = tpu.memref_slice %arg2[%dma_start3A_207, %dma_start3A_208] : memref<100000x128xf32, #tpu.memory_space<hbm>> -> memref<100000x128xf32, #tpu.memory_space<hbm>>
        tpu.enqueue_indirect_dma source(%dma_start3A_209 : memref<100000x128xf32, #tpu.memory_space<hbm>>) target(%dma_start3A_205 : memref<128x128xf32, #tpu.memory_space<vmem>>) offsets(%dma_start3A_206 : memref<128xi32, #tpu.memory_space<vmem>>) semaphore(%arg12 : memref<!tpu.dma_semaphore, #tpu.memory_space<semaphore_mem>>)
      } else {
      }
      %mul3A_93 = arith.constant 3 : i32
      %mul3A_94 = arith.muli %scan3A_44, %mul3A_93 : i32
      %add3A_95 = arith.constant 1 : i32
      %add3A_96 = arith.addi %mul3A_94, %add3A_95 : i32
      %mul3A_97 = arith.constant 128 : i32
      %mul3A_98 = arith.muli %add3A_96, %mul3A_97 : i32
      %dma_wait3A_99 = arith.constant 1 : i32
      %dma_wait3A_100 = arith.constant 0 : i32
      %dma_wait3A_101 = arith.constant 0 : i32
      %dma_wait3A_102 = tpu.memref_slice %arg10[%dma_wait3A_99, %dma_wait3A_100, %dma_wait3A_101] : memref<3x128x128xf32, #tpu.memory_space<vmem>> -> memref<1x128x128xf32, #tpu.memory_space<vmem>>
      %dma_wait3A_103 = tpu.memref_squeeze %dma_wait3A_102 : memref<1x128x128xf32, #tpu.memory_space<vmem>> -> memref<128x128xf32, #tpu.memory_space<vmem>>
      %dma_wait3A_104 = tpu.memref_slice %arg8[%mul3A_98] : memref<4224xi32, #tpu.memory_space<vmem>> -> memref<128xi32, #tpu.memory_space<vmem>>
      %dma_wait3A_105 = arith.constant 0 : i32
      %dma_wait3A_106 = arith.constant 0 : i32
      %dma_wait3A_107 = tpu.memref_slice %arg2[%dma_wait3A_105, %dma_wait3A_106] : memref<100000x128xf32, #tpu.memory_space<hbm>> -> memref<100000x128xf32, #tpu.memory_space<hbm>>
      tpu.wait_indirect_dma semaphore(%arg13 : memref<!tpu.dma_semaphore, #tpu.memory_space<semaphore_mem>>) src(%dma_wait3A_107 : memref<100000x128xf32, #tpu.memory_space<hbm>>) dst(%dma_wait3A_103 : memref<128x128xf32, #tpu.memory_space<vmem>>)
      %mul3A_108 = arith.constant 128 : i32
      %mul3A_109 = arith.muli %add3A_96, %mul3A_108 : i32
      %add3A_110 = arith.addi %mul3A_2, %mul3A_109 : i32
      %multiple_of3A_111 = tpu.assume_multiple %add3A_110, 128 : i32
      %dma_start3A_112 = arith.constant 1 : i32
      %dma_start3A_113 = arith.constant 0 : i32
      %dma_start3A_114 = arith.constant 0 : i32
      %dma_start3A_115 = tpu.memref_slice %arg10[%dma_start3A_112, %dma_start3A_113, %dma_start3A_114] : memref<3x128x128xf32, #tpu.memory_space<vmem>> -> memref<1x128x128xf32, #tpu.memory_space<vmem>>
      %dma_start3A_116 = tpu.memref_squeeze %dma_start3A_115 : memref<1x128x128xf32, #tpu.memory_space<vmem>> -> memref<128x128xf32, #tpu.memory_space<vmem>>
      %dma_start3A_117 = arith.constant 0 : i32
      %dma_start3A_118 = tpu.memref_slice %arg6[%multiple_of3A_111, %dma_start3A_117] : memref<135168x128xf32, #tpu.memory_space<hbm>> -> memref<128x128xf32, #tpu.memory_space<hbm>>
      %dma_start3A_119 = arith.constant 0 : i32
      %dma_start3A_120 = tpu.memref_slice %arg6[%multiple_of3A_111, %dma_start3A_119] : memref<135168x128xf32, #tpu.memory_space<hbm>> -> memref<128x128xf32, #tpu.memory_space<hbm>>
      %dma_start3A_121 = arith.constant 0 : i32
      %dma_start3A_122 = arith.constant 0 : i32
      %dma_start3A_123 = tpu.memref_slice %arg10[%dma_start3A_112, %dma_start3A_121, %dma_start3A_122] : memref<3x128x128xf32, #tpu.memory_space<vmem>> -> memref<1x128x128xf32, #tpu.memory_space<vmem>>
      %dma_start3A_124 = tpu.memref_squeeze %dma_start3A_123 : memref<1x128x128xf32, #tpu.memory_space<vmem>> -> memref<128x128xf32, #tpu.memory_space<vmem>>
      tpu.enqueue_dma source(%dma_start3A_124 : memref<128x128xf32, #tpu.memory_space<vmem>>) target(%dma_start3A_120 : memref<128x128xf32, #tpu.memory_space<hbm>>) target_semaphore(%arg15 : memref<!tpu.dma_semaphore, #tpu.memory_space<semaphore_mem>>)
      %dma_wait3A_125 = arith.constant 1 : i32
      %dma_wait3A_126 = arith.constant 0 : i32
      %dma_wait3A_127 = arith.constant 0 : i32
      %dma_wait3A_128 = tpu.memref_slice %arg10[%dma_wait3A_125, %dma_wait3A_126, %dma_wait3A_127] : memref<3x128x128xf32, #tpu.memory_space<vmem>> -> memref<1x128x128xf32, #tpu.memory_space<vmem>>
      %dma_wait3A_129 = tpu.memref_squeeze %dma_wait3A_128 : memref<1x128x128xf32, #tpu.memory_space<vmem>> -> memref<128x128xf32, #tpu.memory_space<vmem>>
      %dma_wait3A_130 = arith.constant 0 : i32
      %dma_wait3A_131 = tpu.memref_slice %arg6[%multiple_of3A_111, %dma_wait3A_130] : memref<135168x128xf32, #tpu.memory_space<hbm>> -> memref<128x128xf32, #tpu.memory_space<hbm>>
      %dma_wait3A_132 = arith.constant 0 : i32
      %dma_wait3A_133 = tpu.memref_slice %arg6[%multiple_of3A_111, %dma_wait3A_132] : memref<135168x128xf32, #tpu.memory_space<hbm>> -> memref<128x128xf32, #tpu.memory_space<hbm>>
      %dma_wait3A_134 = arith.constant 0 : i32
      %dma_wait3A_135 = arith.constant 0 : i32
      %dma_wait3A_136 = tpu.memref_slice %arg10[%dma_wait3A_125, %dma_wait3A_134, %dma_wait3A_135] : memref<3x128x128xf32, #tpu.memory_space<vmem>> -> memref<1x128x128xf32, #tpu.memory_space<vmem>>
      %dma_wait3A_137 = tpu.memref_squeeze %dma_wait3A_136 : memref<1x128x128xf32, #tpu.memory_space<vmem>> -> memref<128x128xf32, #tpu.memory_space<vmem>>
      tpu.wait_dma2 semaphore(%arg15 : memref<!tpu.dma_semaphore, #tpu.memory_space<semaphore_mem>>) src(%dma_wait3A_137 : memref<128x128xf32, #tpu.memory_space<vmem>>) dst(%dma_wait3A_133 : memref<128x128xf32, #tpu.memory_space<hbm>>)
      %add3A_138 = arith.constant 3 : i32
      %add3A_139 = arith.addi %add3A_96, %add3A_138 : i32
      %lt3A_140 = arith.constant 33 : i32
      %lt3A_141 = arith.cmpi slt, %add3A_139, %lt3A_140 : i32
      %convert_element_type3A_142 = arith.extui %lt3A_141 : i1 to i32
      %cond3A_143 = arith.constant 0 : i32
      %cond3A_144 = arith.cmpi ne, %convert_element_type3A_142, %cond3A_143 : i32
      scf.if %cond3A_144 {
        %add3A_197 = arith.constant 3 : i32
        %add3A_198 = arith.addi %add3A_96, %add3A_197 : i32
        %mul3A_199 = arith.constant 128 : i32
        %mul3A_200 = arith.muli %add3A_198, %mul3A_199 : i32
        %dma_start3A_201 = arith.constant 1 : i32
        %dma_start3A_202 = arith.constant 0 : i32
        %dma_start3A_203 = arith.constant 0 : i32
        %dma_start3A_204 = tpu.memref_slice %arg10[%dma_start3A_201, %dma_start3A_202, %dma_start3A_203] : memref<3x128x128xf32, #tpu.memory_space<vmem>> -> memref<1x128x128xf32, #tpu.memory_space<vmem>>
        %dma_start3A_205 = tpu.memref_squeeze %dma_start3A_204 : memref<1x128x128xf32, #tpu.memory_space<vmem>> -> memref<128x128xf32, #tpu.memory_space<vmem>>
        %dma_start3A_206 = tpu.memref_slice %arg8[%mul3A_200] : memref<4224xi32, #tpu.memory_space<vmem>> -> memref<128xi32, #tpu.memory_space<vmem>>
        %dma_start3A_207 = arith.constant 0 : i32
        %dma_start3A_208 = arith.constant 0 : i32
        %dma_start3A_209 = tpu.memref_slice %arg2[%dma_start3A_207, %dma_start3A_208] : memref<100000x128xf32, #tpu.memory_space<hbm>> -> memref<100000x128xf32, #tpu.memory_space<hbm>>
        tpu.enqueue_indirect_dma source(%dma_start3A_209 : memref<100000x128xf32, #tpu.memory_space<hbm>>) target(%dma_start3A_205 : memref<128x128xf32, #tpu.memory_space<vmem>>) offsets(%dma_start3A_206 : memref<128xi32, #tpu.memory_space<vmem>>) semaphore(%arg13 : memref<!tpu.dma_semaphore, #tpu.memory_space<semaphore_mem>>)
      } else {
      }
      %mul3A_145 = arith.constant 3 : i32
      %mul3A_146 = arith.muli %scan3A_44, %mul3A_145 : i32
      %add3A_147 = arith.constant 2 : i32
      %add3A_148 = arith.addi %mul3A_146, %add3A_147 : i32
      %mul3A_149 = arith.constant 128 : i32
      %mul3A_150 = arith.muli %add3A_148, %mul3A_149 : i32
      %dma_wait3A_151 = arith.constant 2 : i32
      %dma_wait3A_152 = arith.constant 0 : i32
      %dma_wait3A_153 = arith.constant 0 : i32
      %dma_wait3A_154 = tpu.memref_slice %arg10[%dma_wait3A_151, %dma_wait3A_152, %dma_wait3A_153] : memref<3x128x128xf32, #tpu.memory_space<vmem>> -> memref<1x128x128xf32, #tpu.memory_space<vmem>>
      %dma_wait3A_155 = tpu.memref_squeeze %dma_wait3A_154 : memref<1x128x128xf32, #tpu.memory_space<vmem>> -> memref<128x128xf32, #tpu.memory_space<vmem>>
      %dma_wait3A_156 = tpu.memref_slice %arg8[%mul3A_150] : memref<4224xi32, #tpu.memory_space<vmem>> -> memref<128xi32, #tpu.memory_space<vmem>>
      %dma_wait3A_157 = arith.constant 0 : i32
      %dma_wait3A_158 = arith.constant 0 : i32
      %dma_wait3A_159 = tpu.memref_slice %arg2[%dma_wait3A_157, %dma_wait3A_158] : memref<100000x128xf32, #tpu.memory_space<hbm>> -> memref<100000x128xf32, #tpu.memory_space<hbm>>
      tpu.wait_indirect_dma semaphore(%arg14 : memref<!tpu.dma_semaphore, #tpu.memory_space<semaphore_mem>>) src(%dma_wait3A_159 : memref<100000x128xf32, #tpu.memory_space<hbm>>) dst(%dma_wait3A_155 : memref<128x128xf32, #tpu.memory_space<vmem>>)
      %mul3A_160 = arith.constant 128 : i32
      %mul3A_161 = arith.muli %add3A_148, %mul3A_160 : i32
      %add3A_162 = arith.addi %mul3A_2, %mul3A_161 : i32
      %multiple_of3A_163 = tpu.assume_multiple %add3A_162, 128 : i32
      %dma_start3A_164 = arith.constant 2 : i32
      %dma_start3A_165 = arith.constant 0 : i32
      %dma_start3A_166 = arith.constant 0 : i32
      %dma_start3A_167 = tpu.memref_slice %arg10[%dma_start3A_164, %dma_start3A_165, %dma_start3A_166] : memref<3x128x128xf32, #tpu.memory_space<vmem>> -> memref<1x128x128xf32, #tpu.memory_space<vmem>>
      %dma_start3A_168 = tpu.memref_squeeze %dma_start3A_167 : memref<1x128x128xf32, #tpu.memory_space<vmem>> -> memref<128x128xf32, #tpu.memory_space<vmem>>
      %dma_start3A_169 = arith.constant 0 : i32
      %dma_start3A_170 = tpu.memref_slice %arg6[%multiple_of3A_163, %dma_start3A_169] : memref<135168x128xf32, #tpu.memory_space<hbm>> -> memref<128x128xf32, #tpu.memory_space<hbm>>
      %dma_start3A_171 = arith.constant 0 : i32
      %dma_start3A_172 = tpu.memref_slice %arg6[%multiple_of3A_163, %dma_start3A_171] : memref<135168x128xf32, #tpu.memory_space<hbm>> -> memref<128x128xf32, #tpu.memory_space<hbm>>
      %dma_start3A_173 = arith.constant 0 : i32
      %dma_start3A_174 = arith.constant 0 : i32
      %dma_start3A_175 = tpu.memref_slice %arg10[%dma_start3A_164, %dma_start3A_173, %dma_start3A_174] : memref<3x128x128xf32, #tpu.memory_space<vmem>> -> memref<1x128x128xf32, #tpu.memory_space<vmem>>
      %dma_start3A_176 = tpu.memref_squeeze %dma_start3A_175 : memref<1x128x128xf32, #tpu.memory_space<vmem>> -> memref<128x128xf32, #tpu.memory_space<vmem>>
      tpu.enqueue_dma source(%dma_start3A_176 : memref<128x128xf32, #tpu.memory_space<vmem>>) target(%dma_start3A_172 : memref<128x128xf32, #tpu.memory_space<hbm>>) target_semaphore(%arg15 : memref<!tpu.dma_semaphore, #tpu.memory_space<semaphore_mem>>)
      %dma_wait3A_177 = arith.constant 2 : i32
      %dma_wait3A_178 = arith.constant 0 : i32
      %dma_wait3A_179 = arith.constant 0 : i32
      %dma_wait3A_180 = tpu.memref_slice %arg10[%dma_wait3A_177, %dma_wait3A_178, %dma_wait3A_179] : memref<3x128x128xf32, #tpu.memory_space<vmem>> -> memref<1x128x128xf32, #tpu.memory_space<vmem>>
      %dma_wait3A_181 = tpu.memref_squeeze %dma_wait3A_180 : memref<1x128x128xf32, #tpu.memory_space<vmem>> -> memref<128x128xf32, #tpu.memory_space<vmem>>
      %dma_wait3A_182 = arith.constant 0 : i32
      %dma_wait3A_183 = tpu.memref_slice %arg6[%multiple_of3A_163, %dma_wait3A_182] : memref<135168x128xf32, #tpu.memory_space<hbm>> -> memref<128x128xf32, #tpu.memory_space<hbm>>
      %dma_wait3A_184 = arith.constant 0 : i32
      %dma_wait3A_185 = tpu.memref_slice %arg6[%multiple_of3A_163, %dma_wait3A_184] : memref<135168x128xf32, #tpu.memory_space<hbm>> -> memref<128x128xf32, #tpu.memory_space<hbm>>
      %dma_wait3A_186 = arith.constant 0 : i32
      %dma_wait3A_187 = arith.constant 0 : i32
      %dma_wait3A_188 = tpu.memref_slice %arg10[%dma_wait3A_177, %dma_wait3A_186, %dma_wait3A_187] : memref<3x128x128xf32, #tpu.memory_space<vmem>> -> memref<1x128x128xf32, #tpu.memory_space<vmem>>
      %dma_wait3A_189 = tpu.memref_squeeze %dma_wait3A_188 : memref<1x128x128xf32, #tpu.memory_space<vmem>> -> memref<128x128xf32, #tpu.memory_space<vmem>>
      tpu.wait_dma2 semaphore(%arg15 : memref<!tpu.dma_semaphore, #tpu.memory_space<semaphore_mem>>) src(%dma_wait3A_189 : memref<128x128xf32, #tpu.memory_space<vmem>>) dst(%dma_wait3A_185 : memref<128x128xf32, #tpu.memory_space<hbm>>)
      %add3A_190 = arith.constant 3 : i32
      %add3A_191 = arith.addi %add3A_148, %add3A_190 : i32
      %lt3A_192 = arith.constant 33 : i32
      %lt3A_193 = arith.cmpi slt, %add3A_191, %lt3A_192 : i32
      %convert_element_type3A_194 = arith.extui %lt3A_193 : i1 to i32
      %cond3A_195 = arith.constant 0 : i32
      %cond3A_196 = arith.cmpi ne, %convert_element_type3A_194, %cond3A_195 : i32
      scf.if %cond3A_196 {
        %add3A_197 = arith.constant 3 : i32
        %add3A_198 = arith.addi %add3A_148, %add3A_197 : i32
        %mul3A_199 = arith.constant 128 : i32
        %mul3A_200 = arith.muli %add3A_198, %mul3A_199 : i32
        %dma_start3A_201 = arith.constant 2 : i32
        %dma_start3A_202 = arith.constant 0 : i32
        %dma_start3A_203 = arith.constant 0 : i32
        %dma_start3A_204 = tpu.memref_slice %arg10[%dma_start3A_201, %dma_start3A_202, %dma_start3A_203] : memref<3x128x128xf32, #tpu.memory_space<vmem>> -> memref<1x128x128xf32, #tpu.memory_space<vmem>>
        %dma_start3A_205 = tpu.memref_squeeze %dma_start3A_204 : memref<1x128x128xf32, #tpu.memory_space<vmem>> -> memref<128x128xf32, #tpu.memory_space<vmem>>
        %dma_start3A_206 = tpu.memref_slice %arg8[%mul3A_200] : memref<4224xi32, #tpu.memory_space<vmem>> -> memref<128xi32, #tpu.memory_space<vmem>>
        %dma_start3A_207 = arith.constant 0 : i32
        %dma_start3A_208 = arith.constant 0 : i32
        %dma_start3A_209 = tpu.memref_slice %arg2[%dma_start3A_207, %dma_start3A_208] : memref<100000x128xf32, #tpu.memory_space<hbm>> -> memref<100000x128xf32, #tpu.memory_space<hbm>>
        tpu.enqueue_indirect_dma source(%dma_start3A_209 : memref<100000x128xf32, #tpu.memory_space<hbm>>) target(%dma_start3A_205 : memref<128x128xf32, #tpu.memory_space<vmem>>) offsets(%dma_start3A_206 : memref<128xi32, #tpu.memory_space<vmem>>) semaphore(%arg14 : memref<!tpu.dma_semaphore, #tpu.memory_space<semaphore_mem>>)
      } else {
      }
    }
    %scan3A_41 = arith.constant 11 : i32
    %dma_wait3A = arith.constant 0 : i32
    %dma_wait3A_42 = arith.constant 0 : i32
    %dma_wait3A_43 = tpu.memref_slice %arg3[%dma_wait3A, %dma_wait3A_42] : memref<100000x128xf32, #tpu.memory_space<hbm>> -> memref<100000x128xf32, #tpu.memory_space<hbm>>
    tpu.wait_indirect_dma semaphore(%arg16 : memref<!tpu.dma_semaphore, #tpu.memory_space<semaphore_mem>>) src(%dma_wait3A_43 : memref<100000x128xf32, #tpu.memory_space<hbm>>) dst(%arg11 : memref<64x128xf32, #tpu.memory_space<vmem>>)
    "tpu.region"() ({
      %run_scoped3A = tpu.sem_alloc : memref<!tpu.dma_semaphore, #tpu.memory_space<semaphore_mem>>
      %dma_start3A_44 = arith.constant 0 : i32
      %dma_start3A_45 = tpu.memref_slice %arg7[%mul3A_4, %dma_start3A_44] : memref<2048x128xf32, #tpu.memory_space<hbm>> -> memref<64x128xf32, #tpu.memory_space<hbm>>
      %dma_start3A_46 = arith.constant 0 : i32
      %dma_start3A_47 = tpu.memref_slice %arg7[%mul3A_4, %dma_start3A_46] : memref<2048x128xf32, #tpu.memory_space<hbm>> -> memref<64x128xf32, #tpu.memory_space<hbm>>
      tpu.enqueue_dma source(%arg11 : memref<64x128xf32, #tpu.memory_space<vmem>>) target(%dma_start3A_47 : memref<64x128xf32, #tpu.memory_space<hbm>>) target_semaphore(%run_scoped3A : memref<!tpu.dma_semaphore, #tpu.memory_space<semaphore_mem>>)
      %dma_wait3A_48 = arith.constant 0 : i32
      %dma_wait3A_49 = tpu.memref_slice %arg7[%mul3A_4, %dma_wait3A_48] : memref<2048x128xf32, #tpu.memory_space<hbm>> -> memref<64x128xf32, #tpu.memory_space<hbm>>
      %dma_wait3A_50 = arith.constant 0 : i32
      %dma_wait3A_51 = tpu.memref_slice %arg7[%mul3A_4, %dma_wait3A_50] : memref<2048x128xf32, #tpu.memory_space<hbm>> -> memref<64x128xf32, #tpu.memory_space<hbm>>
      tpu.wait_dma2 semaphore(%run_scoped3A : memref<!tpu.dma_semaphore, #tpu.memory_space<semaphore_mem>>) src(%arg11 : memref<64x128xf32, #tpu.memory_space<vmem>>) dst(%dma_wait3A_51 : memref<64x128xf32, #tpu.memory_space<hbm>>)
      tpu.yield
    }) : () -> ()
    return
  }
}

#map = affine_map<(d0, d1) -> (0, 0)>
#map1 = affine_map<(d0, d1) -> (0)>
module attributes {stable_mosaic.version = 14 : i64} {
  func.func @gather_kernel(%arg0: i32, %arg1: i32, %arg2: memref<100000x128xf32, #tpu.memory_space<hbm>>, %arg3: memref<100000x128xf32, #tpu.memory_space<hbm>>, %arg4: memref<135168xi32, #tpu.memory_space<hbm>>, %arg5: memref<2048xi32, #tpu.memory_space<hbm>>, %arg6: memref<135168x128xf32, #tpu.memory_space<hbm>>, %arg7: memref<2048x128xf32, #tpu.memory_space<hbm>>, %arg8: memref<4224xi32, #tpu.memory_space<vmem>>, %arg9: memref<64xi32, #tpu.memory_space<vmem>>, %arg10: memref<3x128x128xf32, #tpu.memory_space<vmem>>, %arg11: memref<64x128xf32, #tpu.memory_space<vmem>>, %arg12: memref<!tpu.dma_semaphore, #tpu.memory_space<semaphore_mem>>, %arg13: memref<!tpu.dma_semaphore, #tpu.memory_space<semaphore_mem>>, %arg14: memref<!tpu.dma_semaphore, #tpu.memory_space<semaphore_mem>>, %arg15: memref<!tpu.dma_semaphore, #tpu.memory_space<semaphore_mem>>, %arg16: memref<!tpu.dma_semaphore, #tpu.memory_space<semaphore_mem>>) attributes {dimension_semantics = [#tpu.dimension_semantics<core_parallel>, #tpu.dimension_semantics<subcore_parallel>], iteration_bounds = array<i64: 2, 16>, scalar_prefetch = 0 : i64, scratch_operands = 9 : i64, tpu.core_type = #tpu.core_type<sc_vector_subcore>, window_params = [{transform_indices = #map}, {transform_indices = #map}, {transform_indices = #map1}, {transform_indices = #map1}, {transform_indices = #map}, {transform_indices = #map}]} {
    %mul3A = arith.constant 2 : i32
    %mul3A_0 = arith.muli %arg1, %mul3A : i32
    %add3A = arith.addi %mul3A_0, %arg0 : i32
    %mul3A_1 = arith.constant 4224 : i32
    %mul3A_2 = arith.muli %add3A, %mul3A_1 : i32
    %mul3A_3 = arith.constant 64 : i32
    %mul3A_4 = arith.muli %add3A, %mul3A_3 : i32
    "tpu.region"() ({
      %run_scoped3A = tpu.sem_alloc : memref<!tpu.dma_semaphore, #tpu.memory_space<semaphore_mem>>
      %dma_start3A_44 = tpu.memref_slice %arg4[%mul3A_2] : memref<135168xi32, #tpu.memory_space<hbm>> -> memref<4224xi32, #tpu.memory_space<hbm>>
      %dma_start3A_45 = tpu.memref_slice %arg4[%mul3A_2] : memref<135168xi32, #tpu.memory_space<hbm>> -> memref<4224xi32, #tpu.memory_space<hbm>>
      tpu.enqueue_dma source(%dma_start3A_45 : memref<4224xi32, #tpu.memory_space<hbm>>) target(%arg8 : memref<4224xi32, #tpu.memory_space<vmem>>) target_semaphore(%run_scoped3A : memref<!tpu.dma_semaphore, #tpu.memory_space<semaphore_mem>>)
      %dma_wait3A_46 = tpu.memref_slice %arg4[%mul3A_2] : memref<135168xi32, #tpu.memory_space<hbm>> -> memref<4224xi32, #tpu.memory_space<hbm>>
      %dma_wait3A_47 = tpu.memref_slice %arg4[%mul3A_2] : memref<135168xi32, #tpu.memory_space<hbm>> -> memref<4224xi32, #tpu.memory_space<hbm>>
      tpu.wait_dma2 semaphore(%run_scoped3A : memref<!tpu.dma_semaphore, #tpu.memory_space<semaphore_mem>>) src(%dma_wait3A_47 : memref<4224xi32, #tpu.memory_space<hbm>>) dst(%arg8 : memref<4224xi32, #tpu.memory_space<vmem>>)
      tpu.yield
    }) : () -> ()
    "tpu.region"() ({
      %run_scoped3A = tpu.sem_alloc : memref<!tpu.dma_semaphore, #tpu.memory_space<semaphore_mem>>
      %dma_start3A_44 = tpu.memref_slice %arg5[%mul3A_4] : memref<2048xi32, #tpu.memory_space<hbm>> -> memref<64xi32, #tpu.memory_space<hbm>>
      %dma_start3A_45 = tpu.memref_slice %arg5[%mul3A_4] : memref<2048xi32, #tpu.memory_space<hbm>> -> memref<64xi32, #tpu.memory_space<hbm>>
      tpu.enqueue_dma source(%dma_start3A_45 : memref<64xi32, #tpu.memory_space<hbm>>) target(%arg9 : memref<64xi32, #tpu.memory_space<vmem>>) target_semaphore(%run_scoped3A : memref<!tpu.dma_semaphore, #tpu.memory_space<semaphore_mem>>)
      %dma_wait3A_46 = tpu.memref_slice %arg5[%mul3A_4] : memref<2048xi32, #tpu.memory_space<hbm>> -> memref<64xi32, #tpu.memory_space<hbm>>
      %dma_wait3A_47 = tpu.memref_slice %arg5[%mul3A_4] : memref<2048xi32, #tpu.memory_space<hbm>> -> memref<64xi32, #tpu.memory_space<hbm>>
      tpu.wait_dma2 semaphore(%run_scoped3A : memref<!tpu.dma_semaphore, #tpu.memory_space<semaphore_mem>>) src(%dma_wait3A_47 : memref<64xi32, #tpu.memory_space<hbm>>) dst(%arg9 : memref<64xi32, #tpu.memory_space<vmem>>)
      tpu.yield
    }) : () -> ()
    %dma_start3A = arith.constant 0 : i32
    %dma_start3A_5 = arith.constant 0 : i32
    %dma_start3A_6 = tpu.memref_slice %arg3[%dma_start3A, %dma_start3A_5] : memref<100000x128xf32, #tpu.memory_space<hbm>> -> memref<100000x128xf32, #tpu.memory_space<hbm>>
    tpu.enqueue_indirect_dma source(%dma_start3A_6 : memref<100000x128xf32, #tpu.memory_space<hbm>>) target(%arg11 : memref<64x128xf32, #tpu.memory_space<vmem>>) offsets(%arg9 : memref<64xi32, #tpu.memory_space<vmem>>) semaphore(%arg16 : memref<!tpu.dma_semaphore, #tpu.memory_space<semaphore_mem>>)
    %dma_start3A_7 = arith.constant 0 : i32
    %dma_start3A_8 = arith.constant 0 : i32
    %dma_start3A_9 = arith.constant 0 : i32
    %dma_start3A_10 = tpu.memref_slice %arg10[%dma_start3A_7, %dma_start3A_8, %dma_start3A_9] : memref<3x128x128xf32, #tpu.memory_space<vmem>> -> memref<1x128x128xf32, #tpu.memory_space<vmem>>
    %dma_start3A_11 = tpu.memref_squeeze %dma_start3A_10 : memref<1x128x128xf32, #tpu.memory_space<vmem>> -> memref<128x128xf32, #tpu.memory_space<vmem>>
    %dma_start3A_12 = arith.constant 0 : i32
    %dma_start3A_13 = tpu.memref_slice %arg8[%dma_start3A_12] : memref<4224xi32, #tpu.memory_space<vmem>> -> memref<128xi32, #tpu.memory_space<vmem>>
    %dma_start3A_14 = arith.constant 0 : i32
    %dma_start3A_15 = arith.constant 0 : i32
    %dma_start3A_16 = tpu.memref_slice %arg2[%dma_start3A_14, %dma_start3A_15] : memref<100000x128xf32, #tpu.memory_space<hbm>> -> memref<100000x128xf32, #tpu.memory_space<hbm>>
    tpu.enqueue_indirect_dma source(%dma_start3A_16 : memref<100000x128xf32, #tpu.memory_space<hbm>>) target(%dma_start3A_11 : memref<128x128xf32, #tpu.memory_space<vmem>>) offsets(%dma_start3A_13 : memref<128xi32, #tpu.memory_space<vmem>>) semaphore(%arg12 : memref<!tpu.dma_semaphore, #tpu.memory_space<semaphore_mem>>)
    %dma_start3A_17 = arith.constant 1 : i32
    %dma_start3A_18 = arith.constant 0 : i32
    %dma_start3A_19 = arith.constant 0 : i32
    %dma_start3A_20 = tpu.memref_slice %arg10[%dma_start3A_17, %dma_start3A_18, %dma_start3A_19] : memref<3x128x128xf32, #tpu.memory_space<vmem>> -> memref<1x128x128xf32, #tpu.memory_space<vmem>>
    %dma_start3A_21 = tpu.memref_squeeze %dma_start3A_20 : memref<1x128x128xf32, #tpu.memory_space<vmem>> -> memref<128x128xf32, #tpu.memory_space<vmem>>
    %dma_start3A_22 = arith.constant 128 : i32
    %dma_start3A_23 = tpu.memref_slice %arg8[%dma_start3A_22] : memref<4224xi32, #tpu.memory_space<vmem>> -> memref<128xi32, #tpu.memory_space<vmem>>
    %dma_start3A_24 = arith.constant 0 : i32
    %dma_start3A_25 = arith.constant 0 : i32
    %dma_start3A_26 = tpu.memref_slice %arg2[%dma_start3A_24, %dma_start3A_25] : memref<100000x128xf32, #tpu.memory_space<hbm>> -> memref<100000x128xf32, #tpu.memory_space<hbm>>
    tpu.enqueue_indirect_dma source(%dma_start3A_26 : memref<100000x128xf32, #tpu.memory_space<hbm>>) target(%dma_start3A_21 : memref<128x128xf32, #tpu.memory_space<vmem>>) offsets(%dma_start3A_23 : memref<128xi32, #tpu.memory_space<vmem>>) semaphore(%arg13 : memref<!tpu.dma_semaphore, #tpu.memory_space<semaphore_mem>>)
    %dma_start3A_27 = arith.constant 2 : i32
    %dma_start3A_28 = arith.constant 0 : i32
    %dma_start3A_29 = arith.constant 0 : i32
    %dma_start3A_30 = tpu.memref_slice %arg10[%dma_start3A_27, %dma_start3A_28, %dma_start3A_29] : memref<3x128x128xf32, #tpu.memory_space<vmem>> -> memref<1x128x128xf32, #tpu.memory_space<vmem>>
    %dma_start3A_31 = tpu.memref_squeeze %dma_start3A_30 : memref<1x128x128xf32, #tpu.memory_space<vmem>> -> memref<128x128xf32, #tpu.memory_space<vmem>>
    %dma_start3A_32 = arith.constant 256 : i32
    %dma_start3A_33 = tpu.memref_slice %arg8[%dma_start3A_32] : memref<4224xi32, #tpu.memory_space<vmem>> -> memref<128xi32, #tpu.memory_space<vmem>>
    %dma_start3A_34 = arith.constant 0 : i32
    %dma_start3A_35 = arith.constant 0 : i32
    %dma_start3A_36 = tpu.memref_slice %arg2[%dma_start3A_34, %dma_start3A_35] : memref<100000x128xf32, #tpu.memory_space<hbm>> -> memref<100000x128xf32, #tpu.memory_space<hbm>>
    tpu.enqueue_indirect_dma source(%dma_start3A_36 : memref<100000x128xf32, #tpu.memory_space<hbm>>) target(%dma_start3A_31 : memref<128x128xf32, #tpu.memory_space<vmem>>) offsets(%dma_start3A_33 : memref<128xi32, #tpu.memory_space<vmem>>) semaphore(%arg14 : memref<!tpu.dma_semaphore, #tpu.memory_space<semaphore_mem>>)
    %scan3A = arith.constant 0 : i32
    %scan3A_37 = arith.constant 0 : i32
    %scan3A_38 = arith.constant 11 : i32
    %scan3A_39 = arith.addi %scan3A_37, %scan3A_38 : i32
    %scan3A_40 = arith.constant 1 : i32
    scf.for %scan3A_44 = %scan3A_37 to %scan3A_39 step %scan3A_40  : i32 {
      %mul3A_45 = arith.constant 3 : i32
      %mul3A_46 = arith.muli %scan3A_44, %mul3A_45 : i32
      %add3A_47 = arith.constant 0 : i32
      %add3A_48 = arith.addi %mul3A_46, %add3A_47 : i32
      %mul3A_49 = arith.constant 128 : i32
      %mul3A_50 = arith.muli %add3A_48, %mul3A_49 : i32
      %dma_wait3A_51 = arith.constant 0 : i32
      %dma_wait3A_52 = arith.constant 0 : i32
      %dma_wait3A_53 = arith.constant 0 : i32
      %dma_wait3A_54 = tpu.memref_slice %arg10[%dma_wait3A_51, %dma_wait3A_52, %dma_wait3A_53] : memref<3x128x128xf32, #tpu.memory_space<vmem>> -> memref<1x128x128xf32, #tpu.memory_space<vmem>>
      %dma_wait3A_55 = tpu.memref_squeeze %dma_wait3A_54 : memref<1x128x128xf32, #tpu.memory_space<vmem>> -> memref<128x128xf32, #tpu.memory_space<vmem>>
      %dma_wait3A_56 = tpu.memref_slice %arg8[%mul3A_50] : memref<4224xi32, #tpu.memory_space<vmem>> -> memref<128xi32, #tpu.memory_space<vmem>>
      %dma_wait3A_57 = arith.constant 0 : i32
      %dma_wait3A_58 = arith.constant 0 : i32
      %dma_wait3A_59 = tpu.memref_slice %arg2[%dma_wait3A_57, %dma_wait3A_58] : memref<100000x128xf32, #tpu.memory_space<hbm>> -> memref<100000x128xf32, #tpu.memory_space<hbm>>
      tpu.wait_indirect_dma semaphore(%arg12 : memref<!tpu.dma_semaphore, #tpu.memory_space<semaphore_mem>>) src(%dma_wait3A_59 : memref<100000x128xf32, #tpu.memory_space<hbm>>) dst(%dma_wait3A_55 : memref<128x128xf32, #tpu.memory_space<vmem>>)
      %mul3A_60 = arith.constant 128 : i32
      %mul3A_61 = arith.muli %add3A_48, %mul3A_60 : i32
      %add3A_62 = arith.addi %mul3A_2, %mul3A_61 : i32
      %multiple_of3A = tpu.assume_multiple %add3A_62, 128 : i32
      %dma_start3A_63 = arith.constant 0 : i32
      %dma_start3A_64 = arith.constant 0 : i32
      %dma_start3A_65 = arith.constant 0 : i32
      %dma_start3A_66 = tpu.memref_slice %arg10[%dma_start3A_63, %dma_start3A_64, %dma_start3A_65] : memref<3x128x128xf32, #tpu.memory_space<vmem>> -> memref<1x128x128xf32, #tpu.memory_space<vmem>>
      %dma_start3A_67 = tpu.memref_squeeze %dma_start3A_66 : memref<1x128x128xf32, #tpu.memory_space<vmem>> -> memref<128x128xf32, #tpu.memory_space<vmem>>
      %dma_start3A_68 = arith.constant 0 : i32
      %dma_start3A_69 = tpu.memref_slice %arg6[%multiple_of3A, %dma_start3A_68] : memref<135168x128xf32, #tpu.memory_space<hbm>> -> memref<128x128xf32, #tpu.memory_space<hbm>>
      %dma_start3A_70 = arith.constant 0 : i32
      %dma_start3A_71 = tpu.memref_slice %arg6[%multiple_of3A, %dma_start3A_70] : memref<135168x128xf32, #tpu.memory_space<hbm>> -> memref<128x128xf32, #tpu.memory_space<hbm>>
      %dma_start3A_72 = arith.constant 0 : i32
      %dma_start3A_73 = arith.constant 0 : i32
      %dma_start3A_74 = tpu.memref_slice %arg10[%dma_start3A_63, %dma_start3A_72, %dma_start3A_73] : memref<3x128x128xf32, #tpu.memory_space<vmem>> -> memref<1x128x128xf32, #tpu.memory_space<vmem>>
      %dma_start3A_75 = tpu.memref_squeeze %dma_start3A_74 : memref<1x128x128xf32, #tpu.memory_space<vmem>> -> memref<128x128xf32, #tpu.memory_space<vmem>>
      tpu.enqueue_dma source(%dma_start3A_75 : memref<128x128xf32, #tpu.memory_space<vmem>>) target(%dma_start3A_71 : memref<128x128xf32, #tpu.memory_space<hbm>>) target_semaphore(%arg15 : memref<!tpu.dma_semaphore, #tpu.memory_space<semaphore_mem>>)
      %dma_wait3A_76 = arith.constant 0 : i32
      %dma_wait3A_77 = arith.constant 0 : i32
      %dma_wait3A_78 = arith.constant 0 : i32
      %dma_wait3A_79 = tpu.memref_slice %arg10[%dma_wait3A_76, %dma_wait3A_77, %dma_wait3A_78] : memref<3x128x128xf32, #tpu.memory_space<vmem>> -> memref<1x128x128xf32, #tpu.memory_space<vmem>>
      %dma_wait3A_80 = tpu.memref_squeeze %dma_wait3A_79 : memref<1x128x128xf32, #tpu.memory_space<vmem>> -> memref<128x128xf32, #tpu.memory_space<vmem>>
      %dma_wait3A_81 = arith.constant 0 : i32
      %dma_wait3A_82 = tpu.memref_slice %arg6[%multiple_of3A, %dma_wait3A_81] : memref<135168x128xf32, #tpu.memory_space<hbm>> -> memref<128x128xf32, #tpu.memory_space<hbm>>
      %dma_wait3A_83 = arith.constant 0 : i32
      %dma_wait3A_84 = tpu.memref_slice %arg6[%multiple_of3A, %dma_wait3A_83] : memref<135168x128xf32, #tpu.memory_space<hbm>> -> memref<128x128xf32, #tpu.memory_space<hbm>>
      %dma_wait3A_85 = arith.constant 0 : i32
      %dma_wait3A_86 = arith.constant 0 : i32
      %dma_wait3A_87 = tpu.memref_slice %arg10[%dma_wait3A_76, %dma_wait3A_85, %dma_wait3A_86] : memref<3x128x128xf32, #tpu.memory_space<vmem>> -> memref<1x128x128xf32, #tpu.memory_space<vmem>>
      %dma_wait3A_88 = tpu.memref_squeeze %dma_wait3A_87 : memref<1x128x128xf32, #tpu.memory_space<vmem>> -> memref<128x128xf32, #tpu.memory_space<vmem>>
      tpu.wait_dma2 semaphore(%arg15 : memref<!tpu.dma_semaphore, #tpu.memory_space<semaphore_mem>>) src(%dma_wait3A_88 : memref<128x128xf32, #tpu.memory_space<vmem>>) dst(%dma_wait3A_84 : memref<128x128xf32, #tpu.memory_space<hbm>>)
      %add3A_89 = arith.constant 3 : i32
      %add3A_90 = arith.addi %add3A_48, %add3A_89 : i32
      %lt3A = arith.constant 33 : i32
      %lt3A_91 = arith.cmpi slt, %add3A_90, %lt3A : i32
      %convert_element_type3A = arith.extui %lt3A_91 : i1 to i32
      %cond3A = arith.constant 0 : i32
      %cond3A_92 = arith.cmpi ne, %convert_element_type3A, %cond3A : i32
      scf.if %cond3A_92 {
        %add3A_197 = arith.constant 3 : i32
        %add3A_198 = arith.addi %add3A_48, %add3A_197 : i32
        %mul3A_199 = arith.constant 128 : i32
        %mul3A_200 = arith.muli %add3A_198, %mul3A_199 : i32
        %dma_start3A_201 = arith.constant 0 : i32
        %dma_start3A_202 = arith.constant 0 : i32
        %dma_start3A_203 = arith.constant 0 : i32
        %dma_start3A_204 = tpu.memref_slice %arg10[%dma_start3A_201, %dma_start3A_202, %dma_start3A_203] : memref<3x128x128xf32, #tpu.memory_space<vmem>> -> memref<1x128x128xf32, #tpu.memory_space<vmem>>
        %dma_start3A_205 = tpu.memref_squeeze %dma_start3A_204 : memref<1x128x128xf32, #tpu.memory_space<vmem>> -> memref<128x128xf32, #tpu.memory_space<vmem>>
        %dma_start3A_206 = tpu.memref_slice %arg8[%mul3A_200] : memref<4224xi32, #tpu.memory_space<vmem>> -> memref<128xi32, #tpu.memory_space<vmem>>
        %dma_start3A_207 = arith.constant 0 : i32
        %dma_start3A_208 = arith.constant 0 : i32
        %dma_start3A_209 = tpu.memref_slice %arg2[%dma_start3A_207, %dma_start3A_208] : memref<100000x128xf32, #tpu.memory_space<hbm>> -> memref<100000x128xf32, #tpu.memory_space<hbm>>
        tpu.enqueue_indirect_dma source(%dma_start3A_209 : memref<100000x128xf32, #tpu.memory_space<hbm>>) target(%dma_start3A_205 : memref<128x128xf32, #tpu.memory_space<vmem>>) offsets(%dma_start3A_206 : memref<128xi32, #tpu.memory_space<vmem>>) semaphore(%arg12 : memref<!tpu.dma_semaphore, #tpu.memory_space<semaphore_mem>>)
      } else {
      }
      %mul3A_93 = arith.constant 3 : i32
      %mul3A_94 = arith.muli %scan3A_44, %mul3A_93 : i32
      %add3A_95 = arith.constant 1 : i32
      %add3A_96 = arith.addi %mul3A_94, %add3A_95 : i32
      %mul3A_97 = arith.constant 128 : i32
      %mul3A_98 = arith.muli %add3A_96, %mul3A_97 : i32
      %dma_wait3A_99 = arith.constant 1 : i32
      %dma_wait3A_100 = arith.constant 0 : i32
      %dma_wait3A_101 = arith.constant 0 : i32
      %dma_wait3A_102 = tpu.memref_slice %arg10[%dma_wait3A_99, %dma_wait3A_100, %dma_wait3A_101] : memref<3x128x128xf32, #tpu.memory_space<vmem>> -> memref<1x128x128xf32, #tpu.memory_space<vmem>>
      %dma_wait3A_103 = tpu.memref_squeeze %dma_wait3A_102 : memref<1x128x128xf32, #tpu.memory_space<vmem>> -> memref<128x128xf32, #tpu.memory_space<vmem>>
      %dma_wait3A_104 = tpu.memref_slice %arg8[%mul3A_98] : memref<4224xi32, #tpu.memory_space<vmem>> -> memref<128xi32, #tpu.memory_space<vmem>>
      %dma_wait3A_105 = arith.constant 0 : i32
      %dma_wait3A_106 = arith.constant 0 : i32
      %dma_wait3A_107 = tpu.memref_slice %arg2[%dma_wait3A_105, %dma_wait3A_106] : memref<100000x128xf32, #tpu.memory_space<hbm>> -> memref<100000x128xf32, #tpu.memory_space<hbm>>
      tpu.wait_indirect_dma semaphore(%arg13 : memref<!tpu.dma_semaphore, #tpu.memory_space<semaphore_mem>>) src(%dma_wait3A_107 : memref<100000x128xf32, #tpu.memory_space<hbm>>) dst(%dma_wait3A_103 : memref<128x128xf32, #tpu.memory_space<vmem>>)
      %mul3A_108 = arith.constant 128 : i32
      %mul3A_109 = arith.muli %add3A_96, %mul3A_108 : i32
      %add3A_110 = arith.addi %mul3A_2, %mul3A_109 : i32
      %multiple_of3A_111 = tpu.assume_multiple %add3A_110, 128 : i32
      %dma_start3A_112 = arith.constant 1 : i32
      %dma_start3A_113 = arith.constant 0 : i32
      %dma_start3A_114 = arith.constant 0 : i32
      %dma_start3A_115 = tpu.memref_slice %arg10[%dma_start3A_112, %dma_start3A_113, %dma_start3A_114] : memref<3x128x128xf32, #tpu.memory_space<vmem>> -> memref<1x128x128xf32, #tpu.memory_space<vmem>>
      %dma_start3A_116 = tpu.memref_squeeze %dma_start3A_115 : memref<1x128x128xf32, #tpu.memory_space<vmem>> -> memref<128x128xf32, #tpu.memory_space<vmem>>
      %dma_start3A_117 = arith.constant 0 : i32
      %dma_start3A_118 = tpu.memref_slice %arg6[%multiple_of3A_111, %dma_start3A_117] : memref<135168x128xf32, #tpu.memory_space<hbm>> -> memref<128x128xf32, #tpu.memory_space<hbm>>
      %dma_start3A_119 = arith.constant 0 : i32
      %dma_start3A_120 = tpu.memref_slice %arg6[%multiple_of3A_111, %dma_start3A_119] : memref<135168x128xf32, #tpu.memory_space<hbm>> -> memref<128x128xf32, #tpu.memory_space<hbm>>
      %dma_start3A_121 = arith.constant 0 : i32
      %dma_start3A_122 = arith.constant 0 : i32
      %dma_start3A_123 = tpu.memref_slice %arg10[%dma_start3A_112, %dma_start3A_121, %dma_start3A_122] : memref<3x128x128xf32, #tpu.memory_space<vmem>> -> memref<1x128x128xf32, #tpu.memory_space<vmem>>
      %dma_start3A_124 = tpu.memref_squeeze %dma_start3A_123 : memref<1x128x128xf32, #tpu.memory_space<vmem>> -> memref<128x128xf32, #tpu.memory_space<vmem>>
      tpu.enqueue_dma source(%dma_start3A_124 : memref<128x128xf32, #tpu.memory_space<vmem>>) target(%dma_start3A_120 : memref<128x128xf32, #tpu.memory_space<hbm>>) target_semaphore(%arg15 : memref<!tpu.dma_semaphore, #tpu.memory_space<semaphore_mem>>)
      %dma_wait3A_125 = arith.constant 1 : i32
      %dma_wait3A_126 = arith.constant 0 : i32
      %dma_wait3A_127 = arith.constant 0 : i32
      %dma_wait3A_128 = tpu.memref_slice %arg10[%dma_wait3A_125, %dma_wait3A_126, %dma_wait3A_127] : memref<3x128x128xf32, #tpu.memory_space<vmem>> -> memref<1x128x128xf32, #tpu.memory_space<vmem>>
      %dma_wait3A_129 = tpu.memref_squeeze %dma_wait3A_128 : memref<1x128x128xf32, #tpu.memory_space<vmem>> -> memref<128x128xf32, #tpu.memory_space<vmem>>
      %dma_wait3A_130 = arith.constant 0 : i32
      %dma_wait3A_131 = tpu.memref_slice %arg6[%multiple_of3A_111, %dma_wait3A_130] : memref<135168x128xf32, #tpu.memory_space<hbm>> -> memref<128x128xf32, #tpu.memory_space<hbm>>
      %dma_wait3A_132 = arith.constant 0 : i32
      %dma_wait3A_133 = tpu.memref_slice %arg6[%multiple_of3A_111, %dma_wait3A_132] : memref<135168x128xf32, #tpu.memory_space<hbm>> -> memref<128x128xf32, #tpu.memory_space<hbm>>
      %dma_wait3A_134 = arith.constant 0 : i32
      %dma_wait3A_135 = arith.constant 0 : i32
      %dma_wait3A_136 = tpu.memref_slice %arg10[%dma_wait3A_125, %dma_wait3A_134, %dma_wait3A_135] : memref<3x128x128xf32, #tpu.memory_space<vmem>> -> memref<1x128x128xf32, #tpu.memory_space<vmem>>
      %dma_wait3A_137 = tpu.memref_squeeze %dma_wait3A_136 : memref<1x128x128xf32, #tpu.memory_space<vmem>> -> memref<128x128xf32, #tpu.memory_space<vmem>>
      tpu.wait_dma2 semaphore(%arg15 : memref<!tpu.dma_semaphore, #tpu.memory_space<semaphore_mem>>) src(%dma_wait3A_137 : memref<128x128xf32, #tpu.memory_space<vmem>>) dst(%dma_wait3A_133 : memref<128x128xf32, #tpu.memory_space<hbm>>)
      %add3A_138 = arith.constant 3 : i32
      %add3A_139 = arith.addi %add3A_96, %add3A_138 : i32
      %lt3A_140 = arith.constant 33 : i32
      %lt3A_141 = arith.cmpi slt, %add3A_139, %lt3A_140 : i32
      %convert_element_type3A_142 = arith.extui %lt3A_141 : i1 to i32
      %cond3A_143 = arith.constant 0 : i32
      %cond3A_144 = arith.cmpi ne, %convert_element_type3A_142, %cond3A_143 : i32
      scf.if %cond3A_144 {
        %add3A_197 = arith.constant 3 : i32
        %add3A_198 = arith.addi %add3A_96, %add3A_197 : i32
        %mul3A_199 = arith.constant 128 : i32
        %mul3A_200 = arith.muli %add3A_198, %mul3A_199 : i32
        %dma_start3A_201 = arith.constant 1 : i32
        %dma_start3A_202 = arith.constant 0 : i32
        %dma_start3A_203 = arith.constant 0 : i32
        %dma_start3A_204 = tpu.memref_slice %arg10[%dma_start3A_201, %dma_start3A_202, %dma_start3A_203] : memref<3x128x128xf32, #tpu.memory_space<vmem>> -> memref<1x128x128xf32, #tpu.memory_space<vmem>>
        %dma_start3A_205 = tpu.memref_squeeze %dma_start3A_204 : memref<1x128x128xf32, #tpu.memory_space<vmem>> -> memref<128x128xf32, #tpu.memory_space<vmem>>
        %dma_start3A_206 = tpu.memref_slice %arg8[%mul3A_200] : memref<4224xi32, #tpu.memory_space<vmem>> -> memref<128xi32, #tpu.memory_space<vmem>>
        %dma_start3A_207 = arith.constant 0 : i32
        %dma_start3A_208 = arith.constant 0 : i32
        %dma_start3A_209 = tpu.memref_slice %arg2[%dma_start3A_207, %dma_start3A_208] : memref<100000x128xf32, #tpu.memory_space<hbm>> -> memref<100000x128xf32, #tpu.memory_space<hbm>>
        tpu.enqueue_indirect_dma source(%dma_start3A_209 : memref<100000x128xf32, #tpu.memory_space<hbm>>) target(%dma_start3A_205 : memref<128x128xf32, #tpu.memory_space<vmem>>) offsets(%dma_start3A_206 : memref<128xi32, #tpu.memory_space<vmem>>) semaphore(%arg13 : memref<!tpu.dma_semaphore, #tpu.memory_space<semaphore_mem>>)
      } else {
      }
      %mul3A_145 = arith.constant 3 : i32
      %mul3A_146 = arith.muli %scan3A_44, %mul3A_145 : i32
      %add3A_147 = arith.constant 2 : i32
      %add3A_148 = arith.addi %mul3A_146, %add3A_147 : i32
      %mul3A_149 = arith.constant 128 : i32
      %mul3A_150 = arith.muli %add3A_148, %mul3A_149 : i32
      %dma_wait3A_151 = arith.constant 2 : i32
      %dma_wait3A_152 = arith.constant 0 : i32
      %dma_wait3A_153 = arith.constant 0 : i32
      %dma_wait3A_154 = tpu.memref_slice %arg10[%dma_wait3A_151, %dma_wait3A_152, %dma_wait3A_153] : memref<3x128x128xf32, #tpu.memory_space<vmem>> -> memref<1x128x128xf32, #tpu.memory_space<vmem>>
      %dma_wait3A_155 = tpu.memref_squeeze %dma_wait3A_154 : memref<1x128x128xf32, #tpu.memory_space<vmem>> -> memref<128x128xf32, #tpu.memory_space<vmem>>
      %dma_wait3A_156 = tpu.memref_slice %arg8[%mul3A_150] : memref<4224xi32, #tpu.memory_space<vmem>> -> memref<128xi32, #tpu.memory_space<vmem>>
      %dma_wait3A_157 = arith.constant 0 : i32
      %dma_wait3A_158 = arith.constant 0 : i32
      %dma_wait3A_159 = tpu.memref_slice %arg2[%dma_wait3A_157, %dma_wait3A_158] : memref<100000x128xf32, #tpu.memory_space<hbm>> -> memref<100000x128xf32, #tpu.memory_space<hbm>>
      tpu.wait_indirect_dma semaphore(%arg14 : memref<!tpu.dma_semaphore, #tpu.memory_space<semaphore_mem>>) src(%dma_wait3A_159 : memref<100000x128xf32, #tpu.memory_space<hbm>>) dst(%dma_wait3A_155 : memref<128x128xf32, #tpu.memory_space<vmem>>)
      %mul3A_160 = arith.constant 128 : i32
      %mul3A_161 = arith.muli %add3A_148, %mul3A_160 : i32
      %add3A_162 = arith.addi %mul3A_2, %mul3A_161 : i32
      %multiple_of3A_163 = tpu.assume_multiple %add3A_162, 128 : i32
      %dma_start3A_164 = arith.constant 2 : i32
      %dma_start3A_165 = arith.constant 0 : i32
      %dma_start3A_166 = arith.constant 0 : i32
      %dma_start3A_167 = tpu.memref_slice %arg10[%dma_start3A_164, %dma_start3A_165, %dma_start3A_166] : memref<3x128x128xf32, #tpu.memory_space<vmem>> -> memref<1x128x128xf32, #tpu.memory_space<vmem>>
      %dma_start3A_168 = tpu.memref_squeeze %dma_start3A_167 : memref<1x128x128xf32, #tpu.memory_space<vmem>> -> memref<128x128xf32, #tpu.memory_space<vmem>>
      %dma_start3A_169 = arith.constant 0 : i32
      %dma_start3A_170 = tpu.memref_slice %arg6[%multiple_of3A_163, %dma_start3A_169] : memref<135168x128xf32, #tpu.memory_space<hbm>> -> memref<128x128xf32, #tpu.memory_space<hbm>>
      %dma_start3A_171 = arith.constant 0 : i32
      %dma_start3A_172 = tpu.memref_slice %arg6[%multiple_of3A_163, %dma_start3A_171] : memref<135168x128xf32, #tpu.memory_space<hbm>> -> memref<128x128xf32, #tpu.memory_space<hbm>>
      %dma_start3A_173 = arith.constant 0 : i32
      %dma_start3A_174 = arith.constant 0 : i32
      %dma_start3A_175 = tpu.memref_slice %arg10[%dma_start3A_164, %dma_start3A_173, %dma_start3A_174] : memref<3x128x128xf32, #tpu.memory_space<vmem>> -> memref<1x128x128xf32, #tpu.memory_space<vmem>>
      %dma_start3A_176 = tpu.memref_squeeze %dma_start3A_175 : memref<1x128x128xf32, #tpu.memory_space<vmem>> -> memref<128x128xf32, #tpu.memory_space<vmem>>
      tpu.enqueue_dma source(%dma_start3A_176 : memref<128x128xf32, #tpu.memory_space<vmem>>) target(%dma_start3A_172 : memref<128x128xf32, #tpu.memory_space<hbm>>) target_semaphore(%arg15 : memref<!tpu.dma_semaphore, #tpu.memory_space<semaphore_mem>>)
      %dma_wait3A_177 = arith.constant 2 : i32
      %dma_wait3A_178 = arith.constant 0 : i32
      %dma_wait3A_179 = arith.constant 0 : i32
      %dma_wait3A_180 = tpu.memref_slice %arg10[%dma_wait3A_177, %dma_wait3A_178, %dma_wait3A_179] : memref<3x128x128xf32, #tpu.memory_space<vmem>> -> memref<1x128x128xf32, #tpu.memory_space<vmem>>
      %dma_wait3A_181 = tpu.memref_squeeze %dma_wait3A_180 : memref<1x128x128xf32, #tpu.memory_space<vmem>> -> memref<128x128xf32, #tpu.memory_space<vmem>>
      %dma_wait3A_182 = arith.constant 0 : i32
      %dma_wait3A_183 = tpu.memref_slice %arg6[%multiple_of3A_163, %dma_wait3A_182] : memref<135168x128xf32, #tpu.memory_space<hbm>> -> memref<128x128xf32, #tpu.memory_space<hbm>>
      %dma_wait3A_184 = arith.constant 0 : i32
      %dma_wait3A_185 = tpu.memref_slice %arg6[%multiple_of3A_163, %dma_wait3A_184] : memref<135168x128xf32, #tpu.memory_space<hbm>> -> memref<128x128xf32, #tpu.memory_space<hbm>>
      %dma_wait3A_186 = arith.constant 0 : i32
      %dma_wait3A_187 = arith.constant 0 : i32
      %dma_wait3A_188 = tpu.memref_slice %arg10[%dma_wait3A_177, %dma_wait3A_186, %dma_wait3A_187] : memref<3x128x128xf32, #tpu.memory_space<vmem>> -> memref<1x128x128xf32, #tpu.memory_space<vmem>>
      %dma_wait3A_189 = tpu.memref_squeeze %dma_wait3A_188 : memref<1x128x128xf32, #tpu.memory_space<vmem>> -> memref<128x128xf32, #tpu.memory_space<vmem>>
      tpu.wait_dma2 semaphore(%arg15 : memref<!tpu.dma_semaphore, #tpu.memory_space<semaphore_mem>>) src(%dma_wait3A_189 : memref<128x128xf32, #tpu.memory_space<vmem>>) dst(%dma_wait3A_185 : memref<128x128xf32, #tpu.memory_space<hbm>>)
      %add3A_190 = arith.constant 3 : i32
      %add3A_191 = arith.addi %add3A_148, %add3A_190 : i32
      %lt3A_192 = arith.constant 33 : i32
      %lt3A_193 = arith.cmpi slt, %add3A_191, %lt3A_192 : i32
      %convert_element_type3A_194 = arith.extui %lt3A_193 : i1 to i32
      %cond3A_195 = arith.constant 0 : i32
      %cond3A_196 = arith.cmpi ne, %convert_element_type3A_194, %cond3A_195 : i32
      scf.if %cond3A_196 {
        %add3A_197 = arith.constant 3 : i32
        %add3A_198 = arith.addi %add3A_148, %add3A_197 : i32
        %mul3A_199 = arith.constant 128 : i32
        %mul3A_200 = arith.muli %add3A_198, %mul3A_199 : i32
        %dma_start3A_201 = arith.constant 2 : i32
        %dma_start3A_202 = arith.constant 0 : i32
        %dma_start3A_203 = arith.constant 0 : i32
        %dma_start3A_204 = tpu.memref_slice %arg10[%dma_start3A_201, %dma_start3A_202, %dma_start3A_203] : memref<3x128x128xf32, #tpu.memory_space<vmem>> -> memref<1x128x128xf32, #tpu.memory_space<vmem>>
        %dma_start3A_205 = tpu.memref_squeeze %dma_start3A_204 : memref<1x128x128xf32, #tpu.memory_space<vmem>> -> memref<128x128xf32, #tpu.memory_space<vmem>>
        %dma_start3A_206 = tpu.memref_slice %arg8[%mul3A_200] : memref<4224xi32, #tpu.memory_space<vmem>> -> memref<128xi32, #tpu.memory_space<vmem>>
        %dma_start3A_207 = arith.constant 0 : i32
        %dma_start3A_208 = arith.constant 0 : i32
        %dma_start3A_209 = tpu.memref_slice %arg2[%dma_start3A_207, %dma_start3A_208] : memref<100000x128xf32, #tpu.memory_space<hbm>> -> memref<100000x128xf32, #tpu.memory_space<hbm>>
        tpu.enqueue_indirect_dma source(%dma_start3A_209 : memref<100000x128xf32, #tpu.memory_space<hbm>>) target(%dma_start3A_205 : memref<128x128xf32, #tpu.memory_space<vmem>>) offsets(%dma_start3A_206 : memref<128xi32, #tpu.memory_space<vmem>>) semaphore(%arg14 : memref<!tpu.dma_semaphore, #tpu.memory_space<semaphore_mem>>)
      } else {
      }
    }
    %scan3A_41 = arith.constant 11 : i32
    %dma_wait3A = arith.constant 0 : i32
    %dma_wait3A_42 = arith.constant 0 : i32
    %dma_wait3A_43 = tpu.memref_slice %arg3[%dma_wait3A, %dma_wait3A_42] : memref<100000x128xf32, #tpu.memory_space<hbm>> -> memref<100000x128xf32, #tpu.memory_space<hbm>>
    tpu.wait_indirect_dma semaphore(%arg16 : memref<!tpu.dma_semaphore, #tpu.memory_space<semaphore_mem>>) src(%dma_wait3A_43 : memref<100000x128xf32, #tpu.memory_space<hbm>>) dst(%arg11 : memref<64x128xf32, #tpu.memory_space<vmem>>)
    "tpu.region"() ({
      %run_scoped3A = tpu.sem_alloc : memref<!tpu.dma_semaphore, #tpu.memory_space<semaphore_mem>>
      %dma_start3A_44 = arith.constant 0 : i32
      %dma_start3A_45 = tpu.memref_slice %arg7[%mul3A_4, %dma_start3A_44] : memref<2048x128xf32, #tpu.memory_space<hbm>> -> memref<64x128xf32, #tpu.memory_space<hbm>>
      %dma_start3A_46 = arith.constant 0 : i32
      %dma_start3A_47 = tpu.memref_slice %arg7[%mul3A_4, %dma_start3A_46] : memref<2048x128xf32, #tpu.memory_space<hbm>> -> memref<64x128xf32, #tpu.memory_space<hbm>>
      tpu.enqueue_dma source(%arg11 : memref<64x128xf32, #tpu.memory_space<vmem>>) target(%dma_start3A_47 : memref<64x128xf32, #tpu.memory_space<hbm>>) target_semaphore(%run_scoped3A : memref<!tpu.dma_semaphore, #tpu.memory_space<semaphore_mem>>)
      %dma_wait3A_48 = arith.constant 0 : i32
      %dma_wait3A_49 = tpu.memref_slice %arg7[%mul3A_4, %dma_wait3A_48] : memref<2048x128xf32, #tpu.memory_space<hbm>> -> memref<64x128xf32, #tpu.memory_space<hbm>>
      %dma_wait3A_50 = arith.constant 0 : i32
      %dma_wait3A_51 = tpu.memref_slice %arg7[%mul3A_4, %dma_wait3A_50] : memref<2048x128xf32, #tpu.memory_space<hbm>> -> memref<64x128xf32, #tpu.memory_space<hbm>>
      tpu.wait_dma2 semaphore(%run_scoped3A : memref<!tpu.dma_semaphore, #tpu.memory_space<semaphore_mem>>) src(%arg11 : memref<64x128xf32, #tpu.memory_space<vmem>>) dst(%dma_wait3A_51 : memref<64x128xf32, #tpu.memory_space<hbm>>)
      tpu.yield
    }) : () -> ()
    return
  }
}

module attributes {stable_mosaic.version = 14 : i64} {
  func.func @_tc_body(%arg0: i32, %arg1: memref<16x128x128xf32, #tpu.memory_space<vmem>>, %arg2: memref<16x128x128xf32, #tpu.memory_space<vmem>>, %arg3: memref<16x128x128xf32, #tpu.memory_space<vmem>>, %arg4: memref<16x128x128xf32, #tpu.memory_space<vmem>>, %arg5: memref<1x128x128xf32, #tpu.memory_space<vmem>>, %arg6: memref<1x128x128xf32, #tpu.memory_space<vmem>>, %arg7: memref<128x128xf32, #tpu.memory_space<vmem>>, %arg8: memref<1x1x128xi32, #tpu.memory_space<vmem>>, %arg9: memref<1x1x128xi32, #tpu.memory_space<vmem>>, %arg10: memref<1x1x128xi32, #tpu.memory_space<vmem>>, %arg11: memref<1x1x128xi32, #tpu.memory_space<vmem>>, %arg12: memref<128x128xf32, #tpu.memory_space<vmem>>, %arg13: memref<128x128xf32, #tpu.memory_space<vmem>>, %arg14: memref<128x128xf32, #tpu.memory_space<vmem>>, %arg15: memref<128x128xf32, #tpu.memory_space<vmem>>, %arg16: memref<128x384xf32, #tpu.memory_space<vmem>>, %arg17: memref<1x128xf32, #tpu.memory_space<vmem>>, %arg18: memref<1x1x128xf32, #tpu.memory_space<vmem>>) attributes {dimension_semantics = [#tpu.dimension_semantics<arbitrary>], iteration_bounds = array<i64: 16>, scalar_prefetch = 0 : i64, scratch_operands = 0 : i64, tpu.core_type = #tpu.core_type<tc>, window_params = [{transform_indices = @transform_0, window_bounds = array<i64: 16, 128, 128>}, {transform_indices = @transform_1, window_bounds = array<i64: 16, 128, 128>}, {transform_indices = @transform_2, window_bounds = array<i64: 16, 128, 128>}, {transform_indices = @transform_3, window_bounds = array<i64: 16, 128, 128>}, {transform_indices = @transform_4, window_bounds = array<i64: 1, 128, 128>}, {transform_indices = @transform_5, window_bounds = array<i64: 1, 128, 128>}, {transform_indices = @transform_6, window_bounds = array<i64: 128, 128>}, {transform_indices = @transform_7, window_bounds = array<i64: 1, 1, 128>}, {transform_indices = @transform_8, window_bounds = array<i64: 1, 1, 128>}, {transform_indices = @transform_9, window_bounds = array<i64: 1, 1, 128>}, {transform_indices = @transform_10, window_bounds = array<i64: 1, 1, 128>}, {pipeline_mode = #tpu.pipeline_mode<synchronous>, transform_indices = @transform_11, window_bounds = array<i64: 128, 128>}, {pipeline_mode = #tpu.pipeline_mode<synchronous>, transform_indices = @transform_12, window_bounds = array<i64: 128, 128>}, {pipeline_mode = #tpu.pipeline_mode<synchronous>, transform_indices = @transform_13, window_bounds = array<i64: 128, 128>}, {pipeline_mode = #tpu.pipeline_mode<synchronous>, transform_indices = @transform_14, window_bounds = array<i64: 128, 128>}, {pipeline_mode = #tpu.pipeline_mode<synchronous>, transform_indices = @transform_15, window_bounds = array<i64: 128, 384>}, {pipeline_mode = #tpu.pipeline_mode<synchronous>, transform_indices = @transform_16, window_bounds = array<i64: 1, 128>}, {transform_indices = @transform_17, window_bounds = array<i64: 1, 1, 128>}]} {
    %get3A = arith.constant 0 : index
    %get3A_0 = arith.constant 0 : index
    %get3A_1 = vector.load %arg16[%get3A, %get3A_0] : memref<128x384xf32, #tpu.memory_space<vmem>>, vector<128x384xf32>
    %get3A_2 = arith.constant 0 : index
    %get3A_3 = arith.constant 0 : index
    %get3A_4 = vector.load %arg17[%get3A_2, %get3A_3] : memref<1x128xf32, #tpu.memory_space<vmem>>, vector<1x128xf32>
    %get3A_5 = arith.constant 0 : index
    %get3A_6 = arith.constant 0 : index
    %get3A_7 = arith.constant 0 : index
    %get3A_8 = vector.load %arg5[%get3A_5, %get3A_6, %get3A_7] : memref<1x128x128xf32, #tpu.memory_space<vmem>>, vector<1x128x128xf32>
    %get3A_9 = vector.shape_cast %get3A_8 : vector<1x128x128xf32> to vector<128x128xf32>
    %get3A_10 = arith.constant 0 : index
    %get3A_11 = arith.constant 0 : index
    %get3A_12 = arith.constant 0 : index
    %get3A_13 = vector.load %arg8[%get3A_10, %get3A_11, %get3A_12] : memref<1x1x128xi32, #tpu.memory_space<vmem>>, vector<1x1x128xi32>
    %get3A_14 = vector.shape_cast %get3A_13 : vector<1x1x128xi32> to vector<128xi32>
    %broadcast_in_dim3A = vector.shape_cast %get3A_14 : vector<128xi32> to vector<128x1xi32>
    %get3A_15 = arith.constant 0 : index
    %get3A_16 = arith.constant 0 : index
    %get3A_17 = arith.constant 0 : index
    %get3A_18 = vector.load %arg9[%get3A_15, %get3A_16, %get3A_17] : memref<1x1x128xi32, #tpu.memory_space<vmem>>, vector<1x1x128xi32>
    %get3A_19 = vector.shape_cast %get3A_18 : vector<1x1x128xi32> to vector<128xi32>
    %broadcast_in_dim3A_20 = vector.shape_cast %get3A_19 : vector<128xi32> to vector<128x1xi32>
    %get3A_21 = arith.constant 0 : index
    %get3A_22 = arith.constant 0 : index
    %get3A_23 = vector.load %arg12[%get3A_21, %get3A_22] : memref<128x128xf32, #tpu.memory_space<vmem>>, vector<128x128xf32>
    %get3A_24 = arith.constant 0 : index
    %get3A_25 = arith.constant 0 : index
    %get3A_26 = vector.load %arg13[%get3A_24, %get3A_25] : memref<128x128xf32, #tpu.memory_space<vmem>>, vector<128x128xf32>
    %dot_general3A = arith.constant dense<0.000000e+00> : vector<128x128xf32>
    %dot_general3A_27 = tpu.matmul %get3A_9, %get3A_23, %dot_general3A {dimension_numbers = #tpu.dot_dimension_numbers<[1], [0], [0], [1], [0, 0, 1, 1], [], []>, transpose_lhs_hint = false} : vector<128x128xf32>, vector<128x128xf32>, vector<128x128xf32> -> vector<128x128xf32>
    %get3A_28 = arith.constant 0 : index
    %get3A_29 = arith.constant 0 : index
    %get3A_30 = arith.constant 0 : index
    %get3A_31 = vector.load %arg1[%get3A_28, %get3A_29, %get3A_30] : memref<16x128x128xf32, #tpu.memory_space<vmem>>, vector<16x128x128xf32>
    %reshape3A = vector.shape_cast %get3A_31 : vector<16x128x128xf32> to vector<2048x128xf32>
    %dot_general3A_32 = arith.constant dense<0.000000e+00> : vector<2048x128xf32>
    %dot_general3A_33 = tpu.matmul %reshape3A, %get3A_26, %dot_general3A_32 {dimension_numbers = #tpu.dot_dimension_numbers<[1], [0], [0], [1], [0, 0, 1, 1], [], []>, transpose_lhs_hint = false} : vector<2048x128xf32>, vector<128x128xf32>, vector<2048x128xf32> -> vector<2048x128xf32>
    %broadcast_in_dim3A_34 = arith.constant 0.000000e+00 : f32
    %broadcast_in_dim3A_35 = vector.broadcast %broadcast_in_dim3A_34 : f32 to vector<128x128xf32>
    %broadcast_in_dim3A_36 = arith.constant 0.000000e+00 : f32
    %broadcast_in_dim3A_37 = vector.broadcast %broadcast_in_dim3A_36 : f32 to vector<128x128xf32>
    %slice3A = vector.extract_strided_slice %dot_general3A_33 {offsets = [0, 0], sizes = [128, 128], strides = [1, 1]} : vector<2048x128xf32> to vector<128x128xf32>
    %add3A = arith.addf %slice3A, %dot_general3A_27 : vector<128x128xf32>
    %mul3A = arith.constant 2.000000e-01 : f32
    %mul3A_38 = vector.broadcast %mul3A : f32 to vector<128x128xf32>
    %mul3A_39 = arith.mulf %mul3A_38, %add3A : vector<128x128xf32>
    %max3A = arith.maximumf %add3A, %mul3A_39 : vector<128x128xf32>
    %gt3A = arith.constant 0 : i32
    %gt3A_40 = vector.broadcast %gt3A : i32 to vector<128x1xi32>
    %gt3A_41 = arith.cmpi sgt, %broadcast_in_dim3A, %gt3A_40 : vector<128x1xi32>
    %exp3A = math.exp %max3A : vector<128x128xf32>
    %jit3A = arith.constant 0.000000e+00 : f32
    %broadcast_in_dim3A_42 = vector.shape_cast %gt3A_41 : vector<128x1xi1> to vector<128x1xi1>
    %broadcast_in_dim3A_43 = vector.broadcast %broadcast_in_dim3A_42 : vector<128x1xi1> to vector<128x128xi1>
    %broadcast_in_dim3A_44 = vector.broadcast %jit3A : f32 to vector<128x128xf32>
    %select_n3A = arith.select %broadcast_in_dim3A_43, %exp3A, %broadcast_in_dim3A_44 : vector<128x128xi1>, vector<128x128xf32>
    %add3A_45 = arith.addf %broadcast_in_dim3A_37, %select_n3A : vector<128x128xf32>
    %get3A_46 = arith.constant 0 : index
    %get3A_47 = arith.constant 0 : index
    %get3A_48 = arith.constant 0 : index
    %get3A_49 = vector.load %arg1[%get3A_46, %get3A_47, %get3A_48] : memref<16x128x128xf32, #tpu.memory_space<vmem>>, vector<1x128x128xf32>
    %get3A_50 = vector.shape_cast %get3A_49 : vector<1x128x128xf32> to vector<128x128xf32>
    %mul3A_51 = arith.mulf %select_n3A, %get3A_50 : vector<128x128xf32>
    %add3A_52 = arith.addf %broadcast_in_dim3A_35, %mul3A_51 : vector<128x128xf32>
    %slice3A_53 = vector.extract_strided_slice %dot_general3A_33 {offsets = [128, 0], sizes = [128, 128], strides = [1, 1]} : vector<2048x128xf32> to vector<128x128xf32>
    %add3A_54 = arith.addf %slice3A_53, %dot_general3A_27 : vector<128x128xf32>
    %mul3A_55 = arith.constant 2.000000e-01 : f32
    %mul3A_56 = vector.broadcast %mul3A_55 : f32 to vector<128x128xf32>
    %mul3A_57 = arith.mulf %mul3A_56, %add3A_54 : vector<128x128xf32>
    %max3A_58 = arith.maximumf %add3A_54, %mul3A_57 : vector<128x128xf32>
    %gt3A_59 = arith.constant 1 : i32
    %gt3A_60 = vector.broadcast %gt3A_59 : i32 to vector<128x1xi32>
    %gt3A_61 = arith.cmpi sgt, %broadcast_in_dim3A, %gt3A_60 : vector<128x1xi32>
    %exp3A_62 = math.exp %max3A_58 : vector<128x128xf32>
    %jit3A_63 = arith.constant 0.000000e+00 : f32
    %broadcast_in_dim3A_64 = vector.shape_cast %gt3A_61 : vector<128x1xi1> to vector<128x1xi1>
    %broadcast_in_dim3A_65 = vector.broadcast %broadcast_in_dim3A_64 : vector<128x1xi1> to vector<128x128xi1>
    %broadcast_in_dim3A_66 = vector.broadcast %jit3A_63 : f32 to vector<128x128xf32>
    %select_n3A_67 = arith.select %broadcast_in_dim3A_65, %exp3A_62, %broadcast_in_dim3A_66 : vector<128x128xi1>, vector<128x128xf32>
    %add3A_68 = arith.addf %add3A_45, %select_n3A_67 : vector<128x128xf32>
    %get3A_69 = arith.constant 1 : index
    %get3A_70 = arith.constant 0 : index
    %get3A_71 = arith.constant 0 : index
    %get3A_72 = vector.load %arg1[%get3A_69, %get3A_70, %get3A_71] : memref<16x128x128xf32, #tpu.memory_space<vmem>>, vector<1x128x128xf32>
    %get3A_73 = vector.shape_cast %get3A_72 : vector<1x128x128xf32> to vector<128x128xf32>
    %mul3A_74 = arith.mulf %select_n3A_67, %get3A_73 : vector<128x128xf32>
    %add3A_75 = arith.addf %add3A_52, %mul3A_74 : vector<128x128xf32>
    %slice3A_76 = vector.extract_strided_slice %dot_general3A_33 {offsets = [256, 0], sizes = [128, 128], strides = [1, 1]} : vector<2048x128xf32> to vector<128x128xf32>
    %add3A_77 = arith.addf %slice3A_76, %dot_general3A_27 : vector<128x128xf32>
    %mul3A_78 = arith.constant 2.000000e-01 : f32
    %mul3A_79 = vector.broadcast %mul3A_78 : f32 to vector<128x128xf32>
    %mul3A_80 = arith.mulf %mul3A_79, %add3A_77 : vector<128x128xf32>
    %max3A_81 = arith.maximumf %add3A_77, %mul3A_80 : vector<128x128xf32>
    %gt3A_82 = arith.constant 2 : i32
    %gt3A_83 = vector.broadcast %gt3A_82 : i32 to vector<128x1xi32>
    %gt3A_84 = arith.cmpi sgt, %broadcast_in_dim3A, %gt3A_83 : vector<128x1xi32>
    %exp3A_85 = math.exp %max3A_81 : vector<128x128xf32>
    %jit3A_86 = arith.constant 0.000000e+00 : f32
    %broadcast_in_dim3A_87 = vector.shape_cast %gt3A_84 : vector<128x1xi1> to vector<128x1xi1>
    %broadcast_in_dim3A_88 = vector.broadcast %broadcast_in_dim3A_87 : vector<128x1xi1> to vector<128x128xi1>
    %broadcast_in_dim3A_89 = vector.broadcast %jit3A_86 : f32 to vector<128x128xf32>
    %select_n3A_90 = arith.select %broadcast_in_dim3A_88, %exp3A_85, %broadcast_in_dim3A_89 : vector<128x128xi1>, vector<128x128xf32>
    %add3A_91 = arith.addf %add3A_68, %select_n3A_90 : vector<128x128xf32>
    %get3A_92 = arith.constant 2 : index
    %get3A_93 = arith.constant 0 : index
    %get3A_94 = arith.constant 0 : index
    %get3A_95 = vector.load %arg1[%get3A_92, %get3A_93, %get3A_94] : memref<16x128x128xf32, #tpu.memory_space<vmem>>, vector<1x128x128xf32>
    %get3A_96 = vector.shape_cast %get3A_95 : vector<1x128x128xf32> to vector<128x128xf32>
    %mul3A_97 = arith.mulf %select_n3A_90, %get3A_96 : vector<128x128xf32>
    %add3A_98 = arith.addf %add3A_75, %mul3A_97 : vector<128x128xf32>
    %slice3A_99 = vector.extract_strided_slice %dot_general3A_33 {offsets = [384, 0], sizes = [128, 128], strides = [1, 1]} : vector<2048x128xf32> to vector<128x128xf32>
    %add3A_100 = arith.addf %slice3A_99, %dot_general3A_27 : vector<128x128xf32>
    %mul3A_101 = arith.constant 2.000000e-01 : f32
    %mul3A_102 = vector.broadcast %mul3A_101 : f32 to vector<128x128xf32>
    %mul3A_103 = arith.mulf %mul3A_102, %add3A_100 : vector<128x128xf32>
    %max3A_104 = arith.maximumf %add3A_100, %mul3A_103 : vector<128x128xf32>
    %gt3A_105 = arith.constant 3 : i32
    %gt3A_106 = vector.broadcast %gt3A_105 : i32 to vector<128x1xi32>
    %gt3A_107 = arith.cmpi sgt, %broadcast_in_dim3A, %gt3A_106 : vector<128x1xi32>
    %exp3A_108 = math.exp %max3A_104 : vector<128x128xf32>
    %jit3A_109 = arith.constant 0.000000e+00 : f32
    %broadcast_in_dim3A_110 = vector.shape_cast %gt3A_107 : vector<128x1xi1> to vector<128x1xi1>
    %broadcast_in_dim3A_111 = vector.broadcast %broadcast_in_dim3A_110 : vector<128x1xi1> to vector<128x128xi1>
    %broadcast_in_dim3A_112 = vector.broadcast %jit3A_109 : f32 to vector<128x128xf32>
    %select_n3A_113 = arith.select %broadcast_in_dim3A_111, %exp3A_108, %broadcast_in_dim3A_112 : vector<128x128xi1>, vector<128x128xf32>
    %add3A_114 = arith.addf %add3A_91, %select_n3A_113 : vector<128x128xf32>
    %get3A_115 = arith.constant 3 : index
    %get3A_116 = arith.constant 0 : index
    %get3A_117 = arith.constant 0 : index
    %get3A_118 = vector.load %arg1[%get3A_115, %get3A_116, %get3A_117] : memref<16x128x128xf32, #tpu.memory_space<vmem>>, vector<1x128x128xf32>
    %get3A_119 = vector.shape_cast %get3A_118 : vector<1x128x128xf32> to vector<128x128xf32>
    %mul3A_120 = arith.mulf %select_n3A_113, %get3A_119 : vector<128x128xf32>
    %add3A_121 = arith.addf %add3A_98, %mul3A_120 : vector<128x128xf32>
    %slice3A_122 = vector.extract_strided_slice %dot_general3A_33 {offsets = [512, 0], sizes = [128, 128], strides = [1, 1]} : vector<2048x128xf32> to vector<128x128xf32>
    %add3A_123 = arith.addf %slice3A_122, %dot_general3A_27 : vector<128x128xf32>
    %mul3A_124 = arith.constant 2.000000e-01 : f32
    %mul3A_125 = vector.broadcast %mul3A_124 : f32 to vector<128x128xf32>
    %mul3A_126 = arith.mulf %mul3A_125, %add3A_123 : vector<128x128xf32>
    %max3A_127 = arith.maximumf %add3A_123, %mul3A_126 : vector<128x128xf32>
    %gt3A_128 = arith.constant 4 : i32
    %gt3A_129 = vector.broadcast %gt3A_128 : i32 to vector<128x1xi32>
    %gt3A_130 = arith.cmpi sgt, %broadcast_in_dim3A, %gt3A_129 : vector<128x1xi32>
    %exp3A_131 = math.exp %max3A_127 : vector<128x128xf32>
    %jit3A_132 = arith.constant 0.000000e+00 : f32
    %broadcast_in_dim3A_133 = vector.shape_cast %gt3A_130 : vector<128x1xi1> to vector<128x1xi1>
    %broadcast_in_dim3A_134 = vector.broadcast %broadcast_in_dim3A_133 : vector<128x1xi1> to vector<128x128xi1>
    %broadcast_in_dim3A_135 = vector.broadcast %jit3A_132 : f32 to vector<128x128xf32>
    %select_n3A_136 = arith.select %broadcast_in_dim3A_134, %exp3A_131, %broadcast_in_dim3A_135 : vector<128x128xi1>, vector<128x128xf32>
    %add3A_137 = arith.addf %add3A_114, %select_n3A_136 : vector<128x128xf32>
    %get3A_138 = arith.constant 4 : index
    %get3A_139 = arith.constant 0 : index
    %get3A_140 = arith.constant 0 : index
    %get3A_141 = vector.load %arg1[%get3A_138, %get3A_139, %get3A_140] : memref<16x128x128xf32, #tpu.memory_space<vmem>>, vector<1x128x128xf32>
    %get3A_142 = vector.shape_cast %get3A_141 : vector<1x128x128xf32> to vector<128x128xf32>
    %mul3A_143 = arith.mulf %select_n3A_136, %get3A_142 : vector<128x128xf32>
    %add3A_144 = arith.addf %add3A_121, %mul3A_143 : vector<128x128xf32>
    %slice3A_145 = vector.extract_strided_slice %dot_general3A_33 {offsets = [640, 0], sizes = [128, 128], strides = [1, 1]} : vector<2048x128xf32> to vector<128x128xf32>
    %add3A_146 = arith.addf %slice3A_145, %dot_general3A_27 : vector<128x128xf32>
    %mul3A_147 = arith.constant 2.000000e-01 : f32
    %mul3A_148 = vector.broadcast %mul3A_147 : f32 to vector<128x128xf32>
    %mul3A_149 = arith.mulf %mul3A_148, %add3A_146 : vector<128x128xf32>
    %max3A_150 = arith.maximumf %add3A_146, %mul3A_149 : vector<128x128xf32>
    %gt3A_151 = arith.constant 5 : i32
    %gt3A_152 = vector.broadcast %gt3A_151 : i32 to vector<128x1xi32>
    %gt3A_153 = arith.cmpi sgt, %broadcast_in_dim3A, %gt3A_152 : vector<128x1xi32>
    %exp3A_154 = math.exp %max3A_150 : vector<128x128xf32>
    %jit3A_155 = arith.constant 0.000000e+00 : f32
    %broadcast_in_dim3A_156 = vector.shape_cast %gt3A_153 : vector<128x1xi1> to vector<128x1xi1>
    %broadcast_in_dim3A_157 = vector.broadcast %broadcast_in_dim3A_156 : vector<128x1xi1> to vector<128x128xi1>
    %broadcast_in_dim3A_158 = vector.broadcast %jit3A_155 : f32 to vector<128x128xf32>
    %select_n3A_159 = arith.select %broadcast_in_dim3A_157, %exp3A_154, %broadcast_in_dim3A_158 : vector<128x128xi1>, vector<128x128xf32>
    %add3A_160 = arith.addf %add3A_137, %select_n3A_159 : vector<128x128xf32>
    %get3A_161 = arith.constant 5 : index
    %get3A_162 = arith.constant 0 : index
    %get3A_163 = arith.constant 0 : index
    %get3A_164 = vector.load %arg1[%get3A_161, %get3A_162, %get3A_163] : memref<16x128x128xf32, #tpu.memory_space<vmem>>, vector<1x128x128xf32>
    %get3A_165 = vector.shape_cast %get3A_164 : vector<1x128x128xf32> to vector<128x128xf32>
    %mul3A_166 = arith.mulf %select_n3A_159, %get3A_165 : vector<128x128xf32>
    %add3A_167 = arith.addf %add3A_144, %mul3A_166 : vector<128x128xf32>
    %slice3A_168 = vector.extract_strided_slice %dot_general3A_33 {offsets = [768, 0], sizes = [128, 128], strides = [1, 1]} : vector<2048x128xf32> to vector<128x128xf32>
    %add3A_169 = arith.addf %slice3A_168, %dot_general3A_27 : vector<128x128xf32>
    %mul3A_170 = arith.constant 2.000000e-01 : f32
    %mul3A_171 = vector.broadcast %mul3A_170 : f32 to vector<128x128xf32>
    %mul3A_172 = arith.mulf %mul3A_171, %add3A_169 : vector<128x128xf32>
    %max3A_173 = arith.maximumf %add3A_169, %mul3A_172 : vector<128x128xf32>
    %gt3A_174 = arith.constant 6 : i32
    %gt3A_175 = vector.broadcast %gt3A_174 : i32 to vector<128x1xi32>
    %gt3A_176 = arith.cmpi sgt, %broadcast_in_dim3A, %gt3A_175 : vector<128x1xi32>
    %exp3A_177 = math.exp %max3A_173 : vector<128x128xf32>
    %jit3A_178 = arith.constant 0.000000e+00 : f32
    %broadcast_in_dim3A_179 = vector.shape_cast %gt3A_176 : vector<128x1xi1> to vector<128x1xi1>
    %broadcast_in_dim3A_180 = vector.broadcast %broadcast_in_dim3A_179 : vector<128x1xi1> to vector<128x128xi1>
    %broadcast_in_dim3A_181 = vector.broadcast %jit3A_178 : f32 to vector<128x128xf32>
    %select_n3A_182 = arith.select %broadcast_in_dim3A_180, %exp3A_177, %broadcast_in_dim3A_181 : vector<128x128xi1>, vector<128x128xf32>
    %add3A_183 = arith.addf %add3A_160, %select_n3A_182 : vector<128x128xf32>
    %get3A_184 = arith.constant 6 : index
    %get3A_185 = arith.constant 0 : index
    %get3A_186 = arith.constant 0 : index
    %get3A_187 = vector.load %arg1[%get3A_184, %get3A_185, %get3A_186] : memref<16x128x128xf32, #tpu.memory_space<vmem>>, vector<1x128x128xf32>
    %get3A_188 = vector.shape_cast %get3A_187 : vector<1x128x128xf32> to vector<128x128xf32>
    %mul3A_189 = arith.mulf %select_n3A_182, %get3A_188 : vector<128x128xf32>
    %add3A_190 = arith.addf %add3A_167, %mul3A_189 : vector<128x128xf32>
    %slice3A_191 = vector.extract_strided_slice %dot_general3A_33 {offsets = [896, 0], sizes = [128, 128], strides = [1, 1]} : vector<2048x128xf32> to vector<128x128xf32>
    %add3A_192 = arith.addf %slice3A_191, %dot_general3A_27 : vector<128x128xf32>
    %mul3A_193 = arith.constant 2.000000e-01 : f32
    %mul3A_194 = vector.broadcast %mul3A_193 : f32 to vector<128x128xf32>
    %mul3A_195 = arith.mulf %mul3A_194, %add3A_192 : vector<128x128xf32>
    %max3A_196 = arith.maximumf %add3A_192, %mul3A_195 : vector<128x128xf32>
    %gt3A_197 = arith.constant 7 : i32
    %gt3A_198 = vector.broadcast %gt3A_197 : i32 to vector<128x1xi32>
    %gt3A_199 = arith.cmpi sgt, %broadcast_in_dim3A, %gt3A_198 : vector<128x1xi32>
    %exp3A_200 = math.exp %max3A_196 : vector<128x128xf32>
    %jit3A_201 = arith.constant 0.000000e+00 : f32
    %broadcast_in_dim3A_202 = vector.shape_cast %gt3A_199 : vector<128x1xi1> to vector<128x1xi1>
    %broadcast_in_dim3A_203 = vector.broadcast %broadcast_in_dim3A_202 : vector<128x1xi1> to vector<128x128xi1>
    %broadcast_in_dim3A_204 = vector.broadcast %jit3A_201 : f32 to vector<128x128xf32>
    %select_n3A_205 = arith.select %broadcast_in_dim3A_203, %exp3A_200, %broadcast_in_dim3A_204 : vector<128x128xi1>, vector<128x128xf32>
    %add3A_206 = arith.addf %add3A_183, %select_n3A_205 : vector<128x128xf32>
    %get3A_207 = arith.constant 7 : index
    %get3A_208 = arith.constant 0 : index
    %get3A_209 = arith.constant 0 : index
    %get3A_210 = vector.load %arg1[%get3A_207, %get3A_208, %get3A_209] : memref<16x128x128xf32, #tpu.memory_space<vmem>>, vector<1x128x128xf32>
    %get3A_211 = vector.shape_cast %get3A_210 : vector<1x128x128xf32> to vector<128x128xf32>
    %mul3A_212 = arith.mulf %select_n3A_205, %get3A_211 : vector<128x128xf32>
    %add3A_213 = arith.addf %add3A_190, %mul3A_212 : vector<128x128xf32>
    %slice3A_214 = vector.extract_strided_slice %dot_general3A_33 {offsets = [1024, 0], sizes = [128, 128], strides = [1, 1]} : vector<2048x128xf32> to vector<128x128xf32>
    %add3A_215 = arith.addf %slice3A_214, %dot_general3A_27 : vector<128x128xf32>
    %mul3A_216 = arith.constant 2.000000e-01 : f32
    %mul3A_217 = vector.broadcast %mul3A_216 : f32 to vector<128x128xf32>
    %mul3A_218 = arith.mulf %mul3A_217, %add3A_215 : vector<128x128xf32>
    %max3A_219 = arith.maximumf %add3A_215, %mul3A_218 : vector<128x128xf32>
    %gt3A_220 = arith.constant 8 : i32
    %gt3A_221 = vector.broadcast %gt3A_220 : i32 to vector<128x1xi32>
    %gt3A_222 = arith.cmpi sgt, %broadcast_in_dim3A, %gt3A_221 : vector<128x1xi32>
    %exp3A_223 = math.exp %max3A_219 : vector<128x128xf32>
    %jit3A_224 = arith.constant 0.000000e+00 : f32
    %broadcast_in_dim3A_225 = vector.shape_cast %gt3A_222 : vector<128x1xi1> to vector<128x1xi1>
    %broadcast_in_dim3A_226 = vector.broadcast %broadcast_in_dim3A_225 : vector<128x1xi1> to vector<128x128xi1>
    %broadcast_in_dim3A_227 = vector.broadcast %jit3A_224 : f32 to vector<128x128xf32>
    %select_n3A_228 = arith.select %broadcast_in_dim3A_226, %exp3A_223, %broadcast_in_dim3A_227 : vector<128x128xi1>, vector<128x128xf32>
    %add3A_229 = arith.addf %add3A_206, %select_n3A_228 : vector<128x128xf32>
    %get3A_230 = arith.constant 8 : index
    %get3A_231 = arith.constant 0 : index
    %get3A_232 = arith.constant 0 : index
    %get3A_233 = vector.load %arg1[%get3A_230, %get3A_231, %get3A_232] : memref<16x128x128xf32, #tpu.memory_space<vmem>>, vector<1x128x128xf32>
    %get3A_234 = vector.shape_cast %get3A_233 : vector<1x128x128xf32> to vector<128x128xf32>
    %mul3A_235 = arith.mulf %select_n3A_228, %get3A_234 : vector<128x128xf32>
    %add3A_236 = arith.addf %add3A_213, %mul3A_235 : vector<128x128xf32>
    %slice3A_237 = vector.extract_strided_slice %dot_general3A_33 {offsets = [1152, 0], sizes = [128, 128], strides = [1, 1]} : vector<2048x128xf32> to vector<128x128xf32>
    %add3A_238 = arith.addf %slice3A_237, %dot_general3A_27 : vector<128x128xf32>
    %mul3A_239 = arith.constant 2.000000e-01 : f32
    %mul3A_240 = vector.broadcast %mul3A_239 : f32 to vector<128x128xf32>
    %mul3A_241 = arith.mulf %mul3A_240, %add3A_238 : vector<128x128xf32>
    %max3A_242 = arith.maximumf %add3A_238, %mul3A_241 : vector<128x128xf32>
    %gt3A_243 = arith.constant 9 : i32
    %gt3A_244 = vector.broadcast %gt3A_243 : i32 to vector<128x1xi32>
    %gt3A_245 = arith.cmpi sgt, %broadcast_in_dim3A, %gt3A_244 : vector<128x1xi32>
    %exp3A_246 = math.exp %max3A_242 : vector<128x128xf32>
    %jit3A_247 = arith.constant 0.000000e+00 : f32
    %broadcast_in_dim3A_248 = vector.shape_cast %gt3A_245 : vector<128x1xi1> to vector<128x1xi1>
    %broadcast_in_dim3A_249 = vector.broadcast %broadcast_in_dim3A_248 : vector<128x1xi1> to vector<128x128xi1>
    %broadcast_in_dim3A_250 = vector.broadcast %jit3A_247 : f32 to vector<128x128xf32>
    %select_n3A_251 = arith.select %broadcast_in_dim3A_249, %exp3A_246, %broadcast_in_dim3A_250 : vector<128x128xi1>, vector<128x128xf32>
    %add3A_252 = arith.addf %add3A_229, %select_n3A_251 : vector<128x128xf32>
    %get3A_253 = arith.constant 9 : index
    %get3A_254 = arith.constant 0 : index
    %get3A_255 = arith.constant 0 : index
    %get3A_256 = vector.load %arg1[%get3A_253, %get3A_254, %get3A_255] : memref<16x128x128xf32, #tpu.memory_space<vmem>>, vector<1x128x128xf32>
    %get3A_257 = vector.shape_cast %get3A_256 : vector<1x128x128xf32> to vector<128x128xf32>
    %mul3A_258 = arith.mulf %select_n3A_251, %get3A_257 : vector<128x128xf32>
    %add3A_259 = arith.addf %add3A_236, %mul3A_258 : vector<128x128xf32>
    %slice3A_260 = vector.extract_strided_slice %dot_general3A_33 {offsets = [1280, 0], sizes = [128, 128], strides = [1, 1]} : vector<2048x128xf32> to vector<128x128xf32>
    %add3A_261 = arith.addf %slice3A_260, %dot_general3A_27 : vector<128x128xf32>
    %mul3A_262 = arith.constant 2.000000e-01 : f32
    %mul3A_263 = vector.broadcast %mul3A_262 : f32 to vector<128x128xf32>
    %mul3A_264 = arith.mulf %mul3A_263, %add3A_261 : vector<128x128xf32>
    %max3A_265 = arith.maximumf %add3A_261, %mul3A_264 : vector<128x128xf32>
    %gt3A_266 = arith.constant 10 : i32
    %gt3A_267 = vector.broadcast %gt3A_266 : i32 to vector<128x1xi32>
    %gt3A_268 = arith.cmpi sgt, %broadcast_in_dim3A, %gt3A_267 : vector<128x1xi32>
    %exp3A_269 = math.exp %max3A_265 : vector<128x128xf32>
    %jit3A_270 = arith.constant 0.000000e+00 : f32
    %broadcast_in_dim3A_271 = vector.shape_cast %gt3A_268 : vector<128x1xi1> to vector<128x1xi1>
    %broadcast_in_dim3A_272 = vector.broadcast %broadcast_in_dim3A_271 : vector<128x1xi1> to vector<128x128xi1>
    %broadcast_in_dim3A_273 = vector.broadcast %jit3A_270 : f32 to vector<128x128xf32>
    %select_n3A_274 = arith.select %broadcast_in_dim3A_272, %exp3A_269, %broadcast_in_dim3A_273 : vector<128x128xi1>, vector<128x128xf32>
    %add3A_275 = arith.addf %add3A_252, %select_n3A_274 : vector<128x128xf32>
    %get3A_276 = arith.constant 10 : index
    %get3A_277 = arith.constant 0 : index
    %get3A_278 = arith.constant 0 : index
    %get3A_279 = vector.load %arg1[%get3A_276, %get3A_277, %get3A_278] : memref<16x128x128xf32, #tpu.memory_space<vmem>>, vector<1x128x128xf32>
    %get3A_280 = vector.shape_cast %get3A_279 : vector<1x128x128xf32> to vector<128x128xf32>
    %mul3A_281 = arith.mulf %select_n3A_274, %get3A_280 : vector<128x128xf32>
    %add3A_282 = arith.addf %add3A_259, %mul3A_281 : vector<128x128xf32>
    %slice3A_283 = vector.extract_strided_slice %dot_general3A_33 {offsets = [1408, 0], sizes = [128, 128], strides = [1, 1]} : vector<2048x128xf32> to vector<128x128xf32>
    %add3A_284 = arith.addf %slice3A_283, %dot_general3A_27 : vector<128x128xf32>
    %mul3A_285 = arith.constant 2.000000e-01 : f32
    %mul3A_286 = vector.broadcast %mul3A_285 : f32 to vector<128x128xf32>
    %mul3A_287 = arith.mulf %mul3A_286, %add3A_284 : vector<128x128xf32>
    %max3A_288 = arith.maximumf %add3A_284, %mul3A_287 : vector<128x128xf32>
    %gt3A_289 = arith.constant 11 : i32
    %gt3A_290 = vector.broadcast %gt3A_289 : i32 to vector<128x1xi32>
    %gt3A_291 = arith.cmpi sgt, %broadcast_in_dim3A, %gt3A_290 : vector<128x1xi32>
    %exp3A_292 = math.exp %max3A_288 : vector<128x128xf32>
    %jit3A_293 = arith.constant 0.000000e+00 : f32
    %broadcast_in_dim3A_294 = vector.shape_cast %gt3A_291 : vector<128x1xi1> to vector<128x1xi1>
    %broadcast_in_dim3A_295 = vector.broadcast %broadcast_in_dim3A_294 : vector<128x1xi1> to vector<128x128xi1>
    %broadcast_in_dim3A_296 = vector.broadcast %jit3A_293 : f32 to vector<128x128xf32>
    %select_n3A_297 = arith.select %broadcast_in_dim3A_295, %exp3A_292, %broadcast_in_dim3A_296 : vector<128x128xi1>, vector<128x128xf32>
    %add3A_298 = arith.addf %add3A_275, %select_n3A_297 : vector<128x128xf32>
    %get3A_299 = arith.constant 11 : index
    %get3A_300 = arith.constant 0 : index
    %get3A_301 = arith.constant 0 : index
    %get3A_302 = vector.load %arg1[%get3A_299, %get3A_300, %get3A_301] : memref<16x128x128xf32, #tpu.memory_space<vmem>>, vector<1x128x128xf32>
    %get3A_303 = vector.shape_cast %get3A_302 : vector<1x128x128xf32> to vector<128x128xf32>
    %mul3A_304 = arith.mulf %select_n3A_297, %get3A_303 : vector<128x128xf32>
    %add3A_305 = arith.addf %add3A_282, %mul3A_304 : vector<128x128xf32>
    %slice3A_306 = vector.extract_strided_slice %dot_general3A_33 {offsets = [1536, 0], sizes = [128, 128], strides = [1, 1]} : vector<2048x128xf32> to vector<128x128xf32>
    %add3A_307 = arith.addf %slice3A_306, %dot_general3A_27 : vector<128x128xf32>
    %mul3A_308 = arith.constant 2.000000e-01 : f32
    %mul3A_309 = vector.broadcast %mul3A_308 : f32 to vector<128x128xf32>
    %mul3A_310 = arith.mulf %mul3A_309, %add3A_307 : vector<128x128xf32>
    %max3A_311 = arith.maximumf %add3A_307, %mul3A_310 : vector<128x128xf32>
    %gt3A_312 = arith.constant 12 : i32
    %gt3A_313 = vector.broadcast %gt3A_312 : i32 to vector<128x1xi32>
    %gt3A_314 = arith.cmpi sgt, %broadcast_in_dim3A, %gt3A_313 : vector<128x1xi32>
    %exp3A_315 = math.exp %max3A_311 : vector<128x128xf32>
    %jit3A_316 = arith.constant 0.000000e+00 : f32
    %broadcast_in_dim3A_317 = vector.shape_cast %gt3A_314 : vector<128x1xi1> to vector<128x1xi1>
    %broadcast_in_dim3A_318 = vector.broadcast %broadcast_in_dim3A_317 : vector<128x1xi1> to vector<128x128xi1>
    %broadcast_in_dim3A_319 = vector.broadcast %jit3A_316 : f32 to vector<128x128xf32>
    %select_n3A_320 = arith.select %broadcast_in_dim3A_318, %exp3A_315, %broadcast_in_dim3A_319 : vector<128x128xi1>, vector<128x128xf32>
    %add3A_321 = arith.addf %add3A_298, %select_n3A_320 : vector<128x128xf32>
    %get3A_322 = arith.constant 12 : index
    %get3A_323 = arith.constant 0 : index
    %get3A_324 = arith.constant 0 : index
    %get3A_325 = vector.load %arg1[%get3A_322, %get3A_323, %get3A_324] : memref<16x128x128xf32, #tpu.memory_space<vmem>>, vector<1x128x128xf32>
    %get3A_326 = vector.shape_cast %get3A_325 : vector<1x128x128xf32> to vector<128x128xf32>
    %mul3A_327 = arith.mulf %select_n3A_320, %get3A_326 : vector<128x128xf32>
    %add3A_328 = arith.addf %add3A_305, %mul3A_327 : vector<128x128xf32>
    %slice3A_329 = vector.extract_strided_slice %dot_general3A_33 {offsets = [1664, 0], sizes = [128, 128], strides = [1, 1]} : vector<2048x128xf32> to vector<128x128xf32>
    %add3A_330 = arith.addf %slice3A_329, %dot_general3A_27 : vector<128x128xf32>
    %mul3A_331 = arith.constant 2.000000e-01 : f32
    %mul3A_332 = vector.broadcast %mul3A_331 : f32 to vector<128x128xf32>
    %mul3A_333 = arith.mulf %mul3A_332, %add3A_330 : vector<128x128xf32>
    %max3A_334 = arith.maximumf %add3A_330, %mul3A_333 : vector<128x128xf32>
    %gt3A_335 = arith.constant 13 : i32
    %gt3A_336 = vector.broadcast %gt3A_335 : i32 to vector<128x1xi32>
    %gt3A_337 = arith.cmpi sgt, %broadcast_in_dim3A, %gt3A_336 : vector<128x1xi32>
    %exp3A_338 = math.exp %max3A_334 : vector<128x128xf32>
    %jit3A_339 = arith.constant 0.000000e+00 : f32
    %broadcast_in_dim3A_340 = vector.shape_cast %gt3A_337 : vector<128x1xi1> to vector<128x1xi1>
    %broadcast_in_dim3A_341 = vector.broadcast %broadcast_in_dim3A_340 : vector<128x1xi1> to vector<128x128xi1>
    %broadcast_in_dim3A_342 = vector.broadcast %jit3A_339 : f32 to vector<128x128xf32>
    %select_n3A_343 = arith.select %broadcast_in_dim3A_341, %exp3A_338, %broadcast_in_dim3A_342 : vector<128x128xi1>, vector<128x128xf32>
    %add3A_344 = arith.addf %add3A_321, %select_n3A_343 : vector<128x128xf32>
    %get3A_345 = arith.constant 13 : index
    %get3A_346 = arith.constant 0 : index
    %get3A_347 = arith.constant 0 : index
    %get3A_348 = vector.load %arg1[%get3A_345, %get3A_346, %get3A_347] : memref<16x128x128xf32, #tpu.memory_space<vmem>>, vector<1x128x128xf32>
    %get3A_349 = vector.shape_cast %get3A_348 : vector<1x128x128xf32> to vector<128x128xf32>
    %mul3A_350 = arith.mulf %select_n3A_343, %get3A_349 : vector<128x128xf32>
    %add3A_351 = arith.addf %add3A_328, %mul3A_350 : vector<128x128xf32>
    %slice3A_352 = vector.extract_strided_slice %dot_general3A_33 {offsets = [1792, 0], sizes = [128, 128], strides = [1, 1]} : vector<2048x128xf32> to vector<128x128xf32>
    %add3A_353 = arith.addf %slice3A_352, %dot_general3A_27 : vector<128x128xf32>
    %mul3A_354 = arith.constant 2.000000e-01 : f32
    %mul3A_355 = vector.broadcast %mul3A_354 : f32 to vector<128x128xf32>
    %mul3A_356 = arith.mulf %mul3A_355, %add3A_353 : vector<128x128xf32>
    %max3A_357 = arith.maximumf %add3A_353, %mul3A_356 : vector<128x128xf32>
    %gt3A_358 = arith.constant 14 : i32
    %gt3A_359 = vector.broadcast %gt3A_358 : i32 to vector<128x1xi32>
    %gt3A_360 = arith.cmpi sgt, %broadcast_in_dim3A, %gt3A_359 : vector<128x1xi32>
    %exp3A_361 = math.exp %max3A_357 : vector<128x128xf32>
    %jit3A_362 = arith.constant 0.000000e+00 : f32
    %broadcast_in_dim3A_363 = vector.shape_cast %gt3A_360 : vector<128x1xi1> to vector<128x1xi1>
    %broadcast_in_dim3A_364 = vector.broadcast %broadcast_in_dim3A_363 : vector<128x1xi1> to vector<128x128xi1>
    %broadcast_in_dim3A_365 = vector.broadcast %jit3A_362 : f32 to vector<128x128xf32>
    %select_n3A_366 = arith.select %broadcast_in_dim3A_364, %exp3A_361, %broadcast_in_dim3A_365 : vector<128x128xi1>, vector<128x128xf32>
    %add3A_367 = arith.addf %add3A_344, %select_n3A_366 : vector<128x128xf32>
    %get3A_368 = arith.constant 14 : index
    %get3A_369 = arith.constant 0 : index
    %get3A_370 = arith.constant 0 : index
    %get3A_371 = vector.load %arg1[%get3A_368, %get3A_369, %get3A_370] : memref<16x128x128xf32, #tpu.memory_space<vmem>>, vector<1x128x128xf32>
    %get3A_372 = vector.shape_cast %get3A_371 : vector<1x128x128xf32> to vector<128x128xf32>
    %mul3A_373 = arith.mulf %select_n3A_366, %get3A_372 : vector<128x128xf32>
    %add3A_374 = arith.addf %add3A_351, %mul3A_373 : vector<128x128xf32>
    %slice3A_375 = vector.extract_strided_slice %dot_general3A_33 {offsets = [1920, 0], sizes = [128, 128], strides = [1, 1]} : vector<2048x128xf32> to vector<128x128xf32>
    %add3A_376 = arith.addf %slice3A_375, %dot_general3A_27 : vector<128x128xf32>
    %mul3A_377 = arith.constant 2.000000e-01 : f32
    %mul3A_378 = vector.broadcast %mul3A_377 : f32 to vector<128x128xf32>
    %mul3A_379 = arith.mulf %mul3A_378, %add3A_376 : vector<128x128xf32>
    %max3A_380 = arith.maximumf %add3A_376, %mul3A_379 : vector<128x128xf32>
    %gt3A_381 = arith.constant 15 : i32
    %gt3A_382 = vector.broadcast %gt3A_381 : i32 to vector<128x1xi32>
    %gt3A_383 = arith.cmpi sgt, %broadcast_in_dim3A, %gt3A_382 : vector<128x1xi32>
    %exp3A_384 = math.exp %max3A_380 : vector<128x128xf32>
    %jit3A_385 = arith.constant 0.000000e+00 : f32
    %broadcast_in_dim3A_386 = vector.shape_cast %gt3A_383 : vector<128x1xi1> to vector<128x1xi1>
    %broadcast_in_dim3A_387 = vector.broadcast %broadcast_in_dim3A_386 : vector<128x1xi1> to vector<128x128xi1>
    %broadcast_in_dim3A_388 = vector.broadcast %jit3A_385 : f32 to vector<128x128xf32>
    %select_n3A_389 = arith.select %broadcast_in_dim3A_387, %exp3A_384, %broadcast_in_dim3A_388 : vector<128x128xi1>, vector<128x128xf32>
    %add3A_390 = arith.addf %add3A_367, %select_n3A_389 : vector<128x128xf32>
    %get3A_391 = arith.constant 15 : index
    %get3A_392 = arith.constant 0 : index
    %get3A_393 = arith.constant 0 : index
    %get3A_394 = vector.load %arg1[%get3A_391, %get3A_392, %get3A_393] : memref<16x128x128xf32, #tpu.memory_space<vmem>>, vector<1x128x128xf32>
    %get3A_395 = vector.shape_cast %get3A_394 : vector<1x128x128xf32> to vector<128x128xf32>
    %mul3A_396 = arith.mulf %select_n3A_389, %get3A_395 : vector<128x128xf32>
    %add3A_397 = arith.addf %add3A_374, %mul3A_396 : vector<128x128xf32>
    %add3A_398 = arith.constant 1.000000e-30 : f32
    %add3A_399 = vector.broadcast %add3A_398 : f32 to vector<128x128xf32>
    %add3A_400 = arith.addf %add3A_390, %add3A_399 : vector<128x128xf32>
    %div3A = arith.divf %add3A_397, %add3A_400 : vector<128x128xf32>
    %get3A_401 = arith.constant 0 : index
    %get3A_402 = arith.constant 0 : index
    %get3A_403 = vector.load %arg14[%get3A_401, %get3A_402] : memref<128x128xf32, #tpu.memory_space<vmem>>, vector<128x128xf32>
    %get3A_404 = arith.constant 0 : index
    %get3A_405 = arith.constant 0 : index
    %get3A_406 = vector.load %arg15[%get3A_404, %get3A_405] : memref<128x128xf32, #tpu.memory_space<vmem>>, vector<128x128xf32>
    %dot_general3A_407 = arith.constant dense<0.000000e+00> : vector<128x128xf32>
    %dot_general3A_408 = tpu.matmul %get3A_9, %get3A_403, %dot_general3A_407 {dimension_numbers = #tpu.dot_dimension_numbers<[1], [0], [0], [1], [0, 0, 1, 1], [], []>, transpose_lhs_hint = false} : vector<128x128xf32>, vector<128x128xf32>, vector<128x128xf32> -> vector<128x128xf32>
    %get3A_409 = arith.constant 0 : index
    %get3A_410 = arith.constant 0 : index
    %get3A_411 = arith.constant 0 : index
    %get3A_412 = vector.load %arg2[%get3A_409, %get3A_410, %get3A_411] : memref<16x128x128xf32, #tpu.memory_space<vmem>>, vector<16x128x128xf32>
    %reshape3A_413 = vector.shape_cast %get3A_412 : vector<16x128x128xf32> to vector<2048x128xf32>
    %dot_general3A_414 = arith.constant dense<0.000000e+00> : vector<2048x128xf32>
    %dot_general3A_415 = tpu.matmul %reshape3A_413, %get3A_406, %dot_general3A_414 {dimension_numbers = #tpu.dot_dimension_numbers<[1], [0], [0], [1], [0, 0, 1, 1], [], []>, transpose_lhs_hint = false} : vector<2048x128xf32>, vector<128x128xf32>, vector<2048x128xf32> -> vector<2048x128xf32>
    %broadcast_in_dim3A_416 = arith.constant 0.000000e+00 : f32
    %broadcast_in_dim3A_417 = vector.broadcast %broadcast_in_dim3A_416 : f32 to vector<128x128xf32>
    %broadcast_in_dim3A_418 = arith.constant 0.000000e+00 : f32
    %broadcast_in_dim3A_419 = vector.broadcast %broadcast_in_dim3A_418 : f32 to vector<128x128xf32>
    %slice3A_420 = vector.extract_strided_slice %dot_general3A_415 {offsets = [0, 0], sizes = [128, 128], strides = [1, 1]} : vector<2048x128xf32> to vector<128x128xf32>
    %add3A_421 = arith.addf %slice3A_420, %dot_general3A_408 : vector<128x128xf32>
    %mul3A_422 = arith.constant 2.000000e-01 : f32
    %mul3A_423 = vector.broadcast %mul3A_422 : f32 to vector<128x128xf32>
    %mul3A_424 = arith.mulf %mul3A_423, %add3A_421 : vector<128x128xf32>
    %max3A_425 = arith.maximumf %add3A_421, %mul3A_424 : vector<128x128xf32>
    %gt3A_426 = arith.constant 0 : i32
    %gt3A_427 = vector.broadcast %gt3A_426 : i32 to vector<128x1xi32>
    %gt3A_428 = arith.cmpi sgt, %broadcast_in_dim3A_20, %gt3A_427 : vector<128x1xi32>
    %exp3A_429 = math.exp %max3A_425 : vector<128x128xf32>
    %jit3A_430 = arith.constant 0.000000e+00 : f32
    %broadcast_in_dim3A_431 = vector.shape_cast %gt3A_428 : vector<128x1xi1> to vector<128x1xi1>
    %broadcast_in_dim3A_432 = vector.broadcast %broadcast_in_dim3A_431 : vector<128x1xi1> to vector<128x128xi1>
    %broadcast_in_dim3A_433 = vector.broadcast %jit3A_430 : f32 to vector<128x128xf32>
    %select_n3A_434 = arith.select %broadcast_in_dim3A_432, %exp3A_429, %broadcast_in_dim3A_433 : vector<128x128xi1>, vector<128x128xf32>
    %add3A_435 = arith.addf %broadcast_in_dim3A_419, %select_n3A_434 : vector<128x128xf32>
    %get3A_436 = arith.constant 0 : index
    %get3A_437 = arith.constant 0 : index
    %get3A_438 = arith.constant 0 : index
    %get3A_439 = vector.load %arg2[%get3A_436, %get3A_437, %get3A_438] : memref<16x128x128xf32, #tpu.memory_space<vmem>>, vector<1x128x128xf32>
    %get3A_440 = vector.shape_cast %get3A_439 : vector<1x128x128xf32> to vector<128x128xf32>
    %mul3A_441 = arith.mulf %select_n3A_434, %get3A_440 : vector<128x128xf32>
    %add3A_442 = arith.addf %broadcast_in_dim3A_417, %mul3A_441 : vector<128x128xf32>
    %slice3A_443 = vector.extract_strided_slice %dot_general3A_415 {offsets = [128, 0], sizes = [128, 128], strides = [1, 1]} : vector<2048x128xf32> to vector<128x128xf32>
    %add3A_444 = arith.addf %slice3A_443, %dot_general3A_408 : vector<128x128xf32>
    %mul3A_445 = arith.constant 2.000000e-01 : f32
    %mul3A_446 = vector.broadcast %mul3A_445 : f32 to vector<128x128xf32>
    %mul3A_447 = arith.mulf %mul3A_446, %add3A_444 : vector<128x128xf32>
    %max3A_448 = arith.maximumf %add3A_444, %mul3A_447 : vector<128x128xf32>
    %gt3A_449 = arith.constant 1 : i32
    %gt3A_450 = vector.broadcast %gt3A_449 : i32 to vector<128x1xi32>
    %gt3A_451 = arith.cmpi sgt, %broadcast_in_dim3A_20, %gt3A_450 : vector<128x1xi32>
    %exp3A_452 = math.exp %max3A_448 : vector<128x128xf32>
    %jit3A_453 = arith.constant 0.000000e+00 : f32
    %broadcast_in_dim3A_454 = vector.shape_cast %gt3A_451 : vector<128x1xi1> to vector<128x1xi1>
    %broadcast_in_dim3A_455 = vector.broadcast %broadcast_in_dim3A_454 : vector<128x1xi1> to vector<128x128xi1>
    %broadcast_in_dim3A_456 = vector.broadcast %jit3A_453 : f32 to vector<128x128xf32>
    %select_n3A_457 = arith.select %broadcast_in_dim3A_455, %exp3A_452, %broadcast_in_dim3A_456 : vector<128x128xi1>, vector<128x128xf32>
    %add3A_458 = arith.addf %add3A_435, %select_n3A_457 : vector<128x128xf32>
    %get3A_459 = arith.constant 1 : index
    %get3A_460 = arith.constant 0 : index
    %get3A_461 = arith.constant 0 : index
    %get3A_462 = vector.load %arg2[%get3A_459, %get3A_460, %get3A_461] : memref<16x128x128xf32, #tpu.memory_space<vmem>>, vector<1x128x128xf32>
    %get3A_463 = vector.shape_cast %get3A_462 : vector<1x128x128xf32> to vector<128x128xf32>
    %mul3A_464 = arith.mulf %select_n3A_457, %get3A_463 : vector<128x128xf32>
    %add3A_465 = arith.addf %add3A_442, %mul3A_464 : vector<128x128xf32>
    %slice3A_466 = vector.extract_strided_slice %dot_general3A_415 {offsets = [256, 0], sizes = [128, 128], strides = [1, 1]} : vector<2048x128xf32> to vector<128x128xf32>
    %add3A_467 = arith.addf %slice3A_466, %dot_general3A_408 : vector<128x128xf32>
    %mul3A_468 = arith.constant 2.000000e-01 : f32
    %mul3A_469 = vector.broadcast %mul3A_468 : f32 to vector<128x128xf32>
    %mul3A_470 = arith.mulf %mul3A_469, %add3A_467 : vector<128x128xf32>
    %max3A_471 = arith.maximumf %add3A_467, %mul3A_470 : vector<128x128xf32>
    %gt3A_472 = arith.constant 2 : i32
    %gt3A_473 = vector.broadcast %gt3A_472 : i32 to vector<128x1xi32>
    %gt3A_474 = arith.cmpi sgt, %broadcast_in_dim3A_20, %gt3A_473 : vector<128x1xi32>
    %exp3A_475 = math.exp %max3A_471 : vector<128x128xf32>
    %jit3A_476 = arith.constant 0.000000e+00 : f32
    %broadcast_in_dim3A_477 = vector.shape_cast %gt3A_474 : vector<128x1xi1> to vector<128x1xi1>
    %broadcast_in_dim3A_478 = vector.broadcast %broadcast_in_dim3A_477 : vector<128x1xi1> to vector<128x128xi1>
    %broadcast_in_dim3A_479 = vector.broadcast %jit3A_476 : f32 to vector<128x128xf32>
    %select_n3A_480 = arith.select %broadcast_in_dim3A_478, %exp3A_475, %broadcast_in_dim3A_479 : vector<128x128xi1>, vector<128x128xf32>
    %add3A_481 = arith.addf %add3A_458, %select_n3A_480 : vector<128x128xf32>
    %get3A_482 = arith.constant 2 : index
    %get3A_483 = arith.constant 0 : index
    %get3A_484 = arith.constant 0 : index
    %get3A_485 = vector.load %arg2[%get3A_482, %get3A_483, %get3A_484] : memref<16x128x128xf32, #tpu.memory_space<vmem>>, vector<1x128x128xf32>
    %get3A_486 = vector.shape_cast %get3A_485 : vector<1x128x128xf32> to vector<128x128xf32>
    %mul3A_487 = arith.mulf %select_n3A_480, %get3A_486 : vector<128x128xf32>
    %add3A_488 = arith.addf %add3A_465, %mul3A_487 : vector<128x128xf32>
    %slice3A_489 = vector.extract_strided_slice %dot_general3A_415 {offsets = [384, 0], sizes = [128, 128], strides = [1, 1]} : vector<2048x128xf32> to vector<128x128xf32>
    %add3A_490 = arith.addf %slice3A_489, %dot_general3A_408 : vector<128x128xf32>
    %mul3A_491 = arith.constant 2.000000e-01 : f32
    %mul3A_492 = vector.broadcast %mul3A_491 : f32 to vector<128x128xf32>
    %mul3A_493 = arith.mulf %mul3A_492, %add3A_490 : vector<128x128xf32>
    %max3A_494 = arith.maximumf %add3A_490, %mul3A_493 : vector<128x128xf32>
    %gt3A_495 = arith.constant 3 : i32
    %gt3A_496 = vector.broadcast %gt3A_495 : i32 to vector<128x1xi32>
    %gt3A_497 = arith.cmpi sgt, %broadcast_in_dim3A_20, %gt3A_496 : vector<128x1xi32>
    %exp3A_498 = math.exp %max3A_494 : vector<128x128xf32>
    %jit3A_499 = arith.constant 0.000000e+00 : f32
    %broadcast_in_dim3A_500 = vector.shape_cast %gt3A_497 : vector<128x1xi1> to vector<128x1xi1>
    %broadcast_in_dim3A_501 = vector.broadcast %broadcast_in_dim3A_500 : vector<128x1xi1> to vector<128x128xi1>
    %broadcast_in_dim3A_502 = vector.broadcast %jit3A_499 : f32 to vector<128x128xf32>
    %select_n3A_503 = arith.select %broadcast_in_dim3A_501, %exp3A_498, %broadcast_in_dim3A_502 : vector<128x128xi1>, vector<128x128xf32>
    %add3A_504 = arith.addf %add3A_481, %select_n3A_503 : vector<128x128xf32>
    %get3A_505 = arith.constant 3 : index
    %get3A_506 = arith.constant 0 : index
    %get3A_507 = arith.constant 0 : index
    %get3A_508 = vector.load %arg2[%get3A_505, %get3A_506, %get3A_507] : memref<16x128x128xf32, #tpu.memory_space<vmem>>, vector<1x128x128xf32>
    %get3A_509 = vector.shape_cast %get3A_508 : vector<1x128x128xf32> to vector<128x128xf32>
    %mul3A_510 = arith.mulf %select_n3A_503, %get3A_509 : vector<128x128xf32>
    %add3A_511 = arith.addf %add3A_488, %mul3A_510 : vector<128x128xf32>
    %slice3A_512 = vector.extract_strided_slice %dot_general3A_415 {offsets = [512, 0], sizes = [128, 128], strides = [1, 1]} : vector<2048x128xf32> to vector<128x128xf32>
    %add3A_513 = arith.addf %slice3A_512, %dot_general3A_408 : vector<128x128xf32>
    %mul3A_514 = arith.constant 2.000000e-01 : f32
    %mul3A_515 = vector.broadcast %mul3A_514 : f32 to vector<128x128xf32>
    %mul3A_516 = arith.mulf %mul3A_515, %add3A_513 : vector<128x128xf32>
    %max3A_517 = arith.maximumf %add3A_513, %mul3A_516 : vector<128x128xf32>
    %gt3A_518 = arith.constant 4 : i32
    %gt3A_519 = vector.broadcast %gt3A_518 : i32 to vector<128x1xi32>
    %gt3A_520 = arith.cmpi sgt, %broadcast_in_dim3A_20, %gt3A_519 : vector<128x1xi32>
    %exp3A_521 = math.exp %max3A_517 : vector<128x128xf32>
    %jit3A_522 = arith.constant 0.000000e+00 : f32
    %broadcast_in_dim3A_523 = vector.shape_cast %gt3A_520 : vector<128x1xi1> to vector<128x1xi1>
    %broadcast_in_dim3A_524 = vector.broadcast %broadcast_in_dim3A_523 : vector<128x1xi1> to vector<128x128xi1>
    %broadcast_in_dim3A_525 = vector.broadcast %jit3A_522 : f32 to vector<128x128xf32>
    %select_n3A_526 = arith.select %broadcast_in_dim3A_524, %exp3A_521, %broadcast_in_dim3A_525 : vector<128x128xi1>, vector<128x128xf32>
    %add3A_527 = arith.addf %add3A_504, %select_n3A_526 : vector<128x128xf32>
    %get3A_528 = arith.constant 4 : index
    %get3A_529 = arith.constant 0 : index
    %get3A_530 = arith.constant 0 : index
    %get3A_531 = vector.load %arg2[%get3A_528, %get3A_529, %get3A_530] : memref<16x128x128xf32, #tpu.memory_space<vmem>>, vector<1x128x128xf32>
    %get3A_532 = vector.shape_cast %get3A_531 : vector<1x128x128xf32> to vector<128x128xf32>
    %mul3A_533 = arith.mulf %select_n3A_526, %get3A_532 : vector<128x128xf32>
    %add3A_534 = arith.addf %add3A_511, %mul3A_533 : vector<128x128xf32>
    %slice3A_535 = vector.extract_strided_slice %dot_general3A_415 {offsets = [640, 0], sizes = [128, 128], strides = [1, 1]} : vector<2048x128xf32> to vector<128x128xf32>
    %add3A_536 = arith.addf %slice3A_535, %dot_general3A_408 : vector<128x128xf32>
    %mul3A_537 = arith.constant 2.000000e-01 : f32
    %mul3A_538 = vector.broadcast %mul3A_537 : f32 to vector<128x128xf32>
    %mul3A_539 = arith.mulf %mul3A_538, %add3A_536 : vector<128x128xf32>
    %max3A_540 = arith.maximumf %add3A_536, %mul3A_539 : vector<128x128xf32>
    %gt3A_541 = arith.constant 5 : i32
    %gt3A_542 = vector.broadcast %gt3A_541 : i32 to vector<128x1xi32>
    %gt3A_543 = arith.cmpi sgt, %broadcast_in_dim3A_20, %gt3A_542 : vector<128x1xi32>
    %exp3A_544 = math.exp %max3A_540 : vector<128x128xf32>
    %jit3A_545 = arith.constant 0.000000e+00 : f32
    %broadcast_in_dim3A_546 = vector.shape_cast %gt3A_543 : vector<128x1xi1> to vector<128x1xi1>
    %broadcast_in_dim3A_547 = vector.broadcast %broadcast_in_dim3A_546 : vector<128x1xi1> to vector<128x128xi1>
    %broadcast_in_dim3A_548 = vector.broadcast %jit3A_545 : f32 to vector<128x128xf32>
    %select_n3A_549 = arith.select %broadcast_in_dim3A_547, %exp3A_544, %broadcast_in_dim3A_548 : vector<128x128xi1>, vector<128x128xf32>
    %add3A_550 = arith.addf %add3A_527, %select_n3A_549 : vector<128x128xf32>
    %get3A_551 = arith.constant 5 : index
    %get3A_552 = arith.constant 0 : index
    %get3A_553 = arith.constant 0 : index
    %get3A_554 = vector.load %arg2[%get3A_551, %get3A_552, %get3A_553] : memref<16x128x128xf32, #tpu.memory_space<vmem>>, vector<1x128x128xf32>
    %get3A_555 = vector.shape_cast %get3A_554 : vector<1x128x128xf32> to vector<128x128xf32>
    %mul3A_556 = arith.mulf %select_n3A_549, %get3A_555 : vector<128x128xf32>
    %add3A_557 = arith.addf %add3A_534, %mul3A_556 : vector<128x128xf32>
    %slice3A_558 = vector.extract_strided_slice %dot_general3A_415 {offsets = [768, 0], sizes = [128, 128], strides = [1, 1]} : vector<2048x128xf32> to vector<128x128xf32>
    %add3A_559 = arith.addf %slice3A_558, %dot_general3A_408 : vector<128x128xf32>
    %mul3A_560 = arith.constant 2.000000e-01 : f32
    %mul3A_561 = vector.broadcast %mul3A_560 : f32 to vector<128x128xf32>
    %mul3A_562 = arith.mulf %mul3A_561, %add3A_559 : vector<128x128xf32>
    %max3A_563 = arith.maximumf %add3A_559, %mul3A_562 : vector<128x128xf32>
    %gt3A_564 = arith.constant 6 : i32
    %gt3A_565 = vector.broadcast %gt3A_564 : i32 to vector<128x1xi32>
    %gt3A_566 = arith.cmpi sgt, %broadcast_in_dim3A_20, %gt3A_565 : vector<128x1xi32>
    %exp3A_567 = math.exp %max3A_563 : vector<128x128xf32>
    %jit3A_568 = arith.constant 0.000000e+00 : f32
    %broadcast_in_dim3A_569 = vector.shape_cast %gt3A_566 : vector<128x1xi1> to vector<128x1xi1>
    %broadcast_in_dim3A_570 = vector.broadcast %broadcast_in_dim3A_569 : vector<128x1xi1> to vector<128x128xi1>
    %broadcast_in_dim3A_571 = vector.broadcast %jit3A_568 : f32 to vector<128x128xf32>
    %select_n3A_572 = arith.select %broadcast_in_dim3A_570, %exp3A_567, %broadcast_in_dim3A_571 : vector<128x128xi1>, vector<128x128xf32>
    %add3A_573 = arith.addf %add3A_550, %select_n3A_572 : vector<128x128xf32>
    %get3A_574 = arith.constant 6 : index
    %get3A_575 = arith.constant 0 : index
    %get3A_576 = arith.constant 0 : index
    %get3A_577 = vector.load %arg2[%get3A_574, %get3A_575, %get3A_576] : memref<16x128x128xf32, #tpu.memory_space<vmem>>, vector<1x128x128xf32>
    %get3A_578 = vector.shape_cast %get3A_577 : vector<1x128x128xf32> to vector<128x128xf32>
    %mul3A_579 = arith.mulf %select_n3A_572, %get3A_578 : vector<128x128xf32>
    %add3A_580 = arith.addf %add3A_557, %mul3A_579 : vector<128x128xf32>
    %slice3A_581 = vector.extract_strided_slice %dot_general3A_415 {offsets = [896, 0], sizes = [128, 128], strides = [1, 1]} : vector<2048x128xf32> to vector<128x128xf32>
    %add3A_582 = arith.addf %slice3A_581, %dot_general3A_408 : vector<128x128xf32>
    %mul3A_583 = arith.constant 2.000000e-01 : f32
    %mul3A_584 = vector.broadcast %mul3A_583 : f32 to vector<128x128xf32>
    %mul3A_585 = arith.mulf %mul3A_584, %add3A_582 : vector<128x128xf32>
    %max3A_586 = arith.maximumf %add3A_582, %mul3A_585 : vector<128x128xf32>
    %gt3A_587 = arith.constant 7 : i32
    %gt3A_588 = vector.broadcast %gt3A_587 : i32 to vector<128x1xi32>
    %gt3A_589 = arith.cmpi sgt, %broadcast_in_dim3A_20, %gt3A_588 : vector<128x1xi32>
    %exp3A_590 = math.exp %max3A_586 : vector<128x128xf32>
    %jit3A_591 = arith.constant 0.000000e+00 : f32
    %broadcast_in_dim3A_592 = vector.shape_cast %gt3A_589 : vector<128x1xi1> to vector<128x1xi1>
    %broadcast_in_dim3A_593 = vector.broadcast %broadcast_in_dim3A_592 : vector<128x1xi1> to vector<128x128xi1>
    %broadcast_in_dim3A_594 = vector.broadcast %jit3A_591 : f32 to vector<128x128xf32>
    %select_n3A_595 = arith.select %broadcast_in_dim3A_593, %exp3A_590, %broadcast_in_dim3A_594 : vector<128x128xi1>, vector<128x128xf32>
    %add3A_596 = arith.addf %add3A_573, %select_n3A_595 : vector<128x128xf32>
    %get3A_597 = arith.constant 7 : index
    %get3A_598 = arith.constant 0 : index
    %get3A_599 = arith.constant 0 : index
    %get3A_600 = vector.load %arg2[%get3A_597, %get3A_598, %get3A_599] : memref<16x128x128xf32, #tpu.memory_space<vmem>>, vector<1x128x128xf32>
    %get3A_601 = vector.shape_cast %get3A_600 : vector<1x128x128xf32> to vector<128x128xf32>
    %mul3A_602 = arith.mulf %select_n3A_595, %get3A_601 : vector<128x128xf32>
    %add3A_603 = arith.addf %add3A_580, %mul3A_602 : vector<128x128xf32>
    %slice3A_604 = vector.extract_strided_slice %dot_general3A_415 {offsets = [1024, 0], sizes = [128, 128], strides = [1, 1]} : vector<2048x128xf32> to vector<128x128xf32>
    %add3A_605 = arith.addf %slice3A_604, %dot_general3A_408 : vector<128x128xf32>
    %mul3A_606 = arith.constant 2.000000e-01 : f32
    %mul3A_607 = vector.broadcast %mul3A_606 : f32 to vector<128x128xf32>
    %mul3A_608 = arith.mulf %mul3A_607, %add3A_605 : vector<128x128xf32>
    %max3A_609 = arith.maximumf %add3A_605, %mul3A_608 : vector<128x128xf32>
    %gt3A_610 = arith.constant 8 : i32
    %gt3A_611 = vector.broadcast %gt3A_610 : i32 to vector<128x1xi32>
    %gt3A_612 = arith.cmpi sgt, %broadcast_in_dim3A_20, %gt3A_611 : vector<128x1xi32>
    %exp3A_613 = math.exp %max3A_609 : vector<128x128xf32>
    %jit3A_614 = arith.constant 0.000000e+00 : f32
    %broadcast_in_dim3A_615 = vector.shape_cast %gt3A_612 : vector<128x1xi1> to vector<128x1xi1>
    %broadcast_in_dim3A_616 = vector.broadcast %broadcast_in_dim3A_615 : vector<128x1xi1> to vector<128x128xi1>
    %broadcast_in_dim3A_617 = vector.broadcast %jit3A_614 : f32 to vector<128x128xf32>
    %select_n3A_618 = arith.select %broadcast_in_dim3A_616, %exp3A_613, %broadcast_in_dim3A_617 : vector<128x128xi1>, vector<128x128xf32>
    %add3A_619 = arith.addf %add3A_596, %select_n3A_618 : vector<128x128xf32>
    %get3A_620 = arith.constant 8 : index
    %get3A_621 = arith.constant 0 : index
    %get3A_622 = arith.constant 0 : index
    %get3A_623 = vector.load %arg2[%get3A_620, %get3A_621, %get3A_622] : memref<16x128x128xf32, #tpu.memory_space<vmem>>, vector<1x128x128xf32>
    %get3A_624 = vector.shape_cast %get3A_623 : vector<1x128x128xf32> to vector<128x128xf32>
    %mul3A_625 = arith.mulf %select_n3A_618, %get3A_624 : vector<128x128xf32>
    %add3A_626 = arith.addf %add3A_603, %mul3A_625 : vector<128x128xf32>
    %slice3A_627 = vector.extract_strided_slice %dot_general3A_415 {offsets = [1152, 0], sizes = [128, 128], strides = [1, 1]} : vector<2048x128xf32> to vector<128x128xf32>
    %add3A_628 = arith.addf %slice3A_627, %dot_general3A_408 : vector<128x128xf32>
    %mul3A_629 = arith.constant 2.000000e-01 : f32
    %mul3A_630 = vector.broadcast %mul3A_629 : f32 to vector<128x128xf32>
    %mul3A_631 = arith.mulf %mul3A_630, %add3A_628 : vector<128x128xf32>
    %max3A_632 = arith.maximumf %add3A_628, %mul3A_631 : vector<128x128xf32>
    %gt3A_633 = arith.constant 9 : i32
    %gt3A_634 = vector.broadcast %gt3A_633 : i32 to vector<128x1xi32>
    %gt3A_635 = arith.cmpi sgt, %broadcast_in_dim3A_20, %gt3A_634 : vector<128x1xi32>
    %exp3A_636 = math.exp %max3A_632 : vector<128x128xf32>
    %jit3A_637 = arith.constant 0.000000e+00 : f32
    %broadcast_in_dim3A_638 = vector.shape_cast %gt3A_635 : vector<128x1xi1> to vector<128x1xi1>
    %broadcast_in_dim3A_639 = vector.broadcast %broadcast_in_dim3A_638 : vector<128x1xi1> to vector<128x128xi1>
    %broadcast_in_dim3A_640 = vector.broadcast %jit3A_637 : f32 to vector<128x128xf32>
    %select_n3A_641 = arith.select %broadcast_in_dim3A_639, %exp3A_636, %broadcast_in_dim3A_640 : vector<128x128xi1>, vector<128x128xf32>
    %add3A_642 = arith.addf %add3A_619, %select_n3A_641 : vector<128x128xf32>
    %get3A_643 = arith.constant 9 : index
    %get3A_644 = arith.constant 0 : index
    %get3A_645 = arith.constant 0 : index
    %get3A_646 = vector.load %arg2[%get3A_643, %get3A_644, %get3A_645] : memref<16x128x128xf32, #tpu.memory_space<vmem>>, vector<1x128x128xf32>
    %get3A_647 = vector.shape_cast %get3A_646 : vector<1x128x128xf32> to vector<128x128xf32>
    %mul3A_648 = arith.mulf %select_n3A_641, %get3A_647 : vector<128x128xf32>
    %add3A_649 = arith.addf %add3A_626, %mul3A_648 : vector<128x128xf32>
    %slice3A_650 = vector.extract_strided_slice %dot_general3A_415 {offsets = [1280, 0], sizes = [128, 128], strides = [1, 1]} : vector<2048x128xf32> to vector<128x128xf32>
    %add3A_651 = arith.addf %slice3A_650, %dot_general3A_408 : vector<128x128xf32>
    %mul3A_652 = arith.constant 2.000000e-01 : f32
    %mul3A_653 = vector.broadcast %mul3A_652 : f32 to vector<128x128xf32>
    %mul3A_654 = arith.mulf %mul3A_653, %add3A_651 : vector<128x128xf32>
    %max3A_655 = arith.maximumf %add3A_651, %mul3A_654 : vector<128x128xf32>
    %gt3A_656 = arith.constant 10 : i32
    %gt3A_657 = vector.broadcast %gt3A_656 : i32 to vector<128x1xi32>
    %gt3A_658 = arith.cmpi sgt, %broadcast_in_dim3A_20, %gt3A_657 : vector<128x1xi32>
    %exp3A_659 = math.exp %max3A_655 : vector<128x128xf32>
    %jit3A_660 = arith.constant 0.000000e+00 : f32
    %broadcast_in_dim3A_661 = vector.shape_cast %gt3A_658 : vector<128x1xi1> to vector<128x1xi1>
    %broadcast_in_dim3A_662 = vector.broadcast %broadcast_in_dim3A_661 : vector<128x1xi1> to vector<128x128xi1>
    %broadcast_in_dim3A_663 = vector.broadcast %jit3A_660 : f32 to vector<128x128xf32>
    %select_n3A_664 = arith.select %broadcast_in_dim3A_662, %exp3A_659, %broadcast_in_dim3A_663 : vector<128x128xi1>, vector<128x128xf32>
    %add3A_665 = arith.addf %add3A_642, %select_n3A_664 : vector<128x128xf32>
    %get3A_666 = arith.constant 10 : index
    %get3A_667 = arith.constant 0 : index
    %get3A_668 = arith.constant 0 : index
    %get3A_669 = vector.load %arg2[%get3A_666, %get3A_667, %get3A_668] : memref<16x128x128xf32, #tpu.memory_space<vmem>>, vector<1x128x128xf32>
    %get3A_670 = vector.shape_cast %get3A_669 : vector<1x128x128xf32> to vector<128x128xf32>
    %mul3A_671 = arith.mulf %select_n3A_664, %get3A_670 : vector<128x128xf32>
    %add3A_672 = arith.addf %add3A_649, %mul3A_671 : vector<128x128xf32>
    %slice3A_673 = vector.extract_strided_slice %dot_general3A_415 {offsets = [1408, 0], sizes = [128, 128], strides = [1, 1]} : vector<2048x128xf32> to vector<128x128xf32>
    %add3A_674 = arith.addf %slice3A_673, %dot_general3A_408 : vector<128x128xf32>
    %mul3A_675 = arith.constant 2.000000e-01 : f32
    %mul3A_676 = vector.broadcast %mul3A_675 : f32 to vector<128x128xf32>
    %mul3A_677 = arith.mulf %mul3A_676, %add3A_674 : vector<128x128xf32>
    %max3A_678 = arith.maximumf %add3A_674, %mul3A_677 : vector<128x128xf32>
    %gt3A_679 = arith.constant 11 : i32
    %gt3A_680 = vector.broadcast %gt3A_679 : i32 to vector<128x1xi32>
    %gt3A_681 = arith.cmpi sgt, %broadcast_in_dim3A_20, %gt3A_680 : vector<128x1xi32>
    %exp3A_682 = math.exp %max3A_678 : vector<128x128xf32>
    %jit3A_683 = arith.constant 0.000000e+00 : f32
    %broadcast_in_dim3A_684 = vector.shape_cast %gt3A_681 : vector<128x1xi1> to vector<128x1xi1>
    %broadcast_in_dim3A_685 = vector.broadcast %broadcast_in_dim3A_684 : vector<128x1xi1> to vector<128x128xi1>
    %broadcast_in_dim3A_686 = vector.broadcast %jit3A_683 : f32 to vector<128x128xf32>
    %select_n3A_687 = arith.select %broadcast_in_dim3A_685, %exp3A_682, %broadcast_in_dim3A_686 : vector<128x128xi1>, vector<128x128xf32>
    %add3A_688 = arith.addf %add3A_665, %select_n3A_687 : vector<128x128xf32>
    %get3A_689 = arith.constant 11 : index
    %get3A_690 = arith.constant 0 : index
    %get3A_691 = arith.constant 0 : index
    %get3A_692 = vector.load %arg2[%get3A_689, %get3A_690, %get3A_691] : memref<16x128x128xf32, #tpu.memory_space<vmem>>, vector<1x128x128xf32>
    %get3A_693 = vector.shape_cast %get3A_692 : vector<1x128x128xf32> to vector<128x128xf32>
    %mul3A_694 = arith.mulf %select_n3A_687, %get3A_693 : vector<128x128xf32>
    %add3A_695 = arith.addf %add3A_672, %mul3A_694 : vector<128x128xf32>
    %slice3A_696 = vector.extract_strided_slice %dot_general3A_415 {offsets = [1536, 0], sizes = [128, 128], strides = [1, 1]} : vector<2048x128xf32> to vector<128x128xf32>
    %add3A_697 = arith.addf %slice3A_696, %dot_general3A_408 : vector<128x128xf32>
    %mul3A_698 = arith.constant 2.000000e-01 : f32
    %mul3A_699 = vector.broadcast %mul3A_698 : f32 to vector<128x128xf32>
    %mul3A_700 = arith.mulf %mul3A_699, %add3A_697 : vector<128x128xf32>
    %max3A_701 = arith.maximumf %add3A_697, %mul3A_700 : vector<128x128xf32>
    %gt3A_702 = arith.constant 12 : i32
    %gt3A_703 = vector.broadcast %gt3A_702 : i32 to vector<128x1xi32>
    %gt3A_704 = arith.cmpi sgt, %broadcast_in_dim3A_20, %gt3A_703 : vector<128x1xi32>
    %exp3A_705 = math.exp %max3A_701 : vector<128x128xf32>
    %jit3A_706 = arith.constant 0.000000e+00 : f32
    %broadcast_in_dim3A_707 = vector.shape_cast %gt3A_704 : vector<128x1xi1> to vector<128x1xi1>
    %broadcast_in_dim3A_708 = vector.broadcast %broadcast_in_dim3A_707 : vector<128x1xi1> to vector<128x128xi1>
    %broadcast_in_dim3A_709 = vector.broadcast %jit3A_706 : f32 to vector<128x128xf32>
    %select_n3A_710 = arith.select %broadcast_in_dim3A_708, %exp3A_705, %broadcast_in_dim3A_709 : vector<128x128xi1>, vector<128x128xf32>
    %add3A_711 = arith.addf %add3A_688, %select_n3A_710 : vector<128x128xf32>
    %get3A_712 = arith.constant 12 : index
    %get3A_713 = arith.constant 0 : index
    %get3A_714 = arith.constant 0 : index
    %get3A_715 = vector.load %arg2[%get3A_712, %get3A_713, %get3A_714] : memref<16x128x128xf32, #tpu.memory_space<vmem>>, vector<1x128x128xf32>
    %get3A_716 = vector.shape_cast %get3A_715 : vector<1x128x128xf32> to vector<128x128xf32>
    %mul3A_717 = arith.mulf %select_n3A_710, %get3A_716 : vector<128x128xf32>
    %add3A_718 = arith.addf %add3A_695, %mul3A_717 : vector<128x128xf32>
    %slice3A_719 = vector.extract_strided_slice %dot_general3A_415 {offsets = [1664, 0], sizes = [128, 128], strides = [1, 1]} : vector<2048x128xf32> to vector<128x128xf32>
    %add3A_720 = arith.addf %slice3A_719, %dot_general3A_408 : vector<128x128xf32>
    %mul3A_721 = arith.constant 2.000000e-01 : f32
    %mul3A_722 = vector.broadcast %mul3A_721 : f32 to vector<128x128xf32>
    %mul3A_723 = arith.mulf %mul3A_722, %add3A_720 : vector<128x128xf32>
    %max3A_724 = arith.maximumf %add3A_720, %mul3A_723 : vector<128x128xf32>
    %gt3A_725 = arith.constant 13 : i32
    %gt3A_726 = vector.broadcast %gt3A_725 : i32 to vector<128x1xi32>
    %gt3A_727 = arith.cmpi sgt, %broadcast_in_dim3A_20, %gt3A_726 : vector<128x1xi32>
    %exp3A_728 = math.exp %max3A_724 : vector<128x128xf32>
    %jit3A_729 = arith.constant 0.000000e+00 : f32
    %broadcast_in_dim3A_730 = vector.shape_cast %gt3A_727 : vector<128x1xi1> to vector<128x1xi1>
    %broadcast_in_dim3A_731 = vector.broadcast %broadcast_in_dim3A_730 : vector<128x1xi1> to vector<128x128xi1>
    %broadcast_in_dim3A_732 = vector.broadcast %jit3A_729 : f32 to vector<128x128xf32>
    %select_n3A_733 = arith.select %broadcast_in_dim3A_731, %exp3A_728, %broadcast_in_dim3A_732 : vector<128x128xi1>, vector<128x128xf32>
    %add3A_734 = arith.addf %add3A_711, %select_n3A_733 : vector<128x128xf32>
    %get3A_735 = arith.constant 13 : index
    %get3A_736 = arith.constant 0 : index
    %get3A_737 = arith.constant 0 : index
    %get3A_738 = vector.load %arg2[%get3A_735, %get3A_736, %get3A_737] : memref<16x128x128xf32, #tpu.memory_space<vmem>>, vector<1x128x128xf32>
    %get3A_739 = vector.shape_cast %get3A_738 : vector<1x128x128xf32> to vector<128x128xf32>
    %mul3A_740 = arith.mulf %select_n3A_733, %get3A_739 : vector<128x128xf32>
    %add3A_741 = arith.addf %add3A_718, %mul3A_740 : vector<128x128xf32>
    %slice3A_742 = vector.extract_strided_slice %dot_general3A_415 {offsets = [1792, 0], sizes = [128, 128], strides = [1, 1]} : vector<2048x128xf32> to vector<128x128xf32>
    %add3A_743 = arith.addf %slice3A_742, %dot_general3A_408 : vector<128x128xf32>
    %mul3A_744 = arith.constant 2.000000e-01 : f32
    %mul3A_745 = vector.broadcast %mul3A_744 : f32 to vector<128x128xf32>
    %mul3A_746 = arith.mulf %mul3A_745, %add3A_743 : vector<128x128xf32>
    %max3A_747 = arith.maximumf %add3A_743, %mul3A_746 : vector<128x128xf32>
    %gt3A_748 = arith.constant 14 : i32
    %gt3A_749 = vector.broadcast %gt3A_748 : i32 to vector<128x1xi32>
    %gt3A_750 = arith.cmpi sgt, %broadcast_in_dim3A_20, %gt3A_749 : vector<128x1xi32>
    %exp3A_751 = math.exp %max3A_747 : vector<128x128xf32>
    %jit3A_752 = arith.constant 0.000000e+00 : f32
    %broadcast_in_dim3A_753 = vector.shape_cast %gt3A_750 : vector<128x1xi1> to vector<128x1xi1>
    %broadcast_in_dim3A_754 = vector.broadcast %broadcast_in_dim3A_753 : vector<128x1xi1> to vector<128x128xi1>
    %broadcast_in_dim3A_755 = vector.broadcast %jit3A_752 : f32 to vector<128x128xf32>
    %select_n3A_756 = arith.select %broadcast_in_dim3A_754, %exp3A_751, %broadcast_in_dim3A_755 : vector<128x128xi1>, vector<128x128xf32>
    %add3A_757 = arith.addf %add3A_734, %select_n3A_756 : vector<128x128xf32>
    %get3A_758 = arith.constant 14 : index
    %get3A_759 = arith.constant 0 : index
    %get3A_760 = arith.constant 0 : index
    %get3A_761 = vector.load %arg2[%get3A_758, %get3A_759, %get3A_760] : memref<16x128x128xf32, #tpu.memory_space<vmem>>, vector<1x128x128xf32>
    %get3A_762 = vector.shape_cast %get3A_761 : vector<1x128x128xf32> to vector<128x128xf32>
    %mul3A_763 = arith.mulf %select_n3A_756, %get3A_762 : vector<128x128xf32>
    %add3A_764 = arith.addf %add3A_741, %mul3A_763 : vector<128x128xf32>
    %slice3A_765 = vector.extract_strided_slice %dot_general3A_415 {offsets = [1920, 0], sizes = [128, 128], strides = [1, 1]} : vector<2048x128xf32> to vector<128x128xf32>
    %add3A_766 = arith.addf %slice3A_765, %dot_general3A_408 : vector<128x128xf32>
    %mul3A_767 = arith.constant 2.000000e-01 : f32
    %mul3A_768 = vector.broadcast %mul3A_767 : f32 to vector<128x128xf32>
    %mul3A_769 = arith.mulf %mul3A_768, %add3A_766 : vector<128x128xf32>
    %max3A_770 = arith.maximumf %add3A_766, %mul3A_769 : vector<128x128xf32>
    %gt3A_771 = arith.constant 15 : i32
    %gt3A_772 = vector.broadcast %gt3A_771 : i32 to vector<128x1xi32>
    %gt3A_773 = arith.cmpi sgt, %broadcast_in_dim3A_20, %gt3A_772 : vector<128x1xi32>
    %exp3A_774 = math.exp %max3A_770 : vector<128x128xf32>
    %jit3A_775 = arith.constant 0.000000e+00 : f32
    %broadcast_in_dim3A_776 = vector.shape_cast %gt3A_773 : vector<128x1xi1> to vector<128x1xi1>
    %broadcast_in_dim3A_777 = vector.broadcast %broadcast_in_dim3A_776 : vector<128x1xi1> to vector<128x128xi1>
    %broadcast_in_dim3A_778 = vector.broadcast %jit3A_775 : f32 to vector<128x128xf32>
    %select_n3A_779 = arith.select %broadcast_in_dim3A_777, %exp3A_774, %broadcast_in_dim3A_778 : vector<128x128xi1>, vector<128x128xf32>
    %add3A_780 = arith.addf %add3A_757, %select_n3A_779 : vector<128x128xf32>
    %get3A_781 = arith.constant 15 : index
    %get3A_782 = arith.constant 0 : index
    %get3A_783 = arith.constant 0 : index
    %get3A_784 = vector.load %arg2[%get3A_781, %get3A_782, %get3A_783] : memref<16x128x128xf32, #tpu.memory_space<vmem>>, vector<1x128x128xf32>
    %get3A_785 = vector.shape_cast %get3A_784 : vector<1x128x128xf32> to vector<128x128xf32>
    %mul3A_786 = arith.mulf %select_n3A_779, %get3A_785 : vector<128x128xf32>
    %add3A_787 = arith.addf %add3A_764, %mul3A_786 : vector<128x128xf32>
    %add3A_788 = arith.constant 1.000000e-30 : f32
    %add3A_789 = vector.broadcast %add3A_788 : f32 to vector<128x128xf32>
    %add3A_790 = arith.addf %add3A_780, %add3A_789 : vector<128x128xf32>
    %div3A_791 = arith.divf %add3A_787, %add3A_790 : vector<128x128xf32>
    %mul3A_792 = arith.constant 1.010000e+00 : f32
    %mul3A_793 = vector.broadcast %mul3A_792 : f32 to vector<128x128xf32>
    %mul3A_794 = arith.mulf %mul3A_793, %get3A_9 : vector<128x128xf32>
    %concatenate3A = tpu.concatenate %mul3A_794, %div3A, %div3A_791 in 1 : vector<128x128xf32>, vector<128x128xf32>, vector<128x128xf32> -> vector<128x384xf32>
    %dot_general3A_795 = arith.constant dense<0.000000e+00> : vector<128x128xf32>
    %dot_general3A_796 = tpu.matmul %concatenate3A, %get3A_1, %dot_general3A_795 {dimension_numbers = #tpu.dot_dimension_numbers<[1], [1], [0], [0], [0, 0, 1, 0], [], []>, transpose_lhs_hint = false} : vector<128x384xf32>, vector<128x384xf32>, vector<128x128xf32> -> vector<128x128xf32>
    %add3A_797 = vector.broadcast %get3A_4 : vector<1x128xf32> to vector<128x128xf32>
    %add3A_798 = arith.addf %dot_general3A_796, %add3A_797 : vector<128x128xf32>
    %max3A_799 = arith.constant 0.000000e+00 : f32
    %max3A_800 = vector.broadcast %max3A_799 : f32 to vector<128x128xf32>
    %max3A_801 = arith.maximumf %add3A_798, %max3A_800 : vector<128x128xf32>
    %mul3A_802 = arith.mulf %max3A_801, %max3A_801 : vector<128x128xf32>
    %reduce_sum3A = arith.constant dense<0.000000e+00> : vector<128xf32>
    %reduce_sum3A_803 = vector.multi_reduction <add>, %mul3A_802, %reduce_sum3A [1] : vector<128x128xf32> to vector<128xf32>
    %broadcast_in_dim3A_804 = vector.shape_cast %reduce_sum3A_803 : vector<128xf32> to vector<128x1xf32>
    %sqrt3A = math.sqrt %broadcast_in_dim3A_804 : vector<128x1xf32>
    %max3A_805 = arith.constant 9.99999996E-13 : f32
    %max3A_806 = vector.broadcast %max3A_805 : f32 to vector<128x1xf32>
    %max3A_807 = arith.maximumf %sqrt3A, %max3A_806 : vector<128x1xf32>
    %div3A_808 = vector.broadcast %max3A_807 : vector<128x1xf32> to vector<128x128xf32>
    %div3A_809 = arith.divf %max3A_801, %div3A_808 : vector<128x128xf32>
    %get3A_810 = arith.constant 0 : index
    %get3A_811 = arith.constant 0 : index
    %get3A_812 = arith.constant 0 : index
    %get3A_813 = vector.load %arg6[%get3A_810, %get3A_811, %get3A_812] : memref<1x128x128xf32, #tpu.memory_space<vmem>>, vector<1x128x128xf32>
    %get3A_814 = vector.shape_cast %get3A_813 : vector<1x128x128xf32> to vector<128x128xf32>
    %get3A_815 = arith.constant 0 : index
    %get3A_816 = arith.constant 0 : index
    %get3A_817 = arith.constant 0 : index
    %get3A_818 = vector.load %arg10[%get3A_815, %get3A_816, %get3A_817] : memref<1x1x128xi32, #tpu.memory_space<vmem>>, vector<1x1x128xi32>
    %get3A_819 = vector.shape_cast %get3A_818 : vector<1x1x128xi32> to vector<128xi32>
    %broadcast_in_dim3A_820 = vector.shape_cast %get3A_819 : vector<128xi32> to vector<128x1xi32>
    %get3A_821 = arith.constant 0 : index
    %get3A_822 = arith.constant 0 : index
    %get3A_823 = arith.constant 0 : index
    %get3A_824 = vector.load %arg11[%get3A_821, %get3A_822, %get3A_823] : memref<1x1x128xi32, #tpu.memory_space<vmem>>, vector<1x1x128xi32>
    %get3A_825 = vector.shape_cast %get3A_824 : vector<1x1x128xi32> to vector<128xi32>
    %broadcast_in_dim3A_826 = vector.shape_cast %get3A_825 : vector<128xi32> to vector<128x1xi32>
    %get3A_827 = arith.constant 0 : index
    %get3A_828 = arith.constant 0 : index
    %get3A_829 = vector.load %arg12[%get3A_827, %get3A_828] : memref<128x128xf32, #tpu.memory_space<vmem>>, vector<128x128xf32>
    %get3A_830 = arith.constant 0 : index
    %get3A_831 = arith.constant 0 : index
    %get3A_832 = vector.load %arg13[%get3A_830, %get3A_831] : memref<128x128xf32, #tpu.memory_space<vmem>>, vector<128x128xf32>
    %dot_general3A_833 = arith.constant dense<0.000000e+00> : vector<128x128xf32>
    %dot_general3A_834 = tpu.matmul %get3A_814, %get3A_829, %dot_general3A_833 {dimension_numbers = #tpu.dot_dimension_numbers<[1], [0], [0], [1], [0, 0, 1, 1], [], []>, transpose_lhs_hint = false} : vector<128x128xf32>, vector<128x128xf32>, vector<128x128xf32> -> vector<128x128xf32>
    %get3A_835 = arith.constant 0 : index
    %get3A_836 = arith.constant 0 : index
    %get3A_837 = arith.constant 0 : index
    %get3A_838 = vector.load %arg3[%get3A_835, %get3A_836, %get3A_837] : memref<16x128x128xf32, #tpu.memory_space<vmem>>, vector<16x128x128xf32>
    %reshape3A_839 = vector.shape_cast %get3A_838 : vector<16x128x128xf32> to vector<2048x128xf32>
    %dot_general3A_840 = arith.constant dense<0.000000e+00> : vector<2048x128xf32>
    %dot_general3A_841 = tpu.matmul %reshape3A_839, %get3A_832, %dot_general3A_840 {dimension_numbers = #tpu.dot_dimension_numbers<[1], [0], [0], [1], [0, 0, 1, 1], [], []>, transpose_lhs_hint = false} : vector<2048x128xf32>, vector<128x128xf32>, vector<2048x128xf32> -> vector<2048x128xf32>
    %broadcast_in_dim3A_842 = arith.constant 0.000000e+00 : f32
    %broadcast_in_dim3A_843 = vector.broadcast %broadcast_in_dim3A_842 : f32 to vector<128x128xf32>
    %broadcast_in_dim3A_844 = arith.constant 0.000000e+00 : f32
    %broadcast_in_dim3A_845 = vector.broadcast %broadcast_in_dim3A_844 : f32 to vector<128x128xf32>
    %slice3A_846 = vector.extract_strided_slice %dot_general3A_841 {offsets = [0, 0], sizes = [128, 128], strides = [1, 1]} : vector<2048x128xf32> to vector<128x128xf32>
    %add3A_847 = arith.addf %slice3A_846, %dot_general3A_834 : vector<128x128xf32>
    %mul3A_848 = arith.constant 2.000000e-01 : f32
    %mul3A_849 = vector.broadcast %mul3A_848 : f32 to vector<128x128xf32>
    %mul3A_850 = arith.mulf %mul3A_849, %add3A_847 : vector<128x128xf32>
    %max3A_851 = arith.maximumf %add3A_847, %mul3A_850 : vector<128x128xf32>
    %gt3A_852 = arith.constant 0 : i32
    %gt3A_853 = vector.broadcast %gt3A_852 : i32 to vector<128x1xi32>
    %gt3A_854 = arith.cmpi sgt, %broadcast_in_dim3A_820, %gt3A_853 : vector<128x1xi32>
    %exp3A_855 = math.exp %max3A_851 : vector<128x128xf32>
    %jit3A_856 = arith.constant 0.000000e+00 : f32
    %broadcast_in_dim3A_857 = vector.shape_cast %gt3A_854 : vector<128x1xi1> to vector<128x1xi1>
    %broadcast_in_dim3A_858 = vector.broadcast %broadcast_in_dim3A_857 : vector<128x1xi1> to vector<128x128xi1>
    %broadcast_in_dim3A_859 = vector.broadcast %jit3A_856 : f32 to vector<128x128xf32>
    %select_n3A_860 = arith.select %broadcast_in_dim3A_858, %exp3A_855, %broadcast_in_dim3A_859 : vector<128x128xi1>, vector<128x128xf32>
    %add3A_861 = arith.addf %broadcast_in_dim3A_845, %select_n3A_860 : vector<128x128xf32>
    %get3A_862 = arith.constant 0 : index
    %get3A_863 = arith.constant 0 : index
    %get3A_864 = arith.constant 0 : index
    %get3A_865 = vector.load %arg3[%get3A_862, %get3A_863, %get3A_864] : memref<16x128x128xf32, #tpu.memory_space<vmem>>, vector<1x128x128xf32>
    %get3A_866 = vector.shape_cast %get3A_865 : vector<1x128x128xf32> to vector<128x128xf32>
    %mul3A_867 = arith.mulf %select_n3A_860, %get3A_866 : vector<128x128xf32>
    %add3A_868 = arith.addf %broadcast_in_dim3A_843, %mul3A_867 : vector<128x128xf32>
    %slice3A_869 = vector.extract_strided_slice %dot_general3A_841 {offsets = [128, 0], sizes = [128, 128], strides = [1, 1]} : vector<2048x128xf32> to vector<128x128xf32>
    %add3A_870 = arith.addf %slice3A_869, %dot_general3A_834 : vector<128x128xf32>
    %mul3A_871 = arith.constant 2.000000e-01 : f32
    %mul3A_872 = vector.broadcast %mul3A_871 : f32 to vector<128x128xf32>
    %mul3A_873 = arith.mulf %mul3A_872, %add3A_870 : vector<128x128xf32>
    %max3A_874 = arith.maximumf %add3A_870, %mul3A_873 : vector<128x128xf32>
    %gt3A_875 = arith.constant 1 : i32
    %gt3A_876 = vector.broadcast %gt3A_875 : i32 to vector<128x1xi32>
    %gt3A_877 = arith.cmpi sgt, %broadcast_in_dim3A_820, %gt3A_876 : vector<128x1xi32>
    %exp3A_878 = math.exp %max3A_874 : vector<128x128xf32>
    %jit3A_879 = arith.constant 0.000000e+00 : f32
    %broadcast_in_dim3A_880 = vector.shape_cast %gt3A_877 : vector<128x1xi1> to vector<128x1xi1>
    %broadcast_in_dim3A_881 = vector.broadcast %broadcast_in_dim3A_880 : vector<128x1xi1> to vector<128x128xi1>
    %broadcast_in_dim3A_882 = vector.broadcast %jit3A_879 : f32 to vector<128x128xf32>
    %select_n3A_883 = arith.select %broadcast_in_dim3A_881, %exp3A_878, %broadcast_in_dim3A_882 : vector<128x128xi1>, vector<128x128xf32>
    %add3A_884 = arith.addf %add3A_861, %select_n3A_883 : vector<128x128xf32>
    %get3A_885 = arith.constant 1 : index
    %get3A_886 = arith.constant 0 : index
    %get3A_887 = arith.constant 0 : index
    %get3A_888 = vector.load %arg3[%get3A_885, %get3A_886, %get3A_887] : memref<16x128x128xf32, #tpu.memory_space<vmem>>, vector<1x128x128xf32>
    %get3A_889 = vector.shape_cast %get3A_888 : vector<1x128x128xf32> to vector<128x128xf32>
    %mul3A_890 = arith.mulf %select_n3A_883, %get3A_889 : vector<128x128xf32>
    %add3A_891 = arith.addf %add3A_868, %mul3A_890 : vector<128x128xf32>
    %slice3A_892 = vector.extract_strided_slice %dot_general3A_841 {offsets = [256, 0], sizes = [128, 128], strides = [1, 1]} : vector<2048x128xf32> to vector<128x128xf32>
    %add3A_893 = arith.addf %slice3A_892, %dot_general3A_834 : vector<128x128xf32>
    %mul3A_894 = arith.constant 2.000000e-01 : f32
    %mul3A_895 = vector.broadcast %mul3A_894 : f32 to vector<128x128xf32>
    %mul3A_896 = arith.mulf %mul3A_895, %add3A_893 : vector<128x128xf32>
    %max3A_897 = arith.maximumf %add3A_893, %mul3A_896 : vector<128x128xf32>
    %gt3A_898 = arith.constant 2 : i32
    %gt3A_899 = vector.broadcast %gt3A_898 : i32 to vector<128x1xi32>
    %gt3A_900 = arith.cmpi sgt, %broadcast_in_dim3A_820, %gt3A_899 : vector<128x1xi32>
    %exp3A_901 = math.exp %max3A_897 : vector<128x128xf32>
    %jit3A_902 = arith.constant 0.000000e+00 : f32
    %broadcast_in_dim3A_903 = vector.shape_cast %gt3A_900 : vector<128x1xi1> to vector<128x1xi1>
    %broadcast_in_dim3A_904 = vector.broadcast %broadcast_in_dim3A_903 : vector<128x1xi1> to vector<128x128xi1>
    %broadcast_in_dim3A_905 = vector.broadcast %jit3A_902 : f32 to vector<128x128xf32>
    %select_n3A_906 = arith.select %broadcast_in_dim3A_904, %exp3A_901, %broadcast_in_dim3A_905 : vector<128x128xi1>, vector<128x128xf32>
    %add3A_907 = arith.addf %add3A_884, %select_n3A_906 : vector<128x128xf32>
    %get3A_908 = arith.constant 2 : index
    %get3A_909 = arith.constant 0 : index
    %get3A_910 = arith.constant 0 : index
    %get3A_911 = vector.load %arg3[%get3A_908, %get3A_909, %get3A_910] : memref<16x128x128xf32, #tpu.memory_space<vmem>>, vector<1x128x128xf32>
    %get3A_912 = vector.shape_cast %get3A_911 : vector<1x128x128xf32> to vector<128x128xf32>
    %mul3A_913 = arith.mulf %select_n3A_906, %get3A_912 : vector<128x128xf32>
    %add3A_914 = arith.addf %add3A_891, %mul3A_913 : vector<128x128xf32>
    %slice3A_915 = vector.extract_strided_slice %dot_general3A_841 {offsets = [384, 0], sizes = [128, 128], strides = [1, 1]} : vector<2048x128xf32> to vector<128x128xf32>
    %add3A_916 = arith.addf %slice3A_915, %dot_general3A_834 : vector<128x128xf32>
    %mul3A_917 = arith.constant 2.000000e-01 : f32
    %mul3A_918 = vector.broadcast %mul3A_917 : f32 to vector<128x128xf32>
    %mul3A_919 = arith.mulf %mul3A_918, %add3A_916 : vector<128x128xf32>
    %max3A_920 = arith.maximumf %add3A_916, %mul3A_919 : vector<128x128xf32>
    %gt3A_921 = arith.constant 3 : i32
    %gt3A_922 = vector.broadcast %gt3A_921 : i32 to vector<128x1xi32>
    %gt3A_923 = arith.cmpi sgt, %broadcast_in_dim3A_820, %gt3A_922 : vector<128x1xi32>
    %exp3A_924 = math.exp %max3A_920 : vector<128x128xf32>
    %jit3A_925 = arith.constant 0.000000e+00 : f32
    %broadcast_in_dim3A_926 = vector.shape_cast %gt3A_923 : vector<128x1xi1> to vector<128x1xi1>
    %broadcast_in_dim3A_927 = vector.broadcast %broadcast_in_dim3A_926 : vector<128x1xi1> to vector<128x128xi1>
    %broadcast_in_dim3A_928 = vector.broadcast %jit3A_925 : f32 to vector<128x128xf32>
    %select_n3A_929 = arith.select %broadcast_in_dim3A_927, %exp3A_924, %broadcast_in_dim3A_928 : vector<128x128xi1>, vector<128x128xf32>
    %add3A_930 = arith.addf %add3A_907, %select_n3A_929 : vector<128x128xf32>
    %get3A_931 = arith.constant 3 : index
    %get3A_932 = arith.constant 0 : index
    %get3A_933 = arith.constant 0 : index
    %get3A_934 = vector.load %arg3[%get3A_931, %get3A_932, %get3A_933] : memref<16x128x128xf32, #tpu.memory_space<vmem>>, vector<1x128x128xf32>
    %get3A_935 = vector.shape_cast %get3A_934 : vector<1x128x128xf32> to vector<128x128xf32>
    %mul3A_936 = arith.mulf %select_n3A_929, %get3A_935 : vector<128x128xf32>
    %add3A_937 = arith.addf %add3A_914, %mul3A_936 : vector<128x128xf32>
    %slice3A_938 = vector.extract_strided_slice %dot_general3A_841 {offsets = [512, 0], sizes = [128, 128], strides = [1, 1]} : vector<2048x128xf32> to vector<128x128xf32>
    %add3A_939 = arith.addf %slice3A_938, %dot_general3A_834 : vector<128x128xf32>
    %mul3A_940 = arith.constant 2.000000e-01 : f32
    %mul3A_941 = vector.broadcast %mul3A_940 : f32 to vector<128x128xf32>
    %mul3A_942 = arith.mulf %mul3A_941, %add3A_939 : vector<128x128xf32>
    %max3A_943 = arith.maximumf %add3A_939, %mul3A_942 : vector<128x128xf32>
    %gt3A_944 = arith.constant 4 : i32
    %gt3A_945 = vector.broadcast %gt3A_944 : i32 to vector<128x1xi32>
    %gt3A_946 = arith.cmpi sgt, %broadcast_in_dim3A_820, %gt3A_945 : vector<128x1xi32>
    %exp3A_947 = math.exp %max3A_943 : vector<128x128xf32>
    %jit3A_948 = arith.constant 0.000000e+00 : f32
    %broadcast_in_dim3A_949 = vector.shape_cast %gt3A_946 : vector<128x1xi1> to vector<128x1xi1>
    %broadcast_in_dim3A_950 = vector.broadcast %broadcast_in_dim3A_949 : vector<128x1xi1> to vector<128x128xi1>
    %broadcast_in_dim3A_951 = vector.broadcast %jit3A_948 : f32 to vector<128x128xf32>
    %select_n3A_952 = arith.select %broadcast_in_dim3A_950, %exp3A_947, %broadcast_in_dim3A_951 : vector<128x128xi1>, vector<128x128xf32>
    %add3A_953 = arith.addf %add3A_930, %select_n3A_952 : vector<128x128xf32>
    %get3A_954 = arith.constant 4 : index
    %get3A_955 = arith.constant 0 : index
    %get3A_956 = arith.constant 0 : index
    %get3A_957 = vector.load %arg3[%get3A_954, %get3A_955, %get3A_956] : memref<16x128x128xf32, #tpu.memory_space<vmem>>, vector<1x128x128xf32>
    %get3A_958 = vector.shape_cast %get3A_957 : vector<1x128x128xf32> to vector<128x128xf32>
    %mul3A_959 = arith.mulf %select_n3A_952, %get3A_958 : vector<128x128xf32>
    %add3A_960 = arith.addf %add3A_937, %mul3A_959 : vector<128x128xf32>
    %slice3A_961 = vector.extract_strided_slice %dot_general3A_841 {offsets = [640, 0], sizes = [128, 128], strides = [1, 1]} : vector<2048x128xf32> to vector<128x128xf32>
    %add3A_962 = arith.addf %slice3A_961, %dot_general3A_834 : vector<128x128xf32>
    %mul3A_963 = arith.constant 2.000000e-01 : f32
    %mul3A_964 = vector.broadcast %mul3A_963 : f32 to vector<128x128xf32>
    %mul3A_965 = arith.mulf %mul3A_964, %add3A_962 : vector<128x128xf32>
    %max3A_966 = arith.maximumf %add3A_962, %mul3A_965 : vector<128x128xf32>
    %gt3A_967 = arith.constant 5 : i32
    %gt3A_968 = vector.broadcast %gt3A_967 : i32 to vector<128x1xi32>
    %gt3A_969 = arith.cmpi sgt, %broadcast_in_dim3A_820, %gt3A_968 : vector<128x1xi32>
    %exp3A_970 = math.exp %max3A_966 : vector<128x128xf32>
    %jit3A_971 = arith.constant 0.000000e+00 : f32
    %broadcast_in_dim3A_972 = vector.shape_cast %gt3A_969 : vector<128x1xi1> to vector<128x1xi1>
    %broadcast_in_dim3A_973 = vector.broadcast %broadcast_in_dim3A_972 : vector<128x1xi1> to vector<128x128xi1>
    %broadcast_in_dim3A_974 = vector.broadcast %jit3A_971 : f32 to vector<128x128xf32>
    %select_n3A_975 = arith.select %broadcast_in_dim3A_973, %exp3A_970, %broadcast_in_dim3A_974 : vector<128x128xi1>, vector<128x128xf32>
    %add3A_976 = arith.addf %add3A_953, %select_n3A_975 : vector<128x128xf32>
    %get3A_977 = arith.constant 5 : index
    %get3A_978 = arith.constant 0 : index
    %get3A_979 = arith.constant 0 : index
    %get3A_980 = vector.load %arg3[%get3A_977, %get3A_978, %get3A_979] : memref<16x128x128xf32, #tpu.memory_space<vmem>>, vector<1x128x128xf32>
    %get3A_981 = vector.shape_cast %get3A_980 : vector<1x128x128xf32> to vector<128x128xf32>
    %mul3A_982 = arith.mulf %select_n3A_975, %get3A_981 : vector<128x128xf32>
    %add3A_983 = arith.addf %add3A_960, %mul3A_982 : vector<128x128xf32>
    %slice3A_984 = vector.extract_strided_slice %dot_general3A_841 {offsets = [768, 0], sizes = [128, 128], strides = [1, 1]} : vector<2048x128xf32> to vector<128x128xf32>
    %add3A_985 = arith.addf %slice3A_984, %dot_general3A_834 : vector<128x128xf32>
    %mul3A_986 = arith.constant 2.000000e-01 : f32
    %mul3A_987 = vector.broadcast %mul3A_986 : f32 to vector<128x128xf32>
    %mul3A_988 = arith.mulf %mul3A_987, %add3A_985 : vector<128x128xf32>
    %max3A_989 = arith.maximumf %add3A_985, %mul3A_988 : vector<128x128xf32>
    %gt3A_990 = arith.constant 6 : i32
    %gt3A_991 = vector.broadcast %gt3A_990 : i32 to vector<128x1xi32>
    %gt3A_992 = arith.cmpi sgt, %broadcast_in_dim3A_820, %gt3A_991 : vector<128x1xi32>
    %exp3A_993 = math.exp %max3A_989 : vector<128x128xf32>
    %jit3A_994 = arith.constant 0.000000e+00 : f32
    %broadcast_in_dim3A_995 = vector.shape_cast %gt3A_992 : vector<128x1xi1> to vector<128x1xi1>
    %broadcast_in_dim3A_996 = vector.broadcast %broadcast_in_dim3A_995 : vector<128x1xi1> to vector<128x128xi1>
    %broadcast_in_dim3A_997 = vector.broadcast %jit3A_994 : f32 to vector<128x128xf32>
    %select_n3A_998 = arith.select %broadcast_in_dim3A_996, %exp3A_993, %broadcast_in_dim3A_997 : vector<128x128xi1>, vector<128x128xf32>
    %add3A_999 = arith.addf %add3A_976, %select_n3A_998 : vector<128x128xf32>
    %get3A_1000 = arith.constant 6 : index
    %get3A_1001 = arith.constant 0 : index
    %get3A_1002 = arith.constant 0 : index
    %get3A_1003 = vector.load %arg3[%get3A_1000, %get3A_1001, %get3A_1002] : memref<16x128x128xf32, #tpu.memory_space<vmem>>, vector<1x128x128xf32>
    %get3A_1004 = vector.shape_cast %get3A_1003 : vector<1x128x128xf32> to vector<128x128xf32>
    %mul3A_1005 = arith.mulf %select_n3A_998, %get3A_1004 : vector<128x128xf32>
    %add3A_1006 = arith.addf %add3A_983, %mul3A_1005 : vector<128x128xf32>
    %slice3A_1007 = vector.extract_strided_slice %dot_general3A_841 {offsets = [896, 0], sizes = [128, 128], strides = [1, 1]} : vector<2048x128xf32> to vector<128x128xf32>
    %add3A_1008 = arith.addf %slice3A_1007, %dot_general3A_834 : vector<128x128xf32>
    %mul3A_1009 = arith.constant 2.000000e-01 : f32
    %mul3A_1010 = vector.broadcast %mul3A_1009 : f32 to vector<128x128xf32>
    %mul3A_1011 = arith.mulf %mul3A_1010, %add3A_1008 : vector<128x128xf32>
    %max3A_1012 = arith.maximumf %add3A_1008, %mul3A_1011 : vector<128x128xf32>
    %gt3A_1013 = arith.constant 7 : i32
    %gt3A_1014 = vector.broadcast %gt3A_1013 : i32 to vector<128x1xi32>
    %gt3A_1015 = arith.cmpi sgt, %broadcast_in_dim3A_820, %gt3A_1014 : vector<128x1xi32>
    %exp3A_1016 = math.exp %max3A_1012 : vector<128x128xf32>
    %jit3A_1017 = arith.constant 0.000000e+00 : f32
    %broadcast_in_dim3A_1018 = vector.shape_cast %gt3A_1015 : vector<128x1xi1> to vector<128x1xi1>
    %broadcast_in_dim3A_1019 = vector.broadcast %broadcast_in_dim3A_1018 : vector<128x1xi1> to vector<128x128xi1>
    %broadcast_in_dim3A_1020 = vector.broadcast %jit3A_1017 : f32 to vector<128x128xf32>
    %select_n3A_1021 = arith.select %broadcast_in_dim3A_1019, %exp3A_1016, %broadcast_in_dim3A_1020 : vector<128x128xi1>, vector<128x128xf32>
    %add3A_1022 = arith.addf %add3A_999, %select_n3A_1021 : vector<128x128xf32>
    %get3A_1023 = arith.constant 7 : index
    %get3A_1024 = arith.constant 0 : index
    %get3A_1025 = arith.constant 0 : index
    %get3A_1026 = vector.load %arg3[%get3A_1023, %get3A_1024, %get3A_1025] : memref<16x128x128xf32, #tpu.memory_space<vmem>>, vector<1x128x128xf32>
    %get3A_1027 = vector.shape_cast %get3A_1026 : vector<1x128x128xf32> to vector<128x128xf32>
    %mul3A_1028 = arith.mulf %select_n3A_1021, %get3A_1027 : vector<128x128xf32>
    %add3A_1029 = arith.addf %add3A_1006, %mul3A_1028 : vector<128x128xf32>
    %slice3A_1030 = vector.extract_strided_slice %dot_general3A_841 {offsets = [1024, 0], sizes = [128, 128], strides = [1, 1]} : vector<2048x128xf32> to vector<128x128xf32>
    %add3A_1031 = arith.addf %slice3A_1030, %dot_general3A_834 : vector<128x128xf32>
    %mul3A_1032 = arith.constant 2.000000e-01 : f32
    %mul3A_1033 = vector.broadcast %mul3A_1032 : f32 to vector<128x128xf32>
    %mul3A_1034 = arith.mulf %mul3A_1033, %add3A_1031 : vector<128x128xf32>
    %max3A_1035 = arith.maximumf %add3A_1031, %mul3A_1034 : vector<128x128xf32>
    %gt3A_1036 = arith.constant 8 : i32
    %gt3A_1037 = vector.broadcast %gt3A_1036 : i32 to vector<128x1xi32>
    %gt3A_1038 = arith.cmpi sgt, %broadcast_in_dim3A_820, %gt3A_1037 : vector<128x1xi32>
    %exp3A_1039 = math.exp %max3A_1035 : vector<128x128xf32>
    %jit3A_1040 = arith.constant 0.000000e+00 : f32
    %broadcast_in_dim3A_1041 = vector.shape_cast %gt3A_1038 : vector<128x1xi1> to vector<128x1xi1>
    %broadcast_in_dim3A_1042 = vector.broadcast %broadcast_in_dim3A_1041 : vector<128x1xi1> to vector<128x128xi1>
    %broadcast_in_dim3A_1043 = vector.broadcast %jit3A_1040 : f32 to vector<128x128xf32>
    %select_n3A_1044 = arith.select %broadcast_in_dim3A_1042, %exp3A_1039, %broadcast_in_dim3A_1043 : vector<128x128xi1>, vector<128x128xf32>
    %add3A_1045 = arith.addf %add3A_1022, %select_n3A_1044 : vector<128x128xf32>
    %get3A_1046 = arith.constant 8 : index
    %get3A_1047 = arith.constant 0 : index
    %get3A_1048 = arith.constant 0 : index
    %get3A_1049 = vector.load %arg3[%get3A_1046, %get3A_1047, %get3A_1048] : memref<16x128x128xf32, #tpu.memory_space<vmem>>, vector<1x128x128xf32>
    %get3A_1050 = vector.shape_cast %get3A_1049 : vector<1x128x128xf32> to vector<128x128xf32>
    %mul3A_1051 = arith.mulf %select_n3A_1044, %get3A_1050 : vector<128x128xf32>
    %add3A_1052 = arith.addf %add3A_1029, %mul3A_1051 : vector<128x128xf32>
    %slice3A_1053 = vector.extract_strided_slice %dot_general3A_841 {offsets = [1152, 0], sizes = [128, 128], strides = [1, 1]} : vector<2048x128xf32> to vector<128x128xf32>
    %add3A_1054 = arith.addf %slice3A_1053, %dot_general3A_834 : vector<128x128xf32>
    %mul3A_1055 = arith.constant 2.000000e-01 : f32
    %mul3A_1056 = vector.broadcast %mul3A_1055 : f32 to vector<128x128xf32>
    %mul3A_1057 = arith.mulf %mul3A_1056, %add3A_1054 : vector<128x128xf32>
    %max3A_1058 = arith.maximumf %add3A_1054, %mul3A_1057 : vector<128x128xf32>
    %gt3A_1059 = arith.constant 9 : i32
    %gt3A_1060 = vector.broadcast %gt3A_1059 : i32 to vector<128x1xi32>
    %gt3A_1061 = arith.cmpi sgt, %broadcast_in_dim3A_820, %gt3A_1060 : vector<128x1xi32>
    %exp3A_1062 = math.exp %max3A_1058 : vector<128x128xf32>
    %jit3A_1063 = arith.constant 0.000000e+00 : f32
    %broadcast_in_dim3A_1064 = vector.shape_cast %gt3A_1061 : vector<128x1xi1> to vector<128x1xi1>
    %broadcast_in_dim3A_1065 = vector.broadcast %broadcast_in_dim3A_1064 : vector<128x1xi1> to vector<128x128xi1>
    %broadcast_in_dim3A_1066 = vector.broadcast %jit3A_1063 : f32 to vector<128x128xf32>
    %select_n3A_1067 = arith.select %broadcast_in_dim3A_1065, %exp3A_1062, %broadcast_in_dim3A_1066 : vector<128x128xi1>, vector<128x128xf32>
    %add3A_1068 = arith.addf %add3A_1045, %select_n3A_1067 : vector<128x128xf32>
    %get3A_1069 = arith.constant 9 : index
    %get3A_1070 = arith.constant 0 : index
    %get3A_1071 = arith.constant 0 : index
    %get3A_1072 = vector.load %arg3[%get3A_1069, %get3A_1070, %get3A_1071] : memref<16x128x128xf32, #tpu.memory_space<vmem>>, vector<1x128x128xf32>
    %get3A_1073 = vector.shape_cast %get3A_1072 : vector<1x128x128xf32> to vector<128x128xf32>
    %mul3A_1074 = arith.mulf %select_n3A_1067, %get3A_1073 : vector<128x128xf32>
    %add3A_1075 = arith.addf %add3A_1052, %mul3A_1074 : vector<128x128xf32>
    %slice3A_1076 = vector.extract_strided_slice %dot_general3A_841 {offsets = [1280, 0], sizes = [128, 128], strides = [1, 1]} : vector<2048x128xf32> to vector<128x128xf32>
    %add3A_1077 = arith.addf %slice3A_1076, %dot_general3A_834 : vector<128x128xf32>
    %mul3A_1078 = arith.constant 2.000000e-01 : f32
    %mul3A_1079 = vector.broadcast %mul3A_1078 : f32 to vector<128x128xf32>
    %mul3A_1080 = arith.mulf %mul3A_1079, %add3A_1077 : vector<128x128xf32>
    %max3A_1081 = arith.maximumf %add3A_1077, %mul3A_1080 : vector<128x128xf32>
    %gt3A_1082 = arith.constant 10 : i32
    %gt3A_1083 = vector.broadcast %gt3A_1082 : i32 to vector<128x1xi32>
    %gt3A_1084 = arith.cmpi sgt, %broadcast_in_dim3A_820, %gt3A_1083 : vector<128x1xi32>
    %exp3A_1085 = math.exp %max3A_1081 : vector<128x128xf32>
    %jit3A_1086 = arith.constant 0.000000e+00 : f32
    %broadcast_in_dim3A_1087 = vector.shape_cast %gt3A_1084 : vector<128x1xi1> to vector<128x1xi1>
    %broadcast_in_dim3A_1088 = vector.broadcast %broadcast_in_dim3A_1087 : vector<128x1xi1> to vector<128x128xi1>
    %broadcast_in_dim3A_1089 = vector.broadcast %jit3A_1086 : f32 to vector<128x128xf32>
    %select_n3A_1090 = arith.select %broadcast_in_dim3A_1088, %exp3A_1085, %broadcast_in_dim3A_1089 : vector<128x128xi1>, vector<128x128xf32>
    %add3A_1091 = arith.addf %add3A_1068, %select_n3A_1090 : vector<128x128xf32>
    %get3A_1092 = arith.constant 10 : index
    %get3A_1093 = arith.constant 0 : index
    %get3A_1094 = arith.constant 0 : index
    %get3A_1095 = vector.load %arg3[%get3A_1092, %get3A_1093, %get3A_1094] : memref<16x128x128xf32, #tpu.memory_space<vmem>>, vector<1x128x128xf32>
    %get3A_1096 = vector.shape_cast %get3A_1095 : vector<1x128x128xf32> to vector<128x128xf32>
    %mul3A_1097 = arith.mulf %select_n3A_1090, %get3A_1096 : vector<128x128xf32>
    %add3A_1098 = arith.addf %add3A_1075, %mul3A_1097 : vector<128x128xf32>
    %slice3A_1099 = vector.extract_strided_slice %dot_general3A_841 {offsets = [1408, 0], sizes = [128, 128], strides = [1, 1]} : vector<2048x128xf32> to vector<128x128xf32>
    %add3A_1100 = arith.addf %slice3A_1099, %dot_general3A_834 : vector<128x128xf32>
    %mul3A_1101 = arith.constant 2.000000e-01 : f32
    %mul3A_1102 = vector.broadcast %mul3A_1101 : f32 to vector<128x128xf32>
    %mul3A_1103 = arith.mulf %mul3A_1102, %add3A_1100 : vector<128x128xf32>
    %max3A_1104 = arith.maximumf %add3A_1100, %mul3A_1103 : vector<128x128xf32>
    %gt3A_1105 = arith.constant 11 : i32
    %gt3A_1106 = vector.broadcast %gt3A_1105 : i32 to vector<128x1xi32>
    %gt3A_1107 = arith.cmpi sgt, %broadcast_in_dim3A_820, %gt3A_1106 : vector<128x1xi32>
    %exp3A_1108 = math.exp %max3A_1104 : vector<128x128xf32>
    %jit3A_1109 = arith.constant 0.000000e+00 : f32
    %broadcast_in_dim3A_1110 = vector.shape_cast %gt3A_1107 : vector<128x1xi1> to vector<128x1xi1>
    %broadcast_in_dim3A_1111 = vector.broadcast %broadcast_in_dim3A_1110 : vector<128x1xi1> to vector<128x128xi1>
    %broadcast_in_dim3A_1112 = vector.broadcast %jit3A_1109 : f32 to vector<128x128xf32>
    %select_n3A_1113 = arith.select %broadcast_in_dim3A_1111, %exp3A_1108, %broadcast_in_dim3A_1112 : vector<128x128xi1>, vector<128x128xf32>
    %add3A_1114 = arith.addf %add3A_1091, %select_n3A_1113 : vector<128x128xf32>
    %get3A_1115 = arith.constant 11 : index
    %get3A_1116 = arith.constant 0 : index
    %get3A_1117 = arith.constant 0 : index
    %get3A_1118 = vector.load %arg3[%get3A_1115, %get3A_1116, %get3A_1117] : memref<16x128x128xf32, #tpu.memory_space<vmem>>, vector<1x128x128xf32>
    %get3A_1119 = vector.shape_cast %get3A_1118 : vector<1x128x128xf32> to vector<128x128xf32>
    %mul3A_1120 = arith.mulf %select_n3A_1113, %get3A_1119 : vector<128x128xf32>
    %add3A_1121 = arith.addf %add3A_1098, %mul3A_1120 : vector<128x128xf32>
    %slice3A_1122 = vector.extract_strided_slice %dot_general3A_841 {offsets = [1536, 0], sizes = [128, 128], strides = [1, 1]} : vector<2048x128xf32> to vector<128x128xf32>
    %add3A_1123 = arith.addf %slice3A_1122, %dot_general3A_834 : vector<128x128xf32>
    %mul3A_1124 = arith.constant 2.000000e-01 : f32
    %mul3A_1125 = vector.broadcast %mul3A_1124 : f32 to vector<128x128xf32>
    %mul3A_1126 = arith.mulf %mul3A_1125, %add3A_1123 : vector<128x128xf32>
    %max3A_1127 = arith.maximumf %add3A_1123, %mul3A_1126 : vector<128x128xf32>
    %gt3A_1128 = arith.constant 12 : i32
    %gt3A_1129 = vector.broadcast %gt3A_1128 : i32 to vector<128x1xi32>
    %gt3A_1130 = arith.cmpi sgt, %broadcast_in_dim3A_820, %gt3A_1129 : vector<128x1xi32>
    %exp3A_1131 = math.exp %max3A_1127 : vector<128x128xf32>
    %jit3A_1132 = arith.constant 0.000000e+00 : f32
    %broadcast_in_dim3A_1133 = vector.shape_cast %gt3A_1130 : vector<128x1xi1> to vector<128x1xi1>
    %broadcast_in_dim3A_1134 = vector.broadcast %broadcast_in_dim3A_1133 : vector<128x1xi1> to vector<128x128xi1>
    %broadcast_in_dim3A_1135 = vector.broadcast %jit3A_1132 : f32 to vector<128x128xf32>
    %select_n3A_1136 = arith.select %broadcast_in_dim3A_1134, %exp3A_1131, %broadcast_in_dim3A_1135 : vector<128x128xi1>, vector<128x128xf32>
    %add3A_1137 = arith.addf %add3A_1114, %select_n3A_1136 : vector<128x128xf32>
    %get3A_1138 = arith.constant 12 : index
    %get3A_1139 = arith.constant 0 : index
    %get3A_1140 = arith.constant 0 : index
    %get3A_1141 = vector.load %arg3[%get3A_1138, %get3A_1139, %get3A_1140] : memref<16x128x128xf32, #tpu.memory_space<vmem>>, vector<1x128x128xf32>
    %get3A_1142 = vector.shape_cast %get3A_1141 : vector<1x128x128xf32> to vector<128x128xf32>
    %mul3A_1143 = arith.mulf %select_n3A_1136, %get3A_1142 : vector<128x128xf32>
    %add3A_1144 = arith.addf %add3A_1121, %mul3A_1143 : vector<128x128xf32>
    %slice3A_1145 = vector.extract_strided_slice %dot_general3A_841 {offsets = [1664, 0], sizes = [128, 128], strides = [1, 1]} : vector<2048x128xf32> to vector<128x128xf32>
    %add3A_1146 = arith.addf %slice3A_1145, %dot_general3A_834 : vector<128x128xf32>
    %mul3A_1147 = arith.constant 2.000000e-01 : f32
    %mul3A_1148 = vector.broadcast %mul3A_1147 : f32 to vector<128x128xf32>
    %mul3A_1149 = arith.mulf %mul3A_1148, %add3A_1146 : vector<128x128xf32>
    %max3A_1150 = arith.maximumf %add3A_1146, %mul3A_1149 : vector<128x128xf32>
    %gt3A_1151 = arith.constant 13 : i32
    %gt3A_1152 = vector.broadcast %gt3A_1151 : i32 to vector<128x1xi32>
    %gt3A_1153 = arith.cmpi sgt, %broadcast_in_dim3A_820, %gt3A_1152 : vector<128x1xi32>
    %exp3A_1154 = math.exp %max3A_1150 : vector<128x128xf32>
    %jit3A_1155 = arith.constant 0.000000e+00 : f32
    %broadcast_in_dim3A_1156 = vector.shape_cast %gt3A_1153 : vector<128x1xi1> to vector<128x1xi1>
    %broadcast_in_dim3A_1157 = vector.broadcast %broadcast_in_dim3A_1156 : vector<128x1xi1> to vector<128x128xi1>
    %broadcast_in_dim3A_1158 = vector.broadcast %jit3A_1155 : f32 to vector<128x128xf32>
    %select_n3A_1159 = arith.select %broadcast_in_dim3A_1157, %exp3A_1154, %broadcast_in_dim3A_1158 : vector<128x128xi1>, vector<128x128xf32>
    %add3A_1160 = arith.addf %add3A_1137, %select_n3A_1159 : vector<128x128xf32>
    %get3A_1161 = arith.constant 13 : index
    %get3A_1162 = arith.constant 0 : index
    %get3A_1163 = arith.constant 0 : index
    %get3A_1164 = vector.load %arg3[%get3A_1161, %get3A_1162, %get3A_1163] : memref<16x128x128xf32, #tpu.memory_space<vmem>>, vector<1x128x128xf32>
    %get3A_1165 = vector.shape_cast %get3A_1164 : vector<1x128x128xf32> to vector<128x128xf32>
    %mul3A_1166 = arith.mulf %select_n3A_1159, %get3A_1165 : vector<128x128xf32>
    %add3A_1167 = arith.addf %add3A_1144, %mul3A_1166 : vector<128x128xf32>
    %slice3A_1168 = vector.extract_strided_slice %dot_general3A_841 {offsets = [1792, 0], sizes = [128, 128], strides = [1, 1]} : vector<2048x128xf32> to vector<128x128xf32>
    %add3A_1169 = arith.addf %slice3A_1168, %dot_general3A_834 : vector<128x128xf32>
    %mul3A_1170 = arith.constant 2.000000e-01 : f32
    %mul3A_1171 = vector.broadcast %mul3A_1170 : f32 to vector<128x128xf32>
    %mul3A_1172 = arith.mulf %mul3A_1171, %add3A_1169 : vector<128x128xf32>
    %max3A_1173 = arith.maximumf %add3A_1169, %mul3A_1172 : vector<128x128xf32>
    %gt3A_1174 = arith.constant 14 : i32
    %gt3A_1175 = vector.broadcast %gt3A_1174 : i32 to vector<128x1xi32>
    %gt3A_1176 = arith.cmpi sgt, %broadcast_in_dim3A_820, %gt3A_1175 : vector<128x1xi32>
    %exp3A_1177 = math.exp %max3A_1173 : vector<128x128xf32>
    %jit3A_1178 = arith.constant 0.000000e+00 : f32
    %broadcast_in_dim3A_1179 = vector.shape_cast %gt3A_1176 : vector<128x1xi1> to vector<128x1xi1>
    %broadcast_in_dim3A_1180 = vector.broadcast %broadcast_in_dim3A_1179 : vector<128x1xi1> to vector<128x128xi1>
    %broadcast_in_dim3A_1181 = vector.broadcast %jit3A_1178 : f32 to vector<128x128xf32>
    %select_n3A_1182 = arith.select %broadcast_in_dim3A_1180, %exp3A_1177, %broadcast_in_dim3A_1181 : vector<128x128xi1>, vector<128x128xf32>
    %add3A_1183 = arith.addf %add3A_1160, %select_n3A_1182 : vector<128x128xf32>
    %get3A_1184 = arith.constant 14 : index
    %get3A_1185 = arith.constant 0 : index
    %get3A_1186 = arith.constant 0 : index
    %get3A_1187 = vector.load %arg3[%get3A_1184, %get3A_1185, %get3A_1186] : memref<16x128x128xf32, #tpu.memory_space<vmem>>, vector<1x128x128xf32>
    %get3A_1188 = vector.shape_cast %get3A_1187 : vector<1x128x128xf32> to vector<128x128xf32>
    %mul3A_1189 = arith.mulf %select_n3A_1182, %get3A_1188 : vector<128x128xf32>
    %add3A_1190 = arith.addf %add3A_1167, %mul3A_1189 : vector<128x128xf32>
    %slice3A_1191 = vector.extract_strided_slice %dot_general3A_841 {offsets = [1920, 0], sizes = [128, 128], strides = [1, 1]} : vector<2048x128xf32> to vector<128x128xf32>
    %add3A_1192 = arith.addf %slice3A_1191, %dot_general3A_834 : vector<128x128xf32>
    %mul3A_1193 = arith.constant 2.000000e-01 : f32
    %mul3A_1194 = vector.broadcast %mul3A_1193 : f32 to vector<128x128xf32>
    %mul3A_1195 = arith.mulf %mul3A_1194, %add3A_1192 : vector<128x128xf32>
    %max3A_1196 = arith.maximumf %add3A_1192, %mul3A_1195 : vector<128x128xf32>
    %gt3A_1197 = arith.constant 15 : i32
    %gt3A_1198 = vector.broadcast %gt3A_1197 : i32 to vector<128x1xi32>
    %gt3A_1199 = arith.cmpi sgt, %broadcast_in_dim3A_820, %gt3A_1198 : vector<128x1xi32>
    %exp3A_1200 = math.exp %max3A_1196 : vector<128x128xf32>
    %jit3A_1201 = arith.constant 0.000000e+00 : f32
    %broadcast_in_dim3A_1202 = vector.shape_cast %gt3A_1199 : vector<128x1xi1> to vector<128x1xi1>
    %broadcast_in_dim3A_1203 = vector.broadcast %broadcast_in_dim3A_1202 : vector<128x1xi1> to vector<128x128xi1>
    %broadcast_in_dim3A_1204 = vector.broadcast %jit3A_1201 : f32 to vector<128x128xf32>
    %select_n3A_1205 = arith.select %broadcast_in_dim3A_1203, %exp3A_1200, %broadcast_in_dim3A_1204 : vector<128x128xi1>, vector<128x128xf32>
    %add3A_1206 = arith.addf %add3A_1183, %select_n3A_1205 : vector<128x128xf32>
    %get3A_1207 = arith.constant 15 : index
    %get3A_1208 = arith.constant 0 : index
    %get3A_1209 = arith.constant 0 : index
    %get3A_1210 = vector.load %arg3[%get3A_1207, %get3A_1208, %get3A_1209] : memref<16x128x128xf32, #tpu.memory_space<vmem>>, vector<1x128x128xf32>
    %get3A_1211 = vector.shape_cast %get3A_1210 : vector<1x128x128xf32> to vector<128x128xf32>
    %mul3A_1212 = arith.mulf %select_n3A_1205, %get3A_1211 : vector<128x128xf32>
    %add3A_1213 = arith.addf %add3A_1190, %mul3A_1212 : vector<128x128xf32>
    %add3A_1214 = arith.constant 1.000000e-30 : f32
    %add3A_1215 = vector.broadcast %add3A_1214 : f32 to vector<128x128xf32>
    %add3A_1216 = arith.addf %add3A_1206, %add3A_1215 : vector<128x128xf32>
    %div3A_1217 = arith.divf %add3A_1213, %add3A_1216 : vector<128x128xf32>
    %get3A_1218 = arith.constant 0 : index
    %get3A_1219 = arith.constant 0 : index
    %get3A_1220 = vector.load %arg14[%get3A_1218, %get3A_1219] : memref<128x128xf32, #tpu.memory_space<vmem>>, vector<128x128xf32>
    %get3A_1221 = arith.constant 0 : index
    %get3A_1222 = arith.constant 0 : index
    %get3A_1223 = vector.load %arg15[%get3A_1221, %get3A_1222] : memref<128x128xf32, #tpu.memory_space<vmem>>, vector<128x128xf32>
    %dot_general3A_1224 = arith.constant dense<0.000000e+00> : vector<128x128xf32>
    %dot_general3A_1225 = tpu.matmul %get3A_814, %get3A_1220, %dot_general3A_1224 {dimension_numbers = #tpu.dot_dimension_numbers<[1], [0], [0], [1], [0, 0, 1, 1], [], []>, transpose_lhs_hint = false} : vector<128x128xf32>, vector<128x128xf32>, vector<128x128xf32> -> vector<128x128xf32>
    %get3A_1226 = arith.constant 0 : index
    %get3A_1227 = arith.constant 0 : index
    %get3A_1228 = arith.constant 0 : index
    %get3A_1229 = vector.load %arg4[%get3A_1226, %get3A_1227, %get3A_1228] : memref<16x128x128xf32, #tpu.memory_space<vmem>>, vector<16x128x128xf32>
    %reshape3A_1230 = vector.shape_cast %get3A_1229 : vector<16x128x128xf32> to vector<2048x128xf32>
    %dot_general3A_1231 = arith.constant dense<0.000000e+00> : vector<2048x128xf32>
    %dot_general3A_1232 = tpu.matmul %reshape3A_1230, %get3A_1223, %dot_general3A_1231 {dimension_numbers = #tpu.dot_dimension_numbers<[1], [0], [0], [1], [0, 0, 1, 1], [], []>, transpose_lhs_hint = false} : vector<2048x128xf32>, vector<128x128xf32>, vector<2048x128xf32> -> vector<2048x128xf32>
    %broadcast_in_dim3A_1233 = arith.constant 0.000000e+00 : f32
    %broadcast_in_dim3A_1234 = vector.broadcast %broadcast_in_dim3A_1233 : f32 to vector<128x128xf32>
    %broadcast_in_dim3A_1235 = arith.constant 0.000000e+00 : f32
    %broadcast_in_dim3A_1236 = vector.broadcast %broadcast_in_dim3A_1235 : f32 to vector<128x128xf32>
    %slice3A_1237 = vector.extract_strided_slice %dot_general3A_1232 {offsets = [0, 0], sizes = [128, 128], strides = [1, 1]} : vector<2048x128xf32> to vector<128x128xf32>
    %add3A_1238 = arith.addf %slice3A_1237, %dot_general3A_1225 : vector<128x128xf32>
    %mul3A_1239 = arith.constant 2.000000e-01 : f32
    %mul3A_1240 = vector.broadcast %mul3A_1239 : f32 to vector<128x128xf32>
    %mul3A_1241 = arith.mulf %mul3A_1240, %add3A_1238 : vector<128x128xf32>
    %max3A_1242 = arith.maximumf %add3A_1238, %mul3A_1241 : vector<128x128xf32>
    %gt3A_1243 = arith.constant 0 : i32
    %gt3A_1244 = vector.broadcast %gt3A_1243 : i32 to vector<128x1xi32>
    %gt3A_1245 = arith.cmpi sgt, %broadcast_in_dim3A_826, %gt3A_1244 : vector<128x1xi32>
    %exp3A_1246 = math.exp %max3A_1242 : vector<128x128xf32>
    %jit3A_1247 = arith.constant 0.000000e+00 : f32
    %broadcast_in_dim3A_1248 = vector.shape_cast %gt3A_1245 : vector<128x1xi1> to vector<128x1xi1>
    %broadcast_in_dim3A_1249 = vector.broadcast %broadcast_in_dim3A_1248 : vector<128x1xi1> to vector<128x128xi1>
    %broadcast_in_dim3A_1250 = vector.broadcast %jit3A_1247 : f32 to vector<128x128xf32>
    %select_n3A_1251 = arith.select %broadcast_in_dim3A_1249, %exp3A_1246, %broadcast_in_dim3A_1250 : vector<128x128xi1>, vector<128x128xf32>
    %add3A_1252 = arith.addf %broadcast_in_dim3A_1236, %select_n3A_1251 : vector<128x128xf32>
    %get3A_1253 = arith.constant 0 : index
    %get3A_1254 = arith.constant 0 : index
    %get3A_1255 = arith.constant 0 : index
    %get3A_1256 = vector.load %arg4[%get3A_1253, %get3A_1254, %get3A_1255] : memref<16x128x128xf32, #tpu.memory_space<vmem>>, vector<1x128x128xf32>
    %get3A_1257 = vector.shape_cast %get3A_1256 : vector<1x128x128xf32> to vector<128x128xf32>
    %mul3A_1258 = arith.mulf %select_n3A_1251, %get3A_1257 : vector<128x128xf32>
    %add3A_1259 = arith.addf %broadcast_in_dim3A_1234, %mul3A_1258 : vector<128x128xf32>
    %slice3A_1260 = vector.extract_strided_slice %dot_general3A_1232 {offsets = [128, 0], sizes = [128, 128], strides = [1, 1]} : vector<2048x128xf32> to vector<128x128xf32>
    %add3A_1261 = arith.addf %slice3A_1260, %dot_general3A_1225 : vector<128x128xf32>
    %mul3A_1262 = arith.constant 2.000000e-01 : f32
    %mul3A_1263 = vector.broadcast %mul3A_1262 : f32 to vector<128x128xf32>
    %mul3A_1264 = arith.mulf %mul3A_1263, %add3A_1261 : vector<128x128xf32>
    %max3A_1265 = arith.maximumf %add3A_1261, %mul3A_1264 : vector<128x128xf32>
    %gt3A_1266 = arith.constant 1 : i32
    %gt3A_1267 = vector.broadcast %gt3A_1266 : i32 to vector<128x1xi32>
    %gt3A_1268 = arith.cmpi sgt, %broadcast_in_dim3A_826, %gt3A_1267 : vector<128x1xi32>
    %exp3A_1269 = math.exp %max3A_1265 : vector<128x128xf32>
    %jit3A_1270 = arith.constant 0.000000e+00 : f32
    %broadcast_in_dim3A_1271 = vector.shape_cast %gt3A_1268 : vector<128x1xi1> to vector<128x1xi1>
    %broadcast_in_dim3A_1272 = vector.broadcast %broadcast_in_dim3A_1271 : vector<128x1xi1> to vector<128x128xi1>
    %broadcast_in_dim3A_1273 = vector.broadcast %jit3A_1270 : f32 to vector<128x128xf32>
    %select_n3A_1274 = arith.select %broadcast_in_dim3A_1272, %exp3A_1269, %broadcast_in_dim3A_1273 : vector<128x128xi1>, vector<128x128xf32>
    %add3A_1275 = arith.addf %add3A_1252, %select_n3A_1274 : vector<128x128xf32>
    %get3A_1276 = arith.constant 1 : index
    %get3A_1277 = arith.constant 0 : index
    %get3A_1278 = arith.constant 0 : index
    %get3A_1279 = vector.load %arg4[%get3A_1276, %get3A_1277, %get3A_1278] : memref<16x128x128xf32, #tpu.memory_space<vmem>>, vector<1x128x128xf32>
    %get3A_1280 = vector.shape_cast %get3A_1279 : vector<1x128x128xf32> to vector<128x128xf32>
    %mul3A_1281 = arith.mulf %select_n3A_1274, %get3A_1280 : vector<128x128xf32>
    %add3A_1282 = arith.addf %add3A_1259, %mul3A_1281 : vector<128x128xf32>
    %slice3A_1283 = vector.extract_strided_slice %dot_general3A_1232 {offsets = [256, 0], sizes = [128, 128], strides = [1, 1]} : vector<2048x128xf32> to vector<128x128xf32>
    %add3A_1284 = arith.addf %slice3A_1283, %dot_general3A_1225 : vector<128x128xf32>
    %mul3A_1285 = arith.constant 2.000000e-01 : f32
    %mul3A_1286 = vector.broadcast %mul3A_1285 : f32 to vector<128x128xf32>
    %mul3A_1287 = arith.mulf %mul3A_1286, %add3A_1284 : vector<128x128xf32>
    %max3A_1288 = arith.maximumf %add3A_1284, %mul3A_1287 : vector<128x128xf32>
    %gt3A_1289 = arith.constant 2 : i32
    %gt3A_1290 = vector.broadcast %gt3A_1289 : i32 to vector<128x1xi32>
    %gt3A_1291 = arith.cmpi sgt, %broadcast_in_dim3A_826, %gt3A_1290 : vector<128x1xi32>
    %exp3A_1292 = math.exp %max3A_1288 : vector<128x128xf32>
    %jit3A_1293 = arith.constant 0.000000e+00 : f32
    %broadcast_in_dim3A_1294 = vector.shape_cast %gt3A_1291 : vector<128x1xi1> to vector<128x1xi1>
    %broadcast_in_dim3A_1295 = vector.broadcast %broadcast_in_dim3A_1294 : vector<128x1xi1> to vector<128x128xi1>
    %broadcast_in_dim3A_1296 = vector.broadcast %jit3A_1293 : f32 to vector<128x128xf32>
    %select_n3A_1297 = arith.select %broadcast_in_dim3A_1295, %exp3A_1292, %broadcast_in_dim3A_1296 : vector<128x128xi1>, vector<128x128xf32>
    %add3A_1298 = arith.addf %add3A_1275, %select_n3A_1297 : vector<128x128xf32>
    %get3A_1299 = arith.constant 2 : index
    %get3A_1300 = arith.constant 0 : index
    %get3A_1301 = arith.constant 0 : index
    %get3A_1302 = vector.load %arg4[%get3A_1299, %get3A_1300, %get3A_1301] : memref<16x128x128xf32, #tpu.memory_space<vmem>>, vector<1x128x128xf32>
    %get3A_1303 = vector.shape_cast %get3A_1302 : vector<1x128x128xf32> to vector<128x128xf32>
    %mul3A_1304 = arith.mulf %select_n3A_1297, %get3A_1303 : vector<128x128xf32>
    %add3A_1305 = arith.addf %add3A_1282, %mul3A_1304 : vector<128x128xf32>
    %slice3A_1306 = vector.extract_strided_slice %dot_general3A_1232 {offsets = [384, 0], sizes = [128, 128], strides = [1, 1]} : vector<2048x128xf32> to vector<128x128xf32>
    %add3A_1307 = arith.addf %slice3A_1306, %dot_general3A_1225 : vector<128x128xf32>
    %mul3A_1308 = arith.constant 2.000000e-01 : f32
    %mul3A_1309 = vector.broadcast %mul3A_1308 : f32 to vector<128x128xf32>
    %mul3A_1310 = arith.mulf %mul3A_1309, %add3A_1307 : vector<128x128xf32>
    %max3A_1311 = arith.maximumf %add3A_1307, %mul3A_1310 : vector<128x128xf32>
    %gt3A_1312 = arith.constant 3 : i32
    %gt3A_1313 = vector.broadcast %gt3A_1312 : i32 to vector<128x1xi32>
    %gt3A_1314 = arith.cmpi sgt, %broadcast_in_dim3A_826, %gt3A_1313 : vector<128x1xi32>
    %exp3A_1315 = math.exp %max3A_1311 : vector<128x128xf32>
    %jit3A_1316 = arith.constant 0.000000e+00 : f32
    %broadcast_in_dim3A_1317 = vector.shape_cast %gt3A_1314 : vector<128x1xi1> to vector<128x1xi1>
    %broadcast_in_dim3A_1318 = vector.broadcast %broadcast_in_dim3A_1317 : vector<128x1xi1> to vector<128x128xi1>
    %broadcast_in_dim3A_1319 = vector.broadcast %jit3A_1316 : f32 to vector<128x128xf32>
    %select_n3A_1320 = arith.select %broadcast_in_dim3A_1318, %exp3A_1315, %broadcast_in_dim3A_1319 : vector<128x128xi1>, vector<128x128xf32>
    %add3A_1321 = arith.addf %add3A_1298, %select_n3A_1320 : vector<128x128xf32>
    %get3A_1322 = arith.constant 3 : index
    %get3A_1323 = arith.constant 0 : index
    %get3A_1324 = arith.constant 0 : index
    %get3A_1325 = vector.load %arg4[%get3A_1322, %get3A_1323, %get3A_1324] : memref<16x128x128xf32, #tpu.memory_space<vmem>>, vector<1x128x128xf32>
    %get3A_1326 = vector.shape_cast %get3A_1325 : vector<1x128x128xf32> to vector<128x128xf32>
    %mul3A_1327 = arith.mulf %select_n3A_1320, %get3A_1326 : vector<128x128xf32>
    %add3A_1328 = arith.addf %add3A_1305, %mul3A_1327 : vector<128x128xf32>
    %slice3A_1329 = vector.extract_strided_slice %dot_general3A_1232 {offsets = [512, 0], sizes = [128, 128], strides = [1, 1]} : vector<2048x128xf32> to vector<128x128xf32>
    %add3A_1330 = arith.addf %slice3A_1329, %dot_general3A_1225 : vector<128x128xf32>
    %mul3A_1331 = arith.constant 2.000000e-01 : f32
    %mul3A_1332 = vector.broadcast %mul3A_1331 : f32 to vector<128x128xf32>
    %mul3A_1333 = arith.mulf %mul3A_1332, %add3A_1330 : vector<128x128xf32>
    %max3A_1334 = arith.maximumf %add3A_1330, %mul3A_1333 : vector<128x128xf32>
    %gt3A_1335 = arith.constant 4 : i32
    %gt3A_1336 = vector.broadcast %gt3A_1335 : i32 to vector<128x1xi32>
    %gt3A_1337 = arith.cmpi sgt, %broadcast_in_dim3A_826, %gt3A_1336 : vector<128x1xi32>
    %exp3A_1338 = math.exp %max3A_1334 : vector<128x128xf32>
    %jit3A_1339 = arith.constant 0.000000e+00 : f32
    %broadcast_in_dim3A_1340 = vector.shape_cast %gt3A_1337 : vector<128x1xi1> to vector<128x1xi1>
    %broadcast_in_dim3A_1341 = vector.broadcast %broadcast_in_dim3A_1340 : vector<128x1xi1> to vector<128x128xi1>
    %broadcast_in_dim3A_1342 = vector.broadcast %jit3A_1339 : f32 to vector<128x128xf32>
    %select_n3A_1343 = arith.select %broadcast_in_dim3A_1341, %exp3A_1338, %broadcast_in_dim3A_1342 : vector<128x128xi1>, vector<128x128xf32>
    %add3A_1344 = arith.addf %add3A_1321, %select_n3A_1343 : vector<128x128xf32>
    %get3A_1345 = arith.constant 4 : index
    %get3A_1346 = arith.constant 0 : index
    %get3A_1347 = arith.constant 0 : index
    %get3A_1348 = vector.load %arg4[%get3A_1345, %get3A_1346, %get3A_1347] : memref<16x128x128xf32, #tpu.memory_space<vmem>>, vector<1x128x128xf32>
    %get3A_1349 = vector.shape_cast %get3A_1348 : vector<1x128x128xf32> to vector<128x128xf32>
    %mul3A_1350 = arith.mulf %select_n3A_1343, %get3A_1349 : vector<128x128xf32>
    %add3A_1351 = arith.addf %add3A_1328, %mul3A_1350 : vector<128x128xf32>
    %slice3A_1352 = vector.extract_strided_slice %dot_general3A_1232 {offsets = [640, 0], sizes = [128, 128], strides = [1, 1]} : vector<2048x128xf32> to vector<128x128xf32>
    %add3A_1353 = arith.addf %slice3A_1352, %dot_general3A_1225 : vector<128x128xf32>
    %mul3A_1354 = arith.constant 2.000000e-01 : f32
    %mul3A_1355 = vector.broadcast %mul3A_1354 : f32 to vector<128x128xf32>
    %mul3A_1356 = arith.mulf %mul3A_1355, %add3A_1353 : vector<128x128xf32>
    %max3A_1357 = arith.maximumf %add3A_1353, %mul3A_1356 : vector<128x128xf32>
    %gt3A_1358 = arith.constant 5 : i32
    %gt3A_1359 = vector.broadcast %gt3A_1358 : i32 to vector<128x1xi32>
    %gt3A_1360 = arith.cmpi sgt, %broadcast_in_dim3A_826, %gt3A_1359 : vector<128x1xi32>
    %exp3A_1361 = math.exp %max3A_1357 : vector<128x128xf32>
    %jit3A_1362 = arith.constant 0.000000e+00 : f32
    %broadcast_in_dim3A_1363 = vector.shape_cast %gt3A_1360 : vector<128x1xi1> to vector<128x1xi1>
    %broadcast_in_dim3A_1364 = vector.broadcast %broadcast_in_dim3A_1363 : vector<128x1xi1> to vector<128x128xi1>
    %broadcast_in_dim3A_1365 = vector.broadcast %jit3A_1362 : f32 to vector<128x128xf32>
    %select_n3A_1366 = arith.select %broadcast_in_dim3A_1364, %exp3A_1361, %broadcast_in_dim3A_1365 : vector<128x128xi1>, vector<128x128xf32>
    %add3A_1367 = arith.addf %add3A_1344, %select_n3A_1366 : vector<128x128xf32>
    %get3A_1368 = arith.constant 5 : index
    %get3A_1369 = arith.constant 0 : index
    %get3A_1370 = arith.constant 0 : index
    %get3A_1371 = vector.load %arg4[%get3A_1368, %get3A_1369, %get3A_1370] : memref<16x128x128xf32, #tpu.memory_space<vmem>>, vector<1x128x128xf32>
    %get3A_1372 = vector.shape_cast %get3A_1371 : vector<1x128x128xf32> to vector<128x128xf32>
    %mul3A_1373 = arith.mulf %select_n3A_1366, %get3A_1372 : vector<128x128xf32>
    %add3A_1374 = arith.addf %add3A_1351, %mul3A_1373 : vector<128x128xf32>
    %slice3A_1375 = vector.extract_strided_slice %dot_general3A_1232 {offsets = [768, 0], sizes = [128, 128], strides = [1, 1]} : vector<2048x128xf32> to vector<128x128xf32>
    %add3A_1376 = arith.addf %slice3A_1375, %dot_general3A_1225 : vector<128x128xf32>
    %mul3A_1377 = arith.constant 2.000000e-01 : f32
    %mul3A_1378 = vector.broadcast %mul3A_1377 : f32 to vector<128x128xf32>
    %mul3A_1379 = arith.mulf %mul3A_1378, %add3A_1376 : vector<128x128xf32>
    %max3A_1380 = arith.maximumf %add3A_1376, %mul3A_1379 : vector<128x128xf32>
    %gt3A_1381 = arith.constant 6 : i32
    %gt3A_1382 = vector.broadcast %gt3A_1381 : i32 to vector<128x1xi32>
    %gt3A_1383 = arith.cmpi sgt, %broadcast_in_dim3A_826, %gt3A_1382 : vector<128x1xi32>
    %exp3A_1384 = math.exp %max3A_1380 : vector<128x128xf32>
    %jit3A_1385 = arith.constant 0.000000e+00 : f32
    %broadcast_in_dim3A_1386 = vector.shape_cast %gt3A_1383 : vector<128x1xi1> to vector<128x1xi1>
    %broadcast_in_dim3A_1387 = vector.broadcast %broadcast_in_dim3A_1386 : vector<128x1xi1> to vector<128x128xi1>
    %broadcast_in_dim3A_1388 = vector.broadcast %jit3A_1385 : f32 to vector<128x128xf32>
    %select_n3A_1389 = arith.select %broadcast_in_dim3A_1387, %exp3A_1384, %broadcast_in_dim3A_1388 : vector<128x128xi1>, vector<128x128xf32>
    %add3A_1390 = arith.addf %add3A_1367, %select_n3A_1389 : vector<128x128xf32>
    %get3A_1391 = arith.constant 6 : index
    %get3A_1392 = arith.constant 0 : index
    %get3A_1393 = arith.constant 0 : index
    %get3A_1394 = vector.load %arg4[%get3A_1391, %get3A_1392, %get3A_1393] : memref<16x128x128xf32, #tpu.memory_space<vmem>>, vector<1x128x128xf32>
    %get3A_1395 = vector.shape_cast %get3A_1394 : vector<1x128x128xf32> to vector<128x128xf32>
    %mul3A_1396 = arith.mulf %select_n3A_1389, %get3A_1395 : vector<128x128xf32>
    %add3A_1397 = arith.addf %add3A_1374, %mul3A_1396 : vector<128x128xf32>
    %slice3A_1398 = vector.extract_strided_slice %dot_general3A_1232 {offsets = [896, 0], sizes = [128, 128], strides = [1, 1]} : vector<2048x128xf32> to vector<128x128xf32>
    %add3A_1399 = arith.addf %slice3A_1398, %dot_general3A_1225 : vector<128x128xf32>
    %mul3A_1400 = arith.constant 2.000000e-01 : f32
    %mul3A_1401 = vector.broadcast %mul3A_1400 : f32 to vector<128x128xf32>
    %mul3A_1402 = arith.mulf %mul3A_1401, %add3A_1399 : vector<128x128xf32>
    %max3A_1403 = arith.maximumf %add3A_1399, %mul3A_1402 : vector<128x128xf32>
    %gt3A_1404 = arith.constant 7 : i32
    %gt3A_1405 = vector.broadcast %gt3A_1404 : i32 to vector<128x1xi32>
    %gt3A_1406 = arith.cmpi sgt, %broadcast_in_dim3A_826, %gt3A_1405 : vector<128x1xi32>
    %exp3A_1407 = math.exp %max3A_1403 : vector<128x128xf32>
    %jit3A_1408 = arith.constant 0.000000e+00 : f32
    %broadcast_in_dim3A_1409 = vector.shape_cast %gt3A_1406 : vector<128x1xi1> to vector<128x1xi1>
    %broadcast_in_dim3A_1410 = vector.broadcast %broadcast_in_dim3A_1409 : vector<128x1xi1> to vector<128x128xi1>
    %broadcast_in_dim3A_1411 = vector.broadcast %jit3A_1408 : f32 to vector<128x128xf32>
    %select_n3A_1412 = arith.select %broadcast_in_dim3A_1410, %exp3A_1407, %broadcast_in_dim3A_1411 : vector<128x128xi1>, vector<128x128xf32>
    %add3A_1413 = arith.addf %add3A_1390, %select_n3A_1412 : vector<128x128xf32>
    %get3A_1414 = arith.constant 7 : index
    %get3A_1415 = arith.constant 0 : index
    %get3A_1416 = arith.constant 0 : index
    %get3A_1417 = vector.load %arg4[%get3A_1414, %get3A_1415, %get3A_1416] : memref<16x128x128xf32, #tpu.memory_space<vmem>>, vector<1x128x128xf32>
    %get3A_1418 = vector.shape_cast %get3A_1417 : vector<1x128x128xf32> to vector<128x128xf32>
    %mul3A_1419 = arith.mulf %select_n3A_1412, %get3A_1418 : vector<128x128xf32>
    %add3A_1420 = arith.addf %add3A_1397, %mul3A_1419 : vector<128x128xf32>
    %slice3A_1421 = vector.extract_strided_slice %dot_general3A_1232 {offsets = [1024, 0], sizes = [128, 128], strides = [1, 1]} : vector<2048x128xf32> to vector<128x128xf32>
    %add3A_1422 = arith.addf %slice3A_1421, %dot_general3A_1225 : vector<128x128xf32>
    %mul3A_1423 = arith.constant 2.000000e-01 : f32
    %mul3A_1424 = vector.broadcast %mul3A_1423 : f32 to vector<128x128xf32>
    %mul3A_1425 = arith.mulf %mul3A_1424, %add3A_1422 : vector<128x128xf32>
    %max3A_1426 = arith.maximumf %add3A_1422, %mul3A_1425 : vector<128x128xf32>
    %gt3A_1427 = arith.constant 8 : i32
    %gt3A_1428 = vector.broadcast %gt3A_1427 : i32 to vector<128x1xi32>
    %gt3A_1429 = arith.cmpi sgt, %broadcast_in_dim3A_826, %gt3A_1428 : vector<128x1xi32>
    %exp3A_1430 = math.exp %max3A_1426 : vector<128x128xf32>
    %jit3A_1431 = arith.constant 0.000000e+00 : f32
    %broadcast_in_dim3A_1432 = vector.shape_cast %gt3A_1429 : vector<128x1xi1> to vector<128x1xi1>
    %broadcast_in_dim3A_1433 = vector.broadcast %broadcast_in_dim3A_1432 : vector<128x1xi1> to vector<128x128xi1>
    %broadcast_in_dim3A_1434 = vector.broadcast %jit3A_1431 : f32 to vector<128x128xf32>
    %select_n3A_1435 = arith.select %broadcast_in_dim3A_1433, %exp3A_1430, %broadcast_in_dim3A_1434 : vector<128x128xi1>, vector<128x128xf32>
    %add3A_1436 = arith.addf %add3A_1413, %select_n3A_1435 : vector<128x128xf32>
    %get3A_1437 = arith.constant 8 : index
    %get3A_1438 = arith.constant 0 : index
    %get3A_1439 = arith.constant 0 : index
    %get3A_1440 = vector.load %arg4[%get3A_1437, %get3A_1438, %get3A_1439] : memref<16x128x128xf32, #tpu.memory_space<vmem>>, vector<1x128x128xf32>
    %get3A_1441 = vector.shape_cast %get3A_1440 : vector<1x128x128xf32> to vector<128x128xf32>
    %mul3A_1442 = arith.mulf %select_n3A_1435, %get3A_1441 : vector<128x128xf32>
    %add3A_1443 = arith.addf %add3A_1420, %mul3A_1442 : vector<128x128xf32>
    %slice3A_1444 = vector.extract_strided_slice %dot_general3A_1232 {offsets = [1152, 0], sizes = [128, 128], strides = [1, 1]} : vector<2048x128xf32> to vector<128x128xf32>
    %add3A_1445 = arith.addf %slice3A_1444, %dot_general3A_1225 : vector<128x128xf32>
    %mul3A_1446 = arith.constant 2.000000e-01 : f32
    %mul3A_1447 = vector.broadcast %mul3A_1446 : f32 to vector<128x128xf32>
    %mul3A_1448 = arith.mulf %mul3A_1447, %add3A_1445 : vector<128x128xf32>
    %max3A_1449 = arith.maximumf %add3A_1445, %mul3A_1448 : vector<128x128xf32>
    %gt3A_1450 = arith.constant 9 : i32
    %gt3A_1451 = vector.broadcast %gt3A_1450 : i32 to vector<128x1xi32>
    %gt3A_1452 = arith.cmpi sgt, %broadcast_in_dim3A_826, %gt3A_1451 : vector<128x1xi32>
    %exp3A_1453 = math.exp %max3A_1449 : vector<128x128xf32>
    %jit3A_1454 = arith.constant 0.000000e+00 : f32
    %broadcast_in_dim3A_1455 = vector.shape_cast %gt3A_1452 : vector<128x1xi1> to vector<128x1xi1>
    %broadcast_in_dim3A_1456 = vector.broadcast %broadcast_in_dim3A_1455 : vector<128x1xi1> to vector<128x128xi1>
    %broadcast_in_dim3A_1457 = vector.broadcast %jit3A_1454 : f32 to vector<128x128xf32>
    %select_n3A_1458 = arith.select %broadcast_in_dim3A_1456, %exp3A_1453, %broadcast_in_dim3A_1457 : vector<128x128xi1>, vector<128x128xf32>
    %add3A_1459 = arith.addf %add3A_1436, %select_n3A_1458 : vector<128x128xf32>
    %get3A_1460 = arith.constant 9 : index
    %get3A_1461 = arith.constant 0 : index
    %get3A_1462 = arith.constant 0 : index
    %get3A_1463 = vector.load %arg4[%get3A_1460, %get3A_1461, %get3A_1462] : memref<16x128x128xf32, #tpu.memory_space<vmem>>, vector<1x128x128xf32>
    %get3A_1464 = vector.shape_cast %get3A_1463 : vector<1x128x128xf32> to vector<128x128xf32>
    %mul3A_1465 = arith.mulf %select_n3A_1458, %get3A_1464 : vector<128x128xf32>
    %add3A_1466 = arith.addf %add3A_1443, %mul3A_1465 : vector<128x128xf32>
    %slice3A_1467 = vector.extract_strided_slice %dot_general3A_1232 {offsets = [1280, 0], sizes = [128, 128], strides = [1, 1]} : vector<2048x128xf32> to vector<128x128xf32>
    %add3A_1468 = arith.addf %slice3A_1467, %dot_general3A_1225 : vector<128x128xf32>
    %mul3A_1469 = arith.constant 2.000000e-01 : f32
    %mul3A_1470 = vector.broadcast %mul3A_1469 : f32 to vector<128x128xf32>
    %mul3A_1471 = arith.mulf %mul3A_1470, %add3A_1468 : vector<128x128xf32>
    %max3A_1472 = arith.maximumf %add3A_1468, %mul3A_1471 : vector<128x128xf32>
    %gt3A_1473 = arith.constant 10 : i32
    %gt3A_1474 = vector.broadcast %gt3A_1473 : i32 to vector<128x1xi32>
    %gt3A_1475 = arith.cmpi sgt, %broadcast_in_dim3A_826, %gt3A_1474 : vector<128x1xi32>
    %exp3A_1476 = math.exp %max3A_1472 : vector<128x128xf32>
    %jit3A_1477 = arith.constant 0.000000e+00 : f32
    %broadcast_in_dim3A_1478 = vector.shape_cast %gt3A_1475 : vector<128x1xi1> to vector<128x1xi1>
    %broadcast_in_dim3A_1479 = vector.broadcast %broadcast_in_dim3A_1478 : vector<128x1xi1> to vector<128x128xi1>
    %broadcast_in_dim3A_1480 = vector.broadcast %jit3A_1477 : f32 to vector<128x128xf32>
    %select_n3A_1481 = arith.select %broadcast_in_dim3A_1479, %exp3A_1476, %broadcast_in_dim3A_1480 : vector<128x128xi1>, vector<128x128xf32>
    %add3A_1482 = arith.addf %add3A_1459, %select_n3A_1481 : vector<128x128xf32>
    %get3A_1483 = arith.constant 10 : index
    %get3A_1484 = arith.constant 0 : index
    %get3A_1485 = arith.constant 0 : index
    %get3A_1486 = vector.load %arg4[%get3A_1483, %get3A_1484, %get3A_1485] : memref<16x128x128xf32, #tpu.memory_space<vmem>>, vector<1x128x128xf32>
    %get3A_1487 = vector.shape_cast %get3A_1486 : vector<1x128x128xf32> to vector<128x128xf32>
    %mul3A_1488 = arith.mulf %select_n3A_1481, %get3A_1487 : vector<128x128xf32>
    %add3A_1489 = arith.addf %add3A_1466, %mul3A_1488 : vector<128x128xf32>
    %slice3A_1490 = vector.extract_strided_slice %dot_general3A_1232 {offsets = [1408, 0], sizes = [128, 128], strides = [1, 1]} : vector<2048x128xf32> to vector<128x128xf32>
    %add3A_1491 = arith.addf %slice3A_1490, %dot_general3A_1225 : vector<128x128xf32>
    %mul3A_1492 = arith.constant 2.000000e-01 : f32
    %mul3A_1493 = vector.broadcast %mul3A_1492 : f32 to vector<128x128xf32>
    %mul3A_1494 = arith.mulf %mul3A_1493, %add3A_1491 : vector<128x128xf32>
    %max3A_1495 = arith.maximumf %add3A_1491, %mul3A_1494 : vector<128x128xf32>
    %gt3A_1496 = arith.constant 11 : i32
    %gt3A_1497 = vector.broadcast %gt3A_1496 : i32 to vector<128x1xi32>
    %gt3A_1498 = arith.cmpi sgt, %broadcast_in_dim3A_826, %gt3A_1497 : vector<128x1xi32>
    %exp3A_1499 = math.exp %max3A_1495 : vector<128x128xf32>
    %jit3A_1500 = arith.constant 0.000000e+00 : f32
    %broadcast_in_dim3A_1501 = vector.shape_cast %gt3A_1498 : vector<128x1xi1> to vector<128x1xi1>
    %broadcast_in_dim3A_1502 = vector.broadcast %broadcast_in_dim3A_1501 : vector<128x1xi1> to vector<128x128xi1>
    %broadcast_in_dim3A_1503 = vector.broadcast %jit3A_1500 : f32 to vector<128x128xf32>
    %select_n3A_1504 = arith.select %broadcast_in_dim3A_1502, %exp3A_1499, %broadcast_in_dim3A_1503 : vector<128x128xi1>, vector<128x128xf32>
    %add3A_1505 = arith.addf %add3A_1482, %select_n3A_1504 : vector<128x128xf32>
    %get3A_1506 = arith.constant 11 : index
    %get3A_1507 = arith.constant 0 : index
    %get3A_1508 = arith.constant 0 : index
    %get3A_1509 = vector.load %arg4[%get3A_1506, %get3A_1507, %get3A_1508] : memref<16x128x128xf32, #tpu.memory_space<vmem>>, vector<1x128x128xf32>
    %get3A_1510 = vector.shape_cast %get3A_1509 : vector<1x128x128xf32> to vector<128x128xf32>
    %mul3A_1511 = arith.mulf %select_n3A_1504, %get3A_1510 : vector<128x128xf32>
    %add3A_1512 = arith.addf %add3A_1489, %mul3A_1511 : vector<128x128xf32>
    %slice3A_1513 = vector.extract_strided_slice %dot_general3A_1232 {offsets = [1536, 0], sizes = [128, 128], strides = [1, 1]} : vector<2048x128xf32> to vector<128x128xf32>
    %add3A_1514 = arith.addf %slice3A_1513, %dot_general3A_1225 : vector<128x128xf32>
    %mul3A_1515 = arith.constant 2.000000e-01 : f32
    %mul3A_1516 = vector.broadcast %mul3A_1515 : f32 to vector<128x128xf32>
    %mul3A_1517 = arith.mulf %mul3A_1516, %add3A_1514 : vector<128x128xf32>
    %max3A_1518 = arith.maximumf %add3A_1514, %mul3A_1517 : vector<128x128xf32>
    %gt3A_1519 = arith.constant 12 : i32
    %gt3A_1520 = vector.broadcast %gt3A_1519 : i32 to vector<128x1xi32>
    %gt3A_1521 = arith.cmpi sgt, %broadcast_in_dim3A_826, %gt3A_1520 : vector<128x1xi32>
    %exp3A_1522 = math.exp %max3A_1518 : vector<128x128xf32>
    %jit3A_1523 = arith.constant 0.000000e+00 : f32
    %broadcast_in_dim3A_1524 = vector.shape_cast %gt3A_1521 : vector<128x1xi1> to vector<128x1xi1>
    %broadcast_in_dim3A_1525 = vector.broadcast %broadcast_in_dim3A_1524 : vector<128x1xi1> to vector<128x128xi1>
    %broadcast_in_dim3A_1526 = vector.broadcast %jit3A_1523 : f32 to vector<128x128xf32>
    %select_n3A_1527 = arith.select %broadcast_in_dim3A_1525, %exp3A_1522, %broadcast_in_dim3A_1526 : vector<128x128xi1>, vector<128x128xf32>
    %add3A_1528 = arith.addf %add3A_1505, %select_n3A_1527 : vector<128x128xf32>
    %get3A_1529 = arith.constant 12 : index
    %get3A_1530 = arith.constant 0 : index
    %get3A_1531 = arith.constant 0 : index
    %get3A_1532 = vector.load %arg4[%get3A_1529, %get3A_1530, %get3A_1531] : memref<16x128x128xf32, #tpu.memory_space<vmem>>, vector<1x128x128xf32>
    %get3A_1533 = vector.shape_cast %get3A_1532 : vector<1x128x128xf32> to vector<128x128xf32>
    %mul3A_1534 = arith.mulf %select_n3A_1527, %get3A_1533 : vector<128x128xf32>
    %add3A_1535 = arith.addf %add3A_1512, %mul3A_1534 : vector<128x128xf32>
    %slice3A_1536 = vector.extract_strided_slice %dot_general3A_1232 {offsets = [1664, 0], sizes = [128, 128], strides = [1, 1]} : vector<2048x128xf32> to vector<128x128xf32>
    %add3A_1537 = arith.addf %slice3A_1536, %dot_general3A_1225 : vector<128x128xf32>
    %mul3A_1538 = arith.constant 2.000000e-01 : f32
    %mul3A_1539 = vector.broadcast %mul3A_1538 : f32 to vector<128x128xf32>
    %mul3A_1540 = arith.mulf %mul3A_1539, %add3A_1537 : vector<128x128xf32>
    %max3A_1541 = arith.maximumf %add3A_1537, %mul3A_1540 : vector<128x128xf32>
    %gt3A_1542 = arith.constant 13 : i32
    %gt3A_1543 = vector.broadcast %gt3A_1542 : i32 to vector<128x1xi32>
    %gt3A_1544 = arith.cmpi sgt, %broadcast_in_dim3A_826, %gt3A_1543 : vector<128x1xi32>
    %exp3A_1545 = math.exp %max3A_1541 : vector<128x128xf32>
    %jit3A_1546 = arith.constant 0.000000e+00 : f32
    %broadcast_in_dim3A_1547 = vector.shape_cast %gt3A_1544 : vector<128x1xi1> to vector<128x1xi1>
    %broadcast_in_dim3A_1548 = vector.broadcast %broadcast_in_dim3A_1547 : vector<128x1xi1> to vector<128x128xi1>
    %broadcast_in_dim3A_1549 = vector.broadcast %jit3A_1546 : f32 to vector<128x128xf32>
    %select_n3A_1550 = arith.select %broadcast_in_dim3A_1548, %exp3A_1545, %broadcast_in_dim3A_1549 : vector<128x128xi1>, vector<128x128xf32>
    %add3A_1551 = arith.addf %add3A_1528, %select_n3A_1550 : vector<128x128xf32>
    %get3A_1552 = arith.constant 13 : index
    %get3A_1553 = arith.constant 0 : index
    %get3A_1554 = arith.constant 0 : index
    %get3A_1555 = vector.load %arg4[%get3A_1552, %get3A_1553, %get3A_1554] : memref<16x128x128xf32, #tpu.memory_space<vmem>>, vector<1x128x128xf32>
    %get3A_1556 = vector.shape_cast %get3A_1555 : vector<1x128x128xf32> to vector<128x128xf32>
    %mul3A_1557 = arith.mulf %select_n3A_1550, %get3A_1556 : vector<128x128xf32>
    %add3A_1558 = arith.addf %add3A_1535, %mul3A_1557 : vector<128x128xf32>
    %slice3A_1559 = vector.extract_strided_slice %dot_general3A_1232 {offsets = [1792, 0], sizes = [128, 128], strides = [1, 1]} : vector<2048x128xf32> to vector<128x128xf32>
    %add3A_1560 = arith.addf %slice3A_1559, %dot_general3A_1225 : vector<128x128xf32>
    %mul3A_1561 = arith.constant 2.000000e-01 : f32
    %mul3A_1562 = vector.broadcast %mul3A_1561 : f32 to vector<128x128xf32>
    %mul3A_1563 = arith.mulf %mul3A_1562, %add3A_1560 : vector<128x128xf32>
    %max3A_1564 = arith.maximumf %add3A_1560, %mul3A_1563 : vector<128x128xf32>
    %gt3A_1565 = arith.constant 14 : i32
    %gt3A_1566 = vector.broadcast %gt3A_1565 : i32 to vector<128x1xi32>
    %gt3A_1567 = arith.cmpi sgt, %broadcast_in_dim3A_826, %gt3A_1566 : vector<128x1xi32>
    %exp3A_1568 = math.exp %max3A_1564 : vector<128x128xf32>
    %jit3A_1569 = arith.constant 0.000000e+00 : f32
    %broadcast_in_dim3A_1570 = vector.shape_cast %gt3A_1567 : vector<128x1xi1> to vector<128x1xi1>
    %broadcast_in_dim3A_1571 = vector.broadcast %broadcast_in_dim3A_1570 : vector<128x1xi1> to vector<128x128xi1>
    %broadcast_in_dim3A_1572 = vector.broadcast %jit3A_1569 : f32 to vector<128x128xf32>
    %select_n3A_1573 = arith.select %broadcast_in_dim3A_1571, %exp3A_1568, %broadcast_in_dim3A_1572 : vector<128x128xi1>, vector<128x128xf32>
    %add3A_1574 = arith.addf %add3A_1551, %select_n3A_1573 : vector<128x128xf32>
    %get3A_1575 = arith.constant 14 : index
    %get3A_1576 = arith.constant 0 : index
    %get3A_1577 = arith.constant 0 : index
    %get3A_1578 = vector.load %arg4[%get3A_1575, %get3A_1576, %get3A_1577] : memref<16x128x128xf32, #tpu.memory_space<vmem>>, vector<1x128x128xf32>
    %get3A_1579 = vector.shape_cast %get3A_1578 : vector<1x128x128xf32> to vector<128x128xf32>
    %mul3A_1580 = arith.mulf %select_n3A_1573, %get3A_1579 : vector<128x128xf32>
    %add3A_1581 = arith.addf %add3A_1558, %mul3A_1580 : vector<128x128xf32>
    %slice3A_1582 = vector.extract_strided_slice %dot_general3A_1232 {offsets = [1920, 0], sizes = [128, 128], strides = [1, 1]} : vector<2048x128xf32> to vector<128x128xf32>
    %add3A_1583 = arith.addf %slice3A_1582, %dot_general3A_1225 : vector<128x128xf32>
    %mul3A_1584 = arith.constant 2.000000e-01 : f32
    %mul3A_1585 = vector.broadcast %mul3A_1584 : f32 to vector<128x128xf32>
    %mul3A_1586 = arith.mulf %mul3A_1585, %add3A_1583 : vector<128x128xf32>
    %max3A_1587 = arith.maximumf %add3A_1583, %mul3A_1586 : vector<128x128xf32>
    %gt3A_1588 = arith.constant 15 : i32
    %gt3A_1589 = vector.broadcast %gt3A_1588 : i32 to vector<128x1xi32>
    %gt3A_1590 = arith.cmpi sgt, %broadcast_in_dim3A_826, %gt3A_1589 : vector<128x1xi32>
    %exp3A_1591 = math.exp %max3A_1587 : vector<128x128xf32>
    %jit3A_1592 = arith.constant 0.000000e+00 : f32
    %broadcast_in_dim3A_1593 = vector.shape_cast %gt3A_1590 : vector<128x1xi1> to vector<128x1xi1>
    %broadcast_in_dim3A_1594 = vector.broadcast %broadcast_in_dim3A_1593 : vector<128x1xi1> to vector<128x128xi1>
    %broadcast_in_dim3A_1595 = vector.broadcast %jit3A_1592 : f32 to vector<128x128xf32>
    %select_n3A_1596 = arith.select %broadcast_in_dim3A_1594, %exp3A_1591, %broadcast_in_dim3A_1595 : vector<128x128xi1>, vector<128x128xf32>
    %add3A_1597 = arith.addf %add3A_1574, %select_n3A_1596 : vector<128x128xf32>
    %get3A_1598 = arith.constant 15 : index
    %get3A_1599 = arith.constant 0 : index
    %get3A_1600 = arith.constant 0 : index
    %get3A_1601 = vector.load %arg4[%get3A_1598, %get3A_1599, %get3A_1600] : memref<16x128x128xf32, #tpu.memory_space<vmem>>, vector<1x128x128xf32>
    %get3A_1602 = vector.shape_cast %get3A_1601 : vector<1x128x128xf32> to vector<128x128xf32>
    %mul3A_1603 = arith.mulf %select_n3A_1596, %get3A_1602 : vector<128x128xf32>
    %add3A_1604 = arith.addf %add3A_1581, %mul3A_1603 : vector<128x128xf32>
    %add3A_1605 = arith.constant 1.000000e-30 : f32
    %add3A_1606 = vector.broadcast %add3A_1605 : f32 to vector<128x128xf32>
    %add3A_1607 = arith.addf %add3A_1597, %add3A_1606 : vector<128x128xf32>
    %div3A_1608 = arith.divf %add3A_1604, %add3A_1607 : vector<128x128xf32>
    %mul3A_1609 = arith.constant 1.010000e+00 : f32
    %mul3A_1610 = vector.broadcast %mul3A_1609 : f32 to vector<128x128xf32>
    %mul3A_1611 = arith.mulf %mul3A_1610, %get3A_814 : vector<128x128xf32>
    %concatenate3A_1612 = tpu.concatenate %mul3A_1611, %div3A_1217, %div3A_1608 in 1 : vector<128x128xf32>, vector<128x128xf32>, vector<128x128xf32> -> vector<128x384xf32>
    %dot_general3A_1613 = arith.constant dense<0.000000e+00> : vector<128x128xf32>
    %dot_general3A_1614 = tpu.matmul %concatenate3A_1612, %get3A_1, %dot_general3A_1613 {dimension_numbers = #tpu.dot_dimension_numbers<[1], [1], [0], [0], [0, 0, 1, 0], [], []>, transpose_lhs_hint = false} : vector<128x384xf32>, vector<128x384xf32>, vector<128x128xf32> -> vector<128x128xf32>
    %add3A_1615 = vector.broadcast %get3A_4 : vector<1x128xf32> to vector<128x128xf32>
    %add3A_1616 = arith.addf %dot_general3A_1614, %add3A_1615 : vector<128x128xf32>
    %max3A_1617 = arith.constant 0.000000e+00 : f32
    %max3A_1618 = vector.broadcast %max3A_1617 : f32 to vector<128x128xf32>
    %max3A_1619 = arith.maximumf %add3A_1616, %max3A_1618 : vector<128x128xf32>
    %mul3A_1620 = arith.mulf %max3A_1619, %max3A_1619 : vector<128x128xf32>
    %reduce_sum3A_1621 = arith.constant dense<0.000000e+00> : vector<128xf32>
    %reduce_sum3A_1622 = vector.multi_reduction <add>, %mul3A_1620, %reduce_sum3A_1621 [1] : vector<128x128xf32> to vector<128xf32>
    %broadcast_in_dim3A_1623 = vector.shape_cast %reduce_sum3A_1622 : vector<128xf32> to vector<128x1xf32>
    %sqrt3A_1624 = math.sqrt %broadcast_in_dim3A_1623 : vector<128x1xf32>
    %max3A_1625 = arith.constant 9.99999996E-13 : f32
    %max3A_1626 = vector.broadcast %max3A_1625 : f32 to vector<128x1xf32>
    %max3A_1627 = arith.maximumf %sqrt3A_1624, %max3A_1626 : vector<128x1xf32>
    %div3A_1628 = vector.broadcast %max3A_1627 : vector<128x1xf32> to vector<128x128xf32>
    %div3A_1629 = arith.divf %max3A_1619, %div3A_1628 : vector<128x128xf32>
    %get3A_1630 = arith.constant 0 : index
    %get3A_1631 = arith.constant 0 : index
    %get3A_1632 = vector.load %arg7[%get3A_1630, %get3A_1631] : memref<128x128xf32, #tpu.memory_space<vmem>>, vector<128x128xf32>
    %mul3A_1633 = arith.mulf %get3A_1632, %get3A_1632 : vector<128x128xf32>
    %reduce_sum3A_1634 = arith.constant dense<0.000000e+00> : vector<128xf32>
    %reduce_sum3A_1635 = vector.multi_reduction <add>, %mul3A_1633, %reduce_sum3A_1634 [1] : vector<128x128xf32> to vector<128xf32>
    %broadcast_in_dim3A_1636 = vector.shape_cast %reduce_sum3A_1635 : vector<128xf32> to vector<128x1xf32>
    %sqrt3A_1637 = math.sqrt %broadcast_in_dim3A_1636 : vector<128x1xf32>
    %max3A_1638 = arith.constant 9.99999996E-13 : f32
    %max3A_1639 = vector.broadcast %max3A_1638 : f32 to vector<128x1xf32>
    %max3A_1640 = arith.maximumf %sqrt3A_1637, %max3A_1639 : vector<128x1xf32>
    %div3A_1641 = vector.broadcast %max3A_1640 : vector<128x1xf32> to vector<128x128xf32>
    %div3A_1642 = arith.divf %get3A_1632, %div3A_1641 : vector<128x128xf32>
    %add3A_1643 = arith.addf %div3A_809, %div3A_1642 : vector<128x128xf32>
    %sub3A = arith.subf %add3A_1643, %div3A_1629 : vector<128x128xf32>
    %abs3A = math.absf %sub3A : vector<128x128xf32>
    %reduce_sum3A_1644 = arith.constant dense<0.000000e+00> : vector<128xf32>
    %reduce_sum3A_1645 = vector.multi_reduction <add>, %abs3A, %reduce_sum3A_1644 [1] : vector<128x128xf32> to vector<128xf32>
    %swap3A = arith.constant 0 : index
    %swap3A_1646 = arith.constant 0 : index
    %swap3A_1647 = arith.constant 0 : index
    %swap3A_1648 = vector.load %arg18[%swap3A, %swap3A_1646, %swap3A_1647] : memref<1x1x128xf32, #tpu.memory_space<vmem>>, vector<1x1x128xf32>
    %swap3A_1649 = vector.shape_cast %swap3A_1648 : vector<1x1x128xf32> to vector<128xf32>
    %swap3A_1650 = vector.shape_cast %reduce_sum3A_1645 : vector<128xf32> to vector<1x1x128xf32>
    tpu.vector_store %arg18[%swap3A, %swap3A_1646, %swap3A_1647], %swap3A_1650 {strides = array<i32>} : memref<1x1x128xf32, #tpu.memory_space<vmem>>, vector<1x1x128xf32>,
    return
  }
  func.func @transform_0(%arg0: i32) -> (i32, i32, i32) {
    %c0_i32 = arith.constant 0 : i32
    %c0_i32_0 = arith.constant 0 : i32
    %c0_i32_1 = arith.constant 0 : i32
    return %c0_i32, %arg0, %c0_i32_0 : i32, i32, i32
  }
  func.func @transform_1(%arg0: i32) -> (i32, i32, i32) {
    %c1_i32 = arith.constant 1 : i32
    %c0_i32 = arith.constant 0 : i32
    %c0_i32_0 = arith.constant 0 : i32
    return %c1_i32, %arg0, %c0_i32 : i32, i32, i32
  }
  func.func @transform_2(%arg0: i32) -> (i32, i32, i32) {
    %c2_i32 = arith.constant 2 : i32
    %c0_i32 = arith.constant 0 : i32
    %c0_i32_0 = arith.constant 0 : i32
    return %c2_i32, %arg0, %c0_i32 : i32, i32, i32
  }
  func.func @transform_3(%arg0: i32) -> (i32, i32, i32) {
    %c3_i32 = arith.constant 3 : i32
    %c0_i32 = arith.constant 0 : i32
    %c0_i32_0 = arith.constant 0 : i32
    return %c3_i32, %arg0, %c0_i32 : i32, i32, i32
  }
  func.func @transform_4(%arg0: i32) -> (i32, i32, i32) {
    %c64_i32 = arith.constant 64 : i32
    %c0_i32 = arith.constant 0 : i32
    %c0_i32_0 = arith.constant 0 : i32
    return %c64_i32, %arg0, %c0_i32 : i32, i32, i32
  }
  func.func @transform_5(%arg0: i32) -> (i32, i32, i32) {
    %c65_i32 = arith.constant 65 : i32
    %c0_i32 = arith.constant 0 : i32
    %c0_i32_0 = arith.constant 0 : i32
    return %c65_i32, %arg0, %c0_i32 : i32, i32, i32
  }
  func.func @transform_6(%arg0: i32) -> (i32, i32) {
    %c0_i32 = arith.constant 0 : i32
    %c0_i32_0 = arith.constant 0 : i32
    return %arg0, %c0_i32 : i32, i32
  }
  func.func @transform_7(%arg0: i32) -> (i32, i32, i32) {
    %c0_i32 = arith.constant 0 : i32
    %c0_i32_0 = arith.constant 0 : i32
    %c0_i32_1 = arith.constant 0 : i32
    return %arg0, %c0_i32, %c0_i32_0 : i32, i32, i32
  }
  func.func @transform_8(%arg0: i32) -> (i32, i32, i32) {
    %c0_i32 = arith.constant 0 : i32
    %c0_i32_0 = arith.constant 0 : i32
    %c0_i32_1 = arith.constant 0 : i32
    return %arg0, %c0_i32, %c0_i32_0 : i32, i32, i32
  }
  func.func @transform_9(%arg0: i32) -> (i32, i32, i32) {
    %c0_i32 = arith.constant 0 : i32
    %c0_i32_0 = arith.constant 0 : i32
    %c0_i32_1 = arith.constant 0 : i32
    return %arg0, %c0_i32, %c0_i32_0 : i32, i32, i32
  }
  func.func @transform_10(%arg0: i32) -> (i32, i32, i32) {
    %c0_i32 = arith.constant 0 : i32
    %c0_i32_0 = arith.constant 0 : i32
    %c0_i32_1 = arith.constant 0 : i32
    return %arg0, %c0_i32, %c0_i32_0 : i32, i32, i32
  }
  func.func @transform_11(%arg0: i32) -> (i32, i32) {
    %c0_i32 = arith.constant 0 : i32
    %c0_i32_0 = arith.constant 0 : i32
    %c0_i32_1 = arith.constant 0 : i32
    return %c0_i32, %c0_i32_0 : i32, i32
  }
  func.func @transform_12(%arg0: i32) -> (i32, i32) {
    %c0_i32 = arith.constant 0 : i32
    %c0_i32_0 = arith.constant 0 : i32
    %c0_i32_1 = arith.constant 0 : i32
    return %c0_i32, %c0_i32_0 : i32, i32
  }
  func.func @transform_13(%arg0: i32) -> (i32, i32) {
    %c0_i32 = arith.constant 0 : i32
    %c0_i32_0 = arith.constant 0 : i32
    %c0_i32_1 = arith.constant 0 : i32
    return %c0_i32, %c0_i32_0 : i32, i32
  }
  func.func @transform_14(%arg0: i32) -> (i32, i32) {
    %c0_i32 = arith.constant 0 : i32
    %c0_i32_0 = arith.constant 0 : i32
    %c0_i32_1 = arith.constant 0 : i32
    return %c0_i32, %c0_i32_0 : i32, i32
  }
  func.func @transform_15(%arg0: i32) -> (i32, i32) {
    %c0_i32 = arith.constant 0 : i32
    %c0_i32_0 = arith.constant 0 : i32
    %c0_i32_1 = arith.constant 0 : i32
    return %c0_i32, %c0_i32_0 : i32, i32
  }
  func.func @transform_16(%arg0: i32) -> (i32, i32) {
    %c0_i32 = arith.constant 0 : i32
    %c0_i32_0 = arith.constant 0 : i32
    %c0_i32_1 = arith.constant 0 : i32
    return %c0_i32, %c0_i32_0 : i32, i32
  }
  func.func @transform_17(%arg0: i32) -> (i32, i32, i32) {
    %c0_i32 = arith.constant 0 : i32
    %c0_i32_0 = arith.constant 0 : i32
    %c0_i32_1 = arith.constant 0 : i32
    return %arg0, %c0_i32, %c0_i32_0 : i32, i32, i32
  }
}

</mosaic_0001>

<sc_bundles>
// kernel: kernel.10.cloned.1.call-start
scs
__scs_entry_jumppad:
0x0: {  	(pc) =	sbr.rel $0x88, $3  }
0x1: {  	(tag) =	ssettag $0x0;
	lr =	simm.s32 $0x1  }
0x2: {  	[smem:$0x3F90] =	sst lr;
	_ =	strace $0xD0000000  }
0x3: {  	_ = 	snop  }
0x4: {  	_ = 	snop  }
0x5: {  	_ = 	snop  }
0x6: {  	_ = 	snop  }
0x7: {  	_ = 	snop  }
__scs_overlays_trampoline_lowered:
0x8: {  	[smem:$0x3F9F] =	sst s0  }
0x9: {  	[smem:$0x3FA0] =	sst s1  }
0xa: {  	[smem:$0x3FA1] =	sst s2  }
0xb: {  	[smem:$0x3FA2] =	sst s3  }
0xc: {  	[smem:$0x3FA3] =	sst s4  }
0xd: {  	[smem:$0x3FA4] =	sst s5  }
0xe: {  	[smem:$0x3FA5] =	sst s6  }
0xf: {  	[smem:$0x3FA6] =	sst s7  }
0x10: {  	[smem:$0x3FA7] =	sst s8  }
0x11: {  	[smem:$0x3FA8] =	sst s9;
	s0 =	simm.s32 @!p0 $0x0  }
0x12: {  	s1 =	sld [smem:$0x3F8E];
	s0 =	simm.s32 @p0 $0x1  }
0x13: {  	[smem:$0x3FA9] =	sst s0;
	s0 =	simm.s32 @!p1 $0x0  }
0x14: {  	s2 =	sld [smem:$0x3F8D];
	s0 =	simm.s32 @p1 $0x1  }
0x15: {  	[smem:$0x3FAA] =	sst s0;
	s0 =	simm.s32 @!p2 $0x0  }
0x16: {  	s3 =	sld [smem:$0x3FDB];
	s0 =	simm.s32 @p2 $0x1  }
0x17: {  	s4 =	simm.s32 $0x1BF5;
	[smem:$0x3FAC] =	sst s0  }
0x18: {  	s0 =	sld [smem:$0x3F8F];
	_ =	swait.ge [sflag:s4], $0x0  }
0x19: {  	s7 =	sld [smem:$0x3F90]  }
0x1a: {  	s8 =	sadd.s32 $0xFFFFE003, lr  }
0x1b: {  	s9 =	sadd.s32 $0xFFFFFEF7, lr;
	s5 =	simm.s32 $0xFFFFFFFF;
	p2 =	slt.u32 s8, $0xFFFFF086  }
0x1c: {  	p1 =	slt.u32 s9, $0xF7A;
	s5 =	simm.s32 @!p2 $0x0  }
0x1d: {  	s5 =	simm.s32 @p1 $0x1;
	p0 =	seq.s32 s7, s2  }
0x1e: {  	s7 =	smul.u32 @!p0 $0xF7A, s2;
	p2 =	seq.s32 @!p0 s5, $0x0  }
0x1f: {  	s9 =	smul.u32 $0xF7A, s1;
	s8 =	simm.s32 @!p0 $0x1BF5;
	p2 =	por !p2, p0  }
0x20: {  	[sflag:s8] =	ssyncset.s32 @!p0 $0xFFFFF086;
	s6 =	sadd.s32 @!p0 s3, s7;
	s7 =	simm.s32 @!p0 $0x108  }
0x21: {  	s3 =	sadd.s32 s3, s9;
	s6 =	sadd.s32 @!p0 $0x88, s6;
	s7 =	simm.s32 @p2 $0x1082  }
0x22: {  	[simem:s7], [sflag:s8] =	dma.local @!p0 [hbm:s6], $0xF7A  }
0x23: {  	s9 =	sor.u32 $0xD0000000, s2;
	s6 =	simm.s32 $0x108;
	_ =	swait.ge @!p0 [sflag:s8], $0x0  }
0x24: {  	s3 =	sadd.s32 $0x88, s3;
	s6 =	simm.s32 @!p1 $0x1082;
	[sflag:s4] =	ssyncset.s32 $0xFFFFF086  }
0x25: {  	[simem:s6], [sflag:s4] =	dma.local [hbm:s3], $0xF7A  }
0x26: {  	[smem:$0x3F90] =	sst s1;
	(tag) =	ssettag s2;
	_ =	strace s9  }
0x27: {  	s1 =	sld [smem:$0x3FA0]  }
0x28: {  	s2 =	sld [smem:$0x3FA1]  }
0x29: {  	s4 =	sld [smem:$0x3FA3]  }
0x2a: {  	p0 =	seq.s32 s5, $0x0;
	s5 =	sld [smem:$0x3FA4]  }
0x2b: {  	s6 =	sld [smem:$0x3FA5]  }
0x2c: {  	s7 =	sld [smem:$0x3FA6]  }
0x2d: {  	s3 =	simm.s32 $0x108;
	s8 =	sld [smem:$0x3FA7]  }
0x2e: {  	s3 =	simm.s32 @!p0 $0x1082;
	s9 =	sld [smem:$0x3FA8]  }
0x2f: {  	lr =	sadd.s32 s0, s3;
	s0 =	sld [smem:$0x3F9F]  }
0x30: {  	s3 =	sld [smem:$0x3FA2]  }
0x31: {  	[smem:$0x3FAB] =	sst s10  }
0x32: {  	s10 =	sld [smem:$0x3FA9];
	_ =	sdelay $0x3  }
0x33: {  	p0 =	seq.s32 s10, $0x1;
	s10 =	sld [smem:$0x3FAB];
	_ =	sdelay $0x3  }
0x34: {  	[smem:$0x3FAB] =	sst s10  }
0x35: {  	s10 =	sld [smem:$0x3FAA];
	_ =	sdelay $0x3  }
0x36: {  	p1 =	seq.s32 s10, $0x1;
	s10 =	sld [smem:$0x3FAB];
	_ =	sdelay $0x3  }
0x37: {  	[smem:$0x3FAB] =	sst s10  }
0x38: {  	s10 =	sld [smem:$0x3FAC]  }
0x39: {  	_ = 	snop;
	(pc) =	sbr.ind lr, $3  }
0x3a: {  	_ = 	snop  }
0x3b: {  	_ = 	snop  }
0x3c: {  	p2 =	seq.s32 s10, $0x1;
	s10 =	sld [smem:$0x3FAB]  }
0x3d: {  	_ =	shalt  }
0x3e: {  	_ =	shalt  }
0x3f: {  	_ =	shalt  }
0x40: {  	_ =	shalt  }
0x41: {  	_ =	shalt  }
0x42: {  	_ =	shalt  }
0x43: {  	_ =	shalt  }
0x44: {  	_ =	shalt  }
0x45: {  	_ =	shalt  }
0x46: {  	_ =	shalt  }
0x47: {  	_ =	shalt  }
0x48: {  	_ =	shalt  }
0x49: {  	_ =	shalt  }
0x4a: {  	_ =	shalt  }
0x4b: {  	_ =	shalt  }
0x4c: {  	_ =	shalt  }
0x4d: {  	_ =	shalt  }
0x4e: {  	_ =	shalt  }
0x4f: {  	_ =	shalt  }
0x50: {  	_ =	shalt  }
0x51: {  	_ =	shalt  }
0x52: {  	_ =	shalt  }
0x53: {  	_ =	shalt  }
0x54: {  	_ =	shalt  }
0x55: {  	_ =	shalt  }
0x56: {  	_ =	shalt  }
0x57: {  	_ =	shalt  }
0x58: {  	_ =	shalt  }
0x59: {  	_ =	shalt  }
0x5a: {  	_ =	shalt  }
0x5b: {  	_ =	shalt  }
0x5c: {  	_ =	shalt  }
0x5d: {  	_ =	shalt  }
0x5e: {  	_ =	shalt  }
0x5f: {  	_ =	shalt  }
0x60: {  	_ =	shalt  }
0x61: {  	_ =	shalt  }
0x62: {  	_ =	shalt  }
0x63: {  	_ =	shalt  }
0x64: {  	_ =	shalt  }
0x65: {  	_ =	shalt  }
0x66: {  	_ =	shalt  }
0x67: {  	_ =	shalt  }
0x68: {  	_ =	shalt  }
0x69: {  	_ =	shalt  }
0x6a: {  	_ =	shalt  }
0x6b: {  	_ =	shalt  }
0x6c: {  	_ =	shalt  }
0x6d: {  	_ =	shalt  }
0x6e: {  	_ =	shalt  }
0x6f: {  	_ =	shalt  }
0x70: {  	_ =	shalt  }
0x71: {  	_ =	shalt  }
0x72: {  	_ =	shalt  }
0x73: {  	_ =	shalt  }
0x74: {  	_ =	shalt  }
0x75: {  	_ =	shalt  }
0x76: {  	_ =	shalt  }
0x77: {  	_ =	shalt  }
0x78: {  	_ =	shalt  }
0x79: {  	_ =	shalt  }
0x7a: {  	_ =	shalt  }
0x7b: {  	_ =	shalt  }
0x7c: {  	_ =	shalt  }
0x7d: {  	_ =	shalt  }
0x7e: {  	_ =	shalt  }
0x7f: {  	_ =	shalt  }
0x80: {  	_ =	shalt  }
0x81: {  	_ =	shalt  }
0x82: {  	_ =	shalt  }
0x83: {  	_ =	shalt  }
0x84: {  	_ =	shalt  }
0x85: {  	_ =	shalt  }
0x86: {  	_ =	shalt  }
0x87: {  	_ =	shalt  }
.Lfunc_end0:
.L_simem_size_0:
called_computation_lowered:
.L_overlay_start_0:
0x88: {  	s2 =	sld [smem:$0x3FD9]  }
0x89: {  	s3 =	sld [smem:$0x3FFE];
	_ =	sdelay $0x1  }
0x8a: {  	s1 =	srdreg.scid  }
0x8b: {  	s0 =	sand.u32 $0x1, s1  }
0x8c: {  	s17 =	sshll.u32 s0, $0xA;
	s2 =	sadd.s32 s3, s2  }
0x8d: {  	s2 =	sadd.s32 s2, s17  }
0x8e: {  	[smem:$0x3FB7] =	sst s2  }
0x8f: {  	_ = 	snop  }
0x90: {  	s4 =	sld [smem:$0x3FC0]  }
0x91: {  	s5 =	sld [smem:$0x3FBF]  }
0x92: {  	s18 =	sld [smem:$0x3FD0];
	(tm) =	ssettm $0x1  }
0x93: {  	s19 =	sld [smem:$0x3FFB];
	_ =	sdelay $0x3  }
0x94: {  	_ =	strace s19  }
0x95: {  	s2 =	sld [smem:$0x3FFC];
	_ =	sdelay $0x3  }
0x96: {  	_ =	strace s2  }
0x97: {  	s2 =	sld [smem:$0x3FFD];
	_ =	sdelay $0x3  }
0x98: {  	_ =	strace s2  }
0x99: {  	_ =	strace $0x8FFFFFFF  }
0x9a: {  	s20 =	sld [smem:$0x3FDB];
	_ =	sdelay $0x1  }
0x9b: {  	s6 =	simm.s32 $_scs_section_size  }
0x9c: {  	s7 =	simm.s32 $_size__tile_overlayer_lowered;
	s8 =	simm.s32 $_tile_overlayer_lowered  }
0x9d: {  	s9 =	simm.s32 $0x1BFF;
	s21 =	sshll.u32 s8, $0x1;
	s6 =	sadd.s32 s6, s20  }
0x9e: {  	s22 =	simm.s32 $0x0;
	s7 =	sshll.u32 s7, $0x1;
	s8 =	sadd.s32 s21, s6  }
0x9f: {  	[timem:s22], [sflag:s9] =	dma.local [hbm:s8], s7  }
0xa0: {  	_ =	swait.ge [sflag:s9], s7  }
0xa1: {  	s7 =	ssub.s32 $0x0, s7;
	[sflag:s9] =	ssyncset.done $0x0  }
0xa2: {  	[sflag:s9] =	ssyncadd.s32 s7;
	_ =	sdelay $0x1  }
0xa3: {  	s23 =	simm.s32 $0x1B8B  }
0xa4: {  	_ =	swait.ge [sflag:s23], $0x1  }
0xa5: {  	[sflag:s23] =	ssyncset.done $0x0  }
0xa6: {  	[sflag:s23] =	ssyncadd.s32 $0xFFFFFFFF  }
0xa7: {  	s7 =	sld [smem:$0x0]  }
0xa8: {  	s8 =	sand.u32 $0xFFFFFFFE, s1  }
0xa9: {  	p0 =	sne.s32 s1, s8  }
0xaa: {  	s8 =	sshll.u32 @p0 s8, $0xE  }
0xab: {  	s8 =	sadd.s32 @p0 $0x11B8D, s8;
	s9 =	sshll.u32 @p0 s7, $0x11  }
0xac: {  	s8 =	sor.u32 @p0 s9, s8  }
0xad: {  	[sflag:s8] =	ssyncadd.remote.s32 @p0 $0x1;
	_ =	sdelay $0x1  }
0xae: {  	s8 =	simm.s32 @p0 $0x1B8D  }
0xaf: {  	_ =	swait.eq @p0 [sflag:s8], $0x1  }
0xb0: {  	[sflag:s8] =	ssyncadd.s32 @p0 $0xFFFFFFFF  }
0xb1: {  	s9 =	sshll.u32 @!p0 s1, $0xE  }
0xb2: {  	s9 =	sor.u32 @!p0 $0x4000, s9;
	s8 =	simm.s32 @!p0 $0x1B8D  }
0xb3: {  	s7 =	sshll.u32 @!p0 s7, $0x11;
	s9 =	sadd.s32 @!p0 $0x11B8D, s9;
	_ =	swait.eq @!p0 [sflag:s8], $0x1  }
0xb4: {  	s7 =	sor.u32 @!p0 s7, s9;
	[sflag:s8] =	ssyncadd.s32 @!p0 $0xFFFFFFFF  }
0xb5: {  	s25 =	simm.s32 $0x1B8E;
	s24 =	sld [smem:$0x3FFE];
	[sflag:s7] =	ssyncadd.remote.s32 @!p0 $0x1  }
0xb6: {  	s26 =	simm.s32 $execute0_lowered;
	[smem:$0x3FD2] =	sst s25  }
0xb7: {  	s8 =	sshll.u32 s26, $0x1;
	_ =	strace $0x8000004F;
	[dreg:$0x1] =	wrdreg $0xFFFFFFFF  }
0xb8: {  	s28 =	simm.s32 $_size_execute0_lowered;
	s6 =	sadd.s32 s6, s8;
	[dreg:$0x0] =	wrdreg $0x0  }
0xb9: {  	s8 =	sshll.u32 s28, $0x1;
	[dreg:$0x2] =	wrdreg s6  }
0xba: {  	[dreg:$0x3] =	wrdreg s8  }
0xbb: {  	[dreg:$0x4] =	wrdreg $0xC0  }
0xbc: {  	_ =	task [dreg:s22], $0x5FFFF  }
0xbd: {  	[dreg:$0x1] =	wrdreg $0xFFFFFFFF  }
0xbe: {  	[dreg:$0x0] =	wrdreg $0x60  }
0xbf: {  	[dreg:$0x2] =	wrdreg s4  }
0xc0: {  	[dreg:$0x3] =	wrdreg s5  }
0xc1: {  	[dreg:$0x4] =	wrdreg s24  }
0xc2: {  	[dreg:$0x5] =	wrdreg s18  }
0xc3: {  	[dreg:$0x6] =	wrdreg $0x9  }
0xc4: {  	_ =	task.clear_ibuf [dreg:s22], $0x7FFFF;
	_ =	strace $0x9000004F  }
0xc5: {  	s29 =	simm.s32 $0x9;
	_ =	strace $0x80000051  }
0xc6: {  	_ =	swait.ge [sflag:s29], $0x1  }
0xc7: {  	[sflag:s29] =	ssyncadd.s32 $0xFFFFFFFF  }
0xc8: {  	_ =	strace $0x90000051  }
0xc9: {  	_ =	sfence  }
0xca: {  	s30 =	sld [smem:$0x0];
	_ =	sdelay $0x2  }
0xcb: {  	s31 =	sshll.u32 s1, $0xD;
	s1 =	sshrl.u32 s1, $0x2  }
0xcc: {  	s4 =	sand.u32 $0x4000, s31;
	s1 =	sadd.s32 s1, s30  }
0xcd: {  	s0 =	sor.u32 s4, s0;
	s1 =	sshll.u32 s1, $0x11  }
0xce: {  	s0 =	sor.u32 s1, s0  }
0xcf: {  	s0 =	sadd.s32 $0x8F2B, s0  }
0xd0: {  	[sflag:s0] =	ssyncadd.remote.s32 $0x1  }
0xd1: {  	_ =	sfence.sel $0xFFFF  }
0xd2: {  	[dreg:$0x0] =	wrdreg $0xFFFFFFFF;
	(pc) =	sbr.abs _section_cstart, $3  }
0xd3: {  	[dreg:$0x1] =	wrdreg $0xFFFFFFFF  }
0xd4: {  	_ =	task.clear_ibuf [dreg:s22], $0x2FFFF;
	_ =	strace $0x9FFFFFFF  }
0xd5: {  	(tm) =	ssettm $0x7FFFFFFF  }
tec
execute0_lowered:
.L_overlay_start_1:
0x0: {  	(tag) =	ssettag $0x1  }
0x1: {  	s1 =	rddreg [dreg:$0x0]  }
0x2: {  	s2 =	rddreg [dreg:$0x1];
	s3 =	srdreg.scid  }
0x3: {  	s0 =	stileid.u32;
	s5 =	rddreg [dreg:$0x2]  }
0x4: {  	s6 =	rddreg [dreg:$0x3];
	s4 =	simm.s32 $0x0;
	s16 =	simm.s32 $0xD100  }
0x5: {  	s17 =	simm.s32 $0x80;
	s18 =	simm.s32 $0x1100;
	s19 =	simm.s32 $0x5100  }
0x6: {  	s20 =	simm.s32 $0x100;
	s21 =	simm.s32 $0x9100;
	s22 =	simm.s32 $0x1  }
0x7: {  	s23 =	simm.s32 $0x4;
	s24 =	simm.s32 $0x2;
	s25 =	simm.s32 $0x3  }
0x8: {  	s26 =	simm.s32 $0x5;
	s28 =	simm.s32 $0x0;
	s8 =	sand.u32 $0x1, s3  }
0x9: {  	s29 =	sshll.u32 s0, $0x1;
	[smem:$0x7FF] =	sst s4;
	s31 =	smul.u32 $0x21000, s0  }
0xa: {  	s12 =	sadd.s32 $0x66DC00, s5;
	s7 =	sor.u32 s8, s29;
	s15 =	smul.u32 $0x10800, s8  }
0xb: {  	_ =	strace $0x80000050;
	s11 =	ssub.s32 $0x2, s8;
	s9 =	smul.u32 $0x1080, s7  }
0xc: {  	s10 =	sshll.u32 s7, $0xA;
	s30 =	sshrl.u32 s11, $0x1;
	s13 =	sshll.u32 s7, $0x3  }
0xd: {  	s14 =	smul.u32 $0x10800, s7;
	s10 =	sadd.s32 s10, s5;
	s11 =	ssub.s32 s11, s30  }
0xe: {  	s6 =	sadd.s32 s6, s13;
	s13 =	simm.s32 $0x6;
	s9 =	sshrl.u32 s9, $0x3  }
0xf: {  	s7 =	sadd.s32 $0x665C00, s10;
	s14 =	sadd.s32 s12, s14;
	s8 =	smax.u32 s11, $0x1  }
0x10: {  	s12 =	sadd.s32 s31, s12;
	s9 =	sadd.s32 s9, s5;
	s10 =	sadd.s32 $0xF800, s14  }
0x11: {  	s11 =	sadd.s32 $0x10000, s14;
	s12 =	sadd.s32 s15, s12;
	s15 =	simm.s32 $0x40  }
0x12: {  	s5 =	sadd.s32 $0x8800, s9;
	s9 =	sadd.s32 $0xF000, s14;
	s14 =	simm.s32 $0x1080  }
.LBB2_1:
0x13: {  	[tilespmem:s4], [sflag:$0x6] =	stream.linear.gather [hbm4b:s5+s4], $0x1080, $0x38;
	[tilespmem:$0xF100] =	vst v63  }
0x14: {  	_ =	swait.ge [sflag:s13], $0x1080  }
0x15: {  	[sflag:s13] =	ssyncset.done $0x0  }
0x16: {  	[sflag:s13] =	ssyncadd.s32 $0xFFFFEF80  }
0x17: {  	[tilespmem:s14], [sflag:$0x6] =	stream.linear.gather [hbm4b:s6+s4], $0x40, $0x38;
	[tilespmem:$0xF100] =	vst v63  }
0x18: {  	_ =	swait.ge [sflag:s13], $0x40  }
0x19: {  	[sflag:s13] =	ssyncset.done $0x0  }
0x1a: {  	[sflag:s13] =	ssyncadd.s32 $0xFFFFFFC0  }
0x1b: {  	[tilespmem:s16], [sflag:$0x5] =	stream.indirect.gather [hbm4b:s2+s15], $0x80, s14, s15, $0xb8;
	[tilespmem:$0xF100] =	vst v63  }
0x1c: {  	_ = 	snop  }
0x1d: {  	[tilespmem:s18], [sflag:$0x1] =	stream.indirect.gather [hbm4b:s1+s17], $0x80, s4, s17, $0xb8;
	[tilespmem:$0xF100] =	vst v63  }
0x1e: {  	_ = 	snop  }
0x1f: {  	[tilespmem:s19], [sflag:$0x2] =	stream.indirect.gather [hbm4b:s1+s17], $0x80, s17, s17, $0xb8;
	[tilespmem:$0xF100] =	vst v63  }
0x20: {  	_ = 	snop  }
0x21: {  	[tilespmem:s21], [sflag:$0x3] =	stream.indirect.gather [hbm4b:s1+s17], $0x80, s20, s17, $0xb8;
	[tilespmem:$0xF100] =	vst v63  }
0x22: {  	_ =	swait.ge [sflag:s22], $0x4000  }
0x23: {  	[sflag:s22] =	ssyncset.done $0x0  }
0x24: {  	s29 =	sadd.s32 $0x0, s12;
	[sflag:s22] =	ssyncadd.s32 $0xFFFFC000  }
0x25: {  	[hbm4b:s29+s4] =	stream.linear.scatter [tilespmem:s18], [sflag:$0x4], $0x4000, $0x38;
	[tilespmem:$0xF100] =	vst v63  }
0x26: {  	_ =	swait.ge [sflag:s23], $0x4000  }
0x27: {  	[sflag:s23] =	ssyncset.done $0x0  }
0x28: {  	s30 =	simm.s32 $0x180;
	[sflag:s23] =	ssyncadd.s32 $0xFFFFC000  }
0x29: {  	[tilespmem:s18], [sflag:$0x1] =	stream.indirect.gather [hbm4b:s1+s17], $0x80, s30, s17, $0xb8;
	[tilespmem:$0xF100] =	vst v63  }
0x2a: {  	_ =	swait.ge [sflag:s24], $0x4000  }
0x2b: {  	[sflag:s24] =	ssyncset.done $0x0  }
0x2c: {  	s30 =	sadd.s32 $0x800, s29;
	[sflag:s24] =	ssyncadd.s32 $0xFFFFC000  }
0x2d: {  	[hbm4b:s30+s4] =	stream.linear.scatter [tilespmem:s19], [sflag:$0x4], $0x4000, $0x38;
	[tilespmem:$0xF100] =	vst v63  }
0x2e: {  	_ =	swait.ge [sflag:s23], $0x4000  }
0x2f: {  	[sflag:s23] =	ssyncset.done $0x0  }
0x30: {  	s30 =	simm.s32 $0x200;
	[sflag:s23] =	ssyncadd.s32 $0xFFFFC000  }
0x31: {  	[tilespmem:s19], [sflag:$0x2] =	stream.indirect.gather [hbm4b:s1+s17], $0x80, s30, s17, $0xb8;
	[tilespmem:$0xF100] =	vst v63  }
0x32: {  	_ =	swait.ge [sflag:s25], $0x4000  }
0x33: {  	[sflag:s25] =	ssyncset.done $0x0  }
0x34: {  	s29 =	sadd.s32 $0x1000, s29;
	[sflag:s25] =	ssyncadd.s32 $0xFFFFC000  }
0x35: {  	[hbm4b:s29+s4] =	stream.linear.scatter [tilespmem:s21], [sflag:$0x4], $0x4000, $0x38;
	[tilespmem:$0xF100] =	vst v63  }
0x36: {  	_ =	swait.ge [sflag:s23], $0x4000  }
0x37: {  	s31 =	simm.s32 $0x400;
	[sflag:s23] =	ssyncset.done $0x0  }
0x38: {  	s30 =	simm.s32 $0x1800;
	s29 =	simm.s32 $0x280;
	[sflag:s23] =	ssyncadd.s32 $0xFFFFC000  }
.LBB2_2:
0x39: {  	[tilespmem:s21], [sflag:$0x3] =	stream.indirect.gather [hbm4b:s1+s17], $0x80, s29, s17, $0xb8;
	[tilespmem:$0xF100] =	vst v63  }
0x3a: {  	s3 =	smov.u32 s30;
	s29 =	smov.u32 s31  }
0x3b: {  	p0 =	sne.s32 s30, $0xD800;
	s30 =	sadd.s32 $0x1800, s30;
	_ =	swait.ge [sflag:s22], $0x4000  }
0x3c: {  	[sflag:s22] =	ssyncset.done $0x0  }
0x3d: {  	s3 =	sadd.s32 s3, s12;
	[sflag:s22] =	ssyncadd.s32 $0xFFFFC000  }
0x3e: {  	[hbm4b:s3+s4] =	stream.linear.scatter [tilespmem:s18], [sflag:$0x4], $0x4000, $0x38;
	[tilespmem:$0xF100] =	vst v63  }
0x3f: {  	_ =	swait.ge [sflag:s23], $0x4000  }
0x40: {  	[sflag:s23] =	ssyncset.done $0x0  }
0x41: {  	s0 =	sadd.s32 $0xFFFFFF00, s31;
	[sflag:s23] =	ssyncadd.s32 $0xFFFFC000  }
0x42: {  	[tilespmem:s18], [sflag:$0x1] =	stream.indirect.gather [hbm4b:s1+s17], $0x80, s0, s17, $0xb8;
	[tilespmem:$0xF100] =	vst v63  }
0x43: {  	_ =	swait.ge [sflag:s24], $0x4000  }
0x44: {  	[sflag:s24] =	ssyncset.done $0x0  }
0x45: {  	s0 =	sadd.s32 $0x800, s3;
	[sflag:s24] =	ssyncadd.s32 $0xFFFFC000  }
0x46: {  	[hbm4b:s0+s4] =	stream.linear.scatter [tilespmem:s19], [sflag:$0x4], $0x4000, $0x38;
	[tilespmem:$0xF100] =	vst v63  }
0x47: {  	_ =	swait.ge [sflag:s23], $0x4000  }
0x48: {  	[sflag:s23] =	ssyncset.done $0x0  }
0x49: {  	s0 =	sadd.s32 $0xFFFFFF80, s31;
	[sflag:s23] =	ssyncadd.s32 $0xFFFFC000  }
0x4a: {  	[tilespmem:s19], [sflag:$0x2] =	stream.indirect.gather [hbm4b:s1+s17], $0x80, s0, s17, $0xb8;
	[tilespmem:$0xF100] =	vst v63  }
0x4b: {  	_ =	swait.ge [sflag:s25], $0x4000  }
0x4c: {  	[sflag:s25] =	ssyncset.done $0x0  }
.Ltmp0:
0x4d: {  	s0 =	sadd.s32 $0x1000, s3;
	[sflag:s25] =	ssyncadd.s32 $0xFFFFC000;
	(pc) =	sbr.rel @p0 .LBB2_2-.Ltmp0, $4  }
0x4e: {  	[hbm4b:s0+s4] =	stream.linear.scatter [tilespmem:s21], [sflag:$0x4], $0x4000, $0x38;
	[tilespmem:$0xF100] =	vst v63  }
0x4f: {  	_ =	swait.ge [sflag:s23], $0x4000  }
0x50: {  	[sflag:s23] =	ssyncset.done $0x0  }
0x51: {  	s31 =	sadd.s32 $0x180, s31;
	[sflag:s23] =	ssyncadd.s32 $0xFFFFC000  }
0x52: {  	[tilespmem:s21], [sflag:$0x3] =	stream.indirect.gather [hbm4b:s1+s17], $0x80, s29, s17, $0xb8;
	[tilespmem:$0xF100] =	vst v63  }
0x53: {  	_ =	swait.ge [sflag:s22], $0x4000  }
0x54: {  	[sflag:s22] =	ssyncset.done $0x0  }
0x55: {  	[sflag:s22] =	ssyncadd.s32 $0xFFFFC000  }
0x56: {  	[hbm4b:s9+s4] =	stream.linear.scatter [tilespmem:s18], [sflag:$0x4], $0x4000, $0x38;
	[tilespmem:$0xF100] =	vst v63  }
0x57: {  	_ =	swait.ge [sflag:s23], $0x4000  }
0x58: {  	[sflag:s23] =	ssyncset.done $0x0  }
0x59: {  	[sflag:s23] =	ssyncadd.s32 $0xFFFFC000  }
0x5a: {  	_ =	swait.ge [sflag:s24], $0x4000  }
0x5b: {  	[sflag:s24] =	ssyncset.done $0x0  }
0x5c: {  	[sflag:s24] =	ssyncadd.s32 $0xFFFFC000  }
0x5d: {  	[hbm4b:s10+s4] =	stream.linear.scatter [tilespmem:s19], [sflag:$0x4], $0x4000, $0x38;
	[tilespmem:$0xF100] =	vst v63  }
0x5e: {  	_ =	swait.ge [sflag:s23], $0x4000  }
0x5f: {  	[sflag:s23] =	ssyncset.done $0x0  }
0x60: {  	[sflag:s23] =	ssyncadd.s32 $0xFFFFC000  }
0x61: {  	_ =	swait.ge [sflag:s25], $0x4000  }
0x62: {  	[sflag:s25] =	ssyncset.done $0x0  }
0x63: {  	[sflag:s25] =	ssyncadd.s32 $0xFFFFC000  }
0x64: {  	[hbm4b:s11+s4] =	stream.linear.scatter [tilespmem:s21], [sflag:$0x4], $0x4000, $0x38;
	[tilespmem:$0xF100] =	vst v63  }
0x65: {  	_ =	swait.ge [sflag:s23], $0x4000  }
0x66: {  	[sflag:s23] =	ssyncset.done $0x0  }
0x67: {  	[sflag:s23] =	ssyncadd.s32 $0xFFFFC000  }
0x68: {  	s28 =	sadd.s32 $0x1, s28;
	_ =	swait.ge [sflag:s26], $0x2000  }
0x69: {  	p0 =	sne.s32 s28, s8;
	[sflag:s26] =	ssyncset.done $0x0  }
.Ltmp1:
0x6a: {  	[sflag:s26] =	ssyncadd.s32 $0xFFFFE000;
	(pc) =	sbr.rel @p0 .LBB2_1-.Ltmp1, $4  }
0x6b: {  	[hbm4b:s7+s4] =	stream.linear.scatter [tilespmem:s16], [sflag:$0x6], $0x2000, $0x38;
	[tilespmem:$0xF100] =	vst v63  }
0x6c: {  	_ =	swait.ge [sflag:s13], $0x2000  }
0x6d: {  	[sflag:s13] =	ssyncset.done $0x0  }
0x6e: {  	[sflag:s13] =	ssyncadd.s32 $0xFFFFE000  }
0x6f: {  	_ =	sfence.sel $0x180000  }
0x70: {  	[bflag:$0x0] =	sbarrier.arrive $0xFFFF  }
0x71: {  	_ =	strace $0x90000050  }
0x72: {  	s0 =	stileid.u32;
	[bflag:$0x2] =	sbarrier.arrive $0xFFFF  }
0x73: {  	p0 =	sne.s32 s0, $0x0;
	s0 =	rddreg [dreg:$0x4]  }
0x74: {  	s0 =	sadd.s32 @!p0 $0x100000, s0  }
0x75: {  	[sflag:s0] =	ssyncadd.tile.s32 @!p0 $0x1;
	_ =	shalt  }
.Lfunc_end2:
_tile_overlayer_lowered:
.L_overlay_start_2:
0x76: {  	(tag) =	ssettag $0x2  }
0x77: {  	s0 =	rddreg [dreg:$0x0];
	s2 =	stileid.u32  }
0x78: {  	s1 =	rddreg [dreg:$0x1];
	p0 =	sne.s32 s2, $0x0  }
0x79: {  	s3 =	rddreg [dreg:$0x2];
	[bflag:$0x3] =	sbarrier.arrive $0xFFFF;
	s2 =	simm.s32 @!p0 $0x1C06  }
0x7a: {  	[timem:s3], [sflag:s2] =	dma.local @!p0 [hbm:s0], s1  }
0x7b: {  	s0 =	simm.s32 @!p0 $0x6  }
0x7c: {  	_ =	swait.ge @!p0 [sflag:s0], s1  }
0x7d: {  	s1 =	ssub.s32 @!p0 $0x0, s1;
	[sflag:s0] =	ssyncset.done @!p0 $0x0  }
0x7e: {  	[sflag:s0] =	ssyncadd.s32 @!p0 s1  }
0x7f: {  	[bflag:$0x3] =	sbarrier.arrive $0xFFFF  }
0x80: {  	_ =	shalt  }

// kernel: kernel.13.cloned.1.call-start
scs
__scs_entry_jumppad:
0x0: {  	(pc) =	sbr.rel $0x88, $3  }
0x1: {  	(tag) =	ssettag $0x0;
	lr =	simm.s32 $0x1  }
0x2: {  	[smem:$0x3F90] =	sst lr;
	_ =	strace $0xD0000000  }
0x3: {  	_ = 	snop  }
0x4: {  	_ = 	snop  }
0x5: {  	_ = 	snop  }
0x6: {  	_ = 	snop  }
0x7: {  	_ = 	snop  }
__scs_overlays_trampoline_lowered:
0x8: {  	[smem:$0x3F9F] =	sst s0  }
0x9: {  	[smem:$0x3FA0] =	sst s1  }
0xa: {  	[smem:$0x3FA1] =	sst s2  }
0xb: {  	[smem:$0x3FA2] =	sst s3  }
0xc: {  	[smem:$0x3FA3] =	sst s4  }
0xd: {  	[smem:$0x3FA4] =	sst s5  }
0xe: {  	[smem:$0x3FA5] =	sst s6  }
0xf: {  	[smem:$0x3FA6] =	sst s7  }
0x10: {  	[smem:$0x3FA7] =	sst s8  }
0x11: {  	[smem:$0x3FA8] =	sst s9;
	s0 =	simm.s32 @!p0 $0x0  }
0x12: {  	s1 =	sld [smem:$0x3F8E];
	s0 =	simm.s32 @p0 $0x1  }
0x13: {  	[smem:$0x3FA9] =	sst s0;
	s0 =	simm.s32 @!p1 $0x0  }
0x14: {  	s2 =	sld [smem:$0x3F8D];
	s0 =	simm.s32 @p1 $0x1  }
0x15: {  	[smem:$0x3FAA] =	sst s0;
	s0 =	simm.s32 @!p2 $0x0  }
0x16: {  	s3 =	sld [smem:$0x3FDB];
	s0 =	simm.s32 @p2 $0x1  }
0x17: {  	s4 =	simm.s32 $0x1BF5;
	[smem:$0x3FAC] =	sst s0  }
0x18: {  	s0 =	sld [smem:$0x3F8F];
	_ =	swait.ge [sflag:s4], $0x0  }
0x19: {  	s7 =	sld [smem:$0x3F90]  }
0x1a: {  	s8 =	sadd.s32 $0xFFFFE003, lr  }
0x1b: {  	s9 =	sadd.s32 $0xFFFFFEF7, lr;
	s5 =	simm.s32 $0xFFFFFFFF;
	p2 =	slt.u32 s8, $0xFFFFF086  }
0x1c: {  	p1 =	slt.u32 s9, $0xF7A;
	s5 =	simm.s32 @!p2 $0x0  }
0x1d: {  	s5 =	simm.s32 @p1 $0x1;
	p0 =	seq.s32 s7, s2  }
0x1e: {  	s7 =	smul.u32 @!p0 $0xF7A, s2;
	p2 =	seq.s32 @!p0 s5, $0x0  }
0x1f: {  	s9 =	smul.u32 $0xF7A, s1;
	s8 =	simm.s32 @!p0 $0x1BF5;
	p2 =	por !p2, p0  }
0x20: {  	[sflag:s8] =	ssyncset.s32 @!p0 $0xFFFFF086;
	s6 =	sadd.s32 @!p0 s3, s7;
	s7 =	simm.s32 @!p0 $0x108  }
0x21: {  	s3 =	sadd.s32 s3, s9;
	s6 =	sadd.s32 @!p0 $0x88, s6;
	s7 =	simm.s32 @p2 $0x1082  }
0x22: {  	[simem:s7], [sflag:s8] =	dma.local @!p0 [hbm:s6], $0xF7A  }
0x23: {  	s9 =	sor.u32 $0xD0000000, s2;
	s6 =	simm.s32 $0x108;
	_ =	swait.ge @!p0 [sflag:s8], $0x0  }
0x24: {  	s3 =	sadd.s32 $0x88, s3;
	s6 =	simm.s32 @!p1 $0x1082;
	[sflag:s4] =	ssyncset.s32 $0xFFFFF086  }
0x25: {  	[simem:s6], [sflag:s4] =	dma.local [hbm:s3], $0xF7A  }
0x26: {  	[smem:$0x3F90] =	sst s1;
	(tag) =	ssettag s2;
	_ =	strace s9  }
0x27: {  	s1 =	sld [smem:$0x3FA0]  }
0x28: {  	s2 =	sld [smem:$0x3FA1]  }
0x29: {  	s4 =	sld [smem:$0x3FA3]  }
0x2a: {  	p0 =	seq.s32 s5, $0x0;
	s5 =	sld [smem:$0x3FA4]  }
0x2b: {  	s6 =	sld [smem:$0x3FA5]  }
0x2c: {  	s7 =	sld [smem:$0x3FA6]  }
0x2d: {  	s3 =	simm.s32 $0x108;
	s8 =	sld [smem:$0x3FA7]  }
0x2e: {  	s3 =	simm.s32 @!p0 $0x1082;
	s9 =	sld [smem:$0x3FA8]  }
0x2f: {  	lr =	sadd.s32 s0, s3;
	s0 =	sld [smem:$0x3F9F]  }
0x30: {  	s3 =	sld [smem:$0x3FA2]  }
0x31: {  	[smem:$0x3FAB] =	sst s10  }
0x32: {  	s10 =	sld [smem:$0x3FA9];
	_ =	sdelay $0x3  }
0x33: {  	p0 =	seq.s32 s10, $0x1;
	s10 =	sld [smem:$0x3FAB];
	_ =	sdelay $0x3  }
0x34: {  	[smem:$0x3FAB] =	sst s10  }
0x35: {  	s10 =	sld [smem:$0x3FAA];
	_ =	sdelay $0x3  }
0x36: {  	p1 =	seq.s32 s10, $0x1;
	s10 =	sld [smem:$0x3FAB];
	_ =	sdelay $0x3  }
0x37: {  	[smem:$0x3FAB] =	sst s10  }
0x38: {  	s10 =	sld [smem:$0x3FAC]  }
0x39: {  	_ = 	snop;
	(pc) =	sbr.ind lr, $3  }
0x3a: {  	_ = 	snop  }
0x3b: {  	_ = 	snop  }
0x3c: {  	p2 =	seq.s32 s10, $0x1;
	s10 =	sld [smem:$0x3FAB]  }
0x3d: {  	_ =	shalt  }
0x3e: {  	_ =	shalt  }
0x3f: {  	_ =	shalt  }
0x40: {  	_ =	shalt  }
0x41: {  	_ =	shalt  }
0x42: {  	_ =	shalt  }
0x43: {  	_ =	shalt  }
0x44: {  	_ =	shalt  }
0x45: {  	_ =	shalt  }
0x46: {  	_ =	shalt  }
0x47: {  	_ =	shalt  }
0x48: {  	_ =	shalt  }
0x49: {  	_ =	shalt  }
0x4a: {  	_ =	shalt  }
0x4b: {  	_ =	shalt  }
0x4c: {  	_ =	shalt  }
0x4d: {  	_ =	shalt  }
0x4e: {  	_ =	shalt  }
0x4f: {  	_ =	shalt  }
0x50: {  	_ =	shalt  }
0x51: {  	_ =	shalt  }
0x52: {  	_ =	shalt  }
0x53: {  	_ =	shalt  }
0x54: {  	_ =	shalt  }
0x55: {  	_ =	shalt  }
0x56: {  	_ =	shalt  }
0x57: {  	_ =	shalt  }
0x58: {  	_ =	shalt  }
0x59: {  	_ =	shalt  }
0x5a: {  	_ =	shalt  }
0x5b: {  	_ =	shalt  }
0x5c: {  	_ =	shalt  }
0x5d: {  	_ =	shalt  }
0x5e: {  	_ =	shalt  }
0x5f: {  	_ =	shalt  }
0x60: {  	_ =	shalt  }
0x61: {  	_ =	shalt  }
0x62: {  	_ =	shalt  }
0x63: {  	_ =	shalt  }
0x64: {  	_ =	shalt  }
0x65: {  	_ =	shalt  }
0x66: {  	_ =	shalt  }
0x67: {  	_ =	shalt  }
0x68: {  	_ =	shalt  }
0x69: {  	_ =	shalt  }
0x6a: {  	_ =	shalt  }
0x6b: {  	_ =	shalt  }
0x6c: {  	_ =	shalt  }
0x6d: {  	_ =	shalt  }
0x6e: {  	_ =	shalt  }
0x6f: {  	_ =	shalt  }
0x70: {  	_ =	shalt  }
0x71: {  	_ =	shalt  }
0x72: {  	_ =	shalt  }
0x73: {  	_ =	shalt  }
0x74: {  	_ =	shalt  }
0x75: {  	_ =	shalt  }
0x76: {  	_ =	shalt  }
0x77: {  	_ =	shalt  }
0x78: {  	_ =	shalt  }
0x79: {  	_ =	shalt  }
0x7a: {  	_ =	shalt  }
0x7b: {  	_ =	shalt  }
0x7c: {  	_ =	shalt  }
0x7d: {  	_ =	shalt  }
0x7e: {  	_ =	shalt  }
0x7f: {  	_ =	shalt  }
0x80: {  	_ =	shalt  }
0x81: {  	_ =	shalt  }
0x82: {  	_ =	shalt  }
0x83: {  	_ =	shalt  }
0x84: {  	_ =	shalt  }
0x85: {  	_ =	shalt  }
0x86: {  	_ =	shalt  }
0x87: {  	_ =	shalt  }
.Lfunc_end0:
.L_simem_size_0:
called_computation.1_lowered:
.L_overlay_start_0:
0x88: {  	s2 =	sld [smem:$0x3FD9]  }
0x89: {  	s3 =	sld [smem:$0x3FFE];
	_ =	sdelay $0x1  }
0x8a: {  	s1 =	srdreg.scid  }
0x8b: {  	s0 =	sand.u32 $0x1, s1  }
0x8c: {  	s17 =	sshll.u32 s0, $0xA;
	s2 =	sadd.s32 s3, s2  }
0x8d: {  	s2 =	sadd.s32 s2, s17  }
0x8e: {  	[smem:$0x3FB7] =	sst s2  }
0x8f: {  	_ = 	snop  }
0x90: {  	s2 =	sld [smem:$0x3FC0]  }
0x91: {  	s18 =	sld [smem:$0x3FBF];
	(tm) =	ssettm $0x1  }
0x92: {  	s4 =	sld [smem:$0x3FFB];
	_ =	sdelay $0x3  }
0x93: {  	_ =	strace s4  }
0x94: {  	s4 =	sld [smem:$0x3FFC];
	_ =	sdelay $0x3  }
0x95: {  	_ =	strace s4  }
0x96: {  	s4 =	sld [smem:$0x3FFD];
	_ =	sdelay $0x3  }
0x97: {  	_ =	strace s4  }
0x98: {  	_ =	strace $0x8FFFFFFF  }
0x99: {  	s19 =	sld [smem:$0x3FDB];
	_ =	sdelay $0x1  }
0x9a: {  	s5 =	simm.s32 $_scs_section_size  }
0x9b: {  	s6 =	simm.s32 $_size__tile_overlayer_lowered;
	s7 =	simm.s32 $_tile_overlayer_lowered  }
0x9c: {  	s22 =	simm.s32 $0x1BFF;
	s21 =	sshll.u32 s7, $0x1;
	s4 =	sadd.s32 s5, s19  }
0x9d: {  	s8 =	simm.s32 $0x0;
	s20 =	sshll.u32 s6, $0x1;
	s6 =	sadd.s32 s21, s4  }
0x9e: {  	[timem:s8], [sflag:s22] =	dma.local [hbm:s6], s20  }
0x9f: {  	_ =	swait.ge [sflag:s22], s20  }
0xa0: {  	s5 =	ssub.s32 $0x0, s20;
	[sflag:s22] =	ssyncset.done $0x0  }
0xa1: {  	[sflag:s22] =	ssyncadd.s32 s5;
	_ =	sdelay $0x1  }
0xa2: {  	s23 =	simm.s32 $0x1B8B  }
0xa3: {  	_ =	swait.ge [sflag:s23], $0x1  }
0xa4: {  	[sflag:s23] =	ssyncset.done $0x0  }
0xa5: {  	s25 =	simm.s32 $0x1B8E;
	s24 =	sld [smem:$0x3FFE];
	[sflag:s23] =	ssyncadd.s32 $0xFFFFFFFF  }
0xa6: {  	s26 =	simm.s32 $execute0_lowered;
	[smem:$0x3FD2] =	sst s25  }
0xa7: {  	s6 =	sshll.u32 s26, $0x1;
	_ =	strace $0x80000046;
	[dreg:$0x1] =	wrdreg $0xFFFFFFFF  }
0xa8: {  	s28 =	simm.s32 $_size_execute0_lowered;
	s4 =	sadd.s32 s4, s6;
	[dreg:$0x0] =	wrdreg $0x0  }
0xa9: {  	s6 =	sshll.u32 s28, $0x1;
	[dreg:$0x2] =	wrdreg s4  }
0xaa: {  	[dreg:$0x3] =	wrdreg s6  }
0xab: {  	[dreg:$0x4] =	wrdreg $0xC0  }
0xac: {  	_ =	task [dreg:s8], $0x5FFFF  }
0xad: {  	[dreg:$0x1] =	wrdreg $0xFFFFFFFF  }
0xae: {  	[dreg:$0x0] =	wrdreg $0x60  }
0xaf: {  	[dreg:$0x2] =	wrdreg s2  }
0xb0: {  	[dreg:$0x3] =	wrdreg s18  }
0xb1: {  	[dreg:$0x4] =	wrdreg s24  }
0xb2: {  	[dreg:$0x5] =	wrdreg $0xA  }
0xb3: {  	_ =	task.clear_ibuf [dreg:s8], $0x6FFFF;
	_ =	strace $0x90000046  }
0xb4: {  	s29 =	simm.s32 $0xA;
	_ =	strace $0x80000048  }
0xb5: {  	_ =	swait.ge [sflag:s29], $0x1  }
0xb6: {  	[sflag:s29] =	ssyncadd.s32 $0xFFFFFFFF  }
0xb7: {  	_ =	strace $0x90000048  }
0xb8: {  	_ =	sfence  }
0xb9: {  	s30 =	sld [smem:$0x0];
	_ =	sdelay $0x2  }
0xba: {  	s31 =	sshll.u32 s1, $0xD;
	s1 =	sshrl.u32 s1, $0x2  }
0xbb: {  	s3 =	sand.u32 $0x4000, s31;
	s1 =	sadd.s32 s1, s30  }
0xbc: {  	s0 =	sor.u32 s3, s0;
	s1 =	sshll.u32 s1, $0x11  }
0xbd: {  	s0 =	sor.u32 s1, s0  }
0xbe: {  	s0 =	sadd.s32 $0x8F2B, s0  }
0xbf: {  	[sflag:s0] =	ssyncadd.remote.s32 $0x1  }
0xc0: {  	_ =	sfence.sel $0xFFFF  }
0xc1: {  	[dreg:$0x0] =	wrdreg $0xFFFFFFFF;
	(pc) =	sbr.abs _section_cstart, $3  }
0xc2: {  	[dreg:$0x1] =	wrdreg $0xFFFFFFFF  }
0xc3: {  	_ =	task.clear_ibuf [dreg:s8], $0x2FFFF;
	_ =	strace $0x9FFFFFFF  }
0xc4: {  	(tm) =	ssettm $0x7FFFFFFF  }
0xc5: {  	_ =	shalt  }
tec
execute0_lowered:
.L_overlay_start_1:
0x0: {  	(tag) =	ssettag $0x1  }
0x1: {  	s1 =	rddreg [dreg:$0x0]  }
0x2: {  	s2 =	srdreg.scid;
	s3 =	rddreg [dreg:$0x1]  }
0x3: {  	s0 =	stileid.u32;
	s5 =	rddreg [dreg:$0x2]  }
0x4: {  	s4 =	simm.s32 $0x0;
	s15 =	simm.s32 $0x40;
	s16 =	simm.s32 $0xD100  }
0x5: {  	s17 =	simm.s32 $0x80;
	s18 =	simm.s32 $0x1100;
	s19 =	simm.s32 $0x5100  }
0x6: {  	s20 =	simm.s32 $0x100;
	s21 =	simm.s32 $0x9100;
	s22 =	simm.s32 $0x1  }
0x7: {  	s23 =	simm.s32 $0x4;
	s24 =	simm.s32 $0x2;
	s25 =	simm.s32 $0x3  }
0x8: {  	s28 =	simm.s32 $0x0;
	s8 =	sand.u32 $0x1, s2;
	s26 =	sshll.u32 s0, $0x1  }
0x9: {  	[smem:$0x7FF] =	sst s4;
	s11 =	sadd.s32 $0x1D800, s5;
	s14 =	smul.u32 $0x21000, s0  }
0xa: {  	s6 =	sor.u32 s8, s26;
	_ =	strace $0x80000047;
	s31 =	smul.u32 $0x10800, s8  }
0xb: {  	s10 =	ssub.s32 $0x2, s8;
	s26 =	simm.s32 $0x5;
	s7 =	smul.u32 $0x1080, s6  }
0xc: {  	s9 =	sshll.u32 s6, $0x3;
	s12 =	sshll.u32 s6, $0xA;
	s13 =	sshrl.u32 s10, $0x1  }
0xd: {  	s29 =	smul.u32 $0x10800, s6;
	s14 =	sadd.s32 s14, s11;
	s9 =	sadd.s32 s9, s5  }
0xe: {  	s12 =	sadd.s32 s12, s5;
	s10 =	ssub.s32 s10, s13;
	s13 =	simm.s32 $0x6  }
0xf: {  	s7 =	sshrl.u32 s7, $0x3;
	s6 =	sadd.s32 $0x11000, s9;
	s30 =	sadd.s32 s11, s29  }
0x10: {  	s8 =	smax.u32 s10, $0x1;
	s7 =	sadd.s32 s7, s5;
	s9 =	sadd.s32 $0xF000, s30  }
0x11: {  	s10 =	sadd.s32 $0xF800, s30;
	s11 =	sadd.s32 $0x10000, s30;
	s5 =	sadd.s32 $0x11600, s7  }
0x12: {  	s7 =	sadd.s32 $0x15800, s12;
	s12 =	sadd.s32 s31, s14;
	s14 =	simm.s32 $0x1080  }
.LBB2_1:
0x13: {  	[tilespmem:s4], [sflag:$0x6] =	stream.linear.gather [hbm4b:s5+s4], $0x1080, $0x38;
	[tilespmem:$0xF100] =	vst v63  }
0x14: {  	_ =	swait.ge [sflag:s13], $0x1080  }
0x15: {  	[sflag:s13] =	ssyncset.done $0x0  }
0x16: {  	[sflag:s13] =	ssyncadd.s32 $0xFFFFEF80  }
0x17: {  	[tilespmem:s14], [sflag:$0x6] =	stream.linear.gather [hbm4b:s6+s4], $0x40, $0x38;
	[tilespmem:$0xF100] =	vst v63  }
0x18: {  	_ =	swait.ge [sflag:s13], $0x40  }
0x19: {  	[sflag:s13] =	ssyncset.done $0x0  }
0x1a: {  	[sflag:s13] =	ssyncadd.s32 $0xFFFFFFC0  }
0x1b: {  	[tilespmem:s16], [sflag:$0x5] =	stream.indirect.gather [hbm4b:s3+s15], $0x80, s14, s15, $0xb8;
	[tilespmem:$0xF100] =	vst v63  }
0x1c: {  	_ = 	snop  }
0x1d: {  	[tilespmem:s18], [sflag:$0x1] =	stream.indirect.gather [hbm4b:s1+s17], $0x80, s4, s17, $0xb8;
	[tilespmem:$0xF100] =	vst v63  }
0x1e: {  	_ = 	snop  }
0x1f: {  	[tilespmem:s19], [sflag:$0x2] =	stream.indirect.gather [hbm4b:s1+s17], $0x80, s17, s17, $0xb8;
	[tilespmem:$0xF100] =	vst v63  }
0x20: {  	_ = 	snop  }
0x21: {  	[tilespmem:s21], [sflag:$0x3] =	stream.indirect.gather [hbm4b:s1+s17], $0x80, s20, s17, $0xb8;
	[tilespmem:$0xF100] =	vst v63  }
0x22: {  	_ =	swait.ge [sflag:s22], $0x4000  }
0x23: {  	[sflag:s22] =	ssyncset.done $0x0  }
0x24: {  	s29 =	sadd.s32 $0x0, s12;
	[sflag:s22] =	ssyncadd.s32 $0xFFFFC000  }
0x25: {  	[hbm4b:s29+s4] =	stream.linear.scatter [tilespmem:s18], [sflag:$0x4], $0x4000, $0x38;
	[tilespmem:$0xF100] =	vst v63  }
0x26: {  	_ =	swait.ge [sflag:s23], $0x4000  }
0x27: {  	[sflag:s23] =	ssyncset.done $0x0  }
0x28: {  	s30 =	simm.s32 $0x180;
	[sflag:s23] =	ssyncadd.s32 $0xFFFFC000  }
0x29: {  	[tilespmem:s18], [sflag:$0x1] =	stream.indirect.gather [hbm4b:s1+s17], $0x80, s30, s17, $0xb8;
	[tilespmem:$0xF100] =	vst v63  }
0x2a: {  	_ =	swait.ge [sflag:s24], $0x4000  }
0x2b: {  	[sflag:s24] =	ssyncset.done $0x0  }
0x2c: {  	s30 =	sadd.s32 $0x800, s29;
	[sflag:s24] =	ssyncadd.s32 $0xFFFFC000  }
0x2d: {  	[hbm4b:s30+s4] =	stream.linear.scatter [tilespmem:s19], [sflag:$0x4], $0x4000, $0x38;
	[tilespmem:$0xF100] =	vst v63  }
0x2e: {  	_ =	swait.ge [sflag:s23], $0x4000  }
0x2f: {  	[sflag:s23] =	ssyncset.done $0x0  }
0x30: {  	s30 =	simm.s32 $0x200;
	[sflag:s23] =	ssyncadd.s32 $0xFFFFC000  }
0x31: {  	[tilespmem:s19], [sflag:$0x2] =	stream.indirect.gather [hbm4b:s1+s17], $0x80, s30, s17, $0xb8;
	[tilespmem:$0xF100] =	vst v63  }
0x32: {  	_ =	swait.ge [sflag:s25], $0x4000  }
0x33: {  	[sflag:s25] =	ssyncset.done $0x0  }
0x34: {  	s29 =	sadd.s32 $0x1000, s29;
	[sflag:s25] =	ssyncadd.s32 $0xFFFFC000  }
0x35: {  	[hbm4b:s29+s4] =	stream.linear.scatter [tilespmem:s21], [sflag:$0x4], $0x4000, $0x38;
	[tilespmem:$0xF100] =	vst v63  }
0x36: {  	_ =	swait.ge [sflag:s23], $0x4000  }
0x37: {  	s31 =	simm.s32 $0x400;
	[sflag:s23] =	ssyncset.done $0x0  }
0x38: {  	s30 =	simm.s32 $0x1800;
	s29 =	simm.s32 $0x280;
	[sflag:s23] =	ssyncadd.s32 $0xFFFFC000  }
.LBB2_2:
0x39: {  	[tilespmem:s21], [sflag:$0x3] =	stream.indirect.gather [hbm4b:s1+s17], $0x80, s29, s17, $0xb8;
	[tilespmem:$0xF100] =	vst v63  }
0x3a: {  	s2 =	smov.u32 s30;
	s29 =	smov.u32 s31  }
0x3b: {  	p0 =	sne.s32 s30, $0xD800;
	s30 =	sadd.s32 $0x1800, s30;
	_ =	swait.ge [sflag:s22], $0x4000  }
0x3c: {  	[sflag:s22] =	ssyncset.done $0x0  }
0x3d: {  	s2 =	sadd.s32 s2, s12;
	[sflag:s22] =	ssyncadd.s32 $0xFFFFC000  }
0x3e: {  	[hbm4b:s2+s4] =	stream.linear.scatter [tilespmem:s18], [sflag:$0x4], $0x4000, $0x38;
	[tilespmem:$0xF100] =	vst v63  }
0x3f: {  	_ =	swait.ge [sflag:s23], $0x4000  }
0x40: {  	[sflag:s23] =	ssyncset.done $0x0  }
0x41: {  	s0 =	sadd.s32 $0xFFFFFF00, s31;
	[sflag:s23] =	ssyncadd.s32 $0xFFFFC000  }
0x42: {  	[tilespmem:s18], [sflag:$0x1] =	stream.indirect.gather [hbm4b:s1+s17], $0x80, s0, s17, $0xb8;
	[tilespmem:$0xF100] =	vst v63  }
0x43: {  	_ =	swait.ge [sflag:s24], $0x4000  }
0x44: {  	[sflag:s24] =	ssyncset.done $0x0  }
0x45: {  	s0 =	sadd.s32 $0x800, s2;
	[sflag:s24] =	ssyncadd.s32 $0xFFFFC000  }
0x46: {  	[hbm4b:s0+s4] =	stream.linear.scatter [tilespmem:s19], [sflag:$0x4], $0x4000, $0x38;
	[tilespmem:$0xF100] =	vst v63  }
0x47: {  	_ =	swait.ge [sflag:s23], $0x4000  }
0x48: {  	[sflag:s23] =	ssyncset.done $0x0  }
0x49: {  	s0 =	sadd.s32 $0xFFFFFF80, s31;
	[sflag:s23] =	ssyncadd.s32 $0xFFFFC000  }
0x4a: {  	[tilespmem:s19], [sflag:$0x2] =	stream.indirect.gather [hbm4b:s1+s17], $0x80, s0, s17, $0xb8;
	[tilespmem:$0xF100] =	vst v63  }
0x4b: {  	_ =	swait.ge [sflag:s25], $0x4000  }
0x4c: {  	[sflag:s25] =	ssyncset.done $0x0  }
.Ltmp0:
0x4d: {  	s0 =	sadd.s32 $0x1000, s2;
	[sflag:s25] =	ssyncadd.s32 $0xFFFFC000;
	(pc) =	sbr.rel @p0 .LBB2_2-.Ltmp0, $4  }
0x4e: {  	[hbm4b:s0+s4] =	stream.linear.scatter [tilespmem:s21], [sflag:$0x4], $0x4000, $0x38;
	[tilespmem:$0xF100] =	vst v63  }
0x4f: {  	_ =	swait.ge [sflag:s23], $0x4000  }
0x50: {  	[sflag:s23] =	ssyncset.done $0x0  }
0x51: {  	s31 =	sadd.s32 $0x180, s31;
	[sflag:s23] =	ssyncadd.s32 $0xFFFFC000  }
0x52: {  	[tilespmem:s21], [sflag:$0x3] =	stream.indirect.gather [hbm4b:s1+s17], $0x80, s29, s17, $0xb8;
	[tilespmem:$0xF100] =	vst v63  }
0x53: {  	_ =	swait.ge [sflag:s22], $0x4000  }
0x54: {  	[sflag:s22] =	ssyncset.done $0x0  }
0x55: {  	[sflag:s22] =	ssyncadd.s32 $0xFFFFC000  }
0x56: {  	[hbm4b:s9+s4] =	stream.linear.scatter [tilespmem:s18], [sflag:$0x4], $0x4000, $0x38;
	[tilespmem:$0xF100] =	vst v63  }
0x57: {  	_ =	swait.ge [sflag:s23], $0x4000  }
0x58: {  	[sflag:s23] =	ssyncset.done $0x0  }
0x59: {  	[sflag:s23] =	ssyncadd.s32 $0xFFFFC000  }
0x5a: {  	_ =	swait.ge [sflag:s24], $0x4000  }
0x5b: {  	[sflag:s24] =	ssyncset.done $0x0  }
0x5c: {  	[sflag:s24] =	ssyncadd.s32 $0xFFFFC000  }
0x5d: {  	[hbm4b:s10+s4] =	stream.linear.scatter [tilespmem:s19], [sflag:$0x4], $0x4000, $0x38;
	[tilespmem:$0xF100] =	vst v63  }
0x5e: {  	_ =	swait.ge [sflag:s23], $0x4000  }
0x5f: {  	[sflag:s23] =	ssyncset.done $0x0  }
0x60: {  	[sflag:s23] =	ssyncadd.s32 $0xFFFFC000  }
0x61: {  	_ =	swait.ge [sflag:s25], $0x4000  }
0x62: {  	[sflag:s25] =	ssyncset.done $0x0  }
0x63: {  	[sflag:s25] =	ssyncadd.s32 $0xFFFFC000  }
0x64: {  	[hbm4b:s11+s4] =	stream.linear.scatter [tilespmem:s21], [sflag:$0x4], $0x4000, $0x38;
	[tilespmem:$0xF100] =	vst v63  }
0x65: {  	_ =	swait.ge [sflag:s23], $0x4000  }
0x66: {  	[sflag:s23] =	ssyncset.done $0x0  }
0x67: {  	[sflag:s23] =	ssyncadd.s32 $0xFFFFC000  }
0x68: {  	s28 =	sadd.s32 $0x1, s28;
	_ =	swait.ge [sflag:s26], $0x2000  }
0x69: {  	p0 =	sne.s32 s28, s8;
	[sflag:s26] =	ssyncset.done $0x0  }
.Ltmp1:
0x6a: {  	[sflag:s26] =	ssyncadd.s32 $0xFFFFE000;
	(pc) =	sbr.rel @p0 .LBB2_1-.Ltmp1, $4  }
0x6b: {  	[hbm4b:s7+s4] =	stream.linear.scatter [tilespmem:s16], [sflag:$0x6], $0x2000, $0x38;
	[tilespmem:$0xF100] =	vst v63  }
0x6c: {  	_ =	swait.ge [sflag:s13], $0x2000  }
0x6d: {  	[sflag:s13] =	ssyncset.done $0x0  }
0x6e: {  	[sflag:s13] =	ssyncadd.s32 $0xFFFFE000  }
0x6f: {  	_ =	sfence.sel $0x180000  }
0x70: {  	[bflag:$0x0] =	sbarrier.arrive $0xFFFF  }
0x71: {  	_ =	strace $0x90000047  }
0x72: {  	s0 =	stileid.u32;
	[bflag:$0x2] =	sbarrier.arrive $0xFFFF  }
0x73: {  	p0 =	sne.s32 s0, $0x0;
	s0 =	rddreg [dreg:$0x3]  }
0x74: {  	s0 =	sadd.s32 @!p0 $0x100000, s0  }
0x75: {  	[sflag:s0] =	ssyncadd.tile.s32 @!p0 $0x1;
	_ =	shalt  }
.Lfunc_end2:
_tile_overlayer_lowered:
.L_overlay_start_2:
0x76: {  	(tag) =	ssettag $0x2  }
0x77: {  	s0 =	rddreg [dreg:$0x0];
	s2 =	stileid.u32  }
0x78: {  	s1 =	rddreg [dreg:$0x1];
	p0 =	sne.s32 s2, $0x0  }
0x79: {  	s3 =	rddreg [dreg:$0x2];
	[bflag:$0x3] =	sbarrier.arrive $0xFFFF;
	s2 =	simm.s32 @!p0 $0x1C06  }
0x7a: {  	[timem:s3], [sflag:s2] =	dma.local @!p0 [hbm:s0], s1  }
0x7b: {  	s0 =	simm.s32 @!p0 $0x6  }
0x7c: {  	_ =	swait.ge @!p0 [sflag:s0], s1  }
0x7d: {  	s1 =	ssub.s32 @!p0 $0x0, s1;
	[sflag:s0] =	ssyncset.done @!p0 $0x0  }
0x7e: {  	[sflag:s0] =	ssyncadd.s32 @!p0 s1  }
0x7f: {  	[bflag:$0x3] =	sbarrier.arrive $0xFFFF  }
0x80: {  	_ =	shalt  }

// kernel: kernel.16.cloned.1.call-start
scs
__scs_entry_jumppad:
0x0: {  	(pc) =	sbr.rel $0x88, $3  }
0x1: {  	(tag) =	ssettag $0x0;
	lr =	simm.s32 $0x1  }
0x2: {  	[smem:$0x3F90] =	sst lr;
	_ =	strace $0xD0000000  }
0x3: {  	_ = 	snop  }
0x4: {  	_ = 	snop  }
0x5: {  	_ = 	snop  }
0x6: {  	_ = 	snop  }
0x7: {  	_ = 	snop  }
__scs_overlays_trampoline_lowered:
0x8: {  	[smem:$0x3F9F] =	sst s0  }
0x9: {  	[smem:$0x3FA0] =	sst s1  }
0xa: {  	[smem:$0x3FA1] =	sst s2  }
0xb: {  	[smem:$0x3FA2] =	sst s3  }
0xc: {  	[smem:$0x3FA3] =	sst s4  }
0xd: {  	[smem:$0x3FA4] =	sst s5  }
0xe: {  	[smem:$0x3FA5] =	sst s6  }
0xf: {  	[smem:$0x3FA6] =	sst s7  }
0x10: {  	[smem:$0x3FA7] =	sst s8  }
0x11: {  	[smem:$0x3FA8] =	sst s9;
	s0 =	simm.s32 @!p0 $0x0  }
0x12: {  	s1 =	sld [smem:$0x3F8E];
	s0 =	simm.s32 @p0 $0x1  }
0x13: {  	[smem:$0x3FA9] =	sst s0;
	s0 =	simm.s32 @!p1 $0x0  }
0x14: {  	s2 =	sld [smem:$0x3F8D];
	s0 =	simm.s32 @p1 $0x1  }
0x15: {  	[smem:$0x3FAA] =	sst s0;
	s0 =	simm.s32 @!p2 $0x0  }
0x16: {  	s3 =	sld [smem:$0x3FDB];
	s0 =	simm.s32 @p2 $0x1  }
0x17: {  	s4 =	simm.s32 $0x1BF5;
	[smem:$0x3FAC] =	sst s0  }
0x18: {  	s0 =	sld [smem:$0x3F8F];
	_ =	swait.ge [sflag:s4], $0x0  }
0x19: {  	s7 =	sld [smem:$0x3F90]  }
0x1a: {  	s8 =	sadd.s32 $0xFFFFE003, lr  }
0x1b: {  	s9 =	sadd.s32 $0xFFFFFEF7, lr;
	s5 =	simm.s32 $0xFFFFFFFF;
	p2 =	slt.u32 s8, $0xFFFFF086  }
0x1c: {  	p1 =	slt.u32 s9, $0xF7A;
	s5 =	simm.s32 @!p2 $0x0  }
0x1d: {  	s5 =	simm.s32 @p1 $0x1;
	p0 =	seq.s32 s7, s2  }
0x1e: {  	s7 =	smul.u32 @!p0 $0xF7A, s2;
	p2 =	seq.s32 @!p0 s5, $0x0  }
0x1f: {  	s9 =	smul.u32 $0xF7A, s1;
	s8 =	simm.s32 @!p0 $0x1BF5;
	p2 =	por !p2, p0  }
0x20: {  	[sflag:s8] =	ssyncset.s32 @!p0 $0xFFFFF086;
	s6 =	sadd.s32 @!p0 s3, s7;
	s7 =	simm.s32 @!p0 $0x108  }
0x21: {  	s3 =	sadd.s32 s3, s9;
	s6 =	sadd.s32 @!p0 $0x88, s6;
	s7 =	simm.s32 @p2 $0x1082  }
0x22: {  	[simem:s7], [sflag:s8] =	dma.local @!p0 [hbm:s6], $0xF7A  }
0x23: {  	s9 =	sor.u32 $0xD0000000, s2;
	s6 =	simm.s32 $0x108;
	_ =	swait.ge @!p0 [sflag:s8], $0x0  }
0x24: {  	s3 =	sadd.s32 $0x88, s3;
	s6 =	simm.s32 @!p1 $0x1082;
	[sflag:s4] =	ssyncset.s32 $0xFFFFF086  }
0x25: {  	[simem:s6], [sflag:s4] =	dma.local [hbm:s3], $0xF7A  }
0x26: {  	[smem:$0x3F90] =	sst s1;
	(tag) =	ssettag s2;
	_ =	strace s9  }
0x27: {  	s1 =	sld [smem:$0x3FA0]  }
0x28: {  	s2 =	sld [smem:$0x3FA1]  }
0x29: {  	s4 =	sld [smem:$0x3FA3]  }
0x2a: {  	p0 =	seq.s32 s5, $0x0;
	s5 =	sld [smem:$0x3FA4]  }
0x2b: {  	s6 =	sld [smem:$0x3FA5]  }
0x2c: {  	s7 =	sld [smem:$0x3FA6]  }
0x2d: {  	s3 =	simm.s32 $0x108;
	s8 =	sld [smem:$0x3FA7]  }
0x2e: {  	s3 =	simm.s32 @!p0 $0x1082;
	s9 =	sld [smem:$0x3FA8]  }
0x2f: {  	lr =	sadd.s32 s0, s3;
	s0 =	sld [smem:$0x3F9F]  }
0x30: {  	s3 =	sld [smem:$0x3FA2]  }
0x31: {  	[smem:$0x3FAB] =	sst s10  }
0x32: {  	s10 =	sld [smem:$0x3FA9];
	_ =	sdelay $0x3  }
0x33: {  	p0 =	seq.s32 s10, $0x1;
	s10 =	sld [smem:$0x3FAB];
	_ =	sdelay $0x3  }
0x34: {  	[smem:$0x3FAB] =	sst s10  }
0x35: {  	s10 =	sld [smem:$0x3FAA];
	_ =	sdelay $0x3  }
0x36: {  	p1 =	seq.s32 s10, $0x1;
	s10 =	sld [smem:$0x3FAB];
	_ =	sdelay $0x3  }
0x37: {  	[smem:$0x3FAB] =	sst s10  }
0x38: {  	s10 =	sld [smem:$0x3FAC]  }
0x39: {  	_ = 	snop;
	(pc) =	sbr.ind lr, $3  }
0x3a: {  	_ = 	snop  }
0x3b: {  	_ = 	snop  }
0x3c: {  	p2 =	seq.s32 s10, $0x1;
	s10 =	sld [smem:$0x3FAB]  }
0x3d: {  	_ =	shalt  }
0x3e: {  	_ =	shalt  }
0x3f: {  	_ =	shalt  }
0x40: {  	_ =	shalt  }
0x41: {  	_ =	shalt  }
0x42: {  	_ =	shalt  }
0x43: {  	_ =	shalt  }
0x44: {  	_ =	shalt  }
0x45: {  	_ =	shalt  }
0x46: {  	_ =	shalt  }
0x47: {  	_ =	shalt  }
0x48: {  	_ =	shalt  }
0x49: {  	_ =	shalt  }
0x4a: {  	_ =	shalt  }
0x4b: {  	_ =	shalt  }
0x4c: {  	_ =	shalt  }
0x4d: {  	_ =	shalt  }
0x4e: {  	_ =	shalt  }
0x4f: {  	_ =	shalt  }
0x50: {  	_ =	shalt  }
0x51: {  	_ =	shalt  }
0x52: {  	_ =	shalt  }
0x53: {  	_ =	shalt  }
0x54: {  	_ =	shalt  }
0x55: {  	_ =	shalt  }
0x56: {  	_ =	shalt  }
0x57: {  	_ =	shalt  }
0x58: {  	_ =	shalt  }
0x59: {  	_ =	shalt  }
0x5a: {  	_ =	shalt  }
0x5b: {  	_ =	shalt  }
0x5c: {  	_ =	shalt  }
0x5d: {  	_ =	shalt  }
0x5e: {  	_ =	shalt  }
0x5f: {  	_ =	shalt  }
0x60: {  	_ =	shalt  }
0x61: {  	_ =	shalt  }
0x62: {  	_ =	shalt  }
0x63: {  	_ =	shalt  }
0x64: {  	_ =	shalt  }
0x65: {  	_ =	shalt  }
0x66: {  	_ =	shalt  }
0x67: {  	_ =	shalt  }
0x68: {  	_ =	shalt  }
0x69: {  	_ =	shalt  }
0x6a: {  	_ =	shalt  }
0x6b: {  	_ =	shalt  }
0x6c: {  	_ =	shalt  }
0x6d: {  	_ =	shalt  }
0x6e: {  	_ =	shalt  }
0x6f: {  	_ =	shalt  }
0x70: {  	_ =	shalt  }
0x71: {  	_ =	shalt  }
0x72: {  	_ =	shalt  }
0x73: {  	_ =	shalt  }
0x74: {  	_ =	shalt  }
0x75: {  	_ =	shalt  }
0x76: {  	_ =	shalt  }
0x77: {  	_ =	shalt  }
0x78: {  	_ =	shalt  }
0x79: {  	_ =	shalt  }
0x7a: {  	_ =	shalt  }
0x7b: {  	_ =	shalt  }
0x7c: {  	_ =	shalt  }
0x7d: {  	_ =	shalt  }
0x7e: {  	_ =	shalt  }
0x7f: {  	_ =	shalt  }
0x80: {  	_ =	shalt  }
0x81: {  	_ =	shalt  }
0x82: {  	_ =	shalt  }
0x83: {  	_ =	shalt  }
0x84: {  	_ =	shalt  }
0x85: {  	_ =	shalt  }
0x86: {  	_ =	shalt  }
0x87: {  	_ =	shalt  }
.Lfunc_end0:
.L_simem_size_0:
called_computation.2_lowered:
.L_overlay_start_0:
0x88: {  	s2 =	sld [smem:$0x3FD9]  }
0x89: {  	s3 =	sld [smem:$0x3FFE];
	_ =	sdelay $0x1  }
0x8a: {  	s1 =	srdreg.scid  }
0x8b: {  	s0 =	sand.u32 $0x1, s1  }
0x8c: {  	s17 =	sshll.u32 s0, $0xA;
	s2 =	sadd.s32 s3, s2  }
0x8d: {  	s2 =	sadd.s32 s2, s17  }
0x8e: {  	[smem:$0x3FB7] =	sst s2  }
0x8f: {  	_ = 	snop  }
0x90: {  	s18 =	sld [smem:$0x3FC0]  }
0x91: {  	s4 =	sld [smem:$0x3FBF];
	(tm) =	ssettm $0x1  }
0x92: {  	s19 =	sld [smem:$0x3FFB];
	_ =	sdelay $0x3  }
0x93: {  	_ =	strace s19  }
0x94: {  	s2 =	sld [smem:$0x3FFC];
	_ =	sdelay $0x3  }
0x95: {  	_ =	strace s2  }
0x96: {  	s2 =	sld [smem:$0x3FFD];
	_ =	sdelay $0x3  }
0x97: {  	_ =	strace s2  }
0x98: {  	_ =	strace $0x8FFFFFFF  }
0x99: {  	s20 =	sld [smem:$0x3FDB];
	_ =	sdelay $0x1  }
0x9a: {  	s5 =	simm.s32 $_scs_section_size  }
0x9b: {  	s6 =	simm.s32 $_size__tile_overlayer_lowered;
	s7 =	simm.s32 $_tile_overlayer_lowered  }
0x9c: {  	s8 =	simm.s32 $0x1BFF;
	s21 =	sshll.u32 s7, $0x1;
	s5 =	sadd.s32 s5, s20  }
0x9d: {  	s22 =	simm.s32 $0x0;
	s6 =	sshll.u32 s6, $0x1;
	s7 =	sadd.s32 s21, s5  }
0x9e: {  	[timem:s22], [sflag:s8] =	dma.local [hbm:s7], s6  }
0x9f: {  	_ =	swait.ge [sflag:s8], s6  }
0xa0: {  	s6 =	ssub.s32 $0x0, s6;
	[sflag:s8] =	ssyncset.done $0x0  }
0xa1: {  	[sflag:s8] =	ssyncadd.s32 s6;
	_ =	sdelay $0x1  }
0xa2: {  	s23 =	simm.s32 $0x1B8B  }
0xa3: {  	_ =	swait.ge [sflag:s23], $0x1  }
0xa4: {  	[sflag:s23] =	ssyncset.done $0x0  }
0xa5: {  	[sflag:s23] =	ssyncadd.s32 $0xFFFFFFFF  }
0xa6: {  	s6 =	sld [smem:$0x0]  }
0xa7: {  	s7 =	sand.u32 $0xFFFFFFFE, s1  }
0xa8: {  	p0 =	sne.s32 s1, s7  }
0xa9: {  	s7 =	sshll.u32 @p0 s7, $0xE  }
0xaa: {  	s7 =	sadd.s32 @p0 $0x11B8D, s7;
	s8 =	sshll.u32 @p0 s6, $0x11  }
0xab: {  	s7 =	sor.u32 @p0 s8, s7  }
0xac: {  	[sflag:s7] =	ssyncadd.remote.s32 @p0 $0x1;
	_ =	sdelay $0x1  }
0xad: {  	s7 =	simm.s32 @p0 $0x1B8D  }
0xae: {  	_ =	swait.eq @p0 [sflag:s7], $0x1  }
0xaf: {  	[sflag:s7] =	ssyncadd.s32 @p0 $0xFFFFFFFF  }
0xb0: {  	s8 =	sshll.u32 @!p0 s1, $0xE  }
0xb1: {  	s8 =	sor.u32 @!p0 $0x4000, s8;
	s7 =	simm.s32 @!p0 $0x1B8D  }
0xb2: {  	s6 =	sshll.u32 @!p0 s6, $0x11;
	s8 =	sadd.s32 @!p0 $0x11B8D, s8;
	_ =	swait.eq @!p0 [sflag:s7], $0x1  }
0xb3: {  	s6 =	sor.u32 @!p0 s6, s8;
	[sflag:s7] =	ssyncadd.s32 @!p0 $0xFFFFFFFF  }
0xb4: {  	s25 =	simm.s32 $0x1B8E;
	s24 =	sld [smem:$0x3FFE];
	[sflag:s6] =	ssyncadd.remote.s32 @!p0 $0x1  }
0xb5: {  	s26 =	simm.s32 $execute0_lowered;
	[smem:$0x3FD2] =	sst s25  }
0xb6: {  	s7 =	sshll.u32 s26, $0x1;
	_ =	strace $0x80000049;
	[dreg:$0x1] =	wrdreg $0xFFFFFFFF  }
0xb7: {  	s28 =	simm.s32 $_size_execute0_lowered;
	s5 =	sadd.s32 s5, s7;
	[dreg:$0x0] =	wrdreg $0x0  }
0xb8: {  	s7 =	sshll.u32 s28, $0x1;
	[dreg:$0x2] =	wrdreg s5  }
0xb9: {  	[dreg:$0x3] =	wrdreg s7  }
0xba: {  	[dreg:$0x4] =	wrdreg $0xC0  }
0xbb: {  	_ =	task [dreg:s22], $0x5FFFF  }
0xbc: {  	[dreg:$0x1] =	wrdreg $0xFFFFFFFF  }
0xbd: {  	[dreg:$0x0] =	wrdreg $0x60  }
0xbe: {  	[dreg:$0x2] =	wrdreg s18  }
0xbf: {  	[dreg:$0x3] =	wrdreg s4  }
0xc0: {  	[dreg:$0x4] =	wrdreg s24  }
0xc1: {  	[dreg:$0x5] =	wrdreg $0xB  }
0xc2: {  	_ =	task.clear_ibuf [dreg:s22], $0x6FFFF;
	_ =	strace $0x90000049  }
0xc3: {  	s29 =	simm.s32 $0xB;
	_ =	strace $0x8000004B  }
0xc4: {  	_ =	swait.ge [sflag:s29], $0x1  }
0xc5: {  	[sflag:s29] =	ssyncadd.s32 $0xFFFFFFFF  }
0xc6: {  	_ =	strace $0x9000004B  }
0xc7: {  	_ =	sfence  }
0xc8: {  	s30 =	sld [smem:$0x0];
	_ =	sdelay $0x2  }
0xc9: {  	s31 =	sshll.u32 s1, $0xD;
	s1 =	sshrl.u32 s1, $0x2  }
0xca: {  	s4 =	sand.u32 $0x4000, s31;
	s1 =	sadd.s32 s1, s30  }
0xcb: {  	s0 =	sor.u32 s4, s0;
	s1 =	sshll.u32 s1, $0x11  }
0xcc: {  	s0 =	sor.u32 s1, s0  }
0xcd: {  	s0 =	sadd.s32 $0x8F2B, s0  }
0xce: {  	[sflag:s0] =	ssyncadd.remote.s32 $0x1  }
0xcf: {  	_ =	sfence.sel $0xFFFF  }
0xd0: {  	[dreg:$0x0] =	wrdreg $0xFFFFFFFF;
	(pc) =	sbr.abs _section_cstart, $3  }
0xd1: {  	[dreg:$0x1] =	wrdreg $0xFFFFFFFF  }
0xd2: {  	_ =	task.clear_ibuf [dreg:s22], $0x2FFFF;
	_ =	strace $0x9FFFFFFF  }
0xd3: {  	(tm) =	ssettm $0x7FFFFFFF  }
tec
execute0_lowered:
.L_overlay_start_1:
0x0: {  	(tag) =	ssettag $0x1  }
0x1: {  	s1 =	rddreg [dreg:$0x0]  }
0x2: {  	s2 =	srdreg.scid;
	s3 =	rddreg [dreg:$0x1]  }
0x3: {  	s0 =	stileid.u32;
	s5 =	rddreg [dreg:$0x2]  }
0x4: {  	s4 =	simm.s32 $0x0;
	s15 =	simm.s32 $0x40;
	s16 =	simm.s32 $0xD100  }
0x5: {  	s17 =	simm.s32 $0x80;
	s18 =	simm.s32 $0x1100;
	s19 =	simm.s32 $0x5100  }
0x6: {  	s20 =	simm.s32 $0x100;
	s21 =	simm.s32 $0x9100;
	s22 =	simm.s32 $0x1  }
0x7: {  	s23 =	simm.s32 $0x4;
	s24 =	simm.s32 $0x2;
	s25 =	simm.s32 $0x3  }
0x8: {  	s28 =	simm.s32 $0x0;
	s8 =	sand.u32 $0x1, s2;
	s26 =	sshll.u32 s0, $0x1  }
0x9: {  	[smem:$0x7FF] =	sst s4;
	s11 =	sadd.s32 $0x239A00, s5;
	s14 =	smul.u32 $0x21000, s0  }
0xa: {  	s6 =	sor.u32 s8, s26;
	_ =	strace $0x8000004A;
	s31 =	smul.u32 $0x10800, s8  }
0xb: {  	s10 =	ssub.s32 $0x2, s8;
	s26 =	simm.s32 $0x5;
	s7 =	smul.u32 $0x1080, s6  }
0xc: {  	s9 =	sshll.u32 s6, $0x3;
	s12 =	sshll.u32 s6, $0xA;
	s13 =	sshrl.u32 s10, $0x1  }
0xd: {  	s29 =	smul.u32 $0x10800, s6;
	s14 =	sadd.s32 s14, s11;
	s9 =	sadd.s32 s9, s5  }
0xe: {  	s12 =	sadd.s32 s12, s5;
	s10 =	ssub.s32 s10, s13;
	s13 =	simm.s32 $0x6  }
0xf: {  	s7 =	sshrl.u32 s7, $0x3;
	s6 =	sadd.s32 $0x11200, s9;
	s30 =	sadd.s32 s11, s29  }
0x10: {  	s8 =	smax.u32 s10, $0x1;
	s7 =	sadd.s32 s7, s5;
	s9 =	sadd.s32 $0xF000, s30  }
0x11: {  	s10 =	sadd.s32 $0xF800, s30;
	s11 =	sadd.s32 $0x10000, s30;
	s5 =	sadd.s32 $0x22D800, s7  }
0x12: {  	s7 =	sadd.s32 $0x231A00, s12;
	s12 =	sadd.s32 s31, s14;
	s14 =	simm.s32 $0x1080  }
.LBB2_1:
0x13: {  	[tilespmem:s4], [sflag:$0x6] =	stream.linear.gather [hbm4b:s5+s4], $0x1080, $0x38;
	[tilespmem:$0xF100] =	vst v63  }
0x14: {  	_ =	swait.ge [sflag:s13], $0x1080  }
0x15: {  	[sflag:s13] =	ssyncset.done $0x0  }
0x16: {  	[sflag:s13] =	ssyncadd.s32 $0xFFFFEF80  }
0x17: {  	[tilespmem:s14], [sflag:$0x6] =	stream.linear.gather [hbm4b:s6+s4], $0x40, $0x38;
	[tilespmem:$0xF100] =	vst v63  }
0x18: {  	_ =	swait.ge [sflag:s13], $0x40  }
0x19: {  	[sflag:s13] =	ssyncset.done $0x0  }
0x1a: {  	[sflag:s13] =	ssyncadd.s32 $0xFFFFFFC0  }
0x1b: {  	[tilespmem:s16], [sflag:$0x5] =	stream.indirect.gather [hbm4b:s3+s15], $0x80, s14, s15, $0xb8;
	[tilespmem:$0xF100] =	vst v63  }
0x1c: {  	_ = 	snop  }
0x1d: {  	[tilespmem:s18], [sflag:$0x1] =	stream.indirect.gather [hbm4b:s1+s17], $0x80, s4, s17, $0xb8;
	[tilespmem:$0xF100] =	vst v63  }
0x1e: {  	_ = 	snop  }
0x1f: {  	[tilespmem:s19], [sflag:$0x2] =	stream.indirect.gather [hbm4b:s1+s17], $0x80, s17, s17, $0xb8;
	[tilespmem:$0xF100] =	vst v63  }
0x20: {  	_ = 	snop  }
0x21: {  	[tilespmem:s21], [sflag:$0x3] =	stream.indirect.gather [hbm4b:s1+s17], $0x80, s20, s17, $0xb8;
	[tilespmem:$0xF100] =	vst v63  }
0x22: {  	_ =	swait.ge [sflag:s22], $0x4000  }
0x23: {  	[sflag:s22] =	ssyncset.done $0x0  }
0x24: {  	s29 =	sadd.s32 $0x0, s12;
	[sflag:s22] =	ssyncadd.s32 $0xFFFFC000  }
0x25: {  	[hbm4b:s29+s4] =	stream.linear.scatter [tilespmem:s18], [sflag:$0x4], $0x4000, $0x38;
	[tilespmem:$0xF100] =	vst v63  }
0x26: {  	_ =	swait.ge [sflag:s23], $0x4000  }
0x27: {  	[sflag:s23] =	ssyncset.done $0x0  }
0x28: {  	s30 =	simm.s32 $0x180;
	[sflag:s23] =	ssyncadd.s32 $0xFFFFC000  }
0x29: {  	[tilespmem:s18], [sflag:$0x1] =	stream.indirect.gather [hbm4b:s1+s17], $0x80, s30, s17, $0xb8;
	[tilespmem:$0xF100] =	vst v63  }
0x2a: {  	_ =	swait.ge [sflag:s24], $0x4000  }
0x2b: {  	[sflag:s24] =	ssyncset.done $0x0  }
0x2c: {  	s30 =	sadd.s32 $0x800, s29;
	[sflag:s24] =	ssyncadd.s32 $0xFFFFC000  }
0x2d: {  	[hbm4b:s30+s4] =	stream.linear.scatter [tilespmem:s19], [sflag:$0x4], $0x4000, $0x38;
	[tilespmem:$0xF100] =	vst v63  }
0x2e: {  	_ =	swait.ge [sflag:s23], $0x4000  }
0x2f: {  	[sflag:s23] =	ssyncset.done $0x0  }
0x30: {  	s30 =	simm.s32 $0x200;
	[sflag:s23] =	ssyncadd.s32 $0xFFFFC000  }
0x31: {  	[tilespmem:s19], [sflag:$0x2] =	stream.indirect.gather [hbm4b:s1+s17], $0x80, s30, s17, $0xb8;
	[tilespmem:$0xF100] =	vst v63  }
0x32: {  	_ =	swait.ge [sflag:s25], $0x4000  }
0x33: {  	[sflag:s25] =	ssyncset.done $0x0  }
0x34: {  	s29 =	sadd.s32 $0x1000, s29;
	[sflag:s25] =	ssyncadd.s32 $0xFFFFC000  }
0x35: {  	[hbm4b:s29+s4] =	stream.linear.scatter [tilespmem:s21], [sflag:$0x4], $0x4000, $0x38;
	[tilespmem:$0xF100] =	vst v63  }
0x36: {  	_ =	swait.ge [sflag:s23], $0x4000  }
0x37: {  	s31 =	simm.s32 $0x400;
	[sflag:s23] =	ssyncset.done $0x0  }
0x38: {  	s30 =	simm.s32 $0x1800;
	s29 =	simm.s32 $0x280;
	[sflag:s23] =	ssyncadd.s32 $0xFFFFC000  }
.LBB2_2:
0x39: {  	[tilespmem:s21], [sflag:$0x3] =	stream.indirect.gather [hbm4b:s1+s17], $0x80, s29, s17, $0xb8;
	[tilespmem:$0xF100] =	vst v63  }
0x3a: {  	s2 =	smov.u32 s30;
	s29 =	smov.u32 s31  }
0x3b: {  	p0 =	sne.s32 s30, $0xD800;
	s30 =	sadd.s32 $0x1800, s30;
	_ =	swait.ge [sflag:s22], $0x4000  }
0x3c: {  	[sflag:s22] =	ssyncset.done $0x0  }
0x3d: {  	s2 =	sadd.s32 s2, s12;
	[sflag:s22] =	ssyncadd.s32 $0xFFFFC000  }
0x3e: {  	[hbm4b:s2+s4] =	stream.linear.scatter [tilespmem:s18], [sflag:$0x4], $0x4000, $0x38;
	[tilespmem:$0xF100] =	vst v63  }
0x3f: {  	_ =	swait.ge [sflag:s23], $0x4000  }
0x40: {  	[sflag:s23] =	ssyncset.done $0x0  }
0x41: {  	s0 =	sadd.s32 $0xFFFFFF00, s31;
	[sflag:s23] =	ssyncadd.s32 $0xFFFFC000  }
0x42: {  	[tilespmem:s18], [sflag:$0x1] =	stream.indirect.gather [hbm4b:s1+s17], $0x80, s0, s17, $0xb8;
	[tilespmem:$0xF100] =	vst v63  }
0x43: {  	_ =	swait.ge [sflag:s24], $0x4000  }
0x44: {  	[sflag:s24] =	ssyncset.done $0x0  }
0x45: {  	s0 =	sadd.s32 $0x800, s2;
	[sflag:s24] =	ssyncadd.s32 $0xFFFFC000  }
0x46: {  	[hbm4b:s0+s4] =	stream.linear.scatter [tilespmem:s19], [sflag:$0x4], $0x4000, $0x38;
	[tilespmem:$0xF100] =	vst v63  }
0x47: {  	_ =	swait.ge [sflag:s23], $0x4000  }
0x48: {  	[sflag:s23] =	ssyncset.done $0x0  }
0x49: {  	s0 =	sadd.s32 $0xFFFFFF80, s31;
	[sflag:s23] =	ssyncadd.s32 $0xFFFFC000  }
0x4a: {  	[tilespmem:s19], [sflag:$0x2] =	stream.indirect.gather [hbm4b:s1+s17], $0x80, s0, s17, $0xb8;
	[tilespmem:$0xF100] =	vst v63  }
0x4b: {  	_ =	swait.ge [sflag:s25], $0x4000  }
0x4c: {  	[sflag:s25] =	ssyncset.done $0x0  }
.Ltmp0:
0x4d: {  	s0 =	sadd.s32 $0x1000, s2;
	[sflag:s25] =	ssyncadd.s32 $0xFFFFC000;
	(pc) =	sbr.rel @p0 .LBB2_2-.Ltmp0, $4  }
0x4e: {  	[hbm4b:s0+s4] =	stream.linear.scatter [tilespmem:s21], [sflag:$0x4], $0x4000, $0x38;
	[tilespmem:$0xF100] =	vst v63  }
0x4f: {  	_ =	swait.ge [sflag:s23], $0x4000  }
0x50: {  	[sflag:s23] =	ssyncset.done $0x0  }
0x51: {  	s31 =	sadd.s32 $0x180, s31;
	[sflag:s23] =	ssyncadd.s32 $0xFFFFC000  }
0x52: {  	[tilespmem:s21], [sflag:$0x3] =	stream.indirect.gather [hbm4b:s1+s17], $0x80, s29, s17, $0xb8;
	[tilespmem:$0xF100] =	vst v63  }
0x53: {  	_ =	swait.ge [sflag:s22], $0x4000  }
0x54: {  	[sflag:s22] =	ssyncset.done $0x0  }
0x55: {  	[sflag:s22] =	ssyncadd.s32 $0xFFFFC000  }
0x56: {  	[hbm4b:s9+s4] =	stream.linear.scatter [tilespmem:s18], [sflag:$0x4], $0x4000, $0x38;
	[tilespmem:$0xF100] =	vst v63  }
0x57: {  	_ =	swait.ge [sflag:s23], $0x4000  }
0x58: {  	[sflag:s23] =	ssyncset.done $0x0  }
0x59: {  	[sflag:s23] =	ssyncadd.s32 $0xFFFFC000  }
0x5a: {  	_ =	swait.ge [sflag:s24], $0x4000  }
0x5b: {  	[sflag:s24] =	ssyncset.done $0x0  }
0x5c: {  	[sflag:s24] =	ssyncadd.s32 $0xFFFFC000  }
0x5d: {  	[hbm4b:s10+s4] =	stream.linear.scatter [tilespmem:s19], [sflag:$0x4], $0x4000, $0x38;
	[tilespmem:$0xF100] =	vst v63  }
0x5e: {  	_ =	swait.ge [sflag:s23], $0x4000  }
0x5f: {  	[sflag:s23] =	ssyncset.done $0x0  }
0x60: {  	[sflag:s23] =	ssyncadd.s32 $0xFFFFC000  }
0x61: {  	_ =	swait.ge [sflag:s25], $0x4000  }
0x62: {  	[sflag:s25] =	ssyncset.done $0x0  }
0x63: {  	[sflag:s25] =	ssyncadd.s32 $0xFFFFC000  }
0x64: {  	[hbm4b:s11+s4] =	stream.linear.scatter [tilespmem:s21], [sflag:$0x4], $0x4000, $0x38;
	[tilespmem:$0xF100] =	vst v63  }
0x65: {  	_ =	swait.ge [sflag:s23], $0x4000  }
0x66: {  	[sflag:s23] =	ssyncset.done $0x0  }
0x67: {  	[sflag:s23] =	ssyncadd.s32 $0xFFFFC000  }
0x68: {  	s28 =	sadd.s32 $0x1, s28;
	_ =	swait.ge [sflag:s26], $0x2000  }
0x69: {  	p0 =	sne.s32 s28, s8;
	[sflag:s26] =	ssyncset.done $0x0  }
.Ltmp1:
0x6a: {  	[sflag:s26] =	ssyncadd.s32 $0xFFFFE000;
	(pc) =	sbr.rel @p0 .LBB2_1-.Ltmp1, $4  }
0x6b: {  	[hbm4b:s7+s4] =	stream.linear.scatter [tilespmem:s16], [sflag:$0x6], $0x2000, $0x38;
	[tilespmem:$0xF100] =	vst v63  }
0x6c: {  	_ =	swait.ge [sflag:s13], $0x2000  }
0x6d: {  	[sflag:s13] =	ssyncset.done $0x0  }
0x6e: {  	[sflag:s13] =	ssyncadd.s32 $0xFFFFE000  }
0x6f: {  	_ =	sfence.sel $0x180000  }
0x70: {  	[bflag:$0x0] =	sbarrier.arrive $0xFFFF  }
0x71: {  	_ =	strace $0x9000004A  }
0x72: {  	s0 =	stileid.u32;
	[bflag:$0x2] =	sbarrier.arrive $0xFFFF  }
0x73: {  	p0 =	sne.s32 s0, $0x0;
	s0 =	rddreg [dreg:$0x3]  }
0x74: {  	s0 =	sadd.s32 @!p0 $0x100000, s0  }
0x75: {  	[sflag:s0] =	ssyncadd.tile.s32 @!p0 $0x1;
	_ =	shalt  }
.Lfunc_end2:
_tile_overlayer_lowered:
.L_overlay_start_2:
0x76: {  	(tag) =	ssettag $0x2  }
0x77: {  	s0 =	rddreg [dreg:$0x0];
	s2 =	stileid.u32  }
0x78: {  	s1 =	rddreg [dreg:$0x1];
	p0 =	sne.s32 s2, $0x0  }
0x79: {  	s3 =	rddreg [dreg:$0x2];
	[bflag:$0x3] =	sbarrier.arrive $0xFFFF;
	s2 =	simm.s32 @!p0 $0x1C06  }
0x7a: {  	[timem:s3], [sflag:s2] =	dma.local @!p0 [hbm:s0], s1  }
0x7b: {  	s0 =	simm.s32 @!p0 $0x6  }
0x7c: {  	_ =	swait.ge @!p0 [sflag:s0], s1  }
0x7d: {  	s1 =	ssub.s32 @!p0 $0x0, s1;
	[sflag:s0] =	ssyncset.done @!p0 $0x0  }
0x7e: {  	[sflag:s0] =	ssyncadd.s32 @!p0 s1  }
0x7f: {  	[bflag:$0x3] =	sbarrier.arrive $0xFFFF  }
0x80: {  	_ =	shalt  }

// kernel: kernel.19.cloned.1.call-start
scs
__scs_entry_jumppad:
0x0: {  	(pc) =	sbr.rel $0x88, $3  }
0x1: {  	(tag) =	ssettag $0x0;
	lr =	simm.s32 $0x1  }
0x2: {  	[smem:$0x3F90] =	sst lr;
	_ =	strace $0xD0000000  }
0x3: {  	_ = 	snop  }
0x4: {  	_ = 	snop  }
0x5: {  	_ = 	snop  }
0x6: {  	_ = 	snop  }
0x7: {  	_ = 	snop  }
__scs_overlays_trampoline_lowered:
0x8: {  	[smem:$0x3F9F] =	sst s0  }
0x9: {  	[smem:$0x3FA0] =	sst s1  }
0xa: {  	[smem:$0x3FA1] =	sst s2  }
0xb: {  	[smem:$0x3FA2] =	sst s3  }
0xc: {  	[smem:$0x3FA3] =	sst s4  }
0xd: {  	[smem:$0x3FA4] =	sst s5  }
0xe: {  	[smem:$0x3FA5] =	sst s6  }
0xf: {  	[smem:$0x3FA6] =	sst s7  }
0x10: {  	[smem:$0x3FA7] =	sst s8  }
0x11: {  	[smem:$0x3FA8] =	sst s9;
	s0 =	simm.s32 @!p0 $0x0  }
0x12: {  	s1 =	sld [smem:$0x3F8E];
	s0 =	simm.s32 @p0 $0x1  }
0x13: {  	[smem:$0x3FA9] =	sst s0;
	s0 =	simm.s32 @!p1 $0x0  }
0x14: {  	s2 =	sld [smem:$0x3F8D];
	s0 =	simm.s32 @p1 $0x1  }
0x15: {  	[smem:$0x3FAA] =	sst s0;
	s0 =	simm.s32 @!p2 $0x0  }
0x16: {  	s3 =	sld [smem:$0x3FDB];
	s0 =	simm.s32 @p2 $0x1  }
0x17: {  	s4 =	simm.s32 $0x1BF5;
	[smem:$0x3FAC] =	sst s0  }
0x18: {  	s0 =	sld [smem:$0x3F8F];
	_ =	swait.ge [sflag:s4], $0x0  }
0x19: {  	s7 =	sld [smem:$0x3F90]  }
0x1a: {  	s8 =	sadd.s32 $0xFFFFE003, lr  }
0x1b: {  	s9 =	sadd.s32 $0xFFFFFEF7, lr;
	s5 =	simm.s32 $0xFFFFFFFF;
	p2 =	slt.u32 s8, $0xFFFFF086  }
0x1c: {  	p1 =	slt.u32 s9, $0xF7A;
	s5 =	simm.s32 @!p2 $0x0  }
0x1d: {  	s5 =	simm.s32 @p1 $0x1;
	p0 =	seq.s32 s7, s2  }
0x1e: {  	s7 =	smul.u32 @!p0 $0xF7A, s2;
	p2 =	seq.s32 @!p0 s5, $0x0  }
0x1f: {  	s9 =	smul.u32 $0xF7A, s1;
	s8 =	simm.s32 @!p0 $0x1BF5;
	p2 =	por !p2, p0  }
0x20: {  	[sflag:s8] =	ssyncset.s32 @!p0 $0xFFFFF086;
	s6 =	sadd.s32 @!p0 s3, s7;
	s7 =	simm.s32 @!p0 $0x108  }
0x21: {  	s3 =	sadd.s32 s3, s9;
	s6 =	sadd.s32 @!p0 $0x88, s6;
	s7 =	simm.s32 @p2 $0x1082  }
0x22: {  	[simem:s7], [sflag:s8] =	dma.local @!p0 [hbm:s6], $0xF7A  }
0x23: {  	s9 =	sor.u32 $0xD0000000, s2;
	s6 =	simm.s32 $0x108;
	_ =	swait.ge @!p0 [sflag:s8], $0x0  }
0x24: {  	s3 =	sadd.s32 $0x88, s3;
	s6 =	simm.s32 @!p1 $0x1082;
	[sflag:s4] =	ssyncset.s32 $0xFFFFF086  }
0x25: {  	[simem:s6], [sflag:s4] =	dma.local [hbm:s3], $0xF7A  }
0x26: {  	[smem:$0x3F90] =	sst s1;
	(tag) =	ssettag s2;
	_ =	strace s9  }
0x27: {  	s1 =	sld [smem:$0x3FA0]  }
0x28: {  	s2 =	sld [smem:$0x3FA1]  }
0x29: {  	s4 =	sld [smem:$0x3FA3]  }
0x2a: {  	p0 =	seq.s32 s5, $0x0;
	s5 =	sld [smem:$0x3FA4]  }
0x2b: {  	s6 =	sld [smem:$0x3FA5]  }
0x2c: {  	s7 =	sld [smem:$0x3FA6]  }
0x2d: {  	s3 =	simm.s32 $0x108;
	s8 =	sld [smem:$0x3FA7]  }
0x2e: {  	s3 =	simm.s32 @!p0 $0x1082;
	s9 =	sld [smem:$0x3FA8]  }
0x2f: {  	lr =	sadd.s32 s0, s3;
	s0 =	sld [smem:$0x3F9F]  }
0x30: {  	s3 =	sld [smem:$0x3FA2]  }
0x31: {  	[smem:$0x3FAB] =	sst s10  }
0x32: {  	s10 =	sld [smem:$0x3FA9];
	_ =	sdelay $0x3  }
0x33: {  	p0 =	seq.s32 s10, $0x1;
	s10 =	sld [smem:$0x3FAB];
	_ =	sdelay $0x3  }
0x34: {  	[smem:$0x3FAB] =	sst s10  }
0x35: {  	s10 =	sld [smem:$0x3FAA];
	_ =	sdelay $0x3  }
0x36: {  	p1 =	seq.s32 s10, $0x1;
	s10 =	sld [smem:$0x3FAB];
	_ =	sdelay $0x3  }
0x37: {  	[smem:$0x3FAB] =	sst s10  }
0x38: {  	s10 =	sld [smem:$0x3FAC]  }
0x39: {  	_ = 	snop;
	(pc) =	sbr.ind lr, $3  }
0x3a: {  	_ = 	snop  }
0x3b: {  	_ = 	snop  }
0x3c: {  	p2 =	seq.s32 s10, $0x1;
	s10 =	sld [smem:$0x3FAB]  }
0x3d: {  	_ =	shalt  }
0x3e: {  	_ =	shalt  }
0x3f: {  	_ =	shalt  }
0x40: {  	_ =	shalt  }
0x41: {  	_ =	shalt  }
0x42: {  	_ =	shalt  }
0x43: {  	_ =	shalt  }
0x44: {  	_ =	shalt  }
0x45: {  	_ =	shalt  }
0x46: {  	_ =	shalt  }
0x47: {  	_ =	shalt  }
0x48: {  	_ =	shalt  }
0x49: {  	_ =	shalt  }
0x4a: {  	_ =	shalt  }
0x4b: {  	_ =	shalt  }
0x4c: {  	_ =	shalt  }
0x4d: {  	_ =	shalt  }
0x4e: {  	_ =	shalt  }
0x4f: {  	_ =	shalt  }
0x50: {  	_ =	shalt  }
0x51: {  	_ =	shalt  }
0x52: {  	_ =	shalt  }
0x53: {  	_ =	shalt  }
0x54: {  	_ =	shalt  }
0x55: {  	_ =	shalt  }
0x56: {  	_ =	shalt  }
0x57: {  	_ =	shalt  }
0x58: {  	_ =	shalt  }
0x59: {  	_ =	shalt  }
0x5a: {  	_ =	shalt  }
0x5b: {  	_ =	shalt  }
0x5c: {  	_ =	shalt  }
0x5d: {  	_ =	shalt  }
0x5e: {  	_ =	shalt  }
0x5f: {  	_ =	shalt  }
0x60: {  	_ =	shalt  }
0x61: {  	_ =	shalt  }
0x62: {  	_ =	shalt  }
0x63: {  	_ =	shalt  }
0x64: {  	_ =	shalt  }
0x65: {  	_ =	shalt  }
0x66: {  	_ =	shalt  }
0x67: {  	_ =	shalt  }
0x68: {  	_ =	shalt  }
0x69: {  	_ =	shalt  }
0x6a: {  	_ =	shalt  }
0x6b: {  	_ =	shalt  }
0x6c: {  	_ =	shalt  }
0x6d: {  	_ =	shalt  }
0x6e: {  	_ =	shalt  }
0x6f: {  	_ =	shalt  }
0x70: {  	_ =	shalt  }
0x71: {  	_ =	shalt  }
0x72: {  	_ =	shalt  }
0x73: {  	_ =	shalt  }
0x74: {  	_ =	shalt  }
0x75: {  	_ =	shalt  }
0x76: {  	_ =	shalt  }
0x77: {  	_ =	shalt  }
0x78: {  	_ =	shalt  }
0x79: {  	_ =	shalt  }
0x7a: {  	_ =	shalt  }
0x7b: {  	_ =	shalt  }
0x7c: {  	_ =	shalt  }
0x7d: {  	_ =	shalt  }
0x7e: {  	_ =	shalt  }
0x7f: {  	_ =	shalt  }
0x80: {  	_ =	shalt  }
0x81: {  	_ =	shalt  }
0x82: {  	_ =	shalt  }
0x83: {  	_ =	shalt  }
0x84: {  	_ =	shalt  }
0x85: {  	_ =	shalt  }
0x86: {  	_ =	shalt  }
0x87: {  	_ =	shalt  }
.Lfunc_end0:
.L_simem_size_0:
called_computation.3_lowered:
.L_overlay_start_0:
0x88: {  	s2 =	sld [smem:$0x3FD9]  }
0x89: {  	s3 =	sld [smem:$0x3FFE];
	_ =	sdelay $0x1  }
0x8a: {  	s1 =	srdreg.scid  }
0x8b: {  	s0 =	sand.u32 $0x1, s1  }
0x8c: {  	s17 =	sshll.u32 s0, $0xA;
	s2 =	sadd.s32 s3, s2  }
0x8d: {  	s2 =	sadd.s32 s2, s17  }
0x8e: {  	[smem:$0x3FB7] =	sst s2  }
0x8f: {  	_ = 	snop  }
0x90: {  	s18 =	sld [smem:$0x3FC0]  }
0x91: {  	s4 =	sld [smem:$0x3FBF];
	(tm) =	ssettm $0x1  }
0x92: {  	s19 =	sld [smem:$0x3FFB];
	_ =	sdelay $0x3  }
0x93: {  	_ =	strace s19  }
0x94: {  	s2 =	sld [smem:$0x3FFC];
	_ =	sdelay $0x3  }
0x95: {  	_ =	strace s2  }
0x96: {  	s2 =	sld [smem:$0x3FFD];
	_ =	sdelay $0x3  }
0x97: {  	_ =	strace s2  }
0x98: {  	_ =	strace $0x8FFFFFFF  }
0x99: {  	s20 =	sld [smem:$0x3FDB];
	_ =	sdelay $0x1  }
0x9a: {  	s5 =	simm.s32 $_scs_section_size  }
0x9b: {  	s6 =	simm.s32 $_size__tile_overlayer_lowered;
	s7 =	simm.s32 $_tile_overlayer_lowered  }
0x9c: {  	s8 =	simm.s32 $0x1BFF;
	s21 =	sshll.u32 s7, $0x1;
	s5 =	sadd.s32 s5, s20  }
0x9d: {  	s22 =	simm.s32 $0x0;
	s6 =	sshll.u32 s6, $0x1;
	s7 =	sadd.s32 s21, s5  }
0x9e: {  	[timem:s22], [sflag:s8] =	dma.local [hbm:s7], s6  }
0x9f: {  	_ =	swait.ge [sflag:s8], s6  }
0xa0: {  	s6 =	ssub.s32 $0x0, s6;
	[sflag:s8] =	ssyncset.done $0x0  }
0xa1: {  	[sflag:s8] =	ssyncadd.s32 s6;
	_ =	sdelay $0x1  }
0xa2: {  	s23 =	simm.s32 $0x1B8B  }
0xa3: {  	_ =	swait.ge [sflag:s23], $0x1  }
0xa4: {  	[sflag:s23] =	ssyncset.done $0x0  }
0xa5: {  	[sflag:s23] =	ssyncadd.s32 $0xFFFFFFFF  }
0xa6: {  	s6 =	sld [smem:$0x0]  }
0xa7: {  	s7 =	sand.u32 $0xFFFFFFFE, s1  }
0xa8: {  	p0 =	sne.s32 s1, s7  }
0xa9: {  	s7 =	sshll.u32 @p0 s7, $0xE  }
0xaa: {  	s7 =	sadd.s32 @p0 $0x11B8D, s7;
	s8 =	sshll.u32 @p0 s6, $0x11  }
0xab: {  	s7 =	sor.u32 @p0 s8, s7  }
0xac: {  	[sflag:s7] =	ssyncadd.remote.s32 @p0 $0x1;
	_ =	sdelay $0x1  }
0xad: {  	s7 =	simm.s32 @p0 $0x1B8D  }
0xae: {  	_ =	swait.eq @p0 [sflag:s7], $0x1  }
0xaf: {  	[sflag:s7] =	ssyncadd.s32 @p0 $0xFFFFFFFF  }
0xb0: {  	s8 =	sshll.u32 @!p0 s1, $0xE  }
0xb1: {  	s8 =	sor.u32 @!p0 $0x4000, s8;
	s7 =	simm.s32 @!p0 $0x1B8D  }
0xb2: {  	s6 =	sshll.u32 @!p0 s6, $0x11;
	s8 =	sadd.s32 @!p0 $0x11B8D, s8;
	_ =	swait.eq @!p0 [sflag:s7], $0x1  }
0xb3: {  	s6 =	sor.u32 @!p0 s6, s8;
	[sflag:s7] =	ssyncadd.s32 @!p0 $0xFFFFFFFF  }
0xb4: {  	s25 =	simm.s32 $0x1B8E;
	s24 =	sld [smem:$0x3FFE];
	[sflag:s6] =	ssyncadd.remote.s32 @!p0 $0x1  }
0xb5: {  	s26 =	simm.s32 $execute0_lowered;
	[smem:$0x3FD2] =	sst s25  }
0xb6: {  	s7 =	sshll.u32 s26, $0x1;
	_ =	strace $0x8000004C;
	[dreg:$0x1] =	wrdreg $0xFFFFFFFF  }
0xb7: {  	s28 =	simm.s32 $_size_execute0_lowered;
	s5 =	sadd.s32 s5, s7;
	[dreg:$0x0] =	wrdreg $0x0  }
0xb8: {  	s7 =	sshll.u32 s28, $0x1;
	[dreg:$0x2] =	wrdreg s5  }
0xb9: {  	[dreg:$0x3] =	wrdreg s7  }
0xba: {  	[dreg:$0x4] =	wrdreg $0xC0  }
0xbb: {  	_ =	task [dreg:s22], $0x5FFFF  }
0xbc: {  	[dreg:$0x1] =	wrdreg $0xFFFFFFFF  }
0xbd: {  	[dreg:$0x0] =	wrdreg $0x60  }
0xbe: {  	[dreg:$0x2] =	wrdreg s18  }
0xbf: {  	[dreg:$0x3] =	wrdreg s4  }
0xc0: {  	[dreg:$0x4] =	wrdreg s24  }
0xc1: {  	[dreg:$0x5] =	wrdreg $0xC  }
0xc2: {  	_ =	task.clear_ibuf [dreg:s22], $0x6FFFF;
	_ =	strace $0x9000004C  }
0xc3: {  	s29 =	simm.s32 $0xC;
	_ =	strace $0x8000004E  }
0xc4: {  	_ =	swait.ge [sflag:s29], $0x1  }
0xc5: {  	[sflag:s29] =	ssyncadd.s32 $0xFFFFFFFF  }
0xc6: {  	_ =	strace $0x9000004E  }
0xc7: {  	_ =	sfence  }
0xc8: {  	s30 =	sld [smem:$0x0];
	_ =	sdelay $0x2  }
0xc9: {  	s31 =	sshll.u32 s1, $0xD;
	s1 =	sshrl.u32 s1, $0x2  }
0xca: {  	s4 =	sand.u32 $0x4000, s31;
	s1 =	sadd.s32 s1, s30  }
0xcb: {  	s0 =	sor.u32 s4, s0;
	s1 =	sshll.u32 s1, $0x11  }
0xcc: {  	s0 =	sor.u32 s1, s0  }
0xcd: {  	s0 =	sadd.s32 $0x8F2B, s0  }
0xce: {  	[sflag:s0] =	ssyncadd.remote.s32 $0x1  }
0xcf: {  	_ =	sfence.sel $0xFFFF  }
0xd0: {  	[dreg:$0x0] =	wrdreg $0xFFFFFFFF;
	(pc) =	sbr.abs _section_cstart, $3  }
0xd1: {  	[dreg:$0x1] =	wrdreg $0xFFFFFFFF  }
0xd2: {  	_ =	task.clear_ibuf [dreg:s22], $0x2FFFF;
	_ =	strace $0x9FFFFFFF  }
0xd3: {  	(tm) =	ssettm $0x7FFFFFFF  }
tec
execute0_lowered:
.L_overlay_start_1:
0x0: {  	(tag) =	ssettag $0x1  }
0x1: {  	s1 =	rddreg [dreg:$0x0]  }
0x2: {  	s2 =	srdreg.scid;
	s3 =	rddreg [dreg:$0x1]  }
0x3: {  	s0 =	stileid.u32;
	s5 =	rddreg [dreg:$0x2]  }
0x4: {  	s4 =	simm.s32 $0x0;
	s15 =	simm.s32 $0x40;
	s16 =	simm.s32 $0xD100  }
0x5: {  	s17 =	simm.s32 $0x80;
	s18 =	simm.s32 $0x1100;
	s19 =	simm.s32 $0x5100  }
0x6: {  	s20 =	simm.s32 $0x100;
	s21 =	simm.s32 $0x9100;
	s22 =	simm.s32 $0x1  }
0x7: {  	s23 =	simm.s32 $0x4;
	s24 =	simm.s32 $0x2;
	s25 =	simm.s32 $0x3  }
0x8: {  	s28 =	simm.s32 $0x0;
	s8 =	sand.u32 $0x1, s2;
	s26 =	sshll.u32 s0, $0x1  }
0x9: {  	[smem:$0x7FF] =	sst s4;
	s11 =	sadd.s32 $0x455C00, s5;
	s14 =	smul.u32 $0x21000, s0  }
0xa: {  	s6 =	sor.u32 s8, s26;
	_ =	strace $0x8000004D;
	s31 =	smul.u32 $0x10800, s8  }
0xb: {  	s10 =	ssub.s32 $0x2, s8;
	s26 =	simm.s32 $0x5;
	s7 =	smul.u32 $0x1080, s6  }
0xc: {  	s9 =	sshll.u32 s6, $0x3;
	s12 =	sshll.u32 s6, $0xA;
	s13 =	sshrl.u32 s10, $0x1  }
0xd: {  	s29 =	smul.u32 $0x10800, s6;
	s14 =	sadd.s32 s14, s11;
	s9 =	sadd.s32 s9, s5  }
0xe: {  	s12 =	sadd.s32 s12, s5;
	s10 =	ssub.s32 s10, s13;
	s13 =	simm.s32 $0x6  }
0xf: {  	s7 =	sshrl.u32 s7, $0x3;
	s6 =	sadd.s32 $0x11400, s9;
	s30 =	sadd.s32 s11, s29  }
0x10: {  	s8 =	smax.u32 s10, $0x1;
	s7 =	sadd.s32 s7, s5;
	s9 =	sadd.s32 $0xF000, s30  }
0x11: {  	s10 =	sadd.s32 $0xF800, s30;
	s11 =	sadd.s32 $0x10000, s30;
	s5 =	sadd.s32 $0x449A00, s7  }
0x12: {  	s7 =	sadd.s32 $0x44DC00, s12;
	s12 =	sadd.s32 s31, s14;
	s14 =	simm.s32 $0x1080  }
.LBB2_1:
0x13: {  	[tilespmem:s4], [sflag:$0x6] =	stream.linear.gather [hbm4b:s5+s4], $0x1080, $0x38;
	[tilespmem:$0xF100] =	vst v63  }
0x14: {  	_ =	swait.ge [sflag:s13], $0x1080  }
0x15: {  	[sflag:s13] =	ssyncset.done $0x0  }
0x16: {  	[sflag:s13] =	ssyncadd.s32 $0xFFFFEF80  }
0x17: {  	[tilespmem:s14], [sflag:$0x6] =	stream.linear.gather [hbm4b:s6+s4], $0x40, $0x38;
	[tilespmem:$0xF100] =	vst v63  }
0x18: {  	_ =	swait.ge [sflag:s13], $0x40  }
0x19: {  	[sflag:s13] =	ssyncset.done $0x0  }
0x1a: {  	[sflag:s13] =	ssyncadd.s32 $0xFFFFFFC0  }
0x1b: {  	[tilespmem:s16], [sflag:$0x5] =	stream.indirect.gather [hbm4b:s3+s15], $0x80, s14, s15, $0xb8;
	[tilespmem:$0xF100] =	vst v63  }
0x1c: {  	_ = 	snop  }
0x1d: {  	[tilespmem:s18], [sflag:$0x1] =	stream.indirect.gather [hbm4b:s1+s17], $0x80, s4, s17, $0xb8;
	[tilespmem:$0xF100] =	vst v63  }
0x1e: {  	_ = 	snop  }
0x1f: {  	[tilespmem:s19], [sflag:$0x2] =	stream.indirect.gather [hbm4b:s1+s17], $0x80, s17, s17, $0xb8;
	[tilespmem:$0xF100] =	vst v63  }
0x20: {  	_ = 	snop  }
0x21: {  	[tilespmem:s21], [sflag:$0x3] =	stream.indirect.gather [hbm4b:s1+s17], $0x80, s20, s17, $0xb8;
	[tilespmem:$0xF100] =	vst v63  }
0x22: {  	_ =	swait.ge [sflag:s22], $0x4000  }
0x23: {  	[sflag:s22] =	ssyncset.done $0x0  }
0x24: {  	s29 =	sadd.s32 $0x0, s12;
	[sflag:s22] =	ssyncadd.s32 $0xFFFFC000  }
0x25: {  	[hbm4b:s29+s4] =	stream.linear.scatter [tilespmem:s18], [sflag:$0x4], $0x4000, $0x38;
	[tilespmem:$0xF100] =	vst v63  }
0x26: {  	_ =	swait.ge [sflag:s23], $0x4000  }
0x27: {  	[sflag:s23] =	ssyncset.done $0x0  }
0x28: {  	s30 =	simm.s32 $0x180;
	[sflag:s23] =	ssyncadd.s32 $0xFFFFC000  }
0x29: {  	[tilespmem:s18], [sflag:$0x1] =	stream.indirect.gather [hbm4b:s1+s17], $0x80, s30, s17, $0xb8;
	[tilespmem:$0xF100] =	vst v63  }
0x2a: {  	_ =	swait.ge [sflag:s24], $0x4000  }
0x2b: {  	[sflag:s24] =	ssyncset.done $0x0  }
0x2c: {  	s30 =	sadd.s32 $0x800, s29;
	[sflag:s24] =	ssyncadd.s32 $0xFFFFC000  }
0x2d: {  	[hbm4b:s30+s4] =	stream.linear.scatter [tilespmem:s19], [sflag:$0x4], $0x4000, $0x38;
	[tilespmem:$0xF100] =	vst v63  }
0x2e: {  	_ =	swait.ge [sflag:s23], $0x4000  }
0x2f: {  	[sflag:s23] =	ssyncset.done $0x0  }
0x30: {  	s30 =	simm.s32 $0x200;
	[sflag:s23] =	ssyncadd.s32 $0xFFFFC000  }
0x31: {  	[tilespmem:s19], [sflag:$0x2] =	stream.indirect.gather [hbm4b:s1+s17], $0x80, s30, s17, $0xb8;
	[tilespmem:$0xF100] =	vst v63  }
0x32: {  	_ =	swait.ge [sflag:s25], $0x4000  }
0x33: {  	[sflag:s25] =	ssyncset.done $0x0  }
0x34: {  	s29 =	sadd.s32 $0x1000, s29;
	[sflag:s25] =	ssyncadd.s32 $0xFFFFC000  }
0x35: {  	[hbm4b:s29+s4] =	stream.linear.scatter [tilespmem:s21], [sflag:$0x4], $0x4000, $0x38;
	[tilespmem:$0xF100] =	vst v63  }
0x36: {  	_ =	swait.ge [sflag:s23], $0x4000  }
0x37: {  	s31 =	simm.s32 $0x400;
	[sflag:s23] =	ssyncset.done $0x0  }
0x38: {  	s30 =	simm.s32 $0x1800;
	s29 =	simm.s32 $0x280;
	[sflag:s23] =	ssyncadd.s32 $0xFFFFC000  }
.LBB2_2:
0x39: {  	[tilespmem:s21], [sflag:$0x3] =	stream.indirect.gather [hbm4b:s1+s17], $0x80, s29, s17, $0xb8;
	[tilespmem:$0xF100] =	vst v63  }
0x3a: {  	s2 =	smov.u32 s30;
	s29 =	smov.u32 s31  }
0x3b: {  	p0 =	sne.s32 s30, $0xD800;
	s30 =	sadd.s32 $0x1800, s30;
	_ =	swait.ge [sflag:s22], $0x4000  }
0x3c: {  	[sflag:s22] =	ssyncset.done $0x0  }
0x3d: {  	s2 =	sadd.s32 s2, s12;
	[sflag:s22] =	ssyncadd.s32 $0xFFFFC000  }
0x3e: {  	[hbm4b:s2+s4] =	stream.linear.scatter [tilespmem:s18], [sflag:$0x4], $0x4000, $0x38;
	[tilespmem:$0xF100] =	vst v63  }
0x3f: {  	_ =	swait.ge [sflag:s23], $0x4000  }
0x40: {  	[sflag:s23] =	ssyncset.done $0x0  }
0x41: {  	s0 =	sadd.s32 $0xFFFFFF00, s31;
	[sflag:s23] =	ssyncadd.s32 $0xFFFFC000  }
0x42: {  	[tilespmem:s18], [sflag:$0x1] =	stream.indirect.gather [hbm4b:s1+s17], $0x80, s0, s17, $0xb8;
	[tilespmem:$0xF100] =	vst v63  }
0x43: {  	_ =	swait.ge [sflag:s24], $0x4000  }
0x44: {  	[sflag:s24] =	ssyncset.done $0x0  }
0x45: {  	s0 =	sadd.s32 $0x800, s2;
	[sflag:s24] =	ssyncadd.s32 $0xFFFFC000  }
0x46: {  	[hbm4b:s0+s4] =	stream.linear.scatter [tilespmem:s19], [sflag:$0x4], $0x4000, $0x38;
	[tilespmem:$0xF100] =	vst v63  }
0x47: {  	_ =	swait.ge [sflag:s23], $0x4000  }
0x48: {  	[sflag:s23] =	ssyncset.done $0x0  }
0x49: {  	s0 =	sadd.s32 $0xFFFFFF80, s31;
	[sflag:s23] =	ssyncadd.s32 $0xFFFFC000  }
0x4a: {  	[tilespmem:s19], [sflag:$0x2] =	stream.indirect.gather [hbm4b:s1+s17], $0x80, s0, s17, $0xb8;
	[tilespmem:$0xF100] =	vst v63  }
0x4b: {  	_ =	swait.ge [sflag:s25], $0x4000  }
0x4c: {  	[sflag:s25] =	ssyncset.done $0x0  }
.Ltmp0:
0x4d: {  	s0 =	sadd.s32 $0x1000, s2;
	[sflag:s25] =	ssyncadd.s32 $0xFFFFC000;
	(pc) =	sbr.rel @p0 .LBB2_2-.Ltmp0, $4  }
0x4e: {  	[hbm4b:s0+s4] =	stream.linear.scatter [tilespmem:s21], [sflag:$0x4], $0x4000, $0x38;
	[tilespmem:$0xF100] =	vst v63  }
0x4f: {  	_ =	swait.ge [sflag:s23], $0x4000  }
0x50: {  	[sflag:s23] =	ssyncset.done $0x0  }
0x51: {  	s31 =	sadd.s32 $0x180, s31;
	[sflag:s23] =	ssyncadd.s32 $0xFFFFC000  }
0x52: {  	[tilespmem:s21], [sflag:$0x3] =	stream.indirect.gather [hbm4b:s1+s17], $0x80, s29, s17, $0xb8;
	[tilespmem:$0xF100] =	vst v63  }
0x53: {  	_ =	swait.ge [sflag:s22], $0x4000  }
0x54: {  	[sflag:s22] =	ssyncset.done $0x0  }
0x55: {  	[sflag:s22] =	ssyncadd.s32 $0xFFFFC000  }
0x56: {  	[hbm4b:s9+s4] =	stream.linear.scatter [tilespmem:s18], [sflag:$0x4], $0x4000, $0x38;
	[tilespmem:$0xF100] =	vst v63  }
0x57: {  	_ =	swait.ge [sflag:s23], $0x4000  }
0x58: {  	[sflag:s23] =	ssyncset.done $0x0  }
0x59: {  	[sflag:s23] =	ssyncadd.s32 $0xFFFFC000  }
0x5a: {  	_ =	swait.ge [sflag:s24], $0x4000  }
0x5b: {  	[sflag:s24] =	ssyncset.done $0x0  }
0x5c: {  	[sflag:s24] =	ssyncadd.s32 $0xFFFFC000  }
0x5d: {  	[hbm4b:s10+s4] =	stream.linear.scatter [tilespmem:s19], [sflag:$0x4], $0x4000, $0x38;
	[tilespmem:$0xF100] =	vst v63  }
0x5e: {  	_ =	swait.ge [sflag:s23], $0x4000  }
0x5f: {  	[sflag:s23] =	ssyncset.done $0x0  }
0x60: {  	[sflag:s23] =	ssyncadd.s32 $0xFFFFC000  }
0x61: {  	_ =	swait.ge [sflag:s25], $0x4000  }
0x62: {  	[sflag:s25] =	ssyncset.done $0x0  }
0x63: {  	[sflag:s25] =	ssyncadd.s32 $0xFFFFC000  }
0x64: {  	[hbm4b:s11+s4] =	stream.linear.scatter [tilespmem:s21], [sflag:$0x4], $0x4000, $0x38;
	[tilespmem:$0xF100] =	vst v63  }
0x65: {  	_ =	swait.ge [sflag:s23], $0x4000  }
0x66: {  	[sflag:s23] =	ssyncset.done $0x0  }
0x67: {  	[sflag:s23] =	ssyncadd.s32 $0xFFFFC000  }
0x68: {  	s28 =	sadd.s32 $0x1, s28;
	_ =	swait.ge [sflag:s26], $0x2000  }
0x69: {  	p0 =	sne.s32 s28, s8;
	[sflag:s26] =	ssyncset.done $0x0  }
.Ltmp1:
0x6a: {  	[sflag:s26] =	ssyncadd.s32 $0xFFFFE000;
	(pc) =	sbr.rel @p0 .LBB2_1-.Ltmp1, $4  }
0x6b: {  	[hbm4b:s7+s4] =	stream.linear.scatter [tilespmem:s16], [sflag:$0x6], $0x2000, $0x38;
	[tilespmem:$0xF100] =	vst v63  }
0x6c: {  	_ =	swait.ge [sflag:s13], $0x2000  }
0x6d: {  	[sflag:s13] =	ssyncset.done $0x0  }
0x6e: {  	[sflag:s13] =	ssyncadd.s32 $0xFFFFE000  }
0x6f: {  	_ =	sfence.sel $0x180000  }
0x70: {  	[bflag:$0x0] =	sbarrier.arrive $0xFFFF  }
0x71: {  	_ =	strace $0x9000004D  }
0x72: {  	s0 =	stileid.u32;
	[bflag:$0x2] =	sbarrier.arrive $0xFFFF  }
0x73: {  	p0 =	sne.s32 s0, $0x0;
	s0 =	rddreg [dreg:$0x3]  }
0x74: {  	s0 =	sadd.s32 @!p0 $0x100000, s0  }
0x75: {  	[sflag:s0] =	ssyncadd.tile.s32 @!p0 $0x1;
	_ =	shalt  }
.Lfunc_end2:
_tile_overlayer_lowered:
.L_overlay_start_2:
0x76: {  	(tag) =	ssettag $0x2  }
0x77: {  	s0 =	rddreg [dreg:$0x0];
	s2 =	stileid.u32  }
0x78: {  	s1 =	rddreg [dreg:$0x1];
	p0 =	sne.s32 s2, $0x0  }
0x79: {  	s3 =	rddreg [dreg:$0x2];
	[bflag:$0x3] =	sbarrier.arrive $0xFFFF;
	s2 =	simm.s32 @!p0 $0x1C06  }
0x7a: {  	[timem:s3], [sflag:s2] =	dma.local @!p0 [hbm:s0], s1  }
0x7b: {  	s0 =	simm.s32 @!p0 $0x6  }
0x7c: {  	_ =	swait.ge @!p0 [sflag:s0], s1  }
0x7d: {  	s1 =	ssub.s32 @!p0 $0x0, s1;
	[sflag:s0] =	ssyncset.done @!p0 $0x0  }
0x7e: {  	[sflag:s0] =	ssyncadd.s32 @!p0 s1  }
0x7f: {  	[bflag:$0x3] =	sbarrier.arrive $0xFFFF  }
0x80: {  	_ =	shalt  }

</sc_bundles>
